<compile_context>
chip_gen: v7x
topology: tpu7x:2x2x1
jax: 0.10.2.dev20260603
libtpu: 0.0.44.dev20260713+nightly
codegen_flags: <defaults>
</compile_context>

<pallas_src>
import functools

import jax
import jax.numpy as jnp
from jax import lax
from jax.experimental import pallas as pl
from jax.experimental.pallas import tpu as pltpu
from jax.experimental.pallas import tpu_sc as plsc

ROWS = 128
COLS = 32768
KTOP = 64
LANES = 16
NBUCKET = 256
NCORES = 2
NSUB = 16
NWORK = NCORES * NSUB
ROWS_PER_W = ROWS // NWORK
NVREG = COLS // LANES
UNROLL = 4

_INT_MIN = -2147483648


def _key(xv):
    b = lax.bitcast_convert_type(xv, jnp.int32)
    m = lax.shift_right_logical(lax.shift_right_arithmetic(b, 31), 1)
    return lax.bitwise_xor(b, m)


def _topk_body(x_hbm, o_hbm, row_buf, hist, cand):
    cid = lax.axis_index("c")
    sid = lax.axis_index("s")
    wid = sid * NCORES + cid
    lane = lax.iota(jnp.int32, LANES)
    ones = jnp.ones((LANES,), jnp.int32)
    zeros16 = jnp.zeros((LANES,), jnp.int32)

    def _zero(i, carry):
        hist[pl.ds(i * LANES, LANES)] = zeros16
        return carry

    lax.fori_loop(0, NBUCKET, _zero, 0)

    for rr in range(ROWS_PER_W):
        row = wid * ROWS_PER_W + rr
        pltpu.sync_copy(x_hbm.at[row], row_buf)

        def _hist_body(i, carry):
            for uu in range(UNROLL):
                xv = row_buf[pl.ds((i * UNROLL + uu) * LANES, LANES)]
                s = _key(xv)
                d = lax.shift_right_arithmetic(s, 24)
                idx = (d + 128) * LANES + lane
                plsc.addupdate_scatter(hist, [idx], ones)
            return carry

        lax.fori_loop(0, NVREG // UNROLL, _hist_body, 0)

        def _scan_body(i, carry):
            s_acc, b, c_above, m_in_b = carry
            d = NBUCKET - 1 - i
            hvec = hist[pl.ds(d * LANES, LANES)]
            hist[pl.ds(d * LANES, LANES)] = zeros16
            cnt = jnp.sum(hvec)
            s_new = s_acc + cnt
            found = jnp.logical_and(s_acc < KTOP, s_new >= KTOP)
            b = jnp.where(found, d, b)
            c_above = jnp.where(found, s_acc, c_above)
            m_in_b = jnp.where(found, cnt, m_in_b)
            return (s_new, b, c_above, m_in_b)

        _, b, c_above, m_in_b = lax.fori_loop(
            0, NBUCKET, _scan_body,
            (jnp.int32(0), jnp.int32(0), jnp.int32(0), jnp.int32(0)))
        r = KTOP - c_above
        b_signed = b - 128

        def _compact_body(i, ptr_vec):
            for uu in range(UNROLL):
                xv = row_buf[pl.ds((i * UNROLL + uu) * LANES, LANES)]
                s = _key(xv)
                d = lax.shift_right_arithmetic(s, 24)
                msk = d == b_signed
                cs = plsc.cumsum(msk.astype(jnp.int32))
                idx = ptr_vec + cs - 1
                plsc.store_scatter(cand, [idx], s, mask=msk)
                ptr_vec = ptr_vec + plsc.all_reduce_population_count(msk)
            return ptr_vec

        ptr_vec = lax.fori_loop(0, NVREG // UNROLL, _compact_body,
                                jnp.zeros((LANES,), jnp.int32))
        plsc.store_scatter(cand, [ptr_vec + lane],
                           jnp.full((LANES,), _INT_MIN, jnp.int32))

        nv = lax.div(m_in_b + (LANES - 1), LANES)

        def _count_ge(t_scalar):
            t_splat = jnp.full((LANES,), t_scalar, jnp.int32)

            def _cbody(i, acc):
                cv = cand[pl.ds(i * LANES, LANES)]
                return acc + plsc.all_reduce_population_count(cv >= t_splat)

            acc = lax.fori_loop(0, nv, _cbody, zeros16)
            return jnp.max(acc)

        def _bit_body(j, prefix):
            trial = lax.bitwise_or(prefix, lax.shift_left(jnp.int32(1),
                                                          23 - j))
            cnt = _count_ge(trial)
            return jnp.where(cnt >= r, trial, prefix)

        t = lax.fori_loop(0, 24, _bit_body,
                          lax.shift_left(b_signed, 24))

        t_splat = jnp.full((LANES,), t, jnp.int32)

        def _cgt_body(i, acc):
            cv = cand[pl.ds(i * LANES, LANES)]
            return acc + plsc.all_reduce_population_count(cv > t_splat)

        c_gt = jnp.max(lax.fori_loop(0, nv, _cgt_body, zeros16))
        r_eq_splat = jnp.full((LANES,), r - c_gt, jnp.int32)

        def _out_body(i, cnt_vec):
            for uu in range(UNROLL):
                off = (i * UNROLL + uu) * LANES
                xv = row_buf[pl.ds(off, LANES)]
                s = _key(xv)
                eq = s == t_splat
                cs = plsc.cumsum(eq.astype(jnp.int32))
                keep_eq = jnp.logical_and(eq, (cnt_vec + cs) <= r_eq_splat)
                keep = jnp.logical_or(s > t_splat, keep_eq)
                val = jnp.maximum(xv, 0.0)
                row_buf[pl.ds(off, LANES)] = jnp.where(keep, val, 0.0)
                cnt_vec = cnt_vec + plsc.all_reduce_population_count(eq)
            return cnt_vec

        lax.fori_loop(0, NVREG // UNROLL, _out_body,
                      jnp.zeros((LANES,), jnp.int32))

        pltpu.sync_copy(row_buf, o_hbm.at[row])


@jax.jit
def kernel(x):
    mesh = plsc.VectorSubcoreMesh(core_axis_name="c", subcore_axis_name="s")
    f = pl.kernel(
        _topk_body,
        out_type=jax.ShapeDtypeStruct((ROWS, COLS), jnp.float32),
        mesh=mesh,
        compiler_params=pltpu.CompilerParams(needs_layout_passes=False),
        scratch_types=[
            pltpu.VMEM((COLS,), jnp.float32),
            pltpu.VMEM((NBUCKET * LANES,), jnp.int32),
            pltpu.VMEM((COLS + LANES,), jnp.int32),
        ],
    )
    return f(x)

# --- scband reference (transcript-rebuilt; emitter-appended) ---
"""Pipeline reference for scband-top-k-32839319945559 (READ-ONLY COPY).

The authoritative reference and input builder live on the scoring server;
editing this copy changes nothing except your own understanding.
"""

import jax, jax.numpy as jnp
import numpy as np

K = 64

def setup_inputs(seed: int = 0) -> dict:
    key = jax.random.key(seed)
    x = jax.random.normal(key, (128, 32768), dtype=jnp.float32)
    return {"x": x}

def reference(x):
    topk_vals, topk_idx = jax.lax.top_k(x, K)
    topk_vals = jnp.maximum(topk_vals, 0.0)  # ReLU postact
    out = jnp.zeros_like(x)
    batch_idx = jnp.arange(x.shape[0])[:, None]
    out = out.at[batch_idx, topk_idx].set(topk_vals)
    return out

if __name__ == "__main__":
    import jax
    _d = setup_inputs()
    print(jax.jit(kernel)(*tuple(_d.values())))

</pallas_src>

<mosaic_0001>
#map = affine_map<(d0, d1) -> (0, 0)>
module attributes {stable_mosaic.version = 14 : i64} {
  func.func @_topk_body(%arg0: i32, %arg1: i32, %arg2: memref<128x32768xf32, #tpu.memory_space<hbm>>, %arg3: memref<128x32768xf32, #tpu.memory_space<hbm>>, %arg4: memref<32768xf32, #tpu.memory_space<vmem>>, %arg5: memref<4096xi32, #tpu.memory_space<vmem>>, %arg6: memref<32784xi32, #tpu.memory_space<vmem>>) attributes {dimension_semantics = [#tpu.dimension_semantics<core_parallel>, #tpu.dimension_semantics<subcore_parallel>], iteration_bounds = array<i64: 2, 16>, scalar_prefetch = 0 : i64, scratch_operands = 3 : i64, tpu.core_type = #tpu.core_type<sc_vector_subcore>, window_params = [{transform_indices = #map}, {transform_indices = #map}]} {
    %mul3A = arith.constant 2 : i32
    %mul3A_0 = arith.muli %arg1, %mul3A : i32
    %add3A = arith.addi %mul3A_0, %arg0 : i32
    %iota3A = tpu.iota {dimensions = array<i32: 0>} : vector<16xi32>
    %broadcast_in_dim3A = arith.constant 1 : i32
    %broadcast_in_dim3A_1 = vector.broadcast %broadcast_in_dim3A : i32 to vector<16xi32>
    %broadcast_in_dim3A_2 = arith.constant 0 : i32
    %broadcast_in_dim3A_3 = vector.broadcast %broadcast_in_dim3A_2 : i32 to vector<16xi32>
    %scan3A = arith.constant 0 : i32
    %scan3A_4 = arith.constant 0 : i32
    %scan3A_5 = arith.constant 256 : i32
    %scan3A_6 = arith.addi %scan3A_4, %scan3A_5 : i32
    %scan3A_7 = arith.constant 1 : i32
    scf.for %scan3A_312 = %scan3A_4 to %scan3A_6 step %scan3A_7  : i32 {
      %mul3A_313 = arith.constant 16 : i32
      %mul3A_314 = arith.muli %scan3A_312, %mul3A_313 : i32
      %swap3A = arith.index_cast %mul3A_314 : i32 to index
      %swap3A_315 = tpu.vector_load %arg5[%swap3A] {strides = array<i32>} : memref<4096xi32, #tpu.memory_space<vmem>>, vector<16xi32>,
      tpu.vector_store %arg5[%swap3A], %broadcast_in_dim3A_3 {strides = array<i32>} : memref<4096xi32, #tpu.memory_space<vmem>>, vector<16xi32>,
    }
    %scan3A_8 = arith.constant 256 : i32
    %mul3A_9 = arith.constant 4 : i32
    %mul3A_10 = arith.muli %add3A, %mul3A_9 : i32
    %add3A_11 = arith.constant 0 : i32
    %add3A_12 = arith.addi %mul3A_10, %add3A_11 : i32
    "tpu.region"() ({
      %run_scoped3A = tpu.sem_alloc : memref<!tpu.dma_semaphore, #tpu.memory_space<semaphore_mem>>
      %dma_start3A = arith.constant 0 : i32
      %dma_start3A_312 = tpu.memref_slice %arg2[%add3A_12, %dma_start3A] : memref<128x32768xf32, #tpu.memory_space<hbm>> -> memref<1x32768xf32, #tpu.memory_space<hbm>>
      %dma_start3A_313 = tpu.memref_squeeze %dma_start3A_312 : memref<1x32768xf32, #tpu.memory_space<hbm>> -> memref<32768xf32, #tpu.memory_space<hbm>>
      %dma_start3A_314 = arith.constant 0 : i32
      %dma_start3A_315 = tpu.memref_slice %arg2[%add3A_12, %dma_start3A_314] : memref<128x32768xf32, #tpu.memory_space<hbm>> -> memref<1x32768xf32, #tpu.memory_space<hbm>>
      %dma_start3A_316 = tpu.memref_squeeze %dma_start3A_315 : memref<1x32768xf32, #tpu.memory_space<hbm>> -> memref<32768xf32, #tpu.memory_space<hbm>>
      tpu.enqueue_dma source(%dma_start3A_316 : memref<32768xf32, #tpu.memory_space<hbm>>) target(%arg4 : memref<32768xf32, #tpu.memory_space<vmem>>) target_semaphore(%run_scoped3A : memref<!tpu.dma_semaphore, #tpu.memory_space<semaphore_mem>>)
      %dma_wait3A = arith.constant 0 : i32
      %dma_wait3A_317 = tpu.memref_slice %arg2[%add3A_12, %dma_wait3A] : memref<128x32768xf32, #tpu.memory_space<hbm>> -> memref<1x32768xf32, #tpu.memory_space<hbm>>
      %dma_wait3A_318 = tpu.memref_squeeze %dma_wait3A_317 : memref<1x32768xf32, #tpu.memory_space<hbm>> -> memref<32768xf32, #tpu.memory_space<hbm>>
      %dma_wait3A_319 = arith.constant 0 : i32
      %dma_wait3A_320 = tpu.memref_slice %arg2[%add3A_12, %dma_wait3A_319] : memref<128x32768xf32, #tpu.memory_space<hbm>> -> memref<1x32768xf32, #tpu.memory_space<hbm>>
      %dma_wait3A_321 = tpu.memref_squeeze %dma_wait3A_320 : memref<1x32768xf32, #tpu.memory_space<hbm>> -> memref<32768xf32, #tpu.memory_space<hbm>>
      tpu.wait_dma2 semaphore(%run_scoped3A : memref<!tpu.dma_semaphore, #tpu.memory_space<semaphore_mem>>) src(%dma_wait3A_321 : memref<32768xf32, #tpu.memory_space<hbm>>) dst(%arg4 : memref<32768xf32, #tpu.memory_space<vmem>>)
      tpu.yield
    }) : () -> ()
    %scan3A_13 = arith.constant 0 : i32
    %scan3A_14 = arith.constant 0 : i32
    %scan3A_15 = arith.constant 512 : i32
    %scan3A_16 = arith.addi %scan3A_14, %scan3A_15 : i32
    %scan3A_17 = arith.constant 1 : i32
    scf.for %scan3A_312 = %scan3A_14 to %scan3A_16 step %scan3A_17  : i32 {
      %mul3A_313 = arith.constant 4 : i32
      %mul3A_314 = arith.muli %scan3A_312, %mul3A_313 : i32
      %add3A_315 = arith.constant 0 : i32
      %add3A_316 = arith.addi %mul3A_314, %add3A_315 : i32
      %mul3A_317 = arith.constant 16 : i32
      %mul3A_318 = arith.muli %add3A_316, %mul3A_317 : i32
      %get3A = arith.index_cast %mul3A_318 : i32 to index
      %get3A_319 = tpu.vector_load %arg4[%get3A] {strides = array<i32>} : memref<32768xf32, #tpu.memory_space<vmem>>, vector<16xf32>,
      %bitcast_convert_type3A = tpu.bitcast %get3A_319 : vector<16xf32> -> vector<16xi32>
      %shift_right_arithmetic3A = arith.constant 31 : i32
      %shift_right_arithmetic3A_320 = vector.broadcast %shift_right_arithmetic3A : i32 to vector<16xi32>
      %shift_right_arithmetic3A_321 = arith.shrsi %bitcast_convert_type3A, %shift_right_arithmetic3A_320 : vector<16xi32>
      %shift_right_logical3A = arith.constant 1 : i32
      %shift_right_logical3A_322 = vector.broadcast %shift_right_logical3A : i32 to vector<16xi32>
      %shift_right_logical3A_323 = arith.shrui %shift_right_arithmetic3A_321, %shift_right_logical3A_322 : vector<16xi32>
      %xor3A = arith.xori %bitcast_convert_type3A, %shift_right_logical3A_323 : vector<16xi32>
      %shift_right_arithmetic3A_324 = arith.constant 24 : i32
      %shift_right_arithmetic3A_325 = vector.broadcast %shift_right_arithmetic3A_324 : i32 to vector<16xi32>
      %shift_right_arithmetic3A_326 = arith.shrsi %xor3A, %shift_right_arithmetic3A_325 : vector<16xi32>
      %add3A_327 = arith.constant 128 : i32
      %add3A_328 = vector.broadcast %add3A_327 : i32 to vector<16xi32>
      %add3A_329 = arith.addi %shift_right_arithmetic3A_326, %add3A_328 : vector<16xi32>
      %mul3A_330 = arith.constant 16 : i32
      %mul3A_331 = vector.broadcast %mul3A_330 : i32 to vector<16xi32>
      %mul3A_332 = arith.muli %add3A_329, %mul3A_331 : vector<16xi32>
      %add3A_333 = arith.addi %mul3A_332, %iota3A : vector<16xi32>
      tpu.vector_store_idx %arg5[%add3A_333], %broadcast_in_dim3A_1 {add = true} : memref<4096xi32, #tpu.memory_space<vmem>>[vector<16xi32>], vector<16xi32>,
      %mul3A_334 = arith.constant 4 : i32
      %mul3A_335 = arith.muli %scan3A_312, %mul3A_334 : i32
      %add3A_336 = arith.constant 1 : i32
      %add3A_337 = arith.addi %mul3A_335, %add3A_336 : i32
      %mul3A_338 = arith.constant 16 : i32
      %mul3A_339 = arith.muli %add3A_337, %mul3A_338 : i32
      %get3A_340 = arith.index_cast %mul3A_339 : i32 to index
      %get3A_341 = tpu.vector_load %arg4[%get3A_340] {strides = array<i32>} : memref<32768xf32, #tpu.memory_space<vmem>>, vector<16xf32>,
      %bitcast_convert_type3A_342 = tpu.bitcast %get3A_341 : vector<16xf32> -> vector<16xi32>
      %shift_right_arithmetic3A_343 = arith.constant 31 : i32
      %shift_right_arithmetic3A_344 = vector.broadcast %shift_right_arithmetic3A_343 : i32 to vector<16xi32>
      %shift_right_arithmetic3A_345 = arith.shrsi %bitcast_convert_type3A_342, %shift_right_arithmetic3A_344 : vector<16xi32>
      %shift_right_logical3A_346 = arith.constant 1 : i32
      %shift_right_logical3A_347 = vector.broadcast %shift_right_logical3A_346 : i32 to vector<16xi32>
      %shift_right_logical3A_348 = arith.shrui %shift_right_arithmetic3A_345, %shift_right_logical3A_347 : vector<16xi32>
      %xor3A_349 = arith.xori %bitcast_convert_type3A_342, %shift_right_logical3A_348 : vector<16xi32>
      %shift_right_arithmetic3A_350 = arith.constant 24 : i32
      %shift_right_arithmetic3A_351 = vector.broadcast %shift_right_arithmetic3A_350 : i32 to vector<16xi32>
      %shift_right_arithmetic3A_352 = arith.shrsi %xor3A_349, %shift_right_arithmetic3A_351 : vector<16xi32>
      %add3A_353 = arith.constant 128 : i32
      %add3A_354 = vector.broadcast %add3A_353 : i32 to vector<16xi32>
      %add3A_355 = arith.addi %shift_right_arithmetic3A_352, %add3A_354 : vector<16xi32>
      %mul3A_356 = arith.constant 16 : i32
      %mul3A_357 = vector.broadcast %mul3A_356 : i32 to vector<16xi32>
      %mul3A_358 = arith.muli %add3A_355, %mul3A_357 : vector<16xi32>
      %add3A_359 = arith.addi %mul3A_358, %iota3A : vector<16xi32>
      tpu.vector_store_idx %arg5[%add3A_359], %broadcast_in_dim3A_1 {add = true} : memref<4096xi32, #tpu.memory_space<vmem>>[vector<16xi32>], vector<16xi32>,
      %mul3A_360 = arith.constant 4 : i32
      %mul3A_361 = arith.muli %scan3A_312, %mul3A_360 : i32
      %add3A_362 = arith.constant 2 : i32
      %add3A_363 = arith.addi %mul3A_361, %add3A_362 : i32
      %mul3A_364 = arith.constant 16 : i32
      %mul3A_365 = arith.muli %add3A_363, %mul3A_364 : i32
      %get3A_366 = arith.index_cast %mul3A_365 : i32 to index
      %get3A_367 = tpu.vector_load %arg4[%get3A_366] {strides = array<i32>} : memref<32768xf32, #tpu.memory_space<vmem>>, vector<16xf32>,
      %bitcast_convert_type3A_368 = tpu.bitcast %get3A_367 : vector<16xf32> -> vector<16xi32>
      %shift_right_arithmetic3A_369 = arith.constant 31 : i32
      %shift_right_arithmetic3A_370 = vector.broadcast %shift_right_arithmetic3A_369 : i32 to vector<16xi32>
      %shift_right_arithmetic3A_371 = arith.shrsi %bitcast_convert_type3A_368, %shift_right_arithmetic3A_370 : vector<16xi32>
      %shift_right_logical3A_372 = arith.constant 1 : i32
      %shift_right_logical3A_373 = vector.broadcast %shift_right_logical3A_372 : i32 to vector<16xi32>
      %shift_right_logical3A_374 = arith.shrui %shift_right_arithmetic3A_371, %shift_right_logical3A_373 : vector<16xi32>
      %xor3A_375 = arith.xori %bitcast_convert_type3A_368, %shift_right_logical3A_374 : vector<16xi32>
      %shift_right_arithmetic3A_376 = arith.constant 24 : i32
      %shift_right_arithmetic3A_377 = vector.broadcast %shift_right_arithmetic3A_376 : i32 to vector<16xi32>
      %shift_right_arithmetic3A_378 = arith.shrsi %xor3A_375, %shift_right_arithmetic3A_377 : vector<16xi32>
      %add3A_379 = arith.constant 128 : i32
      %add3A_380 = vector.broadcast %add3A_379 : i32 to vector<16xi32>
      %add3A_381 = arith.addi %shift_right_arithmetic3A_378, %add3A_380 : vector<16xi32>
      %mul3A_382 = arith.constant 16 : i32
      %mul3A_383 = vector.broadcast %mul3A_382 : i32 to vector<16xi32>
      %mul3A_384 = arith.muli %add3A_381, %mul3A_383 : vector<16xi32>
      %add3A_385 = arith.addi %mul3A_384, %iota3A : vector<16xi32>
      tpu.vector_store_idx %arg5[%add3A_385], %broadcast_in_dim3A_1 {add = true} : memref<4096xi32, #tpu.memory_space<vmem>>[vector<16xi32>], vector<16xi32>,
      %mul3A_386 = arith.constant 4 : i32
      %mul3A_387 = arith.muli %scan3A_312, %mul3A_386 : i32
      %add3A_388 = arith.constant 3 : i32
      %add3A_389 = arith.addi %mul3A_387, %add3A_388 : i32
      %mul3A_390 = arith.constant 16 : i32
      %mul3A_391 = arith.muli %add3A_389, %mul3A_390 : i32
      %get3A_392 = arith.index_cast %mul3A_391 : i32 to index
      %get3A_393 = tpu.vector_load %arg4[%get3A_392] {strides = array<i32>} : memref<32768xf32, #tpu.memory_space<vmem>>, vector<16xf32>,
      %bitcast_convert_type3A_394 = tpu.bitcast %get3A_393 : vector<16xf32> -> vector<16xi32>
      %shift_right_arithmetic3A_395 = arith.constant 31 : i32
      %shift_right_arithmetic3A_396 = vector.broadcast %shift_right_arithmetic3A_395 : i32 to vector<16xi32>
      %shift_right_arithmetic3A_397 = arith.shrsi %bitcast_convert_type3A_394, %shift_right_arithmetic3A_396 : vector<16xi32>
      %shift_right_logical3A_398 = arith.constant 1 : i32
      %shift_right_logical3A_399 = vector.broadcast %shift_right_logical3A_398 : i32 to vector<16xi32>
      %shift_right_logical3A_400 = arith.shrui %shift_right_arithmetic3A_397, %shift_right_logical3A_399 : vector<16xi32>
      %xor3A_401 = arith.xori %bitcast_convert_type3A_394, %shift_right_logical3A_400 : vector<16xi32>
      %shift_right_arithmetic3A_402 = arith.constant 24 : i32
      %shift_right_arithmetic3A_403 = vector.broadcast %shift_right_arithmetic3A_402 : i32 to vector<16xi32>
      %shift_right_arithmetic3A_404 = arith.shrsi %xor3A_401, %shift_right_arithmetic3A_403 : vector<16xi32>
      %add3A_405 = arith.constant 128 : i32
      %add3A_406 = vector.broadcast %add3A_405 : i32 to vector<16xi32>
      %add3A_407 = arith.addi %shift_right_arithmetic3A_404, %add3A_406 : vector<16xi32>
      %mul3A_408 = arith.constant 16 : i32
      %mul3A_409 = vector.broadcast %mul3A_408 : i32 to vector<16xi32>
      %mul3A_410 = arith.muli %add3A_407, %mul3A_409 : vector<16xi32>
      %add3A_411 = arith.addi %mul3A_410, %iota3A : vector<16xi32>
      tpu.vector_store_idx %arg5[%add3A_411], %broadcast_in_dim3A_1 {add = true} : memref<4096xi32, #tpu.memory_space<vmem>>[vector<16xi32>], vector<16xi32>,
    }
    %scan3A_18 = arith.constant 512 : i32
    %scan3A_19 = arith.constant 0 : i32
    %scan3A_20 = arith.constant 0 : i32
    %scan3A_21 = arith.constant 0 : i32
    %scan3A_22 = arith.constant 0 : i32
    %scan3A_23 = arith.constant 0 : i32
    %scan3A_24 = arith.constant 256 : i32
    %scan3A_25 = arith.addi %scan3A_23, %scan3A_24 : i32
    %scan3A_26 = arith.constant 1 : i32
    %scan3A_27:4 = scf.for %scan3A_312 = %scan3A_23 to %scan3A_25 step %scan3A_26 iter_args(%scan3A_313 = %scan3A_19, %scan3A_314 = %scan3A_20, %scan3A_315 = %scan3A_21, %scan3A_316 = %scan3A_22) -> (i32, i32, i32, i32)  : i32 {
      %sub3A_317 = arith.constant 255 : i32
      %sub3A_318 = arith.subi %sub3A_317, %scan3A_312 : i32
      %mul3A_319 = arith.constant 16 : i32
      %mul3A_320 = arith.muli %sub3A_318, %mul3A_319 : i32
      %get3A = arith.index_cast %mul3A_320 : i32 to index
      %get3A_321 = tpu.vector_load %arg5[%get3A] {strides = array<i32>} : memref<4096xi32, #tpu.memory_space<vmem>>, vector<16xi32>,
      %mul3A_322 = arith.constant 16 : i32
      %mul3A_323 = arith.muli %sub3A_318, %mul3A_322 : i32
      %swap3A = arith.index_cast %mul3A_323 : i32 to index
      %swap3A_324 = tpu.vector_load %arg5[%swap3A] {strides = array<i32>} : memref<4096xi32, #tpu.memory_space<vmem>>, vector<16xi32>,
      tpu.vector_store %arg5[%swap3A], %broadcast_in_dim3A_3 {strides = array<i32>} : memref<4096xi32, #tpu.memory_space<vmem>>, vector<16xi32>,
      %reduce_sum3A = arith.constant true
      %reduce_sum3A_325 = vector.broadcast %reduce_sum3A : i1 to vector<16xi1>
      %reduce_sum3A_326 = tpu.scan <sum>, %get3A_321 masked %reduce_sum3A_325 : vector<16xi32>, vector<16xi1> -> vector<16xi32>
      %reduce_sum3A_327 = vector.extract %reduce_sum3A_326[15] : i32 from vector<16xi32>
      %add3A_328 = arith.addi %scan3A_313, %reduce_sum3A_327 : i32
      %lt3A = arith.constant 64 : i32
      %lt3A_329 = arith.cmpi slt, %scan3A_313, %lt3A : i32
      %ge3A = arith.constant 64 : i32
      %ge3A_330 = arith.cmpi sge, %add3A_328, %ge3A : i32
      %and3A = arith.andi %lt3A_329, %ge3A_330 : i1
      %select_n3A = arith.select %and3A, %sub3A_318, %scan3A_314 : i32
      %select_n3A_331 = arith.select %and3A, %scan3A_313, %scan3A_315 : i32
      %select_n3A_332 = arith.select %and3A, %reduce_sum3A_327, %scan3A_316 : i32
      scf.yield %add3A_328, %select_n3A, %select_n3A_331, %select_n3A_332 : i32, i32, i32, i32
    }
    %scan3A_28 = arith.constant 256 : i32
    %sub3A = arith.constant 64 : i32
    %sub3A_29 = arith.subi %sub3A, %scan3A_27#2 : i32
    %sub3A_30 = arith.constant 128 : i32
    %sub3A_31 = arith.subi %scan3A_27#1, %sub3A_30 : i32
    %broadcast_in_dim3A_32 = arith.constant 0 : i32
    %broadcast_in_dim3A_33 = vector.broadcast %broadcast_in_dim3A_32 : i32 to vector<16xi32>
    %scan3A_34 = arith.constant 0 : i32
    %scan3A_35 = arith.constant 512 : i32
    %scan3A_36 = arith.addi %scan3A_34, %scan3A_35 : i32
    %scan3A_37 = arith.constant 1 : i32
    %scan3A_38 = scf.for %scan3A_312 = %scan3A_34 to %scan3A_36 step %scan3A_37 iter_args(%scan3A_313 = %broadcast_in_dim3A_33) -> (vector<16xi32>)  : i32 {
      %mul3A_314 = arith.constant 4 : i32
      %mul3A_315 = arith.muli %scan3A_312, %mul3A_314 : i32
      %add3A_316 = arith.constant 0 : i32
      %add3A_317 = arith.addi %mul3A_315, %add3A_316 : i32
      %mul3A_318 = arith.constant 16 : i32
      %mul3A_319 = arith.muli %add3A_317, %mul3A_318 : i32
      %get3A = arith.index_cast %mul3A_319 : i32 to index
      %get3A_320 = tpu.vector_load %arg4[%get3A] {strides = array<i32>} : memref<32768xf32, #tpu.memory_space<vmem>>, vector<16xf32>,
      %bitcast_convert_type3A = tpu.bitcast %get3A_320 : vector<16xf32> -> vector<16xi32>
      %shift_right_arithmetic3A = arith.constant 31 : i32
      %shift_right_arithmetic3A_321 = vector.broadcast %shift_right_arithmetic3A : i32 to vector<16xi32>
      %shift_right_arithmetic3A_322 = arith.shrsi %bitcast_convert_type3A, %shift_right_arithmetic3A_321 : vector<16xi32>
      %shift_right_logical3A = arith.constant 1 : i32
      %shift_right_logical3A_323 = vector.broadcast %shift_right_logical3A : i32 to vector<16xi32>
      %shift_right_logical3A_324 = arith.shrui %shift_right_arithmetic3A_322, %shift_right_logical3A_323 : vector<16xi32>
      %xor3A = arith.xori %bitcast_convert_type3A, %shift_right_logical3A_324 : vector<16xi32>
      %shift_right_arithmetic3A_325 = arith.constant 24 : i32
      %shift_right_arithmetic3A_326 = vector.broadcast %shift_right_arithmetic3A_325 : i32 to vector<16xi32>
      %shift_right_arithmetic3A_327 = arith.shrsi %xor3A, %shift_right_arithmetic3A_326 : vector<16xi32>
      %eq3A = vector.broadcast %sub3A_31 : i32 to vector<16xi32>
      %eq3A_328 = arith.cmpi eq, %shift_right_arithmetic3A_327, %eq3A : vector<16xi32>
      %convert_element_type3A = arith.extui %eq3A_328 : vector<16xi1> to vector<16xi32>
      %broadcast_in_dim3A_329 = arith.constant true
      %broadcast_in_dim3A_330 = vector.broadcast %broadcast_in_dim3A_329 : i1 to vector<16xi1>
      %masked_cumsum3A = tpu.scan <sum>, %convert_element_type3A masked %broadcast_in_dim3A_330 : vector<16xi32>, vector<16xi1> -> vector<16xi32>
      %add3A_331 = arith.addi %scan3A_313, %masked_cumsum3A : vector<16xi32>
      %sub3A_332 = arith.constant 1 : i32
      %sub3A_333 = vector.broadcast %sub3A_332 : i32 to vector<16xi32>
      %sub3A_334 = arith.subi %add3A_331, %sub3A_333 : vector<16xi32>
      tpu.vector_store_idx %arg6[%sub3A_334], %xor3A masked %eq3A_328 : memref<32784xi32, #tpu.memory_space<vmem>>[vector<16xi32>], vector<16xi32>, vector<16xi1>
      %all_reduce_population_count3A = tpu.all_reduce %eq3A_328 {dim = 0 : i64, kind = #tpu.reduction_kind<sum>} : vector<16xi1> -> vector<16xi32>
      %add3A_335 = arith.addi %scan3A_313, %all_reduce_population_count3A : vector<16xi32>
      %mul3A_336 = arith.constant 4 : i32
      %mul3A_337 = arith.muli %scan3A_312, %mul3A_336 : i32
      %add3A_338 = arith.constant 1 : i32
      %add3A_339 = arith.addi %mul3A_337, %add3A_338 : i32
      %mul3A_340 = arith.constant 16 : i32
      %mul3A_341 = arith.muli %add3A_339, %mul3A_340 : i32
      %get3A_342 = arith.index_cast %mul3A_341 : i32 to index
      %get3A_343 = tpu.vector_load %arg4[%get3A_342] {strides = array<i32>} : memref<32768xf32, #tpu.memory_space<vmem>>, vector<16xf32>,
      %bitcast_convert_type3A_344 = tpu.bitcast %get3A_343 : vector<16xf32> -> vector<16xi32>
      %shift_right_arithmetic3A_345 = arith.constant 31 : i32
      %shift_right_arithmetic3A_346 = vector.broadcast %shift_right_arithmetic3A_345 : i32 to vector<16xi32>
      %shift_right_arithmetic3A_347 = arith.shrsi %bitcast_convert_type3A_344, %shift_right_arithmetic3A_346 : vector<16xi32>
      %shift_right_logical3A_348 = arith.constant 1 : i32
      %shift_right_logical3A_349 = vector.broadcast %shift_right_logical3A_348 : i32 to vector<16xi32>
      %shift_right_logical3A_350 = arith.shrui %shift_right_arithmetic3A_347, %shift_right_logical3A_349 : vector<16xi32>
      %xor3A_351 = arith.xori %bitcast_convert_type3A_344, %shift_right_logical3A_350 : vector<16xi32>
      %shift_right_arithmetic3A_352 = arith.constant 24 : i32
      %shift_right_arithmetic3A_353 = vector.broadcast %shift_right_arithmetic3A_352 : i32 to vector<16xi32>
      %shift_right_arithmetic3A_354 = arith.shrsi %xor3A_351, %shift_right_arithmetic3A_353 : vector<16xi32>
      %eq3A_355 = vector.broadcast %sub3A_31 : i32 to vector<16xi32>
      %eq3A_356 = arith.cmpi eq, %shift_right_arithmetic3A_354, %eq3A_355 : vector<16xi32>
      %convert_element_type3A_357 = arith.extui %eq3A_356 : vector<16xi1> to vector<16xi32>
      %broadcast_in_dim3A_358 = arith.constant true
      %broadcast_in_dim3A_359 = vector.broadcast %broadcast_in_dim3A_358 : i1 to vector<16xi1>
      %masked_cumsum3A_360 = tpu.scan <sum>, %convert_element_type3A_357 masked %broadcast_in_dim3A_359 : vector<16xi32>, vector<16xi1> -> vector<16xi32>
      %add3A_361 = arith.addi %add3A_335, %masked_cumsum3A_360 : vector<16xi32>
      %sub3A_362 = arith.constant 1 : i32
      %sub3A_363 = vector.broadcast %sub3A_362 : i32 to vector<16xi32>
      %sub3A_364 = arith.subi %add3A_361, %sub3A_363 : vector<16xi32>
      tpu.vector_store_idx %arg6[%sub3A_364], %xor3A_351 masked %eq3A_356 : memref<32784xi32, #tpu.memory_space<vmem>>[vector<16xi32>], vector<16xi32>, vector<16xi1>
      %all_reduce_population_count3A_365 = tpu.all_reduce %eq3A_356 {dim = 0 : i64, kind = #tpu.reduction_kind<sum>} : vector<16xi1> -> vector<16xi32>
      %add3A_366 = arith.addi %add3A_335, %all_reduce_population_count3A_365 : vector<16xi32>
      %mul3A_367 = arith.constant 4 : i32
      %mul3A_368 = arith.muli %scan3A_312, %mul3A_367 : i32
      %add3A_369 = arith.constant 2 : i32
      %add3A_370 = arith.addi %mul3A_368, %add3A_369 : i32
      %mul3A_371 = arith.constant 16 : i32
      %mul3A_372 = arith.muli %add3A_370, %mul3A_371 : i32
      %get3A_373 = arith.index_cast %mul3A_372 : i32 to index
      %get3A_374 = tpu.vector_load %arg4[%get3A_373] {strides = array<i32>} : memref<32768xf32, #tpu.memory_space<vmem>>, vector<16xf32>,
      %bitcast_convert_type3A_375 = tpu.bitcast %get3A_374 : vector<16xf32> -> vector<16xi32>
      %shift_right_arithmetic3A_376 = arith.constant 31 : i32
      %shift_right_arithmetic3A_377 = vector.broadcast %shift_right_arithmetic3A_376 : i32 to vector<16xi32>
      %shift_right_arithmetic3A_378 = arith.shrsi %bitcast_convert_type3A_375, %shift_right_arithmetic3A_377 : vector<16xi32>
      %shift_right_logical3A_379 = arith.constant 1 : i32
      %shift_right_logical3A_380 = vector.broadcast %shift_right_logical3A_379 : i32 to vector<16xi32>
      %shift_right_logical3A_381 = arith.shrui %shift_right_arithmetic3A_378, %shift_right_logical3A_380 : vector<16xi32>
      %xor3A_382 = arith.xori %bitcast_convert_type3A_375, %shift_right_logical3A_381 : vector<16xi32>
      %shift_right_arithmetic3A_383 = arith.constant 24 : i32
      %shift_right_arithmetic3A_384 = vector.broadcast %shift_right_arithmetic3A_383 : i32 to vector<16xi32>
      %shift_right_arithmetic3A_385 = arith.shrsi %xor3A_382, %shift_right_arithmetic3A_384 : vector<16xi32>
      %eq3A_386 = vector.broadcast %sub3A_31 : i32 to vector<16xi32>
      %eq3A_387 = arith.cmpi eq, %shift_right_arithmetic3A_385, %eq3A_386 : vector<16xi32>
      %convert_element_type3A_388 = arith.extui %eq3A_387 : vector<16xi1> to vector<16xi32>
      %broadcast_in_dim3A_389 = arith.constant true
      %broadcast_in_dim3A_390 = vector.broadcast %broadcast_in_dim3A_389 : i1 to vector<16xi1>
      %masked_cumsum3A_391 = tpu.scan <sum>, %convert_element_type3A_388 masked %broadcast_in_dim3A_390 : vector<16xi32>, vector<16xi1> -> vector<16xi32>
      %add3A_392 = arith.addi %add3A_366, %masked_cumsum3A_391 : vector<16xi32>
      %sub3A_393 = arith.constant 1 : i32
      %sub3A_394 = vector.broadcast %sub3A_393 : i32 to vector<16xi32>
      %sub3A_395 = arith.subi %add3A_392, %sub3A_394 : vector<16xi32>
      tpu.vector_store_idx %arg6[%sub3A_395], %xor3A_382 masked %eq3A_387 : memref<32784xi32, #tpu.memory_space<vmem>>[vector<16xi32>], vector<16xi32>, vector<16xi1>
      %all_reduce_population_count3A_396 = tpu.all_reduce %eq3A_387 {dim = 0 : i64, kind = #tpu.reduction_kind<sum>} : vector<16xi1> -> vector<16xi32>
      %add3A_397 = arith.addi %add3A_366, %all_reduce_population_count3A_396 : vector<16xi32>
      %mul3A_398 = arith.constant 4 : i32
      %mul3A_399 = arith.muli %scan3A_312, %mul3A_398 : i32
      %add3A_400 = arith.constant 3 : i32
      %add3A_401 = arith.addi %mul3A_399, %add3A_400 : i32
      %mul3A_402 = arith.constant 16 : i32
      %mul3A_403 = arith.muli %add3A_401, %mul3A_402 : i32
      %get3A_404 = arith.index_cast %mul3A_403 : i32 to index
      %get3A_405 = tpu.vector_load %arg4[%get3A_404] {strides = array<i32>} : memref<32768xf32, #tpu.memory_space<vmem>>, vector<16xf32>,
      %bitcast_convert_type3A_406 = tpu.bitcast %get3A_405 : vector<16xf32> -> vector<16xi32>
      %shift_right_arithmetic3A_407 = arith.constant 31 : i32
      %shift_right_arithmetic3A_408 = vector.broadcast %shift_right_arithmetic3A_407 : i32 to vector<16xi32>
      %shift_right_arithmetic3A_409 = arith.shrsi %bitcast_convert_type3A_406, %shift_right_arithmetic3A_408 : vector<16xi32>
      %shift_right_logical3A_410 = arith.constant 1 : i32
      %shift_right_logical3A_411 = vector.broadcast %shift_right_logical3A_410 : i32 to vector<16xi32>
      %shift_right_logical3A_412 = arith.shrui %shift_right_arithmetic3A_409, %shift_right_logical3A_411 : vector<16xi32>
      %xor3A_413 = arith.xori %bitcast_convert_type3A_406, %shift_right_logical3A_412 : vector<16xi32>
      %shift_right_arithmetic3A_414 = arith.constant 24 : i32
      %shift_right_arithmetic3A_415 = vector.broadcast %shift_right_arithmetic3A_414 : i32 to vector<16xi32>
      %shift_right_arithmetic3A_416 = arith.shrsi %xor3A_413, %shift_right_arithmetic3A_415 : vector<16xi32>
      %eq3A_417 = vector.broadcast %sub3A_31 : i32 to vector<16xi32>
      %eq3A_418 = arith.cmpi eq, %shift_right_arithmetic3A_416, %eq3A_417 : vector<16xi32>
      %convert_element_type3A_419 = arith.extui %eq3A_418 : vector<16xi1> to vector<16xi32>
      %broadcast_in_dim3A_420 = arith.constant true
      %broadcast_in_dim3A_421 = vector.broadcast %broadcast_in_dim3A_420 : i1 to vector<16xi1>
      %masked_cumsum3A_422 = tpu.scan <sum>, %convert_element_type3A_419 masked %broadcast_in_dim3A_421 : vector<16xi32>, vector<16xi1> -> vector<16xi32>
      %add3A_423 = arith.addi %add3A_397, %masked_cumsum3A_422 : vector<16xi32>
      %sub3A_424 = arith.constant 1 : i32
      %sub3A_425 = vector.broadcast %sub3A_424 : i32 to vector<16xi32>
      %sub3A_426 = arith.subi %add3A_423, %sub3A_425 : vector<16xi32>
      tpu.vector_store_idx %arg6[%sub3A_426], %xor3A_413 masked %eq3A_418 : memref<32784xi32, #tpu.memory_space<vmem>>[vector<16xi32>], vector<16xi32>, vector<16xi1>
      %all_reduce_population_count3A_427 = tpu.all_reduce %eq3A_418 {dim = 0 : i64, kind = #tpu.reduction_kind<sum>} : vector<16xi1> -> vector<16xi32>
      %add3A_428 = arith.addi %add3A_397, %all_reduce_population_count3A_427 : vector<16xi32>
      scf.yield %add3A_428 : vector<16xi32>
    }
    %scan3A_39 = arith.constant 512 : i32
    %add3A_40 = arith.addi %scan3A_38, %iota3A : vector<16xi32>
    %broadcast_in_dim3A_41 = arith.constant -2147483648 : i32
    %broadcast_in_dim3A_42 = vector.broadcast %broadcast_in_dim3A_41 : i32 to vector<16xi32>
    tpu.vector_store_idx %arg6[%add3A_40], %broadcast_in_dim3A_42 : memref<32784xi32, #tpu.memory_space<vmem>>[vector<16xi32>], vector<16xi32>,
    %add3A_43 = arith.constant 15 : i32
    %add3A_44 = arith.addi %scan3A_27#3, %add3A_43 : i32
    %div3A = arith.constant 16 : i32
    %div3A_45 = arith.divsi %add3A_44, %div3A : i32
    %shift_left3A = arith.constant 24 : i32
    %shift_left3A_46 = arith.shli %sub3A_31, %shift_left3A : i32
    %scan3A_47 = arith.constant 0 : i32
    %scan3A_48 = arith.constant 24 : i32
    %scan3A_49 = arith.addi %scan3A_47, %scan3A_48 : i32
    %scan3A_50 = arith.constant 1 : i32
    %scan3A_51 = scf.for %scan3A_312 = %scan3A_47 to %scan3A_49 step %scan3A_50 iter_args(%scan3A_313 = %shift_left3A_46) -> (i32)  : i32 {
      %sub3A_314 = arith.constant 23 : i32
      %sub3A_315 = arith.subi %sub3A_314, %scan3A_312 : i32
      %shift_left3A_316 = arith.constant 1 : i32
      %shift_left3A_317 = arith.shli %shift_left3A_316, %sub3A_315 : i32
      %or3A = arith.ori %scan3A_313, %shift_left3A_317 : i32
      %broadcast_in_dim3A_318 = vector.broadcast %or3A : i32 to vector<16xi32>
      %while3A_319 = arith.constant 0 : i32
      %while3A_320 = arith.subi %div3A_45, %while3A_319 : i32
      %while3A_321 = arith.addi %while3A_319, %while3A_320 : i32
      %while3A_322 = arith.constant 1 : i32
      %while3A_323 = arith.divsi %while3A_320, %while3A_322 : i32
      %while3A_324 = arith.muli %while3A_323, %while3A_322 : i32
      %while3A_325 = arith.addi %while3A_319, %while3A_324 : i32
      %while3A_326 = arith.constant 1 : i32
      %while3A_327 = scf.for %while3A_338 = %while3A_319 to %while3A_325 step %while3A_326 iter_args(%while3A_339 = %broadcast_in_dim3A_3) -> (vector<16xi32>)  : i32 {
        %mul3A_340 = arith.constant 16 : i32
        %mul3A_341 = arith.muli %while3A_338, %mul3A_340 : i32
        %get3A = arith.index_cast %mul3A_341 : i32 to index
        %get3A_342 = tpu.vector_load %arg6[%get3A] {strides = array<i32>} : memref<32784xi32, #tpu.memory_space<vmem>>, vector<16xi32>,
        %ge3A_343 = arith.cmpi sge, %get3A_342, %broadcast_in_dim3A_318 : vector<16xi32>
        %all_reduce_population_count3A = tpu.all_reduce %ge3A_343 {dim = 0 : i64, kind = #tpu.reduction_kind<sum>} : vector<16xi1> -> vector<16xi32>
        %add3A_344 = arith.addi %while3A_339, %all_reduce_population_count3A : vector<16xi32>
        scf.yield %add3A_344 : vector<16xi32>
      }
      %while3A_328 = arith.constant 1 : i32
      %while3A_329 = scf.for %while3A_338 = %while3A_325 to %while3A_321 step %while3A_328 iter_args(%while3A_339 = %while3A_327) -> (vector<16xi32>)  : i32 {
        %mul3A_340 = arith.constant 16 : i32
        %mul3A_341 = arith.muli %while3A_338, %mul3A_340 : i32
        %get3A = arith.index_cast %mul3A_341 : i32 to index
        %get3A_342 = tpu.vector_load %arg6[%get3A] {strides = array<i32>} : memref<32784xi32, #tpu.memory_space<vmem>>, vector<16xi32>,
        %ge3A_343 = arith.cmpi sge, %get3A_342, %broadcast_in_dim3A_318 : vector<16xi32>
        %all_reduce_population_count3A = tpu.all_reduce %ge3A_343 {dim = 0 : i64, kind = #tpu.reduction_kind<sum>} : vector<16xi1> -> vector<16xi32>
        %add3A_344 = arith.addi %while3A_339, %all_reduce_population_count3A : vector<16xi32>
        scf.yield %add3A_344 : vector<16xi32>
      }
      %reduce_max3A_330 = arith.constant true
      %reduce_max3A_331 = vector.broadcast %reduce_max3A_330 : i1 to vector<16xi1>
      %reduce_max3A_332 = arith.constant -2147483648 : i32
      %reduce_max3A_333 = vector.broadcast %reduce_max3A_332 : i32 to vector<16xi32>
      %reduce_max3A_334 = arith.xori %while3A_329, %reduce_max3A_333 : vector<16xi32>
      %reduce_max3A_335 = tpu.scan <max>, %reduce_max3A_334 masked %reduce_max3A_331 : vector<16xi32>, vector<16xi1> -> vector<16xi32>
      %reduce_max3A_336 = arith.xori %reduce_max3A_335, %reduce_max3A_333 : vector<16xi32>
      %reduce_max3A_337 = vector.extract %reduce_max3A_336[15] : i32 from vector<16xi32>
      %ge3A = arith.cmpi sge, %reduce_max3A_337, %sub3A_29 : i32
      %select_n3A = arith.select %ge3A, %or3A, %scan3A_313 : i32
      scf.yield %select_n3A : i32
    }
    %scan3A_52 = arith.constant 24 : i32
    %broadcast_in_dim3A_53 = vector.broadcast %scan3A_51 : i32 to vector<16xi32>
    %while3A = arith.constant 0 : i32
    %while3A_54 = arith.subi %div3A_45, %while3A : i32
    %while3A_55 = arith.addi %while3A, %while3A_54 : i32
    %while3A_56 = arith.constant 1 : i32
    %while3A_57 = arith.divsi %while3A_54, %while3A_56 : i32
    %while3A_58 = arith.muli %while3A_57, %while3A_56 : i32
    %while3A_59 = arith.addi %while3A, %while3A_58 : i32
    %while3A_60 = arith.constant 1 : i32
    %while3A_61 = scf.for %while3A_312 = %while3A to %while3A_59 step %while3A_60 iter_args(%while3A_313 = %broadcast_in_dim3A_3) -> (vector<16xi32>)  : i32 {
      %mul3A_314 = arith.constant 16 : i32
      %mul3A_315 = arith.muli %while3A_312, %mul3A_314 : i32
      %get3A = arith.index_cast %mul3A_315 : i32 to index
      %get3A_316 = tpu.vector_load %arg6[%get3A] {strides = array<i32>} : memref<32784xi32, #tpu.memory_space<vmem>>, vector<16xi32>,
      %gt3A = arith.cmpi sgt, %get3A_316, %broadcast_in_dim3A_53 : vector<16xi32>
      %all_reduce_population_count3A = tpu.all_reduce %gt3A {dim = 0 : i64, kind = #tpu.reduction_kind<sum>} : vector<16xi1> -> vector<16xi32>
      %add3A_317 = arith.addi %while3A_313, %all_reduce_population_count3A : vector<16xi32>
      scf.yield %add3A_317 : vector<16xi32>
    }
    %while3A_62 = arith.constant 1 : i32
    %while3A_63 = scf.for %while3A_312 = %while3A_59 to %while3A_55 step %while3A_62 iter_args(%while3A_313 = %while3A_61) -> (vector<16xi32>)  : i32 {
      %mul3A_314 = arith.constant 16 : i32
      %mul3A_315 = arith.muli %while3A_312, %mul3A_314 : i32
      %get3A = arith.index_cast %mul3A_315 : i32 to index
      %get3A_316 = tpu.vector_load %arg6[%get3A] {strides = array<i32>} : memref<32784xi32, #tpu.memory_space<vmem>>, vector<16xi32>,
      %gt3A = arith.cmpi sgt, %get3A_316, %broadcast_in_dim3A_53 : vector<16xi32>
      %all_reduce_population_count3A = tpu.all_reduce %gt3A {dim = 0 : i64, kind = #tpu.reduction_kind<sum>} : vector<16xi1> -> vector<16xi32>
      %add3A_317 = arith.addi %while3A_313, %all_reduce_population_count3A : vector<16xi32>
      scf.yield %add3A_317 : vector<16xi32>
    }
    %reduce_max3A = arith.constant true
    %reduce_max3A_64 = vector.broadcast %reduce_max3A : i1 to vector<16xi1>
    %reduce_max3A_65 = arith.constant -2147483648 : i32
    %reduce_max3A_66 = vector.broadcast %reduce_max3A_65 : i32 to vector<16xi32>
    %reduce_max3A_67 = arith.xori %while3A_63, %reduce_max3A_66 : vector<16xi32>
    %reduce_max3A_68 = tpu.scan <max>, %reduce_max3A_67 masked %reduce_max3A_64 : vector<16xi32>, vector<16xi1> -> vector<16xi32>
    %reduce_max3A_69 = arith.xori %reduce_max3A_68, %reduce_max3A_66 : vector<16xi32>
    %reduce_max3A_70 = vector.extract %reduce_max3A_69[15] : i32 from vector<16xi32>
    %sub3A_71 = arith.subi %sub3A_29, %reduce_max3A_70 : i32
    %broadcast_in_dim3A_72 = vector.broadcast %sub3A_71 : i32 to vector<16xi32>
    %broadcast_in_dim3A_73 = arith.constant 0 : i32
    %broadcast_in_dim3A_74 = vector.broadcast %broadcast_in_dim3A_73 : i32 to vector<16xi32>
    %scan3A_75 = arith.constant 0 : i32
    %scan3A_76 = arith.constant 512 : i32
    %scan3A_77 = arith.addi %scan3A_75, %scan3A_76 : i32
    %scan3A_78 = arith.constant 1 : i32
    %scan3A_79 = scf.for %scan3A_312 = %scan3A_75 to %scan3A_77 step %scan3A_78 iter_args(%scan3A_313 = %broadcast_in_dim3A_74) -> (vector<16xi32>)  : i32 {
      %mul3A_314 = arith.constant 4 : i32
      %mul3A_315 = arith.muli %scan3A_312, %mul3A_314 : i32
      %add3A_316 = arith.constant 0 : i32
      %add3A_317 = arith.addi %mul3A_315, %add3A_316 : i32
      %mul3A_318 = arith.constant 16 : i32
      %mul3A_319 = arith.muli %add3A_317, %mul3A_318 : i32
      %get3A = arith.index_cast %mul3A_319 : i32 to index
      %get3A_320 = tpu.vector_load %arg4[%get3A] {strides = array<i32>} : memref<32768xf32, #tpu.memory_space<vmem>>, vector<16xf32>,
      %bitcast_convert_type3A = tpu.bitcast %get3A_320 : vector<16xf32> -> vector<16xi32>
      %shift_right_arithmetic3A = arith.constant 31 : i32
      %shift_right_arithmetic3A_321 = vector.broadcast %shift_right_arithmetic3A : i32 to vector<16xi32>
      %shift_right_arithmetic3A_322 = arith.shrsi %bitcast_convert_type3A, %shift_right_arithmetic3A_321 : vector<16xi32>
      %shift_right_logical3A = arith.constant 1 : i32
      %shift_right_logical3A_323 = vector.broadcast %shift_right_logical3A : i32 to vector<16xi32>
      %shift_right_logical3A_324 = arith.shrui %shift_right_arithmetic3A_322, %shift_right_logical3A_323 : vector<16xi32>
      %xor3A = arith.xori %bitcast_convert_type3A, %shift_right_logical3A_324 : vector<16xi32>
      %eq3A = arith.cmpi eq, %xor3A, %broadcast_in_dim3A_53 : vector<16xi32>
      %convert_element_type3A = arith.extui %eq3A : vector<16xi1> to vector<16xi32>
      %broadcast_in_dim3A_325 = arith.constant true
      %broadcast_in_dim3A_326 = vector.broadcast %broadcast_in_dim3A_325 : i1 to vector<16xi1>
      %masked_cumsum3A = tpu.scan <sum>, %convert_element_type3A masked %broadcast_in_dim3A_326 : vector<16xi32>, vector<16xi1> -> vector<16xi32>
      %add3A_327 = arith.addi %scan3A_313, %masked_cumsum3A : vector<16xi32>
      %le3A = arith.cmpi sle, %add3A_327, %broadcast_in_dim3A_72 : vector<16xi32>
      %and3A = arith.andi %eq3A, %le3A : vector<16xi1>
      %gt3A = arith.cmpi sgt, %xor3A, %broadcast_in_dim3A_53 : vector<16xi32>
      %or3A = arith.ori %gt3A, %and3A : vector<16xi1>
      %max3A = arith.constant 0.000000e+00 : f32
      %max3A_328 = vector.broadcast %max3A : f32 to vector<16xf32>
      %max3A_329 = arith.maximumf %get3A_320, %max3A_328 : vector<16xf32>
      %jit3A = arith.constant 0.000000e+00 : f32
      %broadcast_in_dim3A_330 = vector.broadcast %jit3A : f32 to vector<16xf32>
      %select_n3A = arith.select %or3A, %max3A_329, %broadcast_in_dim3A_330 : vector<16xi1>, vector<16xf32>
      %swap3A = arith.index_cast %mul3A_319 : i32 to index
      %swap3A_331 = tpu.vector_load %arg4[%swap3A] {strides = array<i32>} : memref<32768xf32, #tpu.memory_space<vmem>>, vector<16xf32>,
      tpu.vector_store %arg4[%swap3A], %select_n3A {strides = array<i32>} : memref<32768xf32, #tpu.memory_space<vmem>>, vector<16xf32>,
      %all_reduce_population_count3A = tpu.all_reduce %eq3A {dim = 0 : i64, kind = #tpu.reduction_kind<sum>} : vector<16xi1> -> vector<16xi32>
      %add3A_332 = arith.addi %scan3A_313, %all_reduce_population_count3A : vector<16xi32>
      %mul3A_333 = arith.constant 4 : i32
      %mul3A_334 = arith.muli %scan3A_312, %mul3A_333 : i32
      %add3A_335 = arith.constant 1 : i32
      %add3A_336 = arith.addi %mul3A_334, %add3A_335 : i32
      %mul3A_337 = arith.constant 16 : i32
      %mul3A_338 = arith.muli %add3A_336, %mul3A_337 : i32
      %get3A_339 = arith.index_cast %mul3A_338 : i32 to index
      %get3A_340 = tpu.vector_load %arg4[%get3A_339] {strides = array<i32>} : memref<32768xf32, #tpu.memory_space<vmem>>, vector<16xf32>,
      %bitcast_convert_type3A_341 = tpu.bitcast %get3A_340 : vector<16xf32> -> vector<16xi32>
      %shift_right_arithmetic3A_342 = arith.constant 31 : i32
      %shift_right_arithmetic3A_343 = vector.broadcast %shift_right_arithmetic3A_342 : i32 to vector<16xi32>
      %shift_right_arithmetic3A_344 = arith.shrsi %bitcast_convert_type3A_341, %shift_right_arithmetic3A_343 : vector<16xi32>
      %shift_right_logical3A_345 = arith.constant 1 : i32
      %shift_right_logical3A_346 = vector.broadcast %shift_right_logical3A_345 : i32 to vector<16xi32>
      %shift_right_logical3A_347 = arith.shrui %shift_right_arithmetic3A_344, %shift_right_logical3A_346 : vector<16xi32>
      %xor3A_348 = arith.xori %bitcast_convert_type3A_341, %shift_right_logical3A_347 : vector<16xi32>
      %eq3A_349 = arith.cmpi eq, %xor3A_348, %broadcast_in_dim3A_53 : vector<16xi32>
      %convert_element_type3A_350 = arith.extui %eq3A_349 : vector<16xi1> to vector<16xi32>
      %broadcast_in_dim3A_351 = arith.constant true
      %broadcast_in_dim3A_352 = vector.broadcast %broadcast_in_dim3A_351 : i1 to vector<16xi1>
      %masked_cumsum3A_353 = tpu.scan <sum>, %convert_element_type3A_350 masked %broadcast_in_dim3A_352 : vector<16xi32>, vector<16xi1> -> vector<16xi32>
      %add3A_354 = arith.addi %add3A_332, %masked_cumsum3A_353 : vector<16xi32>
      %le3A_355 = arith.cmpi sle, %add3A_354, %broadcast_in_dim3A_72 : vector<16xi32>
      %and3A_356 = arith.andi %eq3A_349, %le3A_355 : vector<16xi1>
      %gt3A_357 = arith.cmpi sgt, %xor3A_348, %broadcast_in_dim3A_53 : vector<16xi32>
      %or3A_358 = arith.ori %gt3A_357, %and3A_356 : vector<16xi1>
      %max3A_359 = arith.constant 0.000000e+00 : f32
      %max3A_360 = vector.broadcast %max3A_359 : f32 to vector<16xf32>
      %max3A_361 = arith.maximumf %get3A_340, %max3A_360 : vector<16xf32>
      %jit3A_362 = arith.constant 0.000000e+00 : f32
      %broadcast_in_dim3A_363 = vector.broadcast %jit3A_362 : f32 to vector<16xf32>
      %select_n3A_364 = arith.select %or3A_358, %max3A_361, %broadcast_in_dim3A_363 : vector<16xi1>, vector<16xf32>
      %swap3A_365 = arith.index_cast %mul3A_338 : i32 to index
      %swap3A_366 = tpu.vector_load %arg4[%swap3A_365] {strides = array<i32>} : memref<32768xf32, #tpu.memory_space<vmem>>, vector<16xf32>,
      tpu.vector_store %arg4[%swap3A_365], %select_n3A_364 {strides = array<i32>} : memref<32768xf32, #tpu.memory_space<vmem>>, vector<16xf32>,
      %all_reduce_population_count3A_367 = tpu.all_reduce %eq3A_349 {dim = 0 : i64, kind = #tpu.reduction_kind<sum>} : vector<16xi1> -> vector<16xi32>
      %add3A_368 = arith.addi %add3A_332, %all_reduce_population_count3A_367 : vector<16xi32>
      %mul3A_369 = arith.constant 4 : i32
      %mul3A_370 = arith.muli %scan3A_312, %mul3A_369 : i32
      %add3A_371 = arith.constant 2 : i32
      %add3A_372 = arith.addi %mul3A_370, %add3A_371 : i32
      %mul3A_373 = arith.constant 16 : i32
      %mul3A_374 = arith.muli %add3A_372, %mul3A_373 : i32
      %get3A_375 = arith.index_cast %mul3A_374 : i32 to index
      %get3A_376 = tpu.vector_load %arg4[%get3A_375] {strides = array<i32>} : memref<32768xf32, #tpu.memory_space<vmem>>, vector<16xf32>,
      %bitcast_convert_type3A_377 = tpu.bitcast %get3A_376 : vector<16xf32> -> vector<16xi32>
      %shift_right_arithmetic3A_378 = arith.constant 31 : i32
      %shift_right_arithmetic3A_379 = vector.broadcast %shift_right_arithmetic3A_378 : i32 to vector<16xi32>
      %shift_right_arithmetic3A_380 = arith.shrsi %bitcast_convert_type3A_377, %shift_right_arithmetic3A_379 : vector<16xi32>
      %shift_right_logical3A_381 = arith.constant 1 : i32
      %shift_right_logical3A_382 = vector.broadcast %shift_right_logical3A_381 : i32 to vector<16xi32>
      %shift_right_logical3A_383 = arith.shrui %shift_right_arithmetic3A_380, %shift_right_logical3A_382 : vector<16xi32>
      %xor3A_384 = arith.xori %bitcast_convert_type3A_377, %shift_right_logical3A_383 : vector<16xi32>
      %eq3A_385 = arith.cmpi eq, %xor3A_384, %broadcast_in_dim3A_53 : vector<16xi32>
      %convert_element_type3A_386 = arith.extui %eq3A_385 : vector<16xi1> to vector<16xi32>
      %broadcast_in_dim3A_387 = arith.constant true
      %broadcast_in_dim3A_388 = vector.broadcast %broadcast_in_dim3A_387 : i1 to vector<16xi1>
      %masked_cumsum3A_389 = tpu.scan <sum>, %convert_element_type3A_386 masked %broadcast_in_dim3A_388 : vector<16xi32>, vector<16xi1> -> vector<16xi32>
      %add3A_390 = arith.addi %add3A_368, %masked_cumsum3A_389 : vector<16xi32>
      %le3A_391 = arith.cmpi sle, %add3A_390, %broadcast_in_dim3A_72 : vector<16xi32>
      %and3A_392 = arith.andi %eq3A_385, %le3A_391 : vector<16xi1>
      %gt3A_393 = arith.cmpi sgt, %xor3A_384, %broadcast_in_dim3A_53 : vector<16xi32>
      %or3A_394 = arith.ori %gt3A_393, %and3A_392 : vector<16xi1>
      %max3A_395 = arith.constant 0.000000e+00 : f32
      %max3A_396 = vector.broadcast %max3A_395 : f32 to vector<16xf32>
      %max3A_397 = arith.maximumf %get3A_376, %max3A_396 : vector<16xf32>
      %jit3A_398 = arith.constant 0.000000e+00 : f32
      %broadcast_in_dim3A_399 = vector.broadcast %jit3A_398 : f32 to vector<16xf32>
      %select_n3A_400 = arith.select %or3A_394, %max3A_397, %broadcast_in_dim3A_399 : vector<16xi1>, vector<16xf32>
      %swap3A_401 = arith.index_cast %mul3A_374 : i32 to index
      %swap3A_402 = tpu.vector_load %arg4[%swap3A_401] {strides = array<i32>} : memref<32768xf32, #tpu.memory_space<vmem>>, vector<16xf32>,
      tpu.vector_store %arg4[%swap3A_401], %select_n3A_400 {strides = array<i32>} : memref<32768xf32, #tpu.memory_space<vmem>>, vector<16xf32>,
      %all_reduce_population_count3A_403 = tpu.all_reduce %eq3A_385 {dim = 0 : i64, kind = #tpu.reduction_kind<sum>} : vector<16xi1> -> vector<16xi32>
      %add3A_404 = arith.addi %add3A_368, %all_reduce_population_count3A_403 : vector<16xi32>
      %mul3A_405 = arith.constant 4 : i32
      %mul3A_406 = arith.muli %scan3A_312, %mul3A_405 : i32
      %add3A_407 = arith.constant 3 : i32
      %add3A_408 = arith.addi %mul3A_406, %add3A_407 : i32
      %mul3A_409 = arith.constant 16 : i32
      %mul3A_410 = arith.muli %add3A_408, %mul3A_409 : i32
      %get3A_411 = arith.index_cast %mul3A_410 : i32 to index
      %get3A_412 = tpu.vector_load %arg4[%get3A_411] {strides = array<i32>} : memref<32768xf32, #tpu.memory_space<vmem>>, vector<16xf32>,
      %bitcast_convert_type3A_413 = tpu.bitcast %get3A_412 : vector<16xf32> -> vector<16xi32>
      %shift_right_arithmetic3A_414 = arith.constant 31 : i32
      %shift_right_arithmetic3A_415 = vector.broadcast %shift_right_arithmetic3A_414 : i32 to vector<16xi32>
      %shift_right_arithmetic3A_416 = arith.shrsi %bitcast_convert_type3A_413, %shift_right_arithmetic3A_415 : vector<16xi32>
      %shift_right_logical3A_417 = arith.constant 1 : i32
      %shift_right_logical3A_418 = vector.broadcast %shift_right_logical3A_417 : i32 to vector<16xi32>
      %shift_right_logical3A_419 = arith.shrui %shift_right_arithmetic3A_416, %shift_right_logical3A_418 : vector<16xi32>
      %xor3A_420 = arith.xori %bitcast_convert_type3A_413, %shift_right_logical3A_419 : vector<16xi32>
      %eq3A_421 = arith.cmpi eq, %xor3A_420, %broadcast_in_dim3A_53 : vector<16xi32>
      %convert_element_type3A_422 = arith.extui %eq3A_421 : vector<16xi1> to vector<16xi32>
      %broadcast_in_dim3A_423 = arith.constant true
      %broadcast_in_dim3A_424 = vector.broadcast %broadcast_in_dim3A_423 : i1 to vector<16xi1>
      %masked_cumsum3A_425 = tpu.scan <sum>, %convert_element_type3A_422 masked %broadcast_in_dim3A_424 : vector<16xi32>, vector<16xi1> -> vector<16xi32>
      %add3A_426 = arith.addi %add3A_404, %masked_cumsum3A_425 : vector<16xi32>
      %le3A_427 = arith.cmpi sle, %add3A_426, %broadcast_in_dim3A_72 : vector<16xi32>
      %and3A_428 = arith.andi %eq3A_421, %le3A_427 : vector<16xi1>
      %gt3A_429 = arith.cmpi sgt, %xor3A_420, %broadcast_in_dim3A_53 : vector<16xi32>
      %or3A_430 = arith.ori %gt3A_429, %and3A_428 : vector<16xi1>
      %max3A_431 = arith.constant 0.000000e+00 : f32
      %max3A_432 = vector.broadcast %max3A_431 : f32 to vector<16xf32>
      %max3A_433 = arith.maximumf %get3A_412, %max3A_432 : vector<16xf32>
      %jit3A_434 = arith.constant 0.000000e+00 : f32
      %broadcast_in_dim3A_435 = vector.broadcast %jit3A_434 : f32 to vector<16xf32>
      %select_n3A_436 = arith.select %or3A_430, %max3A_433, %broadcast_in_dim3A_435 : vector<16xi1>, vector<16xf32>
      %swap3A_437 = arith.index_cast %mul3A_410 : i32 to index
      %swap3A_438 = tpu.vector_load %arg4[%swap3A_437] {strides = array<i32>} : memref<32768xf32, #tpu.memory_space<vmem>>, vector<16xf32>,
      tpu.vector_store %arg4[%swap3A_437], %select_n3A_436 {strides = array<i32>} : memref<32768xf32, #tpu.memory_space<vmem>>, vector<16xf32>,
      %all_reduce_population_count3A_439 = tpu.all_reduce %eq3A_421 {dim = 0 : i64, kind = #tpu.reduction_kind<sum>} : vector<16xi1> -> vector<16xi32>
      %add3A_440 = arith.addi %add3A_404, %all_reduce_population_count3A_439 : vector<16xi32>
      scf.yield %add3A_440 : vector<16xi32>
    }
    %scan3A_80 = arith.constant 512 : i32
    "tpu.region"() ({
      %run_scoped3A = tpu.sem_alloc : memref<!tpu.dma_semaphore, #tpu.memory_space<semaphore_mem>>
      %dma_start3A = arith.constant 0 : i32
      %dma_start3A_312 = tpu.memref_slice %arg3[%add3A_12, %dma_start3A] : memref<128x32768xf32, #tpu.memory_space<hbm>> -> memref<1x32768xf32, #tpu.memory_space<hbm>>
      %dma_start3A_313 = tpu.memref_squeeze %dma_start3A_312 : memref<1x32768xf32, #tpu.memory_space<hbm>> -> memref<32768xf32, #tpu.memory_space<hbm>>
      %dma_start3A_314 = arith.constant 0 : i32
      %dma_start3A_315 = tpu.memref_slice %arg3[%add3A_12, %dma_start3A_314] : memref<128x32768xf32, #tpu.memory_space<hbm>> -> memref<1x32768xf32, #tpu.memory_space<hbm>>
      %dma_start3A_316 = tpu.memref_squeeze %dma_start3A_315 : memref<1x32768xf32, #tpu.memory_space<hbm>> -> memref<32768xf32, #tpu.memory_space<hbm>>
      tpu.enqueue_dma source(%arg4 : memref<32768xf32, #tpu.memory_space<vmem>>) target(%dma_start3A_316 : memref<32768xf32, #tpu.memory_space<hbm>>) target_semaphore(%run_scoped3A : memref<!tpu.dma_semaphore, #tpu.memory_space<semaphore_mem>>)
      %dma_wait3A = arith.constant 0 : i32
      %dma_wait3A_317 = tpu.memref_slice %arg3[%add3A_12, %dma_wait3A] : memref<128x32768xf32, #tpu.memory_space<hbm>> -> memref<1x32768xf32, #tpu.memory_space<hbm>>
      %dma_wait3A_318 = tpu.memref_squeeze %dma_wait3A_317 : memref<1x32768xf32, #tpu.memory_space<hbm>> -> memref<32768xf32, #tpu.memory_space<hbm>>
      %dma_wait3A_319 = arith.constant 0 : i32
      %dma_wait3A_320 = tpu.memref_slice %arg3[%add3A_12, %dma_wait3A_319] : memref<128x32768xf32, #tpu.memory_space<hbm>> -> memref<1x32768xf32, #tpu.memory_space<hbm>>
      %dma_wait3A_321 = tpu.memref_squeeze %dma_wait3A_320 : memref<1x32768xf32, #tpu.memory_space<hbm>> -> memref<32768xf32, #tpu.memory_space<hbm>>
      tpu.wait_dma2 semaphore(%run_scoped3A : memref<!tpu.dma_semaphore, #tpu.memory_space<semaphore_mem>>) src(%arg4 : memref<32768xf32, #tpu.memory_space<vmem>>) dst(%dma_wait3A_321 : memref<32768xf32, #tpu.memory_space<hbm>>)
      tpu.yield
    }) : () -> ()
    %mul3A_81 = arith.constant 4 : i32
    %mul3A_82 = arith.muli %add3A, %mul3A_81 : i32
    %add3A_83 = arith.constant 1 : i32
    %add3A_84 = arith.addi %mul3A_82, %add3A_83 : i32
    "tpu.region"() ({
      %run_scoped3A = tpu.sem_alloc : memref<!tpu.dma_semaphore, #tpu.memory_space<semaphore_mem>>
      %dma_start3A = arith.constant 0 : i32
      %dma_start3A_312 = tpu.memref_slice %arg2[%add3A_84, %dma_start3A] : memref<128x32768xf32, #tpu.memory_space<hbm>> -> memref<1x32768xf32, #tpu.memory_space<hbm>>
      %dma_start3A_313 = tpu.memref_squeeze %dma_start3A_312 : memref<1x32768xf32, #tpu.memory_space<hbm>> -> memref<32768xf32, #tpu.memory_space<hbm>>
      %dma_start3A_314 = arith.constant 0 : i32
      %dma_start3A_315 = tpu.memref_slice %arg2[%add3A_84, %dma_start3A_314] : memref<128x32768xf32, #tpu.memory_space<hbm>> -> memref<1x32768xf32, #tpu.memory_space<hbm>>
      %dma_start3A_316 = tpu.memref_squeeze %dma_start3A_315 : memref<1x32768xf32, #tpu.memory_space<hbm>> -> memref<32768xf32, #tpu.memory_space<hbm>>
      tpu.enqueue_dma source(%dma_start3A_316 : memref<32768xf32, #tpu.memory_space<hbm>>) target(%arg4 : memref<32768xf32, #tpu.memory_space<vmem>>) target_semaphore(%run_scoped3A : memref<!tpu.dma_semaphore, #tpu.memory_space<semaphore_mem>>)
      %dma_wait3A = arith.constant 0 : i32
      %dma_wait3A_317 = tpu.memref_slice %arg2[%add3A_84, %dma_wait3A] : memref<128x32768xf32, #tpu.memory_space<hbm>> -> memref<1x32768xf32, #tpu.memory_space<hbm>>
      %dma_wait3A_318 = tpu.memref_squeeze %dma_wait3A_317 : memref<1x32768xf32, #tpu.memory_space<hbm>> -> memref<32768xf32, #tpu.memory_space<hbm>>
      %dma_wait3A_319 = arith.constant 0 : i32
      %dma_wait3A_320 = tpu.memref_slice %arg2[%add3A_84, %dma_wait3A_319] : memref<128x32768xf32, #tpu.memory_space<hbm>> -> memref<1x32768xf32, #tpu.memory_space<hbm>>
      %dma_wait3A_321 = tpu.memref_squeeze %dma_wait3A_320 : memref<1x32768xf32, #tpu.memory_space<hbm>> -> memref<32768xf32, #tpu.memory_space<hbm>>
      tpu.wait_dma2 semaphore(%run_scoped3A : memref<!tpu.dma_semaphore, #tpu.memory_space<semaphore_mem>>) src(%dma_wait3A_321 : memref<32768xf32, #tpu.memory_space<hbm>>) dst(%arg4 : memref<32768xf32, #tpu.memory_space<vmem>>)
      tpu.yield
    }) : () -> ()
    %scan3A_85 = arith.constant 0 : i32
    %scan3A_86 = arith.constant 0 : i32
    %scan3A_87 = arith.constant 512 : i32
    %scan3A_88 = arith.addi %scan3A_86, %scan3A_87 : i32
    %scan3A_89 = arith.constant 1 : i32
    scf.for %scan3A_312 = %scan3A_86 to %scan3A_88 step %scan3A_89  : i32 {
      %mul3A_313 = arith.constant 4 : i32
      %mul3A_314 = arith.muli %scan3A_312, %mul3A_313 : i32
      %add3A_315 = arith.constant 0 : i32
      %add3A_316 = arith.addi %mul3A_314, %add3A_315 : i32
      %mul3A_317 = arith.constant 16 : i32
      %mul3A_318 = arith.muli %add3A_316, %mul3A_317 : i32
      %get3A = arith.index_cast %mul3A_318 : i32 to index
      %get3A_319 = tpu.vector_load %arg4[%get3A] {strides = array<i32>} : memref<32768xf32, #tpu.memory_space<vmem>>, vector<16xf32>,
      %bitcast_convert_type3A = tpu.bitcast %get3A_319 : vector<16xf32> -> vector<16xi32>
      %shift_right_arithmetic3A = arith.constant 31 : i32
      %shift_right_arithmetic3A_320 = vector.broadcast %shift_right_arithmetic3A : i32 to vector<16xi32>
      %shift_right_arithmetic3A_321 = arith.shrsi %bitcast_convert_type3A, %shift_right_arithmetic3A_320 : vector<16xi32>
      %shift_right_logical3A = arith.constant 1 : i32
      %shift_right_logical3A_322 = vector.broadcast %shift_right_logical3A : i32 to vector<16xi32>
      %shift_right_logical3A_323 = arith.shrui %shift_right_arithmetic3A_321, %shift_right_logical3A_322 : vector<16xi32>
      %xor3A = arith.xori %bitcast_convert_type3A, %shift_right_logical3A_323 : vector<16xi32>
      %shift_right_arithmetic3A_324 = arith.constant 24 : i32
      %shift_right_arithmetic3A_325 = vector.broadcast %shift_right_arithmetic3A_324 : i32 to vector<16xi32>
      %shift_right_arithmetic3A_326 = arith.shrsi %xor3A, %shift_right_arithmetic3A_325 : vector<16xi32>
      %add3A_327 = arith.constant 128 : i32
      %add3A_328 = vector.broadcast %add3A_327 : i32 to vector<16xi32>
      %add3A_329 = arith.addi %shift_right_arithmetic3A_326, %add3A_328 : vector<16xi32>
      %mul3A_330 = arith.constant 16 : i32
      %mul3A_331 = vector.broadcast %mul3A_330 : i32 to vector<16xi32>
      %mul3A_332 = arith.muli %add3A_329, %mul3A_331 : vector<16xi32>
      %add3A_333 = arith.addi %mul3A_332, %iota3A : vector<16xi32>
      tpu.vector_store_idx %arg5[%add3A_333], %broadcast_in_dim3A_1 {add = true} : memref<4096xi32, #tpu.memory_space<vmem>>[vector<16xi32>], vector<16xi32>,
      %mul3A_334 = arith.constant 4 : i32
      %mul3A_335 = arith.muli %scan3A_312, %mul3A_334 : i32
      %add3A_336 = arith.constant 1 : i32
      %add3A_337 = arith.addi %mul3A_335, %add3A_336 : i32
      %mul3A_338 = arith.constant 16 : i32
      %mul3A_339 = arith.muli %add3A_337, %mul3A_338 : i32
      %get3A_340 = arith.index_cast %mul3A_339 : i32 to index
      %get3A_341 = tpu.vector_load %arg4[%get3A_340] {strides = array<i32>} : memref<32768xf32, #tpu.memory_space<vmem>>, vector<16xf32>,
      %bitcast_convert_type3A_342 = tpu.bitcast %get3A_341 : vector<16xf32> -> vector<16xi32>
      %shift_right_arithmetic3A_343 = arith.constant 31 : i32
      %shift_right_arithmetic3A_344 = vector.broadcast %shift_right_arithmetic3A_343 : i32 to vector<16xi32>
      %shift_right_arithmetic3A_345 = arith.shrsi %bitcast_convert_type3A_342, %shift_right_arithmetic3A_344 : vector<16xi32>
      %shift_right_logical3A_346 = arith.constant 1 : i32
      %shift_right_logical3A_347 = vector.broadcast %shift_right_logical3A_346 : i32 to vector<16xi32>
      %shift_right_logical3A_348 = arith.shrui %shift_right_arithmetic3A_345, %shift_right_logical3A_347 : vector<16xi32>
      %xor3A_349 = arith.xori %bitcast_convert_type3A_342, %shift_right_logical3A_348 : vector<16xi32>
      %shift_right_arithmetic3A_350 = arith.constant 24 : i32
      %shift_right_arithmetic3A_351 = vector.broadcast %shift_right_arithmetic3A_350 : i32 to vector<16xi32>
      %shift_right_arithmetic3A_352 = arith.shrsi %xor3A_349, %shift_right_arithmetic3A_351 : vector<16xi32>
      %add3A_353 = arith.constant 128 : i32
      %add3A_354 = vector.broadcast %add3A_353 : i32 to vector<16xi32>
      %add3A_355 = arith.addi %shift_right_arithmetic3A_352, %add3A_354 : vector<16xi32>
      %mul3A_356 = arith.constant 16 : i32
      %mul3A_357 = vector.broadcast %mul3A_356 : i32 to vector<16xi32>
      %mul3A_358 = arith.muli %add3A_355, %mul3A_357 : vector<16xi32>
      %add3A_359 = arith.addi %mul3A_358, %iota3A : vector<16xi32>
      tpu.vector_store_idx %arg5[%add3A_359], %broadcast_in_dim3A_1 {add = true} : memref<4096xi32, #tpu.memory_space<vmem>>[vector<16xi32>], vector<16xi32>,
      %mul3A_360 = arith.constant 4 : i32
      %mul3A_361 = arith.muli %scan3A_312, %mul3A_360 : i32
      %add3A_362 = arith.constant 2 : i32
      %add3A_363 = arith.addi %mul3A_361, %add3A_362 : i32
      %mul3A_364 = arith.constant 16 : i32
      %mul3A_365 = arith.muli %add3A_363, %mul3A_364 : i32
      %get3A_366 = arith.index_cast %mul3A_365 : i32 to index
      %get3A_367 = tpu.vector_load %arg4[%get3A_366] {strides = array<i32>} : memref<32768xf32, #tpu.memory_space<vmem>>, vector<16xf32>,
      %bitcast_convert_type3A_368 = tpu.bitcast %get3A_367 : vector<16xf32> -> vector<16xi32>
      %shift_right_arithmetic3A_369 = arith.constant 31 : i32
      %shift_right_arithmetic3A_370 = vector.broadcast %shift_right_arithmetic3A_369 : i32 to vector<16xi32>
      %shift_right_arithmetic3A_371 = arith.shrsi %bitcast_convert_type3A_368, %shift_right_arithmetic3A_370 : vector<16xi32>
      %shift_right_logical3A_372 = arith.constant 1 : i32
      %shift_right_logical3A_373 = vector.broadcast %shift_right_logical3A_372 : i32 to vector<16xi32>
      %shift_right_logical3A_374 = arith.shrui %shift_right_arithmetic3A_371, %shift_right_logical3A_373 : vector<16xi32>
      %xor3A_375 = arith.xori %bitcast_convert_type3A_368, %shift_right_logical3A_374 : vector<16xi32>
      %shift_right_arithmetic3A_376 = arith.constant 24 : i32
      %shift_right_arithmetic3A_377 = vector.broadcast %shift_right_arithmetic3A_376 : i32 to vector<16xi32>
      %shift_right_arithmetic3A_378 = arith.shrsi %xor3A_375, %shift_right_arithmetic3A_377 : vector<16xi32>
      %add3A_379 = arith.constant 128 : i32
      %add3A_380 = vector.broadcast %add3A_379 : i32 to vector<16xi32>
      %add3A_381 = arith.addi %shift_right_arithmetic3A_378, %add3A_380 : vector<16xi32>
      %mul3A_382 = arith.constant 16 : i32
      %mul3A_383 = vector.broadcast %mul3A_382 : i32 to vector<16xi32>
      %mul3A_384 = arith.muli %add3A_381, %mul3A_383 : vector<16xi32>
      %add3A_385 = arith.addi %mul3A_384, %iota3A : vector<16xi32>
      tpu.vector_store_idx %arg5[%add3A_385], %broadcast_in_dim3A_1 {add = true} : memref<4096xi32, #tpu.memory_space<vmem>>[vector<16xi32>], vector<16xi32>,
      %mul3A_386 = arith.constant 4 : i32
      %mul3A_387 = arith.muli %scan3A_312, %mul3A_386 : i32
      %add3A_388 = arith.constant 3 : i32
      %add3A_389 = arith.addi %mul3A_387, %add3A_388 : i32
      %mul3A_390 = arith.constant 16 : i32
      %mul3A_391 = arith.muli %add3A_389, %mul3A_390 : i32
      %get3A_392 = arith.index_cast %mul3A_391 : i32 to index
      %get3A_393 = tpu.vector_load %arg4[%get3A_392] {strides = array<i32>} : memref<32768xf32, #tpu.memory_space<vmem>>, vector<16xf32>,
      %bitcast_convert_type3A_394 = tpu.bitcast %get3A_393 : vector<16xf32> -> vector<16xi32>
      %shift_right_arithmetic3A_395 = arith.constant 31 : i32
      %shift_right_arithmetic3A_396 = vector.broadcast %shift_right_arithmetic3A_395 : i32 to vector<16xi32>
      %shift_right_arithmetic3A_397 = arith.shrsi %bitcast_convert_type3A_394, %shift_right_arithmetic3A_396 : vector<16xi32>
      %shift_right_logical3A_398 = arith.constant 1 : i32
      %shift_right_logical3A_399 = vector.broadcast %shift_right_logical3A_398 : i32 to vector<16xi32>
      %shift_right_logical3A_400 = arith.shrui %shift_right_arithmetic3A_397, %shift_right_logical3A_399 : vector<16xi32>
      %xor3A_401 = arith.xori %bitcast_convert_type3A_394, %shift_right_logical3A_400 : vector<16xi32>
      %shift_right_arithmetic3A_402 = arith.constant 24 : i32
      %shift_right_arithmetic3A_403 = vector.broadcast %shift_right_arithmetic3A_402 : i32 to vector<16xi32>
      %shift_right_arithmetic3A_404 = arith.shrsi %xor3A_401, %shift_right_arithmetic3A_403 : vector<16xi32>
      %add3A_405 = arith.constant 128 : i32
      %add3A_406 = vector.broadcast %add3A_405 : i32 to vector<16xi32>
      %add3A_407 = arith.addi %shift_right_arithmetic3A_404, %add3A_406 : vector<16xi32>
      %mul3A_408 = arith.constant 16 : i32
      %mul3A_409 = vector.broadcast %mul3A_408 : i32 to vector<16xi32>
      %mul3A_410 = arith.muli %add3A_407, %mul3A_409 : vector<16xi32>
      %add3A_411 = arith.addi %mul3A_410, %iota3A : vector<16xi32>
      tpu.vector_store_idx %arg5[%add3A_411], %broadcast_in_dim3A_1 {add = true} : memref<4096xi32, #tpu.memory_space<vmem>>[vector<16xi32>], vector<16xi32>,
    }
    %scan3A_90 = arith.constant 512 : i32
    %scan3A_91 = arith.constant 0 : i32
    %scan3A_92 = arith.constant 0 : i32
    %scan3A_93 = arith.constant 0 : i32
    %scan3A_94 = arith.constant 0 : i32
    %scan3A_95 = arith.constant 0 : i32
    %scan3A_96 = arith.constant 256 : i32
    %scan3A_97 = arith.addi %scan3A_95, %scan3A_96 : i32
    %scan3A_98 = arith.constant 1 : i32
    %scan3A_99:4 = scf.for %scan3A_312 = %scan3A_95 to %scan3A_97 step %scan3A_98 iter_args(%scan3A_313 = %scan3A_91, %scan3A_314 = %scan3A_92, %scan3A_315 = %scan3A_93, %scan3A_316 = %scan3A_94) -> (i32, i32, i32, i32)  : i32 {
      %sub3A_317 = arith.constant 255 : i32
      %sub3A_318 = arith.subi %sub3A_317, %scan3A_312 : i32
      %mul3A_319 = arith.constant 16 : i32
      %mul3A_320 = arith.muli %sub3A_318, %mul3A_319 : i32
      %get3A = arith.index_cast %mul3A_320 : i32 to index
      %get3A_321 = tpu.vector_load %arg5[%get3A] {strides = array<i32>} : memref<4096xi32, #tpu.memory_space<vmem>>, vector<16xi32>,
      %mul3A_322 = arith.constant 16 : i32
      %mul3A_323 = arith.muli %sub3A_318, %mul3A_322 : i32
      %swap3A = arith.index_cast %mul3A_323 : i32 to index
      %swap3A_324 = tpu.vector_load %arg5[%swap3A] {strides = array<i32>} : memref<4096xi32, #tpu.memory_space<vmem>>, vector<16xi32>,
      tpu.vector_store %arg5[%swap3A], %broadcast_in_dim3A_3 {strides = array<i32>} : memref<4096xi32, #tpu.memory_space<vmem>>, vector<16xi32>,
      %reduce_sum3A = arith.constant true
      %reduce_sum3A_325 = vector.broadcast %reduce_sum3A : i1 to vector<16xi1>
      %reduce_sum3A_326 = tpu.scan <sum>, %get3A_321 masked %reduce_sum3A_325 : vector<16xi32>, vector<16xi1> -> vector<16xi32>
      %reduce_sum3A_327 = vector.extract %reduce_sum3A_326[15] : i32 from vector<16xi32>
      %add3A_328 = arith.addi %scan3A_313, %reduce_sum3A_327 : i32
      %lt3A = arith.constant 64 : i32
      %lt3A_329 = arith.cmpi slt, %scan3A_313, %lt3A : i32
      %ge3A = arith.constant 64 : i32
      %ge3A_330 = arith.cmpi sge, %add3A_328, %ge3A : i32
      %and3A = arith.andi %lt3A_329, %ge3A_330 : i1
      %select_n3A = arith.select %and3A, %sub3A_318, %scan3A_314 : i32
      %select_n3A_331 = arith.select %and3A, %scan3A_313, %scan3A_315 : i32
      %select_n3A_332 = arith.select %and3A, %reduce_sum3A_327, %scan3A_316 : i32
      scf.yield %add3A_328, %select_n3A, %select_n3A_331, %select_n3A_332 : i32, i32, i32, i32
    }
    %scan3A_100 = arith.constant 256 : i32
    %sub3A_101 = arith.constant 64 : i32
    %sub3A_102 = arith.subi %sub3A_101, %scan3A_99#2 : i32
    %sub3A_103 = arith.constant 128 : i32
    %sub3A_104 = arith.subi %scan3A_99#1, %sub3A_103 : i32
    %broadcast_in_dim3A_105 = arith.constant 0 : i32
    %broadcast_in_dim3A_106 = vector.broadcast %broadcast_in_dim3A_105 : i32 to vector<16xi32>
    %scan3A_107 = arith.constant 0 : i32
    %scan3A_108 = arith.constant 512 : i32
    %scan3A_109 = arith.addi %scan3A_107, %scan3A_108 : i32
    %scan3A_110 = arith.constant 1 : i32
    %scan3A_111 = scf.for %scan3A_312 = %scan3A_107 to %scan3A_109 step %scan3A_110 iter_args(%scan3A_313 = %broadcast_in_dim3A_106) -> (vector<16xi32>)  : i32 {
      %mul3A_314 = arith.constant 4 : i32
      %mul3A_315 = arith.muli %scan3A_312, %mul3A_314 : i32
      %add3A_316 = arith.constant 0 : i32
      %add3A_317 = arith.addi %mul3A_315, %add3A_316 : i32
      %mul3A_318 = arith.constant 16 : i32
      %mul3A_319 = arith.muli %add3A_317, %mul3A_318 : i32
      %get3A = arith.index_cast %mul3A_319 : i32 to index
      %get3A_320 = tpu.vector_load %arg4[%get3A] {strides = array<i32>} : memref<32768xf32, #tpu.memory_space<vmem>>, vector<16xf32>,
      %bitcast_convert_type3A = tpu.bitcast %get3A_320 : vector<16xf32> -> vector<16xi32>
      %shift_right_arithmetic3A = arith.constant 31 : i32
      %shift_right_arithmetic3A_321 = vector.broadcast %shift_right_arithmetic3A : i32 to vector<16xi32>
      %shift_right_arithmetic3A_322 = arith.shrsi %bitcast_convert_type3A, %shift_right_arithmetic3A_321 : vector<16xi32>
      %shift_right_logical3A = arith.constant 1 : i32
      %shift_right_logical3A_323 = vector.broadcast %shift_right_logical3A : i32 to vector<16xi32>
      %shift_right_logical3A_324 = arith.shrui %shift_right_arithmetic3A_322, %shift_right_logical3A_323 : vector<16xi32>
      %xor3A = arith.xori %bitcast_convert_type3A, %shift_right_logical3A_324 : vector<16xi32>
      %shift_right_arithmetic3A_325 = arith.constant 24 : i32
      %shift_right_arithmetic3A_326 = vector.broadcast %shift_right_arithmetic3A_325 : i32 to vector<16xi32>
      %shift_right_arithmetic3A_327 = arith.shrsi %xor3A, %shift_right_arithmetic3A_326 : vector<16xi32>
      %eq3A = vector.broadcast %sub3A_104 : i32 to vector<16xi32>
      %eq3A_328 = arith.cmpi eq, %shift_right_arithmetic3A_327, %eq3A : vector<16xi32>
      %convert_element_type3A = arith.extui %eq3A_328 : vector<16xi1> to vector<16xi32>
      %broadcast_in_dim3A_329 = arith.constant true
      %broadcast_in_dim3A_330 = vector.broadcast %broadcast_in_dim3A_329 : i1 to vector<16xi1>
      %masked_cumsum3A = tpu.scan <sum>, %convert_element_type3A masked %broadcast_in_dim3A_330 : vector<16xi32>, vector<16xi1> -> vector<16xi32>
      %add3A_331 = arith.addi %scan3A_313, %masked_cumsum3A : vector<16xi32>
      %sub3A_332 = arith.constant 1 : i32
      %sub3A_333 = vector.broadcast %sub3A_332 : i32 to vector<16xi32>
      %sub3A_334 = arith.subi %add3A_331, %sub3A_333 : vector<16xi32>
      tpu.vector_store_idx %arg6[%sub3A_334], %xor3A masked %eq3A_328 : memref<32784xi32, #tpu.memory_space<vmem>>[vector<16xi32>], vector<16xi32>, vector<16xi1>
      %all_reduce_population_count3A = tpu.all_reduce %eq3A_328 {dim = 0 : i64, kind = #tpu.reduction_kind<sum>} : vector<16xi1> -> vector<16xi32>
      %add3A_335 = arith.addi %scan3A_313, %all_reduce_population_count3A : vector<16xi32>
      %mul3A_336 = arith.constant 4 : i32
      %mul3A_337 = arith.muli %scan3A_312, %mul3A_336 : i32
      %add3A_338 = arith.constant 1 : i32
      %add3A_339 = arith.addi %mul3A_337, %add3A_338 : i32
      %mul3A_340 = arith.constant 16 : i32
      %mul3A_341 = arith.muli %add3A_339, %mul3A_340 : i32
      %get3A_342 = arith.index_cast %mul3A_341 : i32 to index
      %get3A_343 = tpu.vector_load %arg4[%get3A_342] {strides = array<i32>} : memref<32768xf32, #tpu.memory_space<vmem>>, vector<16xf32>,
      %bitcast_convert_type3A_344 = tpu.bitcast %get3A_343 : vector<16xf32> -> vector<16xi32>
      %shift_right_arithmetic3A_345 = arith.constant 31 : i32
      %shift_right_arithmetic3A_346 = vector.broadcast %shift_right_arithmetic3A_345 : i32 to vector<16xi32>
      %shift_right_arithmetic3A_347 = arith.shrsi %bitcast_convert_type3A_344, %shift_right_arithmetic3A_346 : vector<16xi32>
      %shift_right_logical3A_348 = arith.constant 1 : i32
      %shift_right_logical3A_349 = vector.broadcast %shift_right_logical3A_348 : i32 to vector<16xi32>
      %shift_right_logical3A_350 = arith.shrui %shift_right_arithmetic3A_347, %shift_right_logical3A_349 : vector<16xi32>
      %xor3A_351 = arith.xori %bitcast_convert_type3A_344, %shift_right_logical3A_350 : vector<16xi32>
      %shift_right_arithmetic3A_352 = arith.constant 24 : i32
      %shift_right_arithmetic3A_353 = vector.broadcast %shift_right_arithmetic3A_352 : i32 to vector<16xi32>
      %shift_right_arithmetic3A_354 = arith.shrsi %xor3A_351, %shift_right_arithmetic3A_353 : vector<16xi32>
      %eq3A_355 = vector.broadcast %sub3A_104 : i32 to vector<16xi32>
      %eq3A_356 = arith.cmpi eq, %shift_right_arithmetic3A_354, %eq3A_355 : vector<16xi32>
      %convert_element_type3A_357 = arith.extui %eq3A_356 : vector<16xi1> to vector<16xi32>
      %broadcast_in_dim3A_358 = arith.constant true
      %broadcast_in_dim3A_359 = vector.broadcast %broadcast_in_dim3A_358 : i1 to vector<16xi1>
      %masked_cumsum3A_360 = tpu.scan <sum>, %convert_element_type3A_357 masked %broadcast_in_dim3A_359 : vector<16xi32>, vector<16xi1> -> vector<16xi32>
      %add3A_361 = arith.addi %add3A_335, %masked_cumsum3A_360 : vector<16xi32>
      %sub3A_362 = arith.constant 1 : i32
      %sub3A_363 = vector.broadcast %sub3A_362 : i32 to vector<16xi32>
      %sub3A_364 = arith.subi %add3A_361, %sub3A_363 : vector<16xi32>
      tpu.vector_store_idx %arg6[%sub3A_364], %xor3A_351 masked %eq3A_356 : memref<32784xi32, #tpu.memory_space<vmem>>[vector<16xi32>], vector<16xi32>, vector<16xi1>
      %all_reduce_population_count3A_365 = tpu.all_reduce %eq3A_356 {dim = 0 : i64, kind = #tpu.reduction_kind<sum>} : vector<16xi1> -> vector<16xi32>
      %add3A_366 = arith.addi %add3A_335, %all_reduce_population_count3A_365 : vector<16xi32>
      %mul3A_367 = arith.constant 4 : i32
      %mul3A_368 = arith.muli %scan3A_312, %mul3A_367 : i32
      %add3A_369 = arith.constant 2 : i32
      %add3A_370 = arith.addi %mul3A_368, %add3A_369 : i32
      %mul3A_371 = arith.constant 16 : i32
      %mul3A_372 = arith.muli %add3A_370, %mul3A_371 : i32
      %get3A_373 = arith.index_cast %mul3A_372 : i32 to index
      %get3A_374 = tpu.vector_load %arg4[%get3A_373] {strides = array<i32>} : memref<32768xf32, #tpu.memory_space<vmem>>, vector<16xf32>,
      %bitcast_convert_type3A_375 = tpu.bitcast %get3A_374 : vector<16xf32> -> vector<16xi32>
      %shift_right_arithmetic3A_376 = arith.constant 31 : i32
      %shift_right_arithmetic3A_377 = vector.broadcast %shift_right_arithmetic3A_376 : i32 to vector<16xi32>
      %shift_right_arithmetic3A_378 = arith.shrsi %bitcast_convert_type3A_375, %shift_right_arithmetic3A_377 : vector<16xi32>
      %shift_right_logical3A_379 = arith.constant 1 : i32
      %shift_right_logical3A_380 = vector.broadcast %shift_right_logical3A_379 : i32 to vector<16xi32>
      %shift_right_logical3A_381 = arith.shrui %shift_right_arithmetic3A_378, %shift_right_logical3A_380 : vector<16xi32>
      %xor3A_382 = arith.xori %bitcast_convert_type3A_375, %shift_right_logical3A_381 : vector<16xi32>
      %shift_right_arithmetic3A_383 = arith.constant 24 : i32
      %shift_right_arithmetic3A_384 = vector.broadcast %shift_right_arithmetic3A_383 : i32 to vector<16xi32>
      %shift_right_arithmetic3A_385 = arith.shrsi %xor3A_382, %shift_right_arithmetic3A_384 : vector<16xi32>
      %eq3A_386 = vector.broadcast %sub3A_104 : i32 to vector<16xi32>
      %eq3A_387 = arith.cmpi eq, %shift_right_arithmetic3A_385, %eq3A_386 : vector<16xi32>
      %convert_element_type3A_388 = arith.extui %eq3A_387 : vector<16xi1> to vector<16xi32>
      %broadcast_in_dim3A_389 = arith.constant true
      %broadcast_in_dim3A_390 = vector.broadcast %broadcast_in_dim3A_389 : i1 to vector<16xi1>
      %masked_cumsum3A_391 = tpu.scan <sum>, %convert_element_type3A_388 masked %broadcast_in_dim3A_390 : vector<16xi32>, vector<16xi1> -> vector<16xi32>
      %add3A_392 = arith.addi %add3A_366, %masked_cumsum3A_391 : vector<16xi32>
      %sub3A_393 = arith.constant 1 : i32
      %sub3A_394 = vector.broadcast %sub3A_393 : i32 to vector<16xi32>
      %sub3A_395 = arith.subi %add3A_392, %sub3A_394 : vector<16xi32>
      tpu.vector_store_idx %arg6[%sub3A_395], %xor3A_382 masked %eq3A_387 : memref<32784xi32, #tpu.memory_space<vmem>>[vector<16xi32>], vector<16xi32>, vector<16xi1>
      %all_reduce_population_count3A_396 = tpu.all_reduce %eq3A_387 {dim = 0 : i64, kind = #tpu.reduction_kind<sum>} : vector<16xi1> -> vector<16xi32>
      %add3A_397 = arith.addi %add3A_366, %all_reduce_population_count3A_396 : vector<16xi32>
      %mul3A_398 = arith.constant 4 : i32
      %mul3A_399 = arith.muli %scan3A_312, %mul3A_398 : i32
      %add3A_400 = arith.constant 3 : i32
      %add3A_401 = arith.addi %mul3A_399, %add3A_400 : i32
      %mul3A_402 = arith.constant 16 : i32
      %mul3A_403 = arith.muli %add3A_401, %mul3A_402 : i32
      %get3A_404 = arith.index_cast %mul3A_403 : i32 to index
      %get3A_405 = tpu.vector_load %arg4[%get3A_404] {strides = array<i32>} : memref<32768xf32, #tpu.memory_space<vmem>>, vector<16xf32>,
      %bitcast_convert_type3A_406 = tpu.bitcast %get3A_405 : vector<16xf32> -> vector<16xi32>
      %shift_right_arithmetic3A_407 = arith.constant 31 : i32
      %shift_right_arithmetic3A_408 = vector.broadcast %shift_right_arithmetic3A_407 : i32 to vector<16xi32>
      %shift_right_arithmetic3A_409 = arith.shrsi %bitcast_convert_type3A_406, %shift_right_arithmetic3A_408 : vector<16xi32>
      %shift_right_logical3A_410 = arith.constant 1 : i32
      %shift_right_logical3A_411 = vector.broadcast %shift_right_logical3A_410 : i32 to vector<16xi32>
      %shift_right_logical3A_412 = arith.shrui %shift_right_arithmetic3A_409, %shift_right_logical3A_411 : vector<16xi32>
      %xor3A_413 = arith.xori %bitcast_convert_type3A_406, %shift_right_logical3A_412 : vector<16xi32>
      %shift_right_arithmetic3A_414 = arith.constant 24 : i32
      %shift_right_arithmetic3A_415 = vector.broadcast %shift_right_arithmetic3A_414 : i32 to vector<16xi32>
      %shift_right_arithmetic3A_416 = arith.shrsi %xor3A_413, %shift_right_arithmetic3A_415 : vector<16xi32>
      %eq3A_417 = vector.broadcast %sub3A_104 : i32 to vector<16xi32>
      %eq3A_418 = arith.cmpi eq, %shift_right_arithmetic3A_416, %eq3A_417 : vector<16xi32>
      %convert_element_type3A_419 = arith.extui %eq3A_418 : vector<16xi1> to vector<16xi32>
      %broadcast_in_dim3A_420 = arith.constant true
      %broadcast_in_dim3A_421 = vector.broadcast %broadcast_in_dim3A_420 : i1 to vector<16xi1>
      %masked_cumsum3A_422 = tpu.scan <sum>, %convert_element_type3A_419 masked %broadcast_in_dim3A_421 : vector<16xi32>, vector<16xi1> -> vector<16xi32>
      %add3A_423 = arith.addi %add3A_397, %masked_cumsum3A_422 : vector<16xi32>
      %sub3A_424 = arith.constant 1 : i32
      %sub3A_425 = vector.broadcast %sub3A_424 : i32 to vector<16xi32>
      %sub3A_426 = arith.subi %add3A_423, %sub3A_425 : vector<16xi32>
      tpu.vector_store_idx %arg6[%sub3A_426], %xor3A_413 masked %eq3A_418 : memref<32784xi32, #tpu.memory_space<vmem>>[vector<16xi32>], vector<16xi32>, vector<16xi1>
      %all_reduce_population_count3A_427 = tpu.all_reduce %eq3A_418 {dim = 0 : i64, kind = #tpu.reduction_kind<sum>} : vector<16xi1> -> vector<16xi32>
      %add3A_428 = arith.addi %add3A_397, %all_reduce_population_count3A_427 : vector<16xi32>
      scf.yield %add3A_428 : vector<16xi32>
    }
    %scan3A_112 = arith.constant 512 : i32
    %add3A_113 = arith.addi %scan3A_111, %iota3A : vector<16xi32>
    %broadcast_in_dim3A_114 = arith.constant -2147483648 : i32
    %broadcast_in_dim3A_115 = vector.broadcast %broadcast_in_dim3A_114 : i32 to vector<16xi32>
    tpu.vector_store_idx %arg6[%add3A_113], %broadcast_in_dim3A_115 : memref<32784xi32, #tpu.memory_space<vmem>>[vector<16xi32>], vector<16xi32>,
    %add3A_116 = arith.constant 15 : i32
    %add3A_117 = arith.addi %scan3A_99#3, %add3A_116 : i32
    %div3A_118 = arith.constant 16 : i32
    %div3A_119 = arith.divsi %add3A_117, %div3A_118 : i32
    %shift_left3A_120 = arith.constant 24 : i32
    %shift_left3A_121 = arith.shli %sub3A_104, %shift_left3A_120 : i32
    %scan3A_122 = arith.constant 0 : i32
    %scan3A_123 = arith.constant 24 : i32
    %scan3A_124 = arith.addi %scan3A_122, %scan3A_123 : i32
    %scan3A_125 = arith.constant 1 : i32
    %scan3A_126 = scf.for %scan3A_312 = %scan3A_122 to %scan3A_124 step %scan3A_125 iter_args(%scan3A_313 = %shift_left3A_121) -> (i32)  : i32 {
      %sub3A_314 = arith.constant 23 : i32
      %sub3A_315 = arith.subi %sub3A_314, %scan3A_312 : i32
      %shift_left3A_316 = arith.constant 1 : i32
      %shift_left3A_317 = arith.shli %shift_left3A_316, %sub3A_315 : i32
      %or3A = arith.ori %scan3A_313, %shift_left3A_317 : i32
      %broadcast_in_dim3A_318 = vector.broadcast %or3A : i32 to vector<16xi32>
      %while3A_319 = arith.constant 0 : i32
      %while3A_320 = arith.subi %div3A_119, %while3A_319 : i32
      %while3A_321 = arith.addi %while3A_319, %while3A_320 : i32
      %while3A_322 = arith.constant 1 : i32
      %while3A_323 = arith.divsi %while3A_320, %while3A_322 : i32
      %while3A_324 = arith.muli %while3A_323, %while3A_322 : i32
      %while3A_325 = arith.addi %while3A_319, %while3A_324 : i32
      %while3A_326 = arith.constant 1 : i32
      %while3A_327 = scf.for %while3A_338 = %while3A_319 to %while3A_325 step %while3A_326 iter_args(%while3A_339 = %broadcast_in_dim3A_3) -> (vector<16xi32>)  : i32 {
        %mul3A_340 = arith.constant 16 : i32
        %mul3A_341 = arith.muli %while3A_338, %mul3A_340 : i32
        %get3A = arith.index_cast %mul3A_341 : i32 to index
        %get3A_342 = tpu.vector_load %arg6[%get3A] {strides = array<i32>} : memref<32784xi32, #tpu.memory_space<vmem>>, vector<16xi32>,
        %ge3A_343 = arith.cmpi sge, %get3A_342, %broadcast_in_dim3A_318 : vector<16xi32>
        %all_reduce_population_count3A = tpu.all_reduce %ge3A_343 {dim = 0 : i64, kind = #tpu.reduction_kind<sum>} : vector<16xi1> -> vector<16xi32>
        %add3A_344 = arith.addi %while3A_339, %all_reduce_population_count3A : vector<16xi32>
        scf.yield %add3A_344 : vector<16xi32>
      }
      %while3A_328 = arith.constant 1 : i32
      %while3A_329 = scf.for %while3A_338 = %while3A_325 to %while3A_321 step %while3A_328 iter_args(%while3A_339 = %while3A_327) -> (vector<16xi32>)  : i32 {
        %mul3A_340 = arith.constant 16 : i32
        %mul3A_341 = arith.muli %while3A_338, %mul3A_340 : i32
        %get3A = arith.index_cast %mul3A_341 : i32 to index
        %get3A_342 = tpu.vector_load %arg6[%get3A] {strides = array<i32>} : memref<32784xi32, #tpu.memory_space<vmem>>, vector<16xi32>,
        %ge3A_343 = arith.cmpi sge, %get3A_342, %broadcast_in_dim3A_318 : vector<16xi32>
        %all_reduce_population_count3A = tpu.all_reduce %ge3A_343 {dim = 0 : i64, kind = #tpu.reduction_kind<sum>} : vector<16xi1> -> vector<16xi32>
        %add3A_344 = arith.addi %while3A_339, %all_reduce_population_count3A : vector<16xi32>
        scf.yield %add3A_344 : vector<16xi32>
      }
      %reduce_max3A_330 = arith.constant true
      %reduce_max3A_331 = vector.broadcast %reduce_max3A_330 : i1 to vector<16xi1>
      %reduce_max3A_332 = arith.constant -2147483648 : i32
      %reduce_max3A_333 = vector.broadcast %reduce_max3A_332 : i32 to vector<16xi32>
      %reduce_max3A_334 = arith.xori %while3A_329, %reduce_max3A_333 : vector<16xi32>
      %reduce_max3A_335 = tpu.scan <max>, %reduce_max3A_334 masked %reduce_max3A_331 : vector<16xi32>, vector<16xi1> -> vector<16xi32>
      %reduce_max3A_336 = arith.xori %reduce_max3A_335, %reduce_max3A_333 : vector<16xi32>
      %reduce_max3A_337 = vector.extract %reduce_max3A_336[15] : i32 from vector<16xi32>
      %ge3A = arith.cmpi sge, %reduce_max3A_337, %sub3A_102 : i32
      %select_n3A = arith.select %ge3A, %or3A, %scan3A_313 : i32
      scf.yield %select_n3A : i32
    }
    %scan3A_127 = arith.constant 24 : i32
    %broadcast_in_dim3A_128 = vector.broadcast %scan3A_126 : i32 to vector<16xi32>
    %while3A_129 = arith.constant 0 : i32
    %while3A_130 = arith.subi %div3A_119, %while3A_129 : i32
    %while3A_131 = arith.addi %while3A_129, %while3A_130 : i32
    %while3A_132 = arith.constant 1 : i32
    %while3A_133 = arith.divsi %while3A_130, %while3A_132 : i32
    %while3A_134 = arith.muli %while3A_133, %while3A_132 : i32
    %while3A_135 = arith.addi %while3A_129, %while3A_134 : i32
    %while3A_136 = arith.constant 1 : i32
    %while3A_137 = scf.for %while3A_312 = %while3A_129 to %while3A_135 step %while3A_136 iter_args(%while3A_313 = %broadcast_in_dim3A_3) -> (vector<16xi32>)  : i32 {
      %mul3A_314 = arith.constant 16 : i32
      %mul3A_315 = arith.muli %while3A_312, %mul3A_314 : i32
      %get3A = arith.index_cast %mul3A_315 : i32 to index
      %get3A_316 = tpu.vector_load %arg6[%get3A] {strides = array<i32>} : memref<32784xi32, #tpu.memory_space<vmem>>, vector<16xi32>,
      %gt3A = arith.cmpi sgt, %get3A_316, %broadcast_in_dim3A_128 : vector<16xi32>
      %all_reduce_population_count3A = tpu.all_reduce %gt3A {dim = 0 : i64, kind = #tpu.reduction_kind<sum>} : vector<16xi1> -> vector<16xi32>
      %add3A_317 = arith.addi %while3A_313, %all_reduce_population_count3A : vector<16xi32>
      scf.yield %add3A_317 : vector<16xi32>
    }
    %while3A_138 = arith.constant 1 : i32
    %while3A_139 = scf.for %while3A_312 = %while3A_135 to %while3A_131 step %while3A_138 iter_args(%while3A_313 = %while3A_137) -> (vector<16xi32>)  : i32 {
      %mul3A_314 = arith.constant 16 : i32
      %mul3A_315 = arith.muli %while3A_312, %mul3A_314 : i32
      %get3A = arith.index_cast %mul3A_315 : i32 to index
      %get3A_316 = tpu.vector_load %arg6[%get3A] {strides = array<i32>} : memref<32784xi32, #tpu.memory_space<vmem>>, vector<16xi32>,
      %gt3A = arith.cmpi sgt, %get3A_316, %broadcast_in_dim3A_128 : vector<16xi32>
      %all_reduce_population_count3A = tpu.all_reduce %gt3A {dim = 0 : i64, kind = #tpu.reduction_kind<sum>} : vector<16xi1> -> vector<16xi32>
      %add3A_317 = arith.addi %while3A_313, %all_reduce_population_count3A : vector<16xi32>
      scf.yield %add3A_317 : vector<16xi32>
    }
    %reduce_max3A_140 = arith.constant true
    %reduce_max3A_141 = vector.broadcast %reduce_max3A_140 : i1 to vector<16xi1>
    %reduce_max3A_142 = arith.constant -2147483648 : i32
    %reduce_max3A_143 = vector.broadcast %reduce_max3A_142 : i32 to vector<16xi32>
    %reduce_max3A_144 = arith.xori %while3A_139, %reduce_max3A_143 : vector<16xi32>
    %reduce_max3A_145 = tpu.scan <max>, %reduce_max3A_144 masked %reduce_max3A_141 : vector<16xi32>, vector<16xi1> -> vector<16xi32>
    %reduce_max3A_146 = arith.xori %reduce_max3A_145, %reduce_max3A_143 : vector<16xi32>
    %reduce_max3A_147 = vector.extract %reduce_max3A_146[15] : i32 from vector<16xi32>
    %sub3A_148 = arith.subi %sub3A_102, %reduce_max3A_147 : i32
    %broadcast_in_dim3A_149 = vector.broadcast %sub3A_148 : i32 to vector<16xi32>
    %broadcast_in_dim3A_150 = arith.constant 0 : i32
    %broadcast_in_dim3A_151 = vector.broadcast %broadcast_in_dim3A_150 : i32 to vector<16xi32>
    %scan3A_152 = arith.constant 0 : i32
    %scan3A_153 = arith.constant 512 : i32
    %scan3A_154 = arith.addi %scan3A_152, %scan3A_153 : i32
    %scan3A_155 = arith.constant 1 : i32
    %scan3A_156 = scf.for %scan3A_312 = %scan3A_152 to %scan3A_154 step %scan3A_155 iter_args(%scan3A_313 = %broadcast_in_dim3A_151) -> (vector<16xi32>)  : i32 {
      %mul3A_314 = arith.constant 4 : i32
      %mul3A_315 = arith.muli %scan3A_312, %mul3A_314 : i32
      %add3A_316 = arith.constant 0 : i32
      %add3A_317 = arith.addi %mul3A_315, %add3A_316 : i32
      %mul3A_318 = arith.constant 16 : i32
      %mul3A_319 = arith.muli %add3A_317, %mul3A_318 : i32
      %get3A = arith.index_cast %mul3A_319 : i32 to index
      %get3A_320 = tpu.vector_load %arg4[%get3A] {strides = array<i32>} : memref<32768xf32, #tpu.memory_space<vmem>>, vector<16xf32>,
      %bitcast_convert_type3A = tpu.bitcast %get3A_320 : vector<16xf32> -> vector<16xi32>
      %shift_right_arithmetic3A = arith.constant 31 : i32
      %shift_right_arithmetic3A_321 = vector.broadcast %shift_right_arithmetic3A : i32 to vector<16xi32>
      %shift_right_arithmetic3A_322 = arith.shrsi %bitcast_convert_type3A, %shift_right_arithmetic3A_321 : vector<16xi32>
      %shift_right_logical3A = arith.constant 1 : i32
      %shift_right_logical3A_323 = vector.broadcast %shift_right_logical3A : i32 to vector<16xi32>
      %shift_right_logical3A_324 = arith.shrui %shift_right_arithmetic3A_322, %shift_right_logical3A_323 : vector<16xi32>
      %xor3A = arith.xori %bitcast_convert_type3A, %shift_right_logical3A_324 : vector<16xi32>
      %eq3A = arith.cmpi eq, %xor3A, %broadcast_in_dim3A_128 : vector<16xi32>
      %convert_element_type3A = arith.extui %eq3A : vector<16xi1> to vector<16xi32>
      %broadcast_in_dim3A_325 = arith.constant true
      %broadcast_in_dim3A_326 = vector.broadcast %broadcast_in_dim3A_325 : i1 to vector<16xi1>
      %masked_cumsum3A = tpu.scan <sum>, %convert_element_type3A masked %broadcast_in_dim3A_326 : vector<16xi32>, vector<16xi1> -> vector<16xi32>
      %add3A_327 = arith.addi %scan3A_313, %masked_cumsum3A : vector<16xi32>
      %le3A = arith.cmpi sle, %add3A_327, %broadcast_in_dim3A_149 : vector<16xi32>
      %and3A = arith.andi %eq3A, %le3A : vector<16xi1>
      %gt3A = arith.cmpi sgt, %xor3A, %broadcast_in_dim3A_128 : vector<16xi32>
      %or3A = arith.ori %gt3A, %and3A : vector<16xi1>
      %max3A = arith.constant 0.000000e+00 : f32
      %max3A_328 = vector.broadcast %max3A : f32 to vector<16xf32>
      %max3A_329 = arith.maximumf %get3A_320, %max3A_328 : vector<16xf32>
      %jit3A = arith.constant 0.000000e+00 : f32
      %broadcast_in_dim3A_330 = vector.broadcast %jit3A : f32 to vector<16xf32>
      %select_n3A = arith.select %or3A, %max3A_329, %broadcast_in_dim3A_330 : vector<16xi1>, vector<16xf32>
      %swap3A = arith.index_cast %mul3A_319 : i32 to index
      %swap3A_331 = tpu.vector_load %arg4[%swap3A] {strides = array<i32>} : memref<32768xf32, #tpu.memory_space<vmem>>, vector<16xf32>,
      tpu.vector_store %arg4[%swap3A], %select_n3A {strides = array<i32>} : memref<32768xf32, #tpu.memory_space<vmem>>, vector<16xf32>,
      %all_reduce_population_count3A = tpu.all_reduce %eq3A {dim = 0 : i64, kind = #tpu.reduction_kind<sum>} : vector<16xi1> -> vector<16xi32>
      %add3A_332 = arith.addi %scan3A_313, %all_reduce_population_count3A : vector<16xi32>
      %mul3A_333 = arith.constant 4 : i32
      %mul3A_334 = arith.muli %scan3A_312, %mul3A_333 : i32
      %add3A_335 = arith.constant 1 : i32
      %add3A_336 = arith.addi %mul3A_334, %add3A_335 : i32
      %mul3A_337 = arith.constant 16 : i32
      %mul3A_338 = arith.muli %add3A_336, %mul3A_337 : i32
      %get3A_339 = arith.index_cast %mul3A_338 : i32 to index
      %get3A_340 = tpu.vector_load %arg4[%get3A_339] {strides = array<i32>} : memref<32768xf32, #tpu.memory_space<vmem>>, vector<16xf32>,
      %bitcast_convert_type3A_341 = tpu.bitcast %get3A_340 : vector<16xf32> -> vector<16xi32>
      %shift_right_arithmetic3A_342 = arith.constant 31 : i32
      %shift_right_arithmetic3A_343 = vector.broadcast %shift_right_arithmetic3A_342 : i32 to vector<16xi32>
      %shift_right_arithmetic3A_344 = arith.shrsi %bitcast_convert_type3A_341, %shift_right_arithmetic3A_343 : vector<16xi32>
      %shift_right_logical3A_345 = arith.constant 1 : i32
      %shift_right_logical3A_346 = vector.broadcast %shift_right_logical3A_345 : i32 to vector<16xi32>
      %shift_right_logical3A_347 = arith.shrui %shift_right_arithmetic3A_344, %shift_right_logical3A_346 : vector<16xi32>
      %xor3A_348 = arith.xori %bitcast_convert_type3A_341, %shift_right_logical3A_347 : vector<16xi32>
      %eq3A_349 = arith.cmpi eq, %xor3A_348, %broadcast_in_dim3A_128 : vector<16xi32>
      %convert_element_type3A_350 = arith.extui %eq3A_349 : vector<16xi1> to vector<16xi32>
      %broadcast_in_dim3A_351 = arith.constant true
      %broadcast_in_dim3A_352 = vector.broadcast %broadcast_in_dim3A_351 : i1 to vector<16xi1>
      %masked_cumsum3A_353 = tpu.scan <sum>, %convert_element_type3A_350 masked %broadcast_in_dim3A_352 : vector<16xi32>, vector<16xi1> -> vector<16xi32>
      %add3A_354 = arith.addi %add3A_332, %masked_cumsum3A_353 : vector<16xi32>
      %le3A_355 = arith.cmpi sle, %add3A_354, %broadcast_in_dim3A_149 : vector<16xi32>
      %and3A_356 = arith.andi %eq3A_349, %le3A_355 : vector<16xi1>
      %gt3A_357 = arith.cmpi sgt, %xor3A_348, %broadcast_in_dim3A_128 : vector<16xi32>
      %or3A_358 = arith.ori %gt3A_357, %and3A_356 : vector<16xi1>
      %max3A_359 = arith.constant 0.000000e+00 : f32
      %max3A_360 = vector.broadcast %max3A_359 : f32 to vector<16xf32>
      %max3A_361 = arith.maximumf %get3A_340, %max3A_360 : vector<16xf32>
      %jit3A_362 = arith.constant 0.000000e+00 : f32
      %broadcast_in_dim3A_363 = vector.broadcast %jit3A_362 : f32 to vector<16xf32>
      %select_n3A_364 = arith.select %or3A_358, %max3A_361, %broadcast_in_dim3A_363 : vector<16xi1>, vector<16xf32>
      %swap3A_365 = arith.index_cast %mul3A_338 : i32 to index
      %swap3A_366 = tpu.vector_load %arg4[%swap3A_365] {strides = array<i32>} : memref<32768xf32, #tpu.memory_space<vmem>>, vector<16xf32>,
      tpu.vector_store %arg4[%swap3A_365], %select_n3A_364 {strides = array<i32>} : memref<32768xf32, #tpu.memory_space<vmem>>, vector<16xf32>,
      %all_reduce_population_count3A_367 = tpu.all_reduce %eq3A_349 {dim = 0 : i64, kind = #tpu.reduction_kind<sum>} : vector<16xi1> -> vector<16xi32>
      %add3A_368 = arith.addi %add3A_332, %all_reduce_population_count3A_367 : vector<16xi32>
      %mul3A_369 = arith.constant 4 : i32
      %mul3A_370 = arith.muli %scan3A_312, %mul3A_369 : i32
      %add3A_371 = arith.constant 2 : i32
      %add3A_372 = arith.addi %mul3A_370, %add3A_371 : i32
      %mul3A_373 = arith.constant 16 : i32
      %mul3A_374 = arith.muli %add3A_372, %mul3A_373 : i32
      %get3A_375 = arith.index_cast %mul3A_374 : i32 to index
      %get3A_376 = tpu.vector_load %arg4[%get3A_375] {strides = array<i32>} : memref<32768xf32, #tpu.memory_space<vmem>>, vector<16xf32>,
      %bitcast_convert_type3A_377 = tpu.bitcast %get3A_376 : vector<16xf32> -> vector<16xi32>
      %shift_right_arithmetic3A_378 = arith.constant 31 : i32
      %shift_right_arithmetic3A_379 = vector.broadcast %shift_right_arithmetic3A_378 : i32 to vector<16xi32>
      %shift_right_arithmetic3A_380 = arith.shrsi %bitcast_convert_type3A_377, %shift_right_arithmetic3A_379 : vector<16xi32>
      %shift_right_logical3A_381 = arith.constant 1 : i32
      %shift_right_logical3A_382 = vector.broadcast %shift_right_logical3A_381 : i32 to vector<16xi32>
      %shift_right_logical3A_383 = arith.shrui %shift_right_arithmetic3A_380, %shift_right_logical3A_382 : vector<16xi32>
      %xor3A_384 = arith.xori %bitcast_convert_type3A_377, %shift_right_logical3A_383 : vector<16xi32>
      %eq3A_385 = arith.cmpi eq, %xor3A_384, %broadcast_in_dim3A_128 : vector<16xi32>
      %convert_element_type3A_386 = arith.extui %eq3A_385 : vector<16xi1> to vector<16xi32>
      %broadcast_in_dim3A_387 = arith.constant true
      %broadcast_in_dim3A_388 = vector.broadcast %broadcast_in_dim3A_387 : i1 to vector<16xi1>
      %masked_cumsum3A_389 = tpu.scan <sum>, %convert_element_type3A_386 masked %broadcast_in_dim3A_388 : vector<16xi32>, vector<16xi1> -> vector<16xi32>
      %add3A_390 = arith.addi %add3A_368, %masked_cumsum3A_389 : vector<16xi32>
      %le3A_391 = arith.cmpi sle, %add3A_390, %broadcast_in_dim3A_149 : vector<16xi32>
      %and3A_392 = arith.andi %eq3A_385, %le3A_391 : vector<16xi1>
      %gt3A_393 = arith.cmpi sgt, %xor3A_384, %broadcast_in_dim3A_128 : vector<16xi32>
      %or3A_394 = arith.ori %gt3A_393, %and3A_392 : vector<16xi1>
      %max3A_395 = arith.constant 0.000000e+00 : f32
      %max3A_396 = vector.broadcast %max3A_395 : f32 to vector<16xf32>
      %max3A_397 = arith.maximumf %get3A_376, %max3A_396 : vector<16xf32>
      %jit3A_398 = arith.constant 0.000000e+00 : f32
      %broadcast_in_dim3A_399 = vector.broadcast %jit3A_398 : f32 to vector<16xf32>
      %select_n3A_400 = arith.select %or3A_394, %max3A_397, %broadcast_in_dim3A_399 : vector<16xi1>, vector<16xf32>
      %swap3A_401 = arith.index_cast %mul3A_374 : i32 to index
      %swap3A_402 = tpu.vector_load %arg4[%swap3A_401] {strides = array<i32>} : memref<32768xf32, #tpu.memory_space<vmem>>, vector<16xf32>,
      tpu.vector_store %arg4[%swap3A_401], %select_n3A_400 {strides = array<i32>} : memref<32768xf32, #tpu.memory_space<vmem>>, vector<16xf32>,
      %all_reduce_population_count3A_403 = tpu.all_reduce %eq3A_385 {dim = 0 : i64, kind = #tpu.reduction_kind<sum>} : vector<16xi1> -> vector<16xi32>
      %add3A_404 = arith.addi %add3A_368, %all_reduce_population_count3A_403 : vector<16xi32>
      %mul3A_405 = arith.constant 4 : i32
      %mul3A_406 = arith.muli %scan3A_312, %mul3A_405 : i32
      %add3A_407 = arith.constant 3 : i32
      %add3A_408 = arith.addi %mul3A_406, %add3A_407 : i32
      %mul3A_409 = arith.constant 16 : i32
      %mul3A_410 = arith.muli %add3A_408, %mul3A_409 : i32
      %get3A_411 = arith.index_cast %mul3A_410 : i32 to index
      %get3A_412 = tpu.vector_load %arg4[%get3A_411] {strides = array<i32>} : memref<32768xf32, #tpu.memory_space<vmem>>, vector<16xf32>,
      %bitcast_convert_type3A_413 = tpu.bitcast %get3A_412 : vector<16xf32> -> vector<16xi32>
      %shift_right_arithmetic3A_414 = arith.constant 31 : i32
      %shift_right_arithmetic3A_415 = vector.broadcast %shift_right_arithmetic3A_414 : i32 to vector<16xi32>
      %shift_right_arithmetic3A_416 = arith.shrsi %bitcast_convert_type3A_413, %shift_right_arithmetic3A_415 : vector<16xi32>
      %shift_right_logical3A_417 = arith.constant 1 : i32
      %shift_right_logical3A_418 = vector.broadcast %shift_right_logical3A_417 : i32 to vector<16xi32>
      %shift_right_logical3A_419 = arith.shrui %shift_right_arithmetic3A_416, %shift_right_logical3A_418 : vector<16xi32>
      %xor3A_420 = arith.xori %bitcast_convert_type3A_413, %shift_right_logical3A_419 : vector<16xi32>
      %eq3A_421 = arith.cmpi eq, %xor3A_420, %broadcast_in_dim3A_128 : vector<16xi32>
      %convert_element_type3A_422 = arith.extui %eq3A_421 : vector<16xi1> to vector<16xi32>
      %broadcast_in_dim3A_423 = arith.constant true
      %broadcast_in_dim3A_424 = vector.broadcast %broadcast_in_dim3A_423 : i1 to vector<16xi1>
      %masked_cumsum3A_425 = tpu.scan <sum>, %convert_element_type3A_422 masked %broadcast_in_dim3A_424 : vector<16xi32>, vector<16xi1> -> vector<16xi32>
      %add3A_426 = arith.addi %add3A_404, %masked_cumsum3A_425 : vector<16xi32>
      %le3A_427 = arith.cmpi sle, %add3A_426, %broadcast_in_dim3A_149 : vector<16xi32>
      %and3A_428 = arith.andi %eq3A_421, %le3A_427 : vector<16xi1>
      %gt3A_429 = arith.cmpi sgt, %xor3A_420, %broadcast_in_dim3A_128 : vector<16xi32>
      %or3A_430 = arith.ori %gt3A_429, %and3A_428 : vector<16xi1>
      %max3A_431 = arith.constant 0.000000e+00 : f32
      %max3A_432 = vector.broadcast %max3A_431 : f32 to vector<16xf32>
      %max3A_433 = arith.maximumf %get3A_412, %max3A_432 : vector<16xf32>
      %jit3A_434 = arith.constant 0.000000e+00 : f32
      %broadcast_in_dim3A_435 = vector.broadcast %jit3A_434 : f32 to vector<16xf32>
      %select_n3A_436 = arith.select %or3A_430, %max3A_433, %broadcast_in_dim3A_435 : vector<16xi1>, vector<16xf32>
      %swap3A_437 = arith.index_cast %mul3A_410 : i32 to index
      %swap3A_438 = tpu.vector_load %arg4[%swap3A_437] {strides = array<i32>} : memref<32768xf32, #tpu.memory_space<vmem>>, vector<16xf32>,
      tpu.vector_store %arg4[%swap3A_437], %select_n3A_436 {strides = array<i32>} : memref<32768xf32, #tpu.memory_space<vmem>>, vector<16xf32>,
      %all_reduce_population_count3A_439 = tpu.all_reduce %eq3A_421 {dim = 0 : i64, kind = #tpu.reduction_kind<sum>} : vector<16xi1> -> vector<16xi32>
      %add3A_440 = arith.addi %add3A_404, %all_reduce_population_count3A_439 : vector<16xi32>
      scf.yield %add3A_440 : vector<16xi32>
    }
    %scan3A_157 = arith.constant 512 : i32
    "tpu.region"() ({
      %run_scoped3A = tpu.sem_alloc : memref<!tpu.dma_semaphore, #tpu.memory_space<semaphore_mem>>
      %dma_start3A = arith.constant 0 : i32
      %dma_start3A_312 = tpu.memref_slice %arg3[%add3A_84, %dma_start3A] : memref<128x32768xf32, #tpu.memory_space<hbm>> -> memref<1x32768xf32, #tpu.memory_space<hbm>>
      %dma_start3A_313 = tpu.memref_squeeze %dma_start3A_312 : memref<1x32768xf32, #tpu.memory_space<hbm>> -> memref<32768xf32, #tpu.memory_space<hbm>>
      %dma_start3A_314 = arith.constant 0 : i32
      %dma_start3A_315 = tpu.memref_slice %arg3[%add3A_84, %dma_start3A_314] : memref<128x32768xf32, #tpu.memory_space<hbm>> -> memref<1x32768xf32, #tpu.memory_space<hbm>>
      %dma_start3A_316 = tpu.memref_squeeze %dma_start3A_315 : memref<1x32768xf32, #tpu.memory_space<hbm>> -> memref<32768xf32, #tpu.memory_space<hbm>>
      tpu.enqueue_dma source(%arg4 : memref<32768xf32, #tpu.memory_space<vmem>>) target(%dma_start3A_316 : memref<32768xf32, #tpu.memory_space<hbm>>) target_semaphore(%run_scoped3A : memref<!tpu.dma_semaphore, #tpu.memory_space<semaphore_mem>>)
      %dma_wait3A = arith.constant 0 : i32
      %dma_wait3A_317 = tpu.memref_slice %arg3[%add3A_84, %dma_wait3A] : memref<128x32768xf32, #tpu.memory_space<hbm>> -> memref<1x32768xf32, #tpu.memory_space<hbm>>
      %dma_wait3A_318 = tpu.memref_squeeze %dma_wait3A_317 : memref<1x32768xf32, #tpu.memory_space<hbm>> -> memref<32768xf32, #tpu.memory_space<hbm>>
      %dma_wait3A_319 = arith.constant 0 : i32
      %dma_wait3A_320 = tpu.memref_slice %arg3[%add3A_84, %dma_wait3A_319] : memref<128x32768xf32, #tpu.memory_space<hbm>> -> memref<1x32768xf32, #tpu.memory_space<hbm>>
      %dma_wait3A_321 = tpu.memref_squeeze %dma_wait3A_320 : memref<1x32768xf32, #tpu.memory_space<hbm>> -> memref<32768xf32, #tpu.memory_space<hbm>>
      tpu.wait_dma2 semaphore(%run_scoped3A : memref<!tpu.dma_semaphore, #tpu.memory_space<semaphore_mem>>) src(%arg4 : memref<32768xf32, #tpu.memory_space<vmem>>) dst(%dma_wait3A_321 : memref<32768xf32, #tpu.memory_space<hbm>>)
      tpu.yield
    }) : () -> ()
    %mul3A_158 = arith.constant 4 : i32
    %mul3A_159 = arith.muli %add3A, %mul3A_158 : i32
    %add3A_160 = arith.constant 2 : i32
    %add3A_161 = arith.addi %mul3A_159, %add3A_160 : i32
    "tpu.region"() ({
      %run_scoped3A = tpu.sem_alloc : memref<!tpu.dma_semaphore, #tpu.memory_space<semaphore_mem>>
      %dma_start3A = arith.constant 0 : i32
      %dma_start3A_312 = tpu.memref_slice %arg2[%add3A_161, %dma_start3A] : memref<128x32768xf32, #tpu.memory_space<hbm>> -> memref<1x32768xf32, #tpu.memory_space<hbm>>
      %dma_start3A_313 = tpu.memref_squeeze %dma_start3A_312 : memref<1x32768xf32, #tpu.memory_space<hbm>> -> memref<32768xf32, #tpu.memory_space<hbm>>
      %dma_start3A_314 = arith.constant 0 : i32
      %dma_start3A_315 = tpu.memref_slice %arg2[%add3A_161, %dma_start3A_314] : memref<128x32768xf32, #tpu.memory_space<hbm>> -> memref<1x32768xf32, #tpu.memory_space<hbm>>
      %dma_start3A_316 = tpu.memref_squeeze %dma_start3A_315 : memref<1x32768xf32, #tpu.memory_space<hbm>> -> memref<32768xf32, #tpu.memory_space<hbm>>
      tpu.enqueue_dma source(%dma_start3A_316 : memref<32768xf32, #tpu.memory_space<hbm>>) target(%arg4 : memref<32768xf32, #tpu.memory_space<vmem>>) target_semaphore(%run_scoped3A : memref<!tpu.dma_semaphore, #tpu.memory_space<semaphore_mem>>)
      %dma_wait3A = arith.constant 0 : i32
      %dma_wait3A_317 = tpu.memref_slice %arg2[%add3A_161, %dma_wait3A] : memref<128x32768xf32, #tpu.memory_space<hbm>> -> memref<1x32768xf32, #tpu.memory_space<hbm>>
      %dma_wait3A_318 = tpu.memref_squeeze %dma_wait3A_317 : memref<1x32768xf32, #tpu.memory_space<hbm>> -> memref<32768xf32, #tpu.memory_space<hbm>>
      %dma_wait3A_319 = arith.constant 0 : i32
      %dma_wait3A_320 = tpu.memref_slice %arg2[%add3A_161, %dma_wait3A_319] : memref<128x32768xf32, #tpu.memory_space<hbm>> -> memref<1x32768xf32, #tpu.memory_space<hbm>>
      %dma_wait3A_321 = tpu.memref_squeeze %dma_wait3A_320 : memref<1x32768xf32, #tpu.memory_space<hbm>> -> memref<32768xf32, #tpu.memory_space<hbm>>
      tpu.wait_dma2 semaphore(%run_scoped3A : memref<!tpu.dma_semaphore, #tpu.memory_space<semaphore_mem>>) src(%dma_wait3A_321 : memref<32768xf32, #tpu.memory_space<hbm>>) dst(%arg4 : memref<32768xf32, #tpu.memory_space<vmem>>)
      tpu.yield
    }) : () -> ()
    %scan3A_162 = arith.constant 0 : i32
    %scan3A_163 = arith.constant 0 : i32
    %scan3A_164 = arith.constant 512 : i32
    %scan3A_165 = arith.addi %scan3A_163, %scan3A_164 : i32
    %scan3A_166 = arith.constant 1 : i32
    scf.for %scan3A_312 = %scan3A_163 to %scan3A_165 step %scan3A_166  : i32 {
      %mul3A_313 = arith.constant 4 : i32
      %mul3A_314 = arith.muli %scan3A_312, %mul3A_313 : i32
      %add3A_315 = arith.constant 0 : i32
      %add3A_316 = arith.addi %mul3A_314, %add3A_315 : i32
      %mul3A_317 = arith.constant 16 : i32
      %mul3A_318 = arith.muli %add3A_316, %mul3A_317 : i32
      %get3A = arith.index_cast %mul3A_318 : i32 to index
      %get3A_319 = tpu.vector_load %arg4[%get3A] {strides = array<i32>} : memref<32768xf32, #tpu.memory_space<vmem>>, vector<16xf32>,
      %bitcast_convert_type3A = tpu.bitcast %get3A_319 : vector<16xf32> -> vector<16xi32>
      %shift_right_arithmetic3A = arith.constant 31 : i32
      %shift_right_arithmetic3A_320 = vector.broadcast %shift_right_arithmetic3A : i32 to vector<16xi32>
      %shift_right_arithmetic3A_321 = arith.shrsi %bitcast_convert_type3A, %shift_right_arithmetic3A_320 : vector<16xi32>
      %shift_right_logical3A = arith.constant 1 : i32
      %shift_right_logical3A_322 = vector.broadcast %shift_right_logical3A : i32 to vector<16xi32>
      %shift_right_logical3A_323 = arith.shrui %shift_right_arithmetic3A_321, %shift_right_logical3A_322 : vector<16xi32>
      %xor3A = arith.xori %bitcast_convert_type3A, %shift_right_logical3A_323 : vector<16xi32>
      %shift_right_arithmetic3A_324 = arith.constant 24 : i32
      %shift_right_arithmetic3A_325 = vector.broadcast %shift_right_arithmetic3A_324 : i32 to vector<16xi32>
      %shift_right_arithmetic3A_326 = arith.shrsi %xor3A, %shift_right_arithmetic3A_325 : vector<16xi32>
      %add3A_327 = arith.constant 128 : i32
      %add3A_328 = vector.broadcast %add3A_327 : i32 to vector<16xi32>
      %add3A_329 = arith.addi %shift_right_arithmetic3A_326, %add3A_328 : vector<16xi32>
      %mul3A_330 = arith.constant 16 : i32
      %mul3A_331 = vector.broadcast %mul3A_330 : i32 to vector<16xi32>
      %mul3A_332 = arith.muli %add3A_329, %mul3A_331 : vector<16xi32>
      %add3A_333 = arith.addi %mul3A_332, %iota3A : vector<16xi32>
      tpu.vector_store_idx %arg5[%add3A_333], %broadcast_in_dim3A_1 {add = true} : memref<4096xi32, #tpu.memory_space<vmem>>[vector<16xi32>], vector<16xi32>,
      %mul3A_334 = arith.constant 4 : i32
      %mul3A_335 = arith.muli %scan3A_312, %mul3A_334 : i32
      %add3A_336 = arith.constant 1 : i32
      %add3A_337 = arith.addi %mul3A_335, %add3A_336 : i32
      %mul3A_338 = arith.constant 16 : i32
      %mul3A_339 = arith.muli %add3A_337, %mul3A_338 : i32
      %get3A_340 = arith.index_cast %mul3A_339 : i32 to index
      %get3A_341 = tpu.vector_load %arg4[%get3A_340] {strides = array<i32>} : memref<32768xf32, #tpu.memory_space<vmem>>, vector<16xf32>,
      %bitcast_convert_type3A_342 = tpu.bitcast %get3A_341 : vector<16xf32> -> vector<16xi32>
      %shift_right_arithmetic3A_343 = arith.constant 31 : i32
      %shift_right_arithmetic3A_344 = vector.broadcast %shift_right_arithmetic3A_343 : i32 to vector<16xi32>
      %shift_right_arithmetic3A_345 = arith.shrsi %bitcast_convert_type3A_342, %shift_right_arithmetic3A_344 : vector<16xi32>
      %shift_right_logical3A_346 = arith.constant 1 : i32
      %shift_right_logical3A_347 = vector.broadcast %shift_right_logical3A_346 : i32 to vector<16xi32>
      %shift_right_logical3A_348 = arith.shrui %shift_right_arithmetic3A_345, %shift_right_logical3A_347 : vector<16xi32>
      %xor3A_349 = arith.xori %bitcast_convert_type3A_342, %shift_right_logical3A_348 : vector<16xi32>
      %shift_right_arithmetic3A_350 = arith.constant 24 : i32
      %shift_right_arithmetic3A_351 = vector.broadcast %shift_right_arithmetic3A_350 : i32 to vector<16xi32>
      %shift_right_arithmetic3A_352 = arith.shrsi %xor3A_349, %shift_right_arithmetic3A_351 : vector<16xi32>
      %add3A_353 = arith.constant 128 : i32
      %add3A_354 = vector.broadcast %add3A_353 : i32 to vector<16xi32>
      %add3A_355 = arith.addi %shift_right_arithmetic3A_352, %add3A_354 : vector<16xi32>
      %mul3A_356 = arith.constant 16 : i32
      %mul3A_357 = vector.broadcast %mul3A_356 : i32 to vector<16xi32>
      %mul3A_358 = arith.muli %add3A_355, %mul3A_357 : vector<16xi32>
      %add3A_359 = arith.addi %mul3A_358, %iota3A : vector<16xi32>
      tpu.vector_store_idx %arg5[%add3A_359], %broadcast_in_dim3A_1 {add = true} : memref<4096xi32, #tpu.memory_space<vmem>>[vector<16xi32>], vector<16xi32>,
      %mul3A_360 = arith.constant 4 : i32
      %mul3A_361 = arith.muli %scan3A_312, %mul3A_360 : i32
      %add3A_362 = arith.constant 2 : i32
      %add3A_363 = arith.addi %mul3A_361, %add3A_362 : i32
      %mul3A_364 = arith.constant 16 : i32
      %mul3A_365 = arith.muli %add3A_363, %mul3A_364 : i32
      %get3A_366 = arith.index_cast %mul3A_365 : i32 to index
      %get3A_367 = tpu.vector_load %arg4[%get3A_366] {strides = array<i32>} : memref<32768xf32, #tpu.memory_space<vmem>>, vector<16xf32>,
      %bitcast_convert_type3A_368 = tpu.bitcast %get3A_367 : vector<16xf32> -> vector<16xi32>
      %shift_right_arithmetic3A_369 = arith.constant 31 : i32
      %shift_right_arithmetic3A_370 = vector.broadcast %shift_right_arithmetic3A_369 : i32 to vector<16xi32>
      %shift_right_arithmetic3A_371 = arith.shrsi %bitcast_convert_type3A_368, %shift_right_arithmetic3A_370 : vector<16xi32>
      %shift_right_logical3A_372 = arith.constant 1 : i32
      %shift_right_logical3A_373 = vector.broadcast %shift_right_logical3A_372 : i32 to vector<16xi32>
      %shift_right_logical3A_374 = arith.shrui %shift_right_arithmetic3A_371, %shift_right_logical3A_373 : vector<16xi32>
      %xor3A_375 = arith.xori %bitcast_convert_type3A_368, %shift_right_logical3A_374 : vector<16xi32>
      %shift_right_arithmetic3A_376 = arith.constant 24 : i32
      %shift_right_arithmetic3A_377 = vector.broadcast %shift_right_arithmetic3A_376 : i32 to vector<16xi32>
      %shift_right_arithmetic3A_378 = arith.shrsi %xor3A_375, %shift_right_arithmetic3A_377 : vector<16xi32>
      %add3A_379 = arith.constant 128 : i32
      %add3A_380 = vector.broadcast %add3A_379 : i32 to vector<16xi32>
      %add3A_381 = arith.addi %shift_right_arithmetic3A_378, %add3A_380 : vector<16xi32>
      %mul3A_382 = arith.constant 16 : i32
      %mul3A_383 = vector.broadcast %mul3A_382 : i32 to vector<16xi32>
      %mul3A_384 = arith.muli %add3A_381, %mul3A_383 : vector<16xi32>
      %add3A_385 = arith.addi %mul3A_384, %iota3A : vector<16xi32>
      tpu.vector_store_idx %arg5[%add3A_385], %broadcast_in_dim3A_1 {add = true} : memref<4096xi32, #tpu.memory_space<vmem>>[vector<16xi32>], vector<16xi32>,
      %mul3A_386 = arith.constant 4 : i32
      %mul3A_387 = arith.muli %scan3A_312, %mul3A_386 : i32
      %add3A_388 = arith.constant 3 : i32
      %add3A_389 = arith.addi %mul3A_387, %add3A_388 : i32
      %mul3A_390 = arith.constant 16 : i32
      %mul3A_391 = arith.muli %add3A_389, %mul3A_390 : i32
      %get3A_392 = arith.index_cast %mul3A_391 : i32 to index
      %get3A_393 = tpu.vector_load %arg4[%get3A_392] {strides = array<i32>} : memref<32768xf32, #tpu.memory_space<vmem>>, vector<16xf32>,
      %bitcast_convert_type3A_394 = tpu.bitcast %get3A_393 : vector<16xf32> -> vector<16xi32>
      %shift_right_arithmetic3A_395 = arith.constant 31 : i32
      %shift_right_arithmetic3A_396 = vector.broadcast %shift_right_arithmetic3A_395 : i32 to vector<16xi32>
      %shift_right_arithmetic3A_397 = arith.shrsi %bitcast_convert_type3A_394, %shift_right_arithmetic3A_396 : vector<16xi32>
      %shift_right_logical3A_398 = arith.constant 1 : i32
      %shift_right_logical3A_399 = vector.broadcast %shift_right_logical3A_398 : i32 to vector<16xi32>
      %shift_right_logical3A_400 = arith.shrui %shift_right_arithmetic3A_397, %shift_right_logical3A_399 : vector<16xi32>
      %xor3A_401 = arith.xori %bitcast_convert_type3A_394, %shift_right_logical3A_400 : vector<16xi32>
      %shift_right_arithmetic3A_402 = arith.constant 24 : i32
      %shift_right_arithmetic3A_403 = vector.broadcast %shift_right_arithmetic3A_402 : i32 to vector<16xi32>
      %shift_right_arithmetic3A_404 = arith.shrsi %xor3A_401, %shift_right_arithmetic3A_403 : vector<16xi32>
      %add3A_405 = arith.constant 128 : i32
      %add3A_406 = vector.broadcast %add3A_405 : i32 to vector<16xi32>
      %add3A_407 = arith.addi %shift_right_arithmetic3A_404, %add3A_406 : vector<16xi32>
      %mul3A_408 = arith.constant 16 : i32
      %mul3A_409 = vector.broadcast %mul3A_408 : i32 to vector<16xi32>
      %mul3A_410 = arith.muli %add3A_407, %mul3A_409 : vector<16xi32>
      %add3A_411 = arith.addi %mul3A_410, %iota3A : vector<16xi32>
      tpu.vector_store_idx %arg5[%add3A_411], %broadcast_in_dim3A_1 {add = true} : memref<4096xi32, #tpu.memory_space<vmem>>[vector<16xi32>], vector<16xi32>,
    }
    %scan3A_167 = arith.constant 512 : i32
    %scan3A_168 = arith.constant 0 : i32
    %scan3A_169 = arith.constant 0 : i32
    %scan3A_170 = arith.constant 0 : i32
    %scan3A_171 = arith.constant 0 : i32
    %scan3A_172 = arith.constant 0 : i32
    %scan3A_173 = arith.constant 256 : i32
    %scan3A_174 = arith.addi %scan3A_172, %scan3A_173 : i32
    %scan3A_175 = arith.constant 1 : i32
    %scan3A_176:4 = scf.for %scan3A_312 = %scan3A_172 to %scan3A_174 step %scan3A_175 iter_args(%scan3A_313 = %scan3A_168, %scan3A_314 = %scan3A_169, %scan3A_315 = %scan3A_170, %scan3A_316 = %scan3A_171) -> (i32, i32, i32, i32)  : i32 {
      %sub3A_317 = arith.constant 255 : i32
      %sub3A_318 = arith.subi %sub3A_317, %scan3A_312 : i32
      %mul3A_319 = arith.constant 16 : i32
      %mul3A_320 = arith.muli %sub3A_318, %mul3A_319 : i32
      %get3A = arith.index_cast %mul3A_320 : i32 to index
      %get3A_321 = tpu.vector_load %arg5[%get3A] {strides = array<i32>} : memref<4096xi32, #tpu.memory_space<vmem>>, vector<16xi32>,
      %mul3A_322 = arith.constant 16 : i32
      %mul3A_323 = arith.muli %sub3A_318, %mul3A_322 : i32
      %swap3A = arith.index_cast %mul3A_323 : i32 to index
      %swap3A_324 = tpu.vector_load %arg5[%swap3A] {strides = array<i32>} : memref<4096xi32, #tpu.memory_space<vmem>>, vector<16xi32>,
      tpu.vector_store %arg5[%swap3A], %broadcast_in_dim3A_3 {strides = array<i32>} : memref<4096xi32, #tpu.memory_space<vmem>>, vector<16xi32>,
      %reduce_sum3A = arith.constant true
      %reduce_sum3A_325 = vector.broadcast %reduce_sum3A : i1 to vector<16xi1>
      %reduce_sum3A_326 = tpu.scan <sum>, %get3A_321 masked %reduce_sum3A_325 : vector<16xi32>, vector<16xi1> -> vector<16xi32>
      %reduce_sum3A_327 = vector.extract %reduce_sum3A_326[15] : i32 from vector<16xi32>
      %add3A_328 = arith.addi %scan3A_313, %reduce_sum3A_327 : i32
      %lt3A = arith.constant 64 : i32
      %lt3A_329 = arith.cmpi slt, %scan3A_313, %lt3A : i32
      %ge3A = arith.constant 64 : i32
      %ge3A_330 = arith.cmpi sge, %add3A_328, %ge3A : i32
      %and3A = arith.andi %lt3A_329, %ge3A_330 : i1
      %select_n3A = arith.select %and3A, %sub3A_318, %scan3A_314 : i32
      %select_n3A_331 = arith.select %and3A, %scan3A_313, %scan3A_315 : i32
      %select_n3A_332 = arith.select %and3A, %reduce_sum3A_327, %scan3A_316 : i32
      scf.yield %add3A_328, %select_n3A, %select_n3A_331, %select_n3A_332 : i32, i32, i32, i32
    }
    %scan3A_177 = arith.constant 256 : i32
    %sub3A_178 = arith.constant 64 : i32
    %sub3A_179 = arith.subi %sub3A_178, %scan3A_176#2 : i32
    %sub3A_180 = arith.constant 128 : i32
    %sub3A_181 = arith.subi %scan3A_176#1, %sub3A_180 : i32
    %broadcast_in_dim3A_182 = arith.constant 0 : i32
    %broadcast_in_dim3A_183 = vector.broadcast %broadcast_in_dim3A_182 : i32 to vector<16xi32>
    %scan3A_184 = arith.constant 0 : i32
    %scan3A_185 = arith.constant 512 : i32
    %scan3A_186 = arith.addi %scan3A_184, %scan3A_185 : i32
    %scan3A_187 = arith.constant 1 : i32
    %scan3A_188 = scf.for %scan3A_312 = %scan3A_184 to %scan3A_186 step %scan3A_187 iter_args(%scan3A_313 = %broadcast_in_dim3A_183) -> (vector<16xi32>)  : i32 {
      %mul3A_314 = arith.constant 4 : i32
      %mul3A_315 = arith.muli %scan3A_312, %mul3A_314 : i32
      %add3A_316 = arith.constant 0 : i32
      %add3A_317 = arith.addi %mul3A_315, %add3A_316 : i32
      %mul3A_318 = arith.constant 16 : i32
      %mul3A_319 = arith.muli %add3A_317, %mul3A_318 : i32
      %get3A = arith.index_cast %mul3A_319 : i32 to index
      %get3A_320 = tpu.vector_load %arg4[%get3A] {strides = array<i32>} : memref<32768xf32, #tpu.memory_space<vmem>>, vector<16xf32>,
      %bitcast_convert_type3A = tpu.bitcast %get3A_320 : vector<16xf32> -> vector<16xi32>
      %shift_right_arithmetic3A = arith.constant 31 : i32
      %shift_right_arithmetic3A_321 = vector.broadcast %shift_right_arithmetic3A : i32 to vector<16xi32>
      %shift_right_arithmetic3A_322 = arith.shrsi %bitcast_convert_type3A, %shift_right_arithmetic3A_321 : vector<16xi32>
      %shift_right_logical3A = arith.constant 1 : i32
      %shift_right_logical3A_323 = vector.broadcast %shift_right_logical3A : i32 to vector<16xi32>
      %shift_right_logical3A_324 = arith.shrui %shift_right_arithmetic3A_322, %shift_right_logical3A_323 : vector<16xi32>
      %xor3A = arith.xori %bitcast_convert_type3A, %shift_right_logical3A_324 : vector<16xi32>
      %shift_right_arithmetic3A_325 = arith.constant 24 : i32
      %shift_right_arithmetic3A_326 = vector.broadcast %shift_right_arithmetic3A_325 : i32 to vector<16xi32>
      %shift_right_arithmetic3A_327 = arith.shrsi %xor3A, %shift_right_arithmetic3A_326 : vector<16xi32>
      %eq3A = vector.broadcast %sub3A_181 : i32 to vector<16xi32>
      %eq3A_328 = arith.cmpi eq, %shift_right_arithmetic3A_327, %eq3A : vector<16xi32>
      %convert_element_type3A = arith.extui %eq3A_328 : vector<16xi1> to vector<16xi32>
      %broadcast_in_dim3A_329 = arith.constant true
      %broadcast_in_dim3A_330 = vector.broadcast %broadcast_in_dim3A_329 : i1 to vector<16xi1>
      %masked_cumsum3A = tpu.scan <sum>, %convert_element_type3A masked %broadcast_in_dim3A_330 : vector<16xi32>, vector<16xi1> -> vector<16xi32>
      %add3A_331 = arith.addi %scan3A_313, %masked_cumsum3A : vector<16xi32>
      %sub3A_332 = arith.constant 1 : i32
      %sub3A_333 = vector.broadcast %sub3A_332 : i32 to vector<16xi32>
      %sub3A_334 = arith.subi %add3A_331, %sub3A_333 : vector<16xi32>
      tpu.vector_store_idx %arg6[%sub3A_334], %xor3A masked %eq3A_328 : memref<32784xi32, #tpu.memory_space<vmem>>[vector<16xi32>], vector<16xi32>, vector<16xi1>
      %all_reduce_population_count3A = tpu.all_reduce %eq3A_328 {dim = 0 : i64, kind = #tpu.reduction_kind<sum>} : vector<16xi1> -> vector<16xi32>
      %add3A_335 = arith.addi %scan3A_313, %all_reduce_population_count3A : vector<16xi32>
      %mul3A_336 = arith.constant 4 : i32
      %mul3A_337 = arith.muli %scan3A_312, %mul3A_336 : i32
      %add3A_338 = arith.constant 1 : i32
      %add3A_339 = arith.addi %mul3A_337, %add3A_338 : i32
      %mul3A_340 = arith.constant 16 : i32
      %mul3A_341 = arith.muli %add3A_339, %mul3A_340 : i32
      %get3A_342 = arith.index_cast %mul3A_341 : i32 to index
      %get3A_343 = tpu.vector_load %arg4[%get3A_342] {strides = array<i32>} : memref<32768xf32, #tpu.memory_space<vmem>>, vector<16xf32>,
      %bitcast_convert_type3A_344 = tpu.bitcast %get3A_343 : vector<16xf32> -> vector<16xi32>
      %shift_right_arithmetic3A_345 = arith.constant 31 : i32
      %shift_right_arithmetic3A_346 = vector.broadcast %shift_right_arithmetic3A_345 : i32 to vector<16xi32>
      %shift_right_arithmetic3A_347 = arith.shrsi %bitcast_convert_type3A_344, %shift_right_arithmetic3A_346 : vector<16xi32>
      %shift_right_logical3A_348 = arith.constant 1 : i32
      %shift_right_logical3A_349 = vector.broadcast %shift_right_logical3A_348 : i32 to vector<16xi32>
      %shift_right_logical3A_350 = arith.shrui %shift_right_arithmetic3A_347, %shift_right_logical3A_349 : vector<16xi32>
      %xor3A_351 = arith.xori %bitcast_convert_type3A_344, %shift_right_logical3A_350 : vector<16xi32>
      %shift_right_arithmetic3A_352 = arith.constant 24 : i32
      %shift_right_arithmetic3A_353 = vector.broadcast %shift_right_arithmetic3A_352 : i32 to vector<16xi32>
      %shift_right_arithmetic3A_354 = arith.shrsi %xor3A_351, %shift_right_arithmetic3A_353 : vector<16xi32>
      %eq3A_355 = vector.broadcast %sub3A_181 : i32 to vector<16xi32>
      %eq3A_356 = arith.cmpi eq, %shift_right_arithmetic3A_354, %eq3A_355 : vector<16xi32>
      %convert_element_type3A_357 = arith.extui %eq3A_356 : vector<16xi1> to vector<16xi32>
      %broadcast_in_dim3A_358 = arith.constant true
      %broadcast_in_dim3A_359 = vector.broadcast %broadcast_in_dim3A_358 : i1 to vector<16xi1>
      %masked_cumsum3A_360 = tpu.scan <sum>, %convert_element_type3A_357 masked %broadcast_in_dim3A_359 : vector<16xi32>, vector<16xi1> -> vector<16xi32>
      %add3A_361 = arith.addi %add3A_335, %masked_cumsum3A_360 : vector<16xi32>
      %sub3A_362 = arith.constant 1 : i32
      %sub3A_363 = vector.broadcast %sub3A_362 : i32 to vector<16xi32>
      %sub3A_364 = arith.subi %add3A_361, %sub3A_363 : vector<16xi32>
      tpu.vector_store_idx %arg6[%sub3A_364], %xor3A_351 masked %eq3A_356 : memref<32784xi32, #tpu.memory_space<vmem>>[vector<16xi32>], vector<16xi32>, vector<16xi1>
      %all_reduce_population_count3A_365 = tpu.all_reduce %eq3A_356 {dim = 0 : i64, kind = #tpu.reduction_kind<sum>} : vector<16xi1> -> vector<16xi32>
      %add3A_366 = arith.addi %add3A_335, %all_reduce_population_count3A_365 : vector<16xi32>
      %mul3A_367 = arith.constant 4 : i32
      %mul3A_368 = arith.muli %scan3A_312, %mul3A_367 : i32
      %add3A_369 = arith.constant 2 : i32
      %add3A_370 = arith.addi %mul3A_368, %add3A_369 : i32
      %mul3A_371 = arith.constant 16 : i32
      %mul3A_372 = arith.muli %add3A_370, %mul3A_371 : i32
      %get3A_373 = arith.index_cast %mul3A_372 : i32 to index
      %get3A_374 = tpu.vector_load %arg4[%get3A_373] {strides = array<i32>} : memref<32768xf32, #tpu.memory_space<vmem>>, vector<16xf32>,
      %bitcast_convert_type3A_375 = tpu.bitcast %get3A_374 : vector<16xf32> -> vector<16xi32>
      %shift_right_arithmetic3A_376 = arith.constant 31 : i32
      %shift_right_arithmetic3A_377 = vector.broadcast %shift_right_arithmetic3A_376 : i32 to vector<16xi32>
      %shift_right_arithmetic3A_378 = arith.shrsi %bitcast_convert_type3A_375, %shift_right_arithmetic3A_377 : vector<16xi32>
      %shift_right_logical3A_379 = arith.constant 1 : i32
      %shift_right_logical3A_380 = vector.broadcast %shift_right_logical3A_379 : i32 to vector<16xi32>
      %shift_right_logical3A_381 = arith.shrui %shift_right_arithmetic3A_378, %shift_right_logical3A_380 : vector<16xi32>
      %xor3A_382 = arith.xori %bitcast_convert_type3A_375, %shift_right_logical3A_381 : vector<16xi32>
      %shift_right_arithmetic3A_383 = arith.constant 24 : i32
      %shift_right_arithmetic3A_384 = vector.broadcast %shift_right_arithmetic3A_383 : i32 to vector<16xi32>
      %shift_right_arithmetic3A_385 = arith.shrsi %xor3A_382, %shift_right_arithmetic3A_384 : vector<16xi32>
      %eq3A_386 = vector.broadcast %sub3A_181 : i32 to vector<16xi32>
      %eq3A_387 = arith.cmpi eq, %shift_right_arithmetic3A_385, %eq3A_386 : vector<16xi32>
      %convert_element_type3A_388 = arith.extui %eq3A_387 : vector<16xi1> to vector<16xi32>
      %broadcast_in_dim3A_389 = arith.constant true
      %broadcast_in_dim3A_390 = vector.broadcast %broadcast_in_dim3A_389 : i1 to vector<16xi1>
      %masked_cumsum3A_391 = tpu.scan <sum>, %convert_element_type3A_388 masked %broadcast_in_dim3A_390 : vector<16xi32>, vector<16xi1> -> vector<16xi32>
      %add3A_392 = arith.addi %add3A_366, %masked_cumsum3A_391 : vector<16xi32>
      %sub3A_393 = arith.constant 1 : i32
      %sub3A_394 = vector.broadcast %sub3A_393 : i32 to vector<16xi32>
      %sub3A_395 = arith.subi %add3A_392, %sub3A_394 : vector<16xi32>
      tpu.vector_store_idx %arg6[%sub3A_395], %xor3A_382 masked %eq3A_387 : memref<32784xi32, #tpu.memory_space<vmem>>[vector<16xi32>], vector<16xi32>, vector<16xi1>
      %all_reduce_population_count3A_396 = tpu.all_reduce %eq3A_387 {dim = 0 : i64, kind = #tpu.reduction_kind<sum>} : vector<16xi1> -> vector<16xi32>
      %add3A_397 = arith.addi %add3A_366, %all_reduce_population_count3A_396 : vector<16xi32>
      %mul3A_398 = arith.constant 4 : i32
      %mul3A_399 = arith.muli %scan3A_312, %mul3A_398 : i32
      %add3A_400 = arith.constant 3 : i32
      %add3A_401 = arith.addi %mul3A_399, %add3A_400 : i32
      %mul3A_402 = arith.constant 16 : i32
      %mul3A_403 = arith.muli %add3A_401, %mul3A_402 : i32
      %get3A_404 = arith.index_cast %mul3A_403 : i32 to index
      %get3A_405 = tpu.vector_load %arg4[%get3A_404] {strides = array<i32>} : memref<32768xf32, #tpu.memory_space<vmem>>, vector<16xf32>,
      %bitcast_convert_type3A_406 = tpu.bitcast %get3A_405 : vector<16xf32> -> vector<16xi32>
      %shift_right_arithmetic3A_407 = arith.constant 31 : i32
      %shift_right_arithmetic3A_408 = vector.broadcast %shift_right_arithmetic3A_407 : i32 to vector<16xi32>
      %shift_right_arithmetic3A_409 = arith.shrsi %bitcast_convert_type3A_406, %shift_right_arithmetic3A_408 : vector<16xi32>
      %shift_right_logical3A_410 = arith.constant 1 : i32
      %shift_right_logical3A_411 = vector.broadcast %shift_right_logical3A_410 : i32 to vector<16xi32>
      %shift_right_logical3A_412 = arith.shrui %shift_right_arithmetic3A_409, %shift_right_logical3A_411 : vector<16xi32>
      %xor3A_413 = arith.xori %bitcast_convert_type3A_406, %shift_right_logical3A_412 : vector<16xi32>
      %shift_right_arithmetic3A_414 = arith.constant 24 : i32
      %shift_right_arithmetic3A_415 = vector.broadcast %shift_right_arithmetic3A_414 : i32 to vector<16xi32>
      %shift_right_arithmetic3A_416 = arith.shrsi %xor3A_413, %shift_right_arithmetic3A_415 : vector<16xi32>
      %eq3A_417 = vector.broadcast %sub3A_181 : i32 to vector<16xi32>
      %eq3A_418 = arith.cmpi eq, %shift_right_arithmetic3A_416, %eq3A_417 : vector<16xi32>
      %convert_element_type3A_419 = arith.extui %eq3A_418 : vector<16xi1> to vector<16xi32>
      %broadcast_in_dim3A_420 = arith.constant true
      %broadcast_in_dim3A_421 = vector.broadcast %broadcast_in_dim3A_420 : i1 to vector<16xi1>
      %masked_cumsum3A_422 = tpu.scan <sum>, %convert_element_type3A_419 masked %broadcast_in_dim3A_421 : vector<16xi32>, vector<16xi1> -> vector<16xi32>
      %add3A_423 = arith.addi %add3A_397, %masked_cumsum3A_422 : vector<16xi32>
      %sub3A_424 = arith.constant 1 : i32
      %sub3A_425 = vector.broadcast %sub3A_424 : i32 to vector<16xi32>
      %sub3A_426 = arith.subi %add3A_423, %sub3A_425 : vector<16xi32>
      tpu.vector_store_idx %arg6[%sub3A_426], %xor3A_413 masked %eq3A_418 : memref<32784xi32, #tpu.memory_space<vmem>>[vector<16xi32>], vector<16xi32>, vector<16xi1>
      %all_reduce_population_count3A_427 = tpu.all_reduce %eq3A_418 {dim = 0 : i64, kind = #tpu.reduction_kind<sum>} : vector<16xi1> -> vector<16xi32>
      %add3A_428 = arith.addi %add3A_397, %all_reduce_population_count3A_427 : vector<16xi32>
      scf.yield %add3A_428 : vector<16xi32>
    }
    %scan3A_189 = arith.constant 512 : i32
    %add3A_190 = arith.addi %scan3A_188, %iota3A : vector<16xi32>
    %broadcast_in_dim3A_191 = arith.constant -2147483648 : i32
    %broadcast_in_dim3A_192 = vector.broadcast %broadcast_in_dim3A_191 : i32 to vector<16xi32>
    tpu.vector_store_idx %arg6[%add3A_190], %broadcast_in_dim3A_192 : memref<32784xi32, #tpu.memory_space<vmem>>[vector<16xi32>], vector<16xi32>,
    %add3A_193 = arith.constant 15 : i32
    %add3A_194 = arith.addi %scan3A_176#3, %add3A_193 : i32
    %div3A_195 = arith.constant 16 : i32
    %div3A_196 = arith.divsi %add3A_194, %div3A_195 : i32
    %shift_left3A_197 = arith.constant 24 : i32
    %shift_left3A_198 = arith.shli %sub3A_181, %shift_left3A_197 : i32
    %scan3A_199 = arith.constant 0 : i32
    %scan3A_200 = arith.constant 24 : i32
    %scan3A_201 = arith.addi %scan3A_199, %scan3A_200 : i32
    %scan3A_202 = arith.constant 1 : i32
    %scan3A_203 = scf.for %scan3A_312 = %scan3A_199 to %scan3A_201 step %scan3A_202 iter_args(%scan3A_313 = %shift_left3A_198) -> (i32)  : i32 {
      %sub3A_314 = arith.constant 23 : i32
      %sub3A_315 = arith.subi %sub3A_314, %scan3A_312 : i32
      %shift_left3A_316 = arith.constant 1 : i32
      %shift_left3A_317 = arith.shli %shift_left3A_316, %sub3A_315 : i32
      %or3A = arith.ori %scan3A_313, %shift_left3A_317 : i32
      %broadcast_in_dim3A_318 = vector.broadcast %or3A : i32 to vector<16xi32>
      %while3A_319 = arith.constant 0 : i32
      %while3A_320 = arith.subi %div3A_196, %while3A_319 : i32
      %while3A_321 = arith.addi %while3A_319, %while3A_320 : i32
      %while3A_322 = arith.constant 1 : i32
      %while3A_323 = arith.divsi %while3A_320, %while3A_322 : i32
      %while3A_324 = arith.muli %while3A_323, %while3A_322 : i32
      %while3A_325 = arith.addi %while3A_319, %while3A_324 : i32
      %while3A_326 = arith.constant 1 : i32
      %while3A_327 = scf.for %while3A_338 = %while3A_319 to %while3A_325 step %while3A_326 iter_args(%while3A_339 = %broadcast_in_dim3A_3) -> (vector<16xi32>)  : i32 {
        %mul3A_340 = arith.constant 16 : i32
        %mul3A_341 = arith.muli %while3A_338, %mul3A_340 : i32
        %get3A = arith.index_cast %mul3A_341 : i32 to index
        %get3A_342 = tpu.vector_load %arg6[%get3A] {strides = array<i32>} : memref<32784xi32, #tpu.memory_space<vmem>>, vector<16xi32>,
        %ge3A_343 = arith.cmpi sge, %get3A_342, %broadcast_in_dim3A_318 : vector<16xi32>
        %all_reduce_population_count3A = tpu.all_reduce %ge3A_343 {dim = 0 : i64, kind = #tpu.reduction_kind<sum>} : vector<16xi1> -> vector<16xi32>
        %add3A_344 = arith.addi %while3A_339, %all_reduce_population_count3A : vector<16xi32>
        scf.yield %add3A_344 : vector<16xi32>
      }
      %while3A_328 = arith.constant 1 : i32
      %while3A_329 = scf.for %while3A_338 = %while3A_325 to %while3A_321 step %while3A_328 iter_args(%while3A_339 = %while3A_327) -> (vector<16xi32>)  : i32 {
        %mul3A_340 = arith.constant 16 : i32
        %mul3A_341 = arith.muli %while3A_338, %mul3A_340 : i32
        %get3A = arith.index_cast %mul3A_341 : i32 to index
        %get3A_342 = tpu.vector_load %arg6[%get3A] {strides = array<i32>} : memref<32784xi32, #tpu.memory_space<vmem>>, vector<16xi32>,
        %ge3A_343 = arith.cmpi sge, %get3A_342, %broadcast_in_dim3A_318 : vector<16xi32>
        %all_reduce_population_count3A = tpu.all_reduce %ge3A_343 {dim = 0 : i64, kind = #tpu.reduction_kind<sum>} : vector<16xi1> -> vector<16xi32>
        %add3A_344 = arith.addi %while3A_339, %all_reduce_population_count3A : vector<16xi32>
        scf.yield %add3A_344 : vector<16xi32>
      }
      %reduce_max3A_330 = arith.constant true
      %reduce_max3A_331 = vector.broadcast %reduce_max3A_330 : i1 to vector<16xi1>
      %reduce_max3A_332 = arith.constant -2147483648 : i32
      %reduce_max3A_333 = vector.broadcast %reduce_max3A_332 : i32 to vector<16xi32>
      %reduce_max3A_334 = arith.xori %while3A_329, %reduce_max3A_333 : vector<16xi32>
      %reduce_max3A_335 = tpu.scan <max>, %reduce_max3A_334 masked %reduce_max3A_331 : vector<16xi32>, vector<16xi1> -> vector<16xi32>
      %reduce_max3A_336 = arith.xori %reduce_max3A_335, %reduce_max3A_333 : vector<16xi32>
      %reduce_max3A_337 = vector.extract %reduce_max3A_336[15] : i32 from vector<16xi32>
      %ge3A = arith.cmpi sge, %reduce_max3A_337, %sub3A_179 : i32
      %select_n3A = arith.select %ge3A, %or3A, %scan3A_313 : i32
      scf.yield %select_n3A : i32
    }
    %scan3A_204 = arith.constant 24 : i32
    %broadcast_in_dim3A_205 = vector.broadcast %scan3A_203 : i32 to vector<16xi32>
    %while3A_206 = arith.constant 0 : i32
    %while3A_207 = arith.subi %div3A_196, %while3A_206 : i32
    %while3A_208 = arith.addi %while3A_206, %while3A_207 : i32
    %while3A_209 = arith.constant 1 : i32
    %while3A_210 = arith.divsi %while3A_207, %while3A_209 : i32
    %while3A_211 = arith.muli %while3A_210, %while3A_209 : i32
    %while3A_212 = arith.addi %while3A_206, %while3A_211 : i32
    %while3A_213 = arith.constant 1 : i32
    %while3A_214 = scf.for %while3A_312 = %while3A_206 to %while3A_212 step %while3A_213 iter_args(%while3A_313 = %broadcast_in_dim3A_3) -> (vector<16xi32>)  : i32 {
      %mul3A_314 = arith.constant 16 : i32
      %mul3A_315 = arith.muli %while3A_312, %mul3A_314 : i32
      %get3A = arith.index_cast %mul3A_315 : i32 to index
      %get3A_316 = tpu.vector_load %arg6[%get3A] {strides = array<i32>} : memref<32784xi32, #tpu.memory_space<vmem>>, vector<16xi32>,
      %gt3A = arith.cmpi sgt, %get3A_316, %broadcast_in_dim3A_205 : vector<16xi32>
      %all_reduce_population_count3A = tpu.all_reduce %gt3A {dim = 0 : i64, kind = #tpu.reduction_kind<sum>} : vector<16xi1> -> vector<16xi32>
      %add3A_317 = arith.addi %while3A_313, %all_reduce_population_count3A : vector<16xi32>
      scf.yield %add3A_317 : vector<16xi32>
    }
    %while3A_215 = arith.constant 1 : i32
    %while3A_216 = scf.for %while3A_312 = %while3A_212 to %while3A_208 step %while3A_215 iter_args(%while3A_313 = %while3A_214) -> (vector<16xi32>)  : i32 {
      %mul3A_314 = arith.constant 16 : i32
      %mul3A_315 = arith.muli %while3A_312, %mul3A_314 : i32
      %get3A = arith.index_cast %mul3A_315 : i32 to index
      %get3A_316 = tpu.vector_load %arg6[%get3A] {strides = array<i32>} : memref<32784xi32, #tpu.memory_space<vmem>>, vector<16xi32>,
      %gt3A = arith.cmpi sgt, %get3A_316, %broadcast_in_dim3A_205 : vector<16xi32>
      %all_reduce_population_count3A = tpu.all_reduce %gt3A {dim = 0 : i64, kind = #tpu.reduction_kind<sum>} : vector<16xi1> -> vector<16xi32>
      %add3A_317 = arith.addi %while3A_313, %all_reduce_population_count3A : vector<16xi32>
      scf.yield %add3A_317 : vector<16xi32>
    }
    %reduce_max3A_217 = arith.constant true
    %reduce_max3A_218 = vector.broadcast %reduce_max3A_217 : i1 to vector<16xi1>
    %reduce_max3A_219 = arith.constant -2147483648 : i32
    %reduce_max3A_220 = vector.broadcast %reduce_max3A_219 : i32 to vector<16xi32>
    %reduce_max3A_221 = arith.xori %while3A_216, %reduce_max3A_220 : vector<16xi32>
    %reduce_max3A_222 = tpu.scan <max>, %reduce_max3A_221 masked %reduce_max3A_218 : vector<16xi32>, vector<16xi1> -> vector<16xi32>
    %reduce_max3A_223 = arith.xori %reduce_max3A_222, %reduce_max3A_220 : vector<16xi32>
    %reduce_max3A_224 = vector.extract %reduce_max3A_223[15] : i32 from vector<16xi32>
    %sub3A_225 = arith.subi %sub3A_179, %reduce_max3A_224 : i32
    %broadcast_in_dim3A_226 = vector.broadcast %sub3A_225 : i32 to vector<16xi32>
    %broadcast_in_dim3A_227 = arith.constant 0 : i32
    %broadcast_in_dim3A_228 = vector.broadcast %broadcast_in_dim3A_227 : i32 to vector<16xi32>
    %scan3A_229 = arith.constant 0 : i32
    %scan3A_230 = arith.constant 512 : i32
    %scan3A_231 = arith.addi %scan3A_229, %scan3A_230 : i32
    %scan3A_232 = arith.constant 1 : i32
    %scan3A_233 = scf.for %scan3A_312 = %scan3A_229 to %scan3A_231 step %scan3A_232 iter_args(%scan3A_313 = %broadcast_in_dim3A_228) -> (vector<16xi32>)  : i32 {
      %mul3A_314 = arith.constant 4 : i32
      %mul3A_315 = arith.muli %scan3A_312, %mul3A_314 : i32
      %add3A_316 = arith.constant 0 : i32
      %add3A_317 = arith.addi %mul3A_315, %add3A_316 : i32
      %mul3A_318 = arith.constant 16 : i32
      %mul3A_319 = arith.muli %add3A_317, %mul3A_318 : i32
      %get3A = arith.index_cast %mul3A_319 : i32 to index
      %get3A_320 = tpu.vector_load %arg4[%get3A] {strides = array<i32>} : memref<32768xf32, #tpu.memory_space<vmem>>, vector<16xf32>,
      %bitcast_convert_type3A = tpu.bitcast %get3A_320 : vector<16xf32> -> vector<16xi32>
      %shift_right_arithmetic3A = arith.constant 31 : i32
      %shift_right_arithmetic3A_321 = vector.broadcast %shift_right_arithmetic3A : i32 to vector<16xi32>
      %shift_right_arithmetic3A_322 = arith.shrsi %bitcast_convert_type3A, %shift_right_arithmetic3A_321 : vector<16xi32>
      %shift_right_logical3A = arith.constant 1 : i32
      %shift_right_logical3A_323 = vector.broadcast %shift_right_logical3A : i32 to vector<16xi32>
      %shift_right_logical3A_324 = arith.shrui %shift_right_arithmetic3A_322, %shift_right_logical3A_323 : vector<16xi32>
      %xor3A = arith.xori %bitcast_convert_type3A, %shift_right_logical3A_324 : vector<16xi32>
      %eq3A = arith.cmpi eq, %xor3A, %broadcast_in_dim3A_205 : vector<16xi32>
      %convert_element_type3A = arith.extui %eq3A : vector<16xi1> to vector<16xi32>
      %broadcast_in_dim3A_325 = arith.constant true
      %broadcast_in_dim3A_326 = vector.broadcast %broadcast_in_dim3A_325 : i1 to vector<16xi1>
      %masked_cumsum3A = tpu.scan <sum>, %convert_element_type3A masked %broadcast_in_dim3A_326 : vector<16xi32>, vector<16xi1> -> vector<16xi32>
      %add3A_327 = arith.addi %scan3A_313, %masked_cumsum3A : vector<16xi32>
      %le3A = arith.cmpi sle, %add3A_327, %broadcast_in_dim3A_226 : vector<16xi32>
      %and3A = arith.andi %eq3A, %le3A : vector<16xi1>
      %gt3A = arith.cmpi sgt, %xor3A, %broadcast_in_dim3A_205 : vector<16xi32>
      %or3A = arith.ori %gt3A, %and3A : vector<16xi1>
      %max3A = arith.constant 0.000000e+00 : f32
      %max3A_328 = vector.broadcast %max3A : f32 to vector<16xf32>
      %max3A_329 = arith.maximumf %get3A_320, %max3A_328 : vector<16xf32>
      %jit3A = arith.constant 0.000000e+00 : f32
      %broadcast_in_dim3A_330 = vector.broadcast %jit3A : f32 to vector<16xf32>
      %select_n3A = arith.select %or3A, %max3A_329, %broadcast_in_dim3A_330 : vector<16xi1>, vector<16xf32>
      %swap3A = arith.index_cast %mul3A_319 : i32 to index
      %swap3A_331 = tpu.vector_load %arg4[%swap3A] {strides = array<i32>} : memref<32768xf32, #tpu.memory_space<vmem>>, vector<16xf32>,
      tpu.vector_store %arg4[%swap3A], %select_n3A {strides = array<i32>} : memref<32768xf32, #tpu.memory_space<vmem>>, vector<16xf32>,
      %all_reduce_population_count3A = tpu.all_reduce %eq3A {dim = 0 : i64, kind = #tpu.reduction_kind<sum>} : vector<16xi1> -> vector<16xi32>
      %add3A_332 = arith.addi %scan3A_313, %all_reduce_population_count3A : vector<16xi32>
      %mul3A_333 = arith.constant 4 : i32
      %mul3A_334 = arith.muli %scan3A_312, %mul3A_333 : i32
      %add3A_335 = arith.constant 1 : i32
      %add3A_336 = arith.addi %mul3A_334, %add3A_335 : i32
      %mul3A_337 = arith.constant 16 : i32
      %mul3A_338 = arith.muli %add3A_336, %mul3A_337 : i32
      %get3A_339 = arith.index_cast %mul3A_338 : i32 to index
      %get3A_340 = tpu.vector_load %arg4[%get3A_339] {strides = array<i32>} : memref<32768xf32, #tpu.memory_space<vmem>>, vector<16xf32>,
      %bitcast_convert_type3A_341 = tpu.bitcast %get3A_340 : vector<16xf32> -> vector<16xi32>
      %shift_right_arithmetic3A_342 = arith.constant 31 : i32
      %shift_right_arithmetic3A_343 = vector.broadcast %shift_right_arithmetic3A_342 : i32 to vector<16xi32>
      %shift_right_arithmetic3A_344 = arith.shrsi %bitcast_convert_type3A_341, %shift_right_arithmetic3A_343 : vector<16xi32>
      %shift_right_logical3A_345 = arith.constant 1 : i32
      %shift_right_logical3A_346 = vector.broadcast %shift_right_logical3A_345 : i32 to vector<16xi32>
      %shift_right_logical3A_347 = arith.shrui %shift_right_arithmetic3A_344, %shift_right_logical3A_346 : vector<16xi32>
      %xor3A_348 = arith.xori %bitcast_convert_type3A_341, %shift_right_logical3A_347 : vector<16xi32>
      %eq3A_349 = arith.cmpi eq, %xor3A_348, %broadcast_in_dim3A_205 : vector<16xi32>
      %convert_element_type3A_350 = arith.extui %eq3A_349 : vector<16xi1> to vector<16xi32>
      %broadcast_in_dim3A_351 = arith.constant true
      %broadcast_in_dim3A_352 = vector.broadcast %broadcast_in_dim3A_351 : i1 to vector<16xi1>
      %masked_cumsum3A_353 = tpu.scan <sum>, %convert_element_type3A_350 masked %broadcast_in_dim3A_352 : vector<16xi32>, vector<16xi1> -> vector<16xi32>
      %add3A_354 = arith.addi %add3A_332, %masked_cumsum3A_353 : vector<16xi32>
      %le3A_355 = arith.cmpi sle, %add3A_354, %broadcast_in_dim3A_226 : vector<16xi32>
      %and3A_356 = arith.andi %eq3A_349, %le3A_355 : vector<16xi1>
      %gt3A_357 = arith.cmpi sgt, %xor3A_348, %broadcast_in_dim3A_205 : vector<16xi32>
      %or3A_358 = arith.ori %gt3A_357, %and3A_356 : vector<16xi1>
      %max3A_359 = arith.constant 0.000000e+00 : f32
      %max3A_360 = vector.broadcast %max3A_359 : f32 to vector<16xf32>
      %max3A_361 = arith.maximumf %get3A_340, %max3A_360 : vector<16xf32>
      %jit3A_362 = arith.constant 0.000000e+00 : f32
      %broadcast_in_dim3A_363 = vector.broadcast %jit3A_362 : f32 to vector<16xf32>
      %select_n3A_364 = arith.select %or3A_358, %max3A_361, %broadcast_in_dim3A_363 : vector<16xi1>, vector<16xf32>
      %swap3A_365 = arith.index_cast %mul3A_338 : i32 to index
      %swap3A_366 = tpu.vector_load %arg4[%swap3A_365] {strides = array<i32>} : memref<32768xf32, #tpu.memory_space<vmem>>, vector<16xf32>,
      tpu.vector_store %arg4[%swap3A_365], %select_n3A_364 {strides = array<i32>} : memref<32768xf32, #tpu.memory_space<vmem>>, vector<16xf32>,
      %all_reduce_population_count3A_367 = tpu.all_reduce %eq3A_349 {dim = 0 : i64, kind = #tpu.reduction_kind<sum>} : vector<16xi1> -> vector<16xi32>
      %add3A_368 = arith.addi %add3A_332, %all_reduce_population_count3A_367 : vector<16xi32>
      %mul3A_369 = arith.constant 4 : i32
      %mul3A_370 = arith.muli %scan3A_312, %mul3A_369 : i32
      %add3A_371 = arith.constant 2 : i32
      %add3A_372 = arith.addi %mul3A_370, %add3A_371 : i32
      %mul3A_373 = arith.constant 16 : i32
      %mul3A_374 = arith.muli %add3A_372, %mul3A_373 : i32
      %get3A_375 = arith.index_cast %mul3A_374 : i32 to index
      %get3A_376 = tpu.vector_load %arg4[%get3A_375] {strides = array<i32>} : memref<32768xf32, #tpu.memory_space<vmem>>, vector<16xf32>,
      %bitcast_convert_type3A_377 = tpu.bitcast %get3A_376 : vector<16xf32> -> vector<16xi32>
      %shift_right_arithmetic3A_378 = arith.constant 31 : i32
      %shift_right_arithmetic3A_379 = vector.broadcast %shift_right_arithmetic3A_378 : i32 to vector<16xi32>
      %shift_right_arithmetic3A_380 = arith.shrsi %bitcast_convert_type3A_377, %shift_right_arithmetic3A_379 : vector<16xi32>
      %shift_right_logical3A_381 = arith.constant 1 : i32
      %shift_right_logical3A_382 = vector.broadcast %shift_right_logical3A_381 : i32 to vector<16xi32>
      %shift_right_logical3A_383 = arith.shrui %shift_right_arithmetic3A_380, %shift_right_logical3A_382 : vector<16xi32>
      %xor3A_384 = arith.xori %bitcast_convert_type3A_377, %shift_right_logical3A_383 : vector<16xi32>
      %eq3A_385 = arith.cmpi eq, %xor3A_384, %broadcast_in_dim3A_205 : vector<16xi32>
      %convert_element_type3A_386 = arith.extui %eq3A_385 : vector<16xi1> to vector<16xi32>
      %broadcast_in_dim3A_387 = arith.constant true
      %broadcast_in_dim3A_388 = vector.broadcast %broadcast_in_dim3A_387 : i1 to vector<16xi1>
      %masked_cumsum3A_389 = tpu.scan <sum>, %convert_element_type3A_386 masked %broadcast_in_dim3A_388 : vector<16xi32>, vector<16xi1> -> vector<16xi32>
      %add3A_390 = arith.addi %add3A_368, %masked_cumsum3A_389 : vector<16xi32>
      %le3A_391 = arith.cmpi sle, %add3A_390, %broadcast_in_dim3A_226 : vector<16xi32>
      %and3A_392 = arith.andi %eq3A_385, %le3A_391 : vector<16xi1>
      %gt3A_393 = arith.cmpi sgt, %xor3A_384, %broadcast_in_dim3A_205 : vector<16xi32>
      %or3A_394 = arith.ori %gt3A_393, %and3A_392 : vector<16xi1>
      %max3A_395 = arith.constant 0.000000e+00 : f32
      %max3A_396 = vector.broadcast %max3A_395 : f32 to vector<16xf32>
      %max3A_397 = arith.maximumf %get3A_376, %max3A_396 : vector<16xf32>
      %jit3A_398 = arith.constant 0.000000e+00 : f32
      %broadcast_in_dim3A_399 = vector.broadcast %jit3A_398 : f32 to vector<16xf32>
      %select_n3A_400 = arith.select %or3A_394, %max3A_397, %broadcast_in_dim3A_399 : vector<16xi1>, vector<16xf32>
      %swap3A_401 = arith.index_cast %mul3A_374 : i32 to index
      %swap3A_402 = tpu.vector_load %arg4[%swap3A_401] {strides = array<i32>} : memref<32768xf32, #tpu.memory_space<vmem>>, vector<16xf32>,
      tpu.vector_store %arg4[%swap3A_401], %select_n3A_400 {strides = array<i32>} : memref<32768xf32, #tpu.memory_space<vmem>>, vector<16xf32>,
      %all_reduce_population_count3A_403 = tpu.all_reduce %eq3A_385 {dim = 0 : i64, kind = #tpu.reduction_kind<sum>} : vector<16xi1> -> vector<16xi32>
      %add3A_404 = arith.addi %add3A_368, %all_reduce_population_count3A_403 : vector<16xi32>
      %mul3A_405 = arith.constant 4 : i32
      %mul3A_406 = arith.muli %scan3A_312, %mul3A_405 : i32
      %add3A_407 = arith.constant 3 : i32
      %add3A_408 = arith.addi %mul3A_406, %add3A_407 : i32
      %mul3A_409 = arith.constant 16 : i32
      %mul3A_410 = arith.muli %add3A_408, %mul3A_409 : i32
      %get3A_411 = arith.index_cast %mul3A_410 : i32 to index
      %get3A_412 = tpu.vector_load %arg4[%get3A_411] {strides = array<i32>} : memref<32768xf32, #tpu.memory_space<vmem>>, vector<16xf32>,
      %bitcast_convert_type3A_413 = tpu.bitcast %get3A_412 : vector<16xf32> -> vector<16xi32>
      %shift_right_arithmetic3A_414 = arith.constant 31 : i32
      %shift_right_arithmetic3A_415 = vector.broadcast %shift_right_arithmetic3A_414 : i32 to vector<16xi32>
      %shift_right_arithmetic3A_416 = arith.shrsi %bitcast_convert_type3A_413, %shift_right_arithmetic3A_415 : vector<16xi32>
      %shift_right_logical3A_417 = arith.constant 1 : i32
      %shift_right_logical3A_418 = vector.broadcast %shift_right_logical3A_417 : i32 to vector<16xi32>
      %shift_right_logical3A_419 = arith.shrui %shift_right_arithmetic3A_416, %shift_right_logical3A_418 : vector<16xi32>
      %xor3A_420 = arith.xori %bitcast_convert_type3A_413, %shift_right_logical3A_419 : vector<16xi32>
      %eq3A_421 = arith.cmpi eq, %xor3A_420, %broadcast_in_dim3A_205 : vector<16xi32>
      %convert_element_type3A_422 = arith.extui %eq3A_421 : vector<16xi1> to vector<16xi32>
      %broadcast_in_dim3A_423 = arith.constant true
      %broadcast_in_dim3A_424 = vector.broadcast %broadcast_in_dim3A_423 : i1 to vector<16xi1>
      %masked_cumsum3A_425 = tpu.scan <sum>, %convert_element_type3A_422 masked %broadcast_in_dim3A_424 : vector<16xi32>, vector<16xi1> -> vector<16xi32>
      %add3A_426 = arith.addi %add3A_404, %masked_cumsum3A_425 : vector<16xi32>
      %le3A_427 = arith.cmpi sle, %add3A_426, %broadcast_in_dim3A_226 : vector<16xi32>
      %and3A_428 = arith.andi %eq3A_421, %le3A_427 : vector<16xi1>
      %gt3A_429 = arith.cmpi sgt, %xor3A_420, %broadcast_in_dim3A_205 : vector<16xi32>
      %or3A_430 = arith.ori %gt3A_429, %and3A_428 : vector<16xi1>
      %max3A_431 = arith.constant 0.000000e+00 : f32
      %max3A_432 = vector.broadcast %max3A_431 : f32 to vector<16xf32>
      %max3A_433 = arith.maximumf %get3A_412, %max3A_432 : vector<16xf32>
      %jit3A_434 = arith.constant 0.000000e+00 : f32
      %broadcast_in_dim3A_435 = vector.broadcast %jit3A_434 : f32 to vector<16xf32>
      %select_n3A_436 = arith.select %or3A_430, %max3A_433, %broadcast_in_dim3A_435 : vector<16xi1>, vector<16xf32>
      %swap3A_437 = arith.index_cast %mul3A_410 : i32 to index
      %swap3A_438 = tpu.vector_load %arg4[%swap3A_437] {strides = array<i32>} : memref<32768xf32, #tpu.memory_space<vmem>>, vector<16xf32>,
      tpu.vector_store %arg4[%swap3A_437], %select_n3A_436 {strides = array<i32>} : memref<32768xf32, #tpu.memory_space<vmem>>, vector<16xf32>,
      %all_reduce_population_count3A_439 = tpu.all_reduce %eq3A_421 {dim = 0 : i64, kind = #tpu.reduction_kind<sum>} : vector<16xi1> -> vector<16xi32>
      %add3A_440 = arith.addi %add3A_404, %all_reduce_population_count3A_439 : vector<16xi32>
      scf.yield %add3A_440 : vector<16xi32>
    }
    %scan3A_234 = arith.constant 512 : i32
    "tpu.region"() ({
      %run_scoped3A = tpu.sem_alloc : memref<!tpu.dma_semaphore, #tpu.memory_space<semaphore_mem>>
      %dma_start3A = arith.constant 0 : i32
      %dma_start3A_312 = tpu.memref_slice %arg3[%add3A_161, %dma_start3A] : memref<128x32768xf32, #tpu.memory_space<hbm>> -> memref<1x32768xf32, #tpu.memory_space<hbm>>
      %dma_start3A_313 = tpu.memref_squeeze %dma_start3A_312 : memref<1x32768xf32, #tpu.memory_space<hbm>> -> memref<32768xf32, #tpu.memory_space<hbm>>
      %dma_start3A_314 = arith.constant 0 : i32
      %dma_start3A_315 = tpu.memref_slice %arg3[%add3A_161, %dma_start3A_314] : memref<128x32768xf32, #tpu.memory_space<hbm>> -> memref<1x32768xf32, #tpu.memory_space<hbm>>
      %dma_start3A_316 = tpu.memref_squeeze %dma_start3A_315 : memref<1x32768xf32, #tpu.memory_space<hbm>> -> memref<32768xf32, #tpu.memory_space<hbm>>
      tpu.enqueue_dma source(%arg4 : memref<32768xf32, #tpu.memory_space<vmem>>) target(%dma_start3A_316 : memref<32768xf32, #tpu.memory_space<hbm>>) target_semaphore(%run_scoped3A : memref<!tpu.dma_semaphore, #tpu.memory_space<semaphore_mem>>)
      %dma_wait3A = arith.constant 0 : i32
      %dma_wait3A_317 = tpu.memref_slice %arg3[%add3A_161, %dma_wait3A] : memref<128x32768xf32, #tpu.memory_space<hbm>> -> memref<1x32768xf32, #tpu.memory_space<hbm>>
      %dma_wait3A_318 = tpu.memref_squeeze %dma_wait3A_317 : memref<1x32768xf32, #tpu.memory_space<hbm>> -> memref<32768xf32, #tpu.memory_space<hbm>>
      %dma_wait3A_319 = arith.constant 0 : i32
      %dma_wait3A_320 = tpu.memref_slice %arg3[%add3A_161, %dma_wait3A_319] : memref<128x32768xf32, #tpu.memory_space<hbm>> -> memref<1x32768xf32, #tpu.memory_space<hbm>>
      %dma_wait3A_321 = tpu.memref_squeeze %dma_wait3A_320 : memref<1x32768xf32, #tpu.memory_space<hbm>> -> memref<32768xf32, #tpu.memory_space<hbm>>
      tpu.wait_dma2 semaphore(%run_scoped3A : memref<!tpu.dma_semaphore, #tpu.memory_space<semaphore_mem>>) src(%arg4 : memref<32768xf32, #tpu.memory_space<vmem>>) dst(%dma_wait3A_321 : memref<32768xf32, #tpu.memory_space<hbm>>)
      tpu.yield
    }) : () -> ()
    %mul3A_235 = arith.constant 4 : i32
    %mul3A_236 = arith.muli %add3A, %mul3A_235 : i32
    %add3A_237 = arith.constant 3 : i32
    %add3A_238 = arith.addi %mul3A_236, %add3A_237 : i32
    "tpu.region"() ({
      %run_scoped3A = tpu.sem_alloc : memref<!tpu.dma_semaphore, #tpu.memory_space<semaphore_mem>>
      %dma_start3A = arith.constant 0 : i32
      %dma_start3A_312 = tpu.memref_slice %arg2[%add3A_238, %dma_start3A] : memref<128x32768xf32, #tpu.memory_space<hbm>> -> memref<1x32768xf32, #tpu.memory_space<hbm>>
      %dma_start3A_313 = tpu.memref_squeeze %dma_start3A_312 : memref<1x32768xf32, #tpu.memory_space<hbm>> -> memref<32768xf32, #tpu.memory_space<hbm>>
      %dma_start3A_314 = arith.constant 0 : i32
      %dma_start3A_315 = tpu.memref_slice %arg2[%add3A_238, %dma_start3A_314] : memref<128x32768xf32, #tpu.memory_space<hbm>> -> memref<1x32768xf32, #tpu.memory_space<hbm>>
      %dma_start3A_316 = tpu.memref_squeeze %dma_start3A_315 : memref<1x32768xf32, #tpu.memory_space<hbm>> -> memref<32768xf32, #tpu.memory_space<hbm>>
      tpu.enqueue_dma source(%dma_start3A_316 : memref<32768xf32, #tpu.memory_space<hbm>>) target(%arg4 : memref<32768xf32, #tpu.memory_space<vmem>>) target_semaphore(%run_scoped3A : memref<!tpu.dma_semaphore, #tpu.memory_space<semaphore_mem>>)
      %dma_wait3A = arith.constant 0 : i32
      %dma_wait3A_317 = tpu.memref_slice %arg2[%add3A_238, %dma_wait3A] : memref<128x32768xf32, #tpu.memory_space<hbm>> -> memref<1x32768xf32, #tpu.memory_space<hbm>>
      %dma_wait3A_318 = tpu.memref_squeeze %dma_wait3A_317 : memref<1x32768xf32, #tpu.memory_space<hbm>> -> memref<32768xf32, #tpu.memory_space<hbm>>
      %dma_wait3A_319 = arith.constant 0 : i32
      %dma_wait3A_320 = tpu.memref_slice %arg2[%add3A_238, %dma_wait3A_319] : memref<128x32768xf32, #tpu.memory_space<hbm>> -> memref<1x32768xf32, #tpu.memory_space<hbm>>
      %dma_wait3A_321 = tpu.memref_squeeze %dma_wait3A_320 : memref<1x32768xf32, #tpu.memory_space<hbm>> -> memref<32768xf32, #tpu.memory_space<hbm>>
      tpu.wait_dma2 semaphore(%run_scoped3A : memref<!tpu.dma_semaphore, #tpu.memory_space<semaphore_mem>>) src(%dma_wait3A_321 : memref<32768xf32, #tpu.memory_space<hbm>>) dst(%arg4 : memref<32768xf32, #tpu.memory_space<vmem>>)
      tpu.yield
    }) : () -> ()
    %scan3A_239 = arith.constant 0 : i32
    %scan3A_240 = arith.constant 0 : i32
    %scan3A_241 = arith.constant 512 : i32
    %scan3A_242 = arith.addi %scan3A_240, %scan3A_241 : i32
    %scan3A_243 = arith.constant 1 : i32
    scf.for %scan3A_312 = %scan3A_240 to %scan3A_242 step %scan3A_243  : i32 {
      %mul3A_313 = arith.constant 4 : i32
      %mul3A_314 = arith.muli %scan3A_312, %mul3A_313 : i32
      %add3A_315 = arith.constant 0 : i32
      %add3A_316 = arith.addi %mul3A_314, %add3A_315 : i32
      %mul3A_317 = arith.constant 16 : i32
      %mul3A_318 = arith.muli %add3A_316, %mul3A_317 : i32
      %get3A = arith.index_cast %mul3A_318 : i32 to index
      %get3A_319 = tpu.vector_load %arg4[%get3A] {strides = array<i32>} : memref<32768xf32, #tpu.memory_space<vmem>>, vector<16xf32>,
      %bitcast_convert_type3A = tpu.bitcast %get3A_319 : vector<16xf32> -> vector<16xi32>
      %shift_right_arithmetic3A = arith.constant 31 : i32
      %shift_right_arithmetic3A_320 = vector.broadcast %shift_right_arithmetic3A : i32 to vector<16xi32>
      %shift_right_arithmetic3A_321 = arith.shrsi %bitcast_convert_type3A, %shift_right_arithmetic3A_320 : vector<16xi32>
      %shift_right_logical3A = arith.constant 1 : i32
      %shift_right_logical3A_322 = vector.broadcast %shift_right_logical3A : i32 to vector<16xi32>
      %shift_right_logical3A_323 = arith.shrui %shift_right_arithmetic3A_321, %shift_right_logical3A_322 : vector<16xi32>
      %xor3A = arith.xori %bitcast_convert_type3A, %shift_right_logical3A_323 : vector<16xi32>
      %shift_right_arithmetic3A_324 = arith.constant 24 : i32
      %shift_right_arithmetic3A_325 = vector.broadcast %shift_right_arithmetic3A_324 : i32 to vector<16xi32>
      %shift_right_arithmetic3A_326 = arith.shrsi %xor3A, %shift_right_arithmetic3A_325 : vector<16xi32>
      %add3A_327 = arith.constant 128 : i32
      %add3A_328 = vector.broadcast %add3A_327 : i32 to vector<16xi32>
      %add3A_329 = arith.addi %shift_right_arithmetic3A_326, %add3A_328 : vector<16xi32>
      %mul3A_330 = arith.constant 16 : i32
      %mul3A_331 = vector.broadcast %mul3A_330 : i32 to vector<16xi32>
      %mul3A_332 = arith.muli %add3A_329, %mul3A_331 : vector<16xi32>
      %add3A_333 = arith.addi %mul3A_332, %iota3A : vector<16xi32>
      tpu.vector_store_idx %arg5[%add3A_333], %broadcast_in_dim3A_1 {add = true} : memref<4096xi32, #tpu.memory_space<vmem>>[vector<16xi32>], vector<16xi32>,
      %mul3A_334 = arith.constant 4 : i32
      %mul3A_335 = arith.muli %scan3A_312, %mul3A_334 : i32
      %add3A_336 = arith.constant 1 : i32
      %add3A_337 = arith.addi %mul3A_335, %add3A_336 : i32
      %mul3A_338 = arith.constant 16 : i32
      %mul3A_339 = arith.muli %add3A_337, %mul3A_338 : i32
      %get3A_340 = arith.index_cast %mul3A_339 : i32 to index
      %get3A_341 = tpu.vector_load %arg4[%get3A_340] {strides = array<i32>} : memref<32768xf32, #tpu.memory_space<vmem>>, vector<16xf32>,
      %bitcast_convert_type3A_342 = tpu.bitcast %get3A_341 : vector<16xf32> -> vector<16xi32>
      %shift_right_arithmetic3A_343 = arith.constant 31 : i32
      %shift_right_arithmetic3A_344 = vector.broadcast %shift_right_arithmetic3A_343 : i32 to vector<16xi32>
      %shift_right_arithmetic3A_345 = arith.shrsi %bitcast_convert_type3A_342, %shift_right_arithmetic3A_344 : vector<16xi32>
      %shift_right_logical3A_346 = arith.constant 1 : i32
      %shift_right_logical3A_347 = vector.broadcast %shift_right_logical3A_346 : i32 to vector<16xi32>
      %shift_right_logical3A_348 = arith.shrui %shift_right_arithmetic3A_345, %shift_right_logical3A_347 : vector<16xi32>
      %xor3A_349 = arith.xori %bitcast_convert_type3A_342, %shift_right_logical3A_348 : vector<16xi32>
      %shift_right_arithmetic3A_350 = arith.constant 24 : i32
      %shift_right_arithmetic3A_351 = vector.broadcast %shift_right_arithmetic3A_350 : i32 to vector<16xi32>
      %shift_right_arithmetic3A_352 = arith.shrsi %xor3A_349, %shift_right_arithmetic3A_351 : vector<16xi32>
      %add3A_353 = arith.constant 128 : i32
      %add3A_354 = vector.broadcast %add3A_353 : i32 to vector<16xi32>
      %add3A_355 = arith.addi %shift_right_arithmetic3A_352, %add3A_354 : vector<16xi32>
      %mul3A_356 = arith.constant 16 : i32
      %mul3A_357 = vector.broadcast %mul3A_356 : i32 to vector<16xi32>
      %mul3A_358 = arith.muli %add3A_355, %mul3A_357 : vector<16xi32>
      %add3A_359 = arith.addi %mul3A_358, %iota3A : vector<16xi32>
      tpu.vector_store_idx %arg5[%add3A_359], %broadcast_in_dim3A_1 {add = true} : memref<4096xi32, #tpu.memory_space<vmem>>[vector<16xi32>], vector<16xi32>,
      %mul3A_360 = arith.constant 4 : i32
      %mul3A_361 = arith.muli %scan3A_312, %mul3A_360 : i32
      %add3A_362 = arith.constant 2 : i32
      %add3A_363 = arith.addi %mul3A_361, %add3A_362 : i32
      %mul3A_364 = arith.constant 16 : i32
      %mul3A_365 = arith.muli %add3A_363, %mul3A_364 : i32
      %get3A_366 = arith.index_cast %mul3A_365 : i32 to index
      %get3A_367 = tpu.vector_load %arg4[%get3A_366] {strides = array<i32>} : memref<32768xf32, #tpu.memory_space<vmem>>, vector<16xf32>,
      %bitcast_convert_type3A_368 = tpu.bitcast %get3A_367 : vector<16xf32> -> vector<16xi32>
      %shift_right_arithmetic3A_369 = arith.constant 31 : i32
      %shift_right_arithmetic3A_370 = vector.broadcast %shift_right_arithmetic3A_369 : i32 to vector<16xi32>
      %shift_right_arithmetic3A_371 = arith.shrsi %bitcast_convert_type3A_368, %shift_right_arithmetic3A_370 : vector<16xi32>
      %shift_right_logical3A_372 = arith.constant 1 : i32
      %shift_right_logical3A_373 = vector.broadcast %shift_right_logical3A_372 : i32 to vector<16xi32>
      %shift_right_logical3A_374 = arith.shrui %shift_right_arithmetic3A_371, %shift_right_logical3A_373 : vector<16xi32>
      %xor3A_375 = arith.xori %bitcast_convert_type3A_368, %shift_right_logical3A_374 : vector<16xi32>
      %shift_right_arithmetic3A_376 = arith.constant 24 : i32
      %shift_right_arithmetic3A_377 = vector.broadcast %shift_right_arithmetic3A_376 : i32 to vector<16xi32>
      %shift_right_arithmetic3A_378 = arith.shrsi %xor3A_375, %shift_right_arithmetic3A_377 : vector<16xi32>
      %add3A_379 = arith.constant 128 : i32
      %add3A_380 = vector.broadcast %add3A_379 : i32 to vector<16xi32>
      %add3A_381 = arith.addi %shift_right_arithmetic3A_378, %add3A_380 : vector<16xi32>
      %mul3A_382 = arith.constant 16 : i32
      %mul3A_383 = vector.broadcast %mul3A_382 : i32 to vector<16xi32>
      %mul3A_384 = arith.muli %add3A_381, %mul3A_383 : vector<16xi32>
      %add3A_385 = arith.addi %mul3A_384, %iota3A : vector<16xi32>
      tpu.vector_store_idx %arg5[%add3A_385], %broadcast_in_dim3A_1 {add = true} : memref<4096xi32, #tpu.memory_space<vmem>>[vector<16xi32>], vector<16xi32>,
      %mul3A_386 = arith.constant 4 : i32
      %mul3A_387 = arith.muli %scan3A_312, %mul3A_386 : i32
      %add3A_388 = arith.constant 3 : i32
      %add3A_389 = arith.addi %mul3A_387, %add3A_388 : i32
      %mul3A_390 = arith.constant 16 : i32
      %mul3A_391 = arith.muli %add3A_389, %mul3A_390 : i32
      %get3A_392 = arith.index_cast %mul3A_391 : i32 to index
      %get3A_393 = tpu.vector_load %arg4[%get3A_392] {strides = array<i32>} : memref<32768xf32, #tpu.memory_space<vmem>>, vector<16xf32>,
      %bitcast_convert_type3A_394 = tpu.bitcast %get3A_393 : vector<16xf32> -> vector<16xi32>
      %shift_right_arithmetic3A_395 = arith.constant 31 : i32
      %shift_right_arithmetic3A_396 = vector.broadcast %shift_right_arithmetic3A_395 : i32 to vector<16xi32>
      %shift_right_arithmetic3A_397 = arith.shrsi %bitcast_convert_type3A_394, %shift_right_arithmetic3A_396 : vector<16xi32>
      %shift_right_logical3A_398 = arith.constant 1 : i32
      %shift_right_logical3A_399 = vector.broadcast %shift_right_logical3A_398 : i32 to vector<16xi32>
      %shift_right_logical3A_400 = arith.shrui %shift_right_arithmetic3A_397, %shift_right_logical3A_399 : vector<16xi32>
      %xor3A_401 = arith.xori %bitcast_convert_type3A_394, %shift_right_logical3A_400 : vector<16xi32>
      %shift_right_arithmetic3A_402 = arith.constant 24 : i32
      %shift_right_arithmetic3A_403 = vector.broadcast %shift_right_arithmetic3A_402 : i32 to vector<16xi32>
      %shift_right_arithmetic3A_404 = arith.shrsi %xor3A_401, %shift_right_arithmetic3A_403 : vector<16xi32>
      %add3A_405 = arith.constant 128 : i32
      %add3A_406 = vector.broadcast %add3A_405 : i32 to vector<16xi32>
      %add3A_407 = arith.addi %shift_right_arithmetic3A_404, %add3A_406 : vector<16xi32>
      %mul3A_408 = arith.constant 16 : i32
      %mul3A_409 = vector.broadcast %mul3A_408 : i32 to vector<16xi32>
      %mul3A_410 = arith.muli %add3A_407, %mul3A_409 : vector<16xi32>
      %add3A_411 = arith.addi %mul3A_410, %iota3A : vector<16xi32>
      tpu.vector_store_idx %arg5[%add3A_411], %broadcast_in_dim3A_1 {add = true} : memref<4096xi32, #tpu.memory_space<vmem>>[vector<16xi32>], vector<16xi32>,
    }
    %scan3A_244 = arith.constant 512 : i32
    %scan3A_245 = arith.constant 0 : i32
    %scan3A_246 = arith.constant 0 : i32
    %scan3A_247 = arith.constant 0 : i32
    %scan3A_248 = arith.constant 0 : i32
    %scan3A_249 = arith.constant 0 : i32
    %scan3A_250 = arith.constant 256 : i32
    %scan3A_251 = arith.addi %scan3A_249, %scan3A_250 : i32
    %scan3A_252 = arith.constant 1 : i32
    %scan3A_253:4 = scf.for %scan3A_312 = %scan3A_249 to %scan3A_251 step %scan3A_252 iter_args(%scan3A_313 = %scan3A_245, %scan3A_314 = %scan3A_246, %scan3A_315 = %scan3A_247, %scan3A_316 = %scan3A_248) -> (i32, i32, i32, i32)  : i32 {
      %sub3A_317 = arith.constant 255 : i32
      %sub3A_318 = arith.subi %sub3A_317, %scan3A_312 : i32
      %mul3A_319 = arith.constant 16 : i32
      %mul3A_320 = arith.muli %sub3A_318, %mul3A_319 : i32
      %get3A = arith.index_cast %mul3A_320 : i32 to index
      %get3A_321 = tpu.vector_load %arg5[%get3A] {strides = array<i32>} : memref<4096xi32, #tpu.memory_space<vmem>>, vector<16xi32>,
      %mul3A_322 = arith.constant 16 : i32
      %mul3A_323 = arith.muli %sub3A_318, %mul3A_322 : i32
      %swap3A = arith.index_cast %mul3A_323 : i32 to index
      %swap3A_324 = tpu.vector_load %arg5[%swap3A] {strides = array<i32>} : memref<4096xi32, #tpu.memory_space<vmem>>, vector<16xi32>,
      tpu.vector_store %arg5[%swap3A], %broadcast_in_dim3A_3 {strides = array<i32>} : memref<4096xi32, #tpu.memory_space<vmem>>, vector<16xi32>,
      %reduce_sum3A = arith.constant true
      %reduce_sum3A_325 = vector.broadcast %reduce_sum3A : i1 to vector<16xi1>
      %reduce_sum3A_326 = tpu.scan <sum>, %get3A_321 masked %reduce_sum3A_325 : vector<16xi32>, vector<16xi1> -> vector<16xi32>
      %reduce_sum3A_327 = vector.extract %reduce_sum3A_326[15] : i32 from vector<16xi32>
      %add3A_328 = arith.addi %scan3A_313, %reduce_sum3A_327 : i32
      %lt3A = arith.constant 64 : i32
      %lt3A_329 = arith.cmpi slt, %scan3A_313, %lt3A : i32
      %ge3A = arith.constant 64 : i32
      %ge3A_330 = arith.cmpi sge, %add3A_328, %ge3A : i32
      %and3A = arith.andi %lt3A_329, %ge3A_330 : i1
      %select_n3A = arith.select %and3A, %sub3A_318, %scan3A_314 : i32
      %select_n3A_331 = arith.select %and3A, %scan3A_313, %scan3A_315 : i32
      %select_n3A_332 = arith.select %and3A, %reduce_sum3A_327, %scan3A_316 : i32
      scf.yield %add3A_328, %select_n3A, %select_n3A_331, %select_n3A_332 : i32, i32, i32, i32
    }
    %scan3A_254 = arith.constant 256 : i32
    %sub3A_255 = arith.constant 64 : i32
    %sub3A_256 = arith.subi %sub3A_255, %scan3A_253#2 : i32
    %sub3A_257 = arith.constant 128 : i32
    %sub3A_258 = arith.subi %scan3A_253#1, %sub3A_257 : i32
    %broadcast_in_dim3A_259 = arith.constant 0 : i32
    %broadcast_in_dim3A_260 = vector.broadcast %broadcast_in_dim3A_259 : i32 to vector<16xi32>
    %scan3A_261 = arith.constant 0 : i32
    %scan3A_262 = arith.constant 512 : i32
    %scan3A_263 = arith.addi %scan3A_261, %scan3A_262 : i32
    %scan3A_264 = arith.constant 1 : i32
    %scan3A_265 = scf.for %scan3A_312 = %scan3A_261 to %scan3A_263 step %scan3A_264 iter_args(%scan3A_313 = %broadcast_in_dim3A_260) -> (vector<16xi32>)  : i32 {
      %mul3A_314 = arith.constant 4 : i32
      %mul3A_315 = arith.muli %scan3A_312, %mul3A_314 : i32
      %add3A_316 = arith.constant 0 : i32
      %add3A_317 = arith.addi %mul3A_315, %add3A_316 : i32
      %mul3A_318 = arith.constant 16 : i32
      %mul3A_319 = arith.muli %add3A_317, %mul3A_318 : i32
      %get3A = arith.index_cast %mul3A_319 : i32 to index
      %get3A_320 = tpu.vector_load %arg4[%get3A] {strides = array<i32>} : memref<32768xf32, #tpu.memory_space<vmem>>, vector<16xf32>,
      %bitcast_convert_type3A = tpu.bitcast %get3A_320 : vector<16xf32> -> vector<16xi32>
      %shift_right_arithmetic3A = arith.constant 31 : i32
      %shift_right_arithmetic3A_321 = vector.broadcast %shift_right_arithmetic3A : i32 to vector<16xi32>
      %shift_right_arithmetic3A_322 = arith.shrsi %bitcast_convert_type3A, %shift_right_arithmetic3A_321 : vector<16xi32>
      %shift_right_logical3A = arith.constant 1 : i32
      %shift_right_logical3A_323 = vector.broadcast %shift_right_logical3A : i32 to vector<16xi32>
      %shift_right_logical3A_324 = arith.shrui %shift_right_arithmetic3A_322, %shift_right_logical3A_323 : vector<16xi32>
      %xor3A = arith.xori %bitcast_convert_type3A, %shift_right_logical3A_324 : vector<16xi32>
      %shift_right_arithmetic3A_325 = arith.constant 24 : i32
      %shift_right_arithmetic3A_326 = vector.broadcast %shift_right_arithmetic3A_325 : i32 to vector<16xi32>
      %shift_right_arithmetic3A_327 = arith.shrsi %xor3A, %shift_right_arithmetic3A_326 : vector<16xi32>
      %eq3A = vector.broadcast %sub3A_258 : i32 to vector<16xi32>
      %eq3A_328 = arith.cmpi eq, %shift_right_arithmetic3A_327, %eq3A : vector<16xi32>
      %convert_element_type3A = arith.extui %eq3A_328 : vector<16xi1> to vector<16xi32>
      %broadcast_in_dim3A_329 = arith.constant true
      %broadcast_in_dim3A_330 = vector.broadcast %broadcast_in_dim3A_329 : i1 to vector<16xi1>
      %masked_cumsum3A = tpu.scan <sum>, %convert_element_type3A masked %broadcast_in_dim3A_330 : vector<16xi32>, vector<16xi1> -> vector<16xi32>
      %add3A_331 = arith.addi %scan3A_313, %masked_cumsum3A : vector<16xi32>
      %sub3A_332 = arith.constant 1 : i32
      %sub3A_333 = vector.broadcast %sub3A_332 : i32 to vector<16xi32>
      %sub3A_334 = arith.subi %add3A_331, %sub3A_333 : vector<16xi32>
      tpu.vector_store_idx %arg6[%sub3A_334], %xor3A masked %eq3A_328 : memref<32784xi32, #tpu.memory_space<vmem>>[vector<16xi32>], vector<16xi32>, vector<16xi1>
      %all_reduce_population_count3A = tpu.all_reduce %eq3A_328 {dim = 0 : i64, kind = #tpu.reduction_kind<sum>} : vector<16xi1> -> vector<16xi32>
      %add3A_335 = arith.addi %scan3A_313, %all_reduce_population_count3A : vector<16xi32>
      %mul3A_336 = arith.constant 4 : i32
      %mul3A_337 = arith.muli %scan3A_312, %mul3A_336 : i32
      %add3A_338 = arith.constant 1 : i32
      %add3A_339 = arith.addi %mul3A_337, %add3A_338 : i32
      %mul3A_340 = arith.constant 16 : i32
      %mul3A_341 = arith.muli %add3A_339, %mul3A_340 : i32
      %get3A_342 = arith.index_cast %mul3A_341 : i32 to index
      %get3A_343 = tpu.vector_load %arg4[%get3A_342] {strides = array<i32>} : memref<32768xf32, #tpu.memory_space<vmem>>, vector<16xf32>,
      %bitcast_convert_type3A_344 = tpu.bitcast %get3A_343 : vector<16xf32> -> vector<16xi32>
      %shift_right_arithmetic3A_345 = arith.constant 31 : i32
      %shift_right_arithmetic3A_346 = vector.broadcast %shift_right_arithmetic3A_345 : i32 to vector<16xi32>
      %shift_right_arithmetic3A_347 = arith.shrsi %bitcast_convert_type3A_344, %shift_right_arithmetic3A_346 : vector<16xi32>
      %shift_right_logical3A_348 = arith.constant 1 : i32
      %shift_right_logical3A_349 = vector.broadcast %shift_right_logical3A_348 : i32 to vector<16xi32>
      %shift_right_logical3A_350 = arith.shrui %shift_right_arithmetic3A_347, %shift_right_logical3A_349 : vector<16xi32>
      %xor3A_351 = arith.xori %bitcast_convert_type3A_344, %shift_right_logical3A_350 : vector<16xi32>
      %shift_right_arithmetic3A_352 = arith.constant 24 : i32
      %shift_right_arithmetic3A_353 = vector.broadcast %shift_right_arithmetic3A_352 : i32 to vector<16xi32>
      %shift_right_arithmetic3A_354 = arith.shrsi %xor3A_351, %shift_right_arithmetic3A_353 : vector<16xi32>
      %eq3A_355 = vector.broadcast %sub3A_258 : i32 to vector<16xi32>
      %eq3A_356 = arith.cmpi eq, %shift_right_arithmetic3A_354, %eq3A_355 : vector<16xi32>
      %convert_element_type3A_357 = arith.extui %eq3A_356 : vector<16xi1> to vector<16xi32>
      %broadcast_in_dim3A_358 = arith.constant true
      %broadcast_in_dim3A_359 = vector.broadcast %broadcast_in_dim3A_358 : i1 to vector<16xi1>
      %masked_cumsum3A_360 = tpu.scan <sum>, %convert_element_type3A_357 masked %broadcast_in_dim3A_359 : vector<16xi32>, vector<16xi1> -> vector<16xi32>
      %add3A_361 = arith.addi %add3A_335, %masked_cumsum3A_360 : vector<16xi32>
      %sub3A_362 = arith.constant 1 : i32
      %sub3A_363 = vector.broadcast %sub3A_362 : i32 to vector<16xi32>
      %sub3A_364 = arith.subi %add3A_361, %sub3A_363 : vector<16xi32>
      tpu.vector_store_idx %arg6[%sub3A_364], %xor3A_351 masked %eq3A_356 : memref<32784xi32, #tpu.memory_space<vmem>>[vector<16xi32>], vector<16xi32>, vector<16xi1>
      %all_reduce_population_count3A_365 = tpu.all_reduce %eq3A_356 {dim = 0 : i64, kind = #tpu.reduction_kind<sum>} : vector<16xi1> -> vector<16xi32>
      %add3A_366 = arith.addi %add3A_335, %all_reduce_population_count3A_365 : vector<16xi32>
      %mul3A_367 = arith.constant 4 : i32
      %mul3A_368 = arith.muli %scan3A_312, %mul3A_367 : i32
      %add3A_369 = arith.constant 2 : i32
      %add3A_370 = arith.addi %mul3A_368, %add3A_369 : i32
      %mul3A_371 = arith.constant 16 : i32
      %mul3A_372 = arith.muli %add3A_370, %mul3A_371 : i32
      %get3A_373 = arith.index_cast %mul3A_372 : i32 to index
      %get3A_374 = tpu.vector_load %arg4[%get3A_373] {strides = array<i32>} : memref<32768xf32, #tpu.memory_space<vmem>>, vector<16xf32>,
      %bitcast_convert_type3A_375 = tpu.bitcast %get3A_374 : vector<16xf32> -> vector<16xi32>
      %shift_right_arithmetic3A_376 = arith.constant 31 : i32
      %shift_right_arithmetic3A_377 = vector.broadcast %shift_right_arithmetic3A_376 : i32 to vector<16xi32>
      %shift_right_arithmetic3A_378 = arith.shrsi %bitcast_convert_type3A_375, %shift_right_arithmetic3A_377 : vector<16xi32>
      %shift_right_logical3A_379 = arith.constant 1 : i32
      %shift_right_logical3A_380 = vector.broadcast %shift_right_logical3A_379 : i32 to vector<16xi32>
      %shift_right_logical3A_381 = arith.shrui %shift_right_arithmetic3A_378, %shift_right_logical3A_380 : vector<16xi32>
      %xor3A_382 = arith.xori %bitcast_convert_type3A_375, %shift_right_logical3A_381 : vector<16xi32>
      %shift_right_arithmetic3A_383 = arith.constant 24 : i32
      %shift_right_arithmetic3A_384 = vector.broadcast %shift_right_arithmetic3A_383 : i32 to vector<16xi32>
      %shift_right_arithmetic3A_385 = arith.shrsi %xor3A_382, %shift_right_arithmetic3A_384 : vector<16xi32>
      %eq3A_386 = vector.broadcast %sub3A_258 : i32 to vector<16xi32>
      %eq3A_387 = arith.cmpi eq, %shift_right_arithmetic3A_385, %eq3A_386 : vector<16xi32>
      %convert_element_type3A_388 = arith.extui %eq3A_387 : vector<16xi1> to vector<16xi32>
      %broadcast_in_dim3A_389 = arith.constant true
      %broadcast_in_dim3A_390 = vector.broadcast %broadcast_in_dim3A_389 : i1 to vector<16xi1>
      %masked_cumsum3A_391 = tpu.scan <sum>, %convert_element_type3A_388 masked %broadcast_in_dim3A_390 : vector<16xi32>, vector<16xi1> -> vector<16xi32>
      %add3A_392 = arith.addi %add3A_366, %masked_cumsum3A_391 : vector<16xi32>
      %sub3A_393 = arith.constant 1 : i32
      %sub3A_394 = vector.broadcast %sub3A_393 : i32 to vector<16xi32>
      %sub3A_395 = arith.subi %add3A_392, %sub3A_394 : vector<16xi32>
      tpu.vector_store_idx %arg6[%sub3A_395], %xor3A_382 masked %eq3A_387 : memref<32784xi32, #tpu.memory_space<vmem>>[vector<16xi32>], vector<16xi32>, vector<16xi1>
      %all_reduce_population_count3A_396 = tpu.all_reduce %eq3A_387 {dim = 0 : i64, kind = #tpu.reduction_kind<sum>} : vector<16xi1> -> vector<16xi32>
      %add3A_397 = arith.addi %add3A_366, %all_reduce_population_count3A_396 : vector<16xi32>
      %mul3A_398 = arith.constant 4 : i32
      %mul3A_399 = arith.muli %scan3A_312, %mul3A_398 : i32
      %add3A_400 = arith.constant 3 : i32
      %add3A_401 = arith.addi %mul3A_399, %add3A_400 : i32
      %mul3A_402 = arith.constant 16 : i32
      %mul3A_403 = arith.muli %add3A_401, %mul3A_402 : i32
      %get3A_404 = arith.index_cast %mul3A_403 : i32 to index
      %get3A_405 = tpu.vector_load %arg4[%get3A_404] {strides = array<i32>} : memref<32768xf32, #tpu.memory_space<vmem>>, vector<16xf32>,
      %bitcast_convert_type3A_406 = tpu.bitcast %get3A_405 : vector<16xf32> -> vector<16xi32>
      %shift_right_arithmetic3A_407 = arith.constant 31 : i32
      %shift_right_arithmetic3A_408 = vector.broadcast %shift_right_arithmetic3A_407 : i32 to vector<16xi32>
      %shift_right_arithmetic3A_409 = arith.shrsi %bitcast_convert_type3A_406, %shift_right_arithmetic3A_408 : vector<16xi32>
      %shift_right_logical3A_410 = arith.constant 1 : i32
      %shift_right_logical3A_411 = vector.broadcast %shift_right_logical3A_410 : i32 to vector<16xi32>
      %shift_right_logical3A_412 = arith.shrui %shift_right_arithmetic3A_409, %shift_right_logical3A_411 : vector<16xi32>
      %xor3A_413 = arith.xori %bitcast_convert_type3A_406, %shift_right_logical3A_412 : vector<16xi32>
      %shift_right_arithmetic3A_414 = arith.constant 24 : i32
      %shift_right_arithmetic3A_415 = vector.broadcast %shift_right_arithmetic3A_414 : i32 to vector<16xi32>
      %shift_right_arithmetic3A_416 = arith.shrsi %xor3A_413, %shift_right_arithmetic3A_415 : vector<16xi32>
      %eq3A_417 = vector.broadcast %sub3A_258 : i32 to vector<16xi32>
      %eq3A_418 = arith.cmpi eq, %shift_right_arithmetic3A_416, %eq3A_417 : vector<16xi32>
      %convert_element_type3A_419 = arith.extui %eq3A_418 : vector<16xi1> to vector<16xi32>
      %broadcast_in_dim3A_420 = arith.constant true
      %broadcast_in_dim3A_421 = vector.broadcast %broadcast_in_dim3A_420 : i1 to vector<16xi1>
      %masked_cumsum3A_422 = tpu.scan <sum>, %convert_element_type3A_419 masked %broadcast_in_dim3A_421 : vector<16xi32>, vector<16xi1> -> vector<16xi32>
      %add3A_423 = arith.addi %add3A_397, %masked_cumsum3A_422 : vector<16xi32>
      %sub3A_424 = arith.constant 1 : i32
      %sub3A_425 = vector.broadcast %sub3A_424 : i32 to vector<16xi32>
      %sub3A_426 = arith.subi %add3A_423, %sub3A_425 : vector<16xi32>
      tpu.vector_store_idx %arg6[%sub3A_426], %xor3A_413 masked %eq3A_418 : memref<32784xi32, #tpu.memory_space<vmem>>[vector<16xi32>], vector<16xi32>, vector<16xi1>
      %all_reduce_population_count3A_427 = tpu.all_reduce %eq3A_418 {dim = 0 : i64, kind = #tpu.reduction_kind<sum>} : vector<16xi1> -> vector<16xi32>
      %add3A_428 = arith.addi %add3A_397, %all_reduce_population_count3A_427 : vector<16xi32>
      scf.yield %add3A_428 : vector<16xi32>
    }
    %scan3A_266 = arith.constant 512 : i32
    %add3A_267 = arith.addi %scan3A_265, %iota3A : vector<16xi32>
    %broadcast_in_dim3A_268 = arith.constant -2147483648 : i32
    %broadcast_in_dim3A_269 = vector.broadcast %broadcast_in_dim3A_268 : i32 to vector<16xi32>
    tpu.vector_store_idx %arg6[%add3A_267], %broadcast_in_dim3A_269 : memref<32784xi32, #tpu.memory_space<vmem>>[vector<16xi32>], vector<16xi32>,
    %add3A_270 = arith.constant 15 : i32
    %add3A_271 = arith.addi %scan3A_253#3, %add3A_270 : i32
    %div3A_272 = arith.constant 16 : i32
    %div3A_273 = arith.divsi %add3A_271, %div3A_272 : i32
    %shift_left3A_274 = arith.constant 24 : i32
    %shift_left3A_275 = arith.shli %sub3A_258, %shift_left3A_274 : i32
    %scan3A_276 = arith.constant 0 : i32
    %scan3A_277 = arith.constant 24 : i32
    %scan3A_278 = arith.addi %scan3A_276, %scan3A_277 : i32
    %scan3A_279 = arith.constant 1 : i32
    %scan3A_280 = scf.for %scan3A_312 = %scan3A_276 to %scan3A_278 step %scan3A_279 iter_args(%scan3A_313 = %shift_left3A_275) -> (i32)  : i32 {
      %sub3A_314 = arith.constant 23 : i32
      %sub3A_315 = arith.subi %sub3A_314, %scan3A_312 : i32
      %shift_left3A_316 = arith.constant 1 : i32
      %shift_left3A_317 = arith.shli %shift_left3A_316, %sub3A_315 : i32
      %or3A = arith.ori %scan3A_313, %shift_left3A_317 : i32
      %broadcast_in_dim3A_318 = vector.broadcast %or3A : i32 to vector<16xi32>
      %while3A_319 = arith.constant 0 : i32
      %while3A_320 = arith.subi %div3A_273, %while3A_319 : i32
      %while3A_321 = arith.addi %while3A_319, %while3A_320 : i32
      %while3A_322 = arith.constant 1 : i32
      %while3A_323 = arith.divsi %while3A_320, %while3A_322 : i32
      %while3A_324 = arith.muli %while3A_323, %while3A_322 : i32
      %while3A_325 = arith.addi %while3A_319, %while3A_324 : i32
      %while3A_326 = arith.constant 1 : i32
      %while3A_327 = scf.for %while3A_338 = %while3A_319 to %while3A_325 step %while3A_326 iter_args(%while3A_339 = %broadcast_in_dim3A_3) -> (vector<16xi32>)  : i32 {
        %mul3A_340 = arith.constant 16 : i32
        %mul3A_341 = arith.muli %while3A_338, %mul3A_340 : i32
        %get3A = arith.index_cast %mul3A_341 : i32 to index
        %get3A_342 = tpu.vector_load %arg6[%get3A] {strides = array<i32>} : memref<32784xi32, #tpu.memory_space<vmem>>, vector<16xi32>,
        %ge3A_343 = arith.cmpi sge, %get3A_342, %broadcast_in_dim3A_318 : vector<16xi32>
        %all_reduce_population_count3A = tpu.all_reduce %ge3A_343 {dim = 0 : i64, kind = #tpu.reduction_kind<sum>} : vector<16xi1> -> vector<16xi32>
        %add3A_344 = arith.addi %while3A_339, %all_reduce_population_count3A : vector<16xi32>
        scf.yield %add3A_344 : vector<16xi32>
      }
      %while3A_328 = arith.constant 1 : i32
      %while3A_329 = scf.for %while3A_338 = %while3A_325 to %while3A_321 step %while3A_328 iter_args(%while3A_339 = %while3A_327) -> (vector<16xi32>)  : i32 {
        %mul3A_340 = arith.constant 16 : i32
        %mul3A_341 = arith.muli %while3A_338, %mul3A_340 : i32
        %get3A = arith.index_cast %mul3A_341 : i32 to index
        %get3A_342 = tpu.vector_load %arg6[%get3A] {strides = array<i32>} : memref<32784xi32, #tpu.memory_space<vmem>>, vector<16xi32>,
        %ge3A_343 = arith.cmpi sge, %get3A_342, %broadcast_in_dim3A_318 : vector<16xi32>
        %all_reduce_population_count3A = tpu.all_reduce %ge3A_343 {dim = 0 : i64, kind = #tpu.reduction_kind<sum>} : vector<16xi1> -> vector<16xi32>
        %add3A_344 = arith.addi %while3A_339, %all_reduce_population_count3A : vector<16xi32>
        scf.yield %add3A_344 : vector<16xi32>
      }
      %reduce_max3A_330 = arith.constant true
      %reduce_max3A_331 = vector.broadcast %reduce_max3A_330 : i1 to vector<16xi1>
      %reduce_max3A_332 = arith.constant -2147483648 : i32
      %reduce_max3A_333 = vector.broadcast %reduce_max3A_332 : i32 to vector<16xi32>
      %reduce_max3A_334 = arith.xori %while3A_329, %reduce_max3A_333 : vector<16xi32>
      %reduce_max3A_335 = tpu.scan <max>, %reduce_max3A_334 masked %reduce_max3A_331 : vector<16xi32>, vector<16xi1> -> vector<16xi32>
      %reduce_max3A_336 = arith.xori %reduce_max3A_335, %reduce_max3A_333 : vector<16xi32>
      %reduce_max3A_337 = vector.extract %reduce_max3A_336[15] : i32 from vector<16xi32>
      %ge3A = arith.cmpi sge, %reduce_max3A_337, %sub3A_256 : i32
      %select_n3A = arith.select %ge3A, %or3A, %scan3A_313 : i32
      scf.yield %select_n3A : i32
    }
    %scan3A_281 = arith.constant 24 : i32
    %broadcast_in_dim3A_282 = vector.broadcast %scan3A_280 : i32 to vector<16xi32>
    %while3A_283 = arith.constant 0 : i32
    %while3A_284 = arith.subi %div3A_273, %while3A_283 : i32
    %while3A_285 = arith.addi %while3A_283, %while3A_284 : i32
    %while3A_286 = arith.constant 1 : i32
    %while3A_287 = arith.divsi %while3A_284, %while3A_286 : i32
    %while3A_288 = arith.muli %while3A_287, %while3A_286 : i32
    %while3A_289 = arith.addi %while3A_283, %while3A_288 : i32
    %while3A_290 = arith.constant 1 : i32
    %while3A_291 = scf.for %while3A_312 = %while3A_283 to %while3A_289 step %while3A_290 iter_args(%while3A_313 = %broadcast_in_dim3A_3) -> (vector<16xi32>)  : i32 {
      %mul3A_314 = arith.constant 16 : i32
      %mul3A_315 = arith.muli %while3A_312, %mul3A_314 : i32
      %get3A = arith.index_cast %mul3A_315 : i32 to index
      %get3A_316 = tpu.vector_load %arg6[%get3A] {strides = array<i32>} : memref<32784xi32, #tpu.memory_space<vmem>>, vector<16xi32>,
      %gt3A = arith.cmpi sgt, %get3A_316, %broadcast_in_dim3A_282 : vector<16xi32>
      %all_reduce_population_count3A = tpu.all_reduce %gt3A {dim = 0 : i64, kind = #tpu.reduction_kind<sum>} : vector<16xi1> -> vector<16xi32>
      %add3A_317 = arith.addi %while3A_313, %all_reduce_population_count3A : vector<16xi32>
      scf.yield %add3A_317 : vector<16xi32>
    }
    %while3A_292 = arith.constant 1 : i32
    %while3A_293 = scf.for %while3A_312 = %while3A_289 to %while3A_285 step %while3A_292 iter_args(%while3A_313 = %while3A_291) -> (vector<16xi32>)  : i32 {
      %mul3A_314 = arith.constant 16 : i32
      %mul3A_315 = arith.muli %while3A_312, %mul3A_314 : i32
      %get3A = arith.index_cast %mul3A_315 : i32 to index
      %get3A_316 = tpu.vector_load %arg6[%get3A] {strides = array<i32>} : memref<32784xi32, #tpu.memory_space<vmem>>, vector<16xi32>,
      %gt3A = arith.cmpi sgt, %get3A_316, %broadcast_in_dim3A_282 : vector<16xi32>
      %all_reduce_population_count3A = tpu.all_reduce %gt3A {dim = 0 : i64, kind = #tpu.reduction_kind<sum>} : vector<16xi1> -> vector<16xi32>
      %add3A_317 = arith.addi %while3A_313, %all_reduce_population_count3A : vector<16xi32>
      scf.yield %add3A_317 : vector<16xi32>
    }
    %reduce_max3A_294 = arith.constant true
    %reduce_max3A_295 = vector.broadcast %reduce_max3A_294 : i1 to vector<16xi1>
    %reduce_max3A_296 = arith.constant -2147483648 : i32
    %reduce_max3A_297 = vector.broadcast %reduce_max3A_296 : i32 to vector<16xi32>
    %reduce_max3A_298 = arith.xori %while3A_293, %reduce_max3A_297 : vector<16xi32>
    %reduce_max3A_299 = tpu.scan <max>, %reduce_max3A_298 masked %reduce_max3A_295 : vector<16xi32>, vector<16xi1> -> vector<16xi32>
    %reduce_max3A_300 = arith.xori %reduce_max3A_299, %reduce_max3A_297 : vector<16xi32>
    %reduce_max3A_301 = vector.extract %reduce_max3A_300[15] : i32 from vector<16xi32>
    %sub3A_302 = arith.subi %sub3A_256, %reduce_max3A_301 : i32
    %broadcast_in_dim3A_303 = vector.broadcast %sub3A_302 : i32 to vector<16xi32>
    %broadcast_in_dim3A_304 = arith.constant 0 : i32
    %broadcast_in_dim3A_305 = vector.broadcast %broadcast_in_dim3A_304 : i32 to vector<16xi32>
    %scan3A_306 = arith.constant 0 : i32
    %scan3A_307 = arith.constant 512 : i32
    %scan3A_308 = arith.addi %scan3A_306, %scan3A_307 : i32
    %scan3A_309 = arith.constant 1 : i32
    %scan3A_310 = scf.for %scan3A_312 = %scan3A_306 to %scan3A_308 step %scan3A_309 iter_args(%scan3A_313 = %broadcast_in_dim3A_305) -> (vector<16xi32>)  : i32 {
      %mul3A_314 = arith.constant 4 : i32
      %mul3A_315 = arith.muli %scan3A_312, %mul3A_314 : i32
      %add3A_316 = arith.constant 0 : i32
      %add3A_317 = arith.addi %mul3A_315, %add3A_316 : i32
      %mul3A_318 = arith.constant 16 : i32
      %mul3A_319 = arith.muli %add3A_317, %mul3A_318 : i32
      %get3A = arith.index_cast %mul3A_319 : i32 to index
      %get3A_320 = tpu.vector_load %arg4[%get3A] {strides = array<i32>} : memref<32768xf32, #tpu.memory_space<vmem>>, vector<16xf32>,
      %bitcast_convert_type3A = tpu.bitcast %get3A_320 : vector<16xf32> -> vector<16xi32>
      %shift_right_arithmetic3A = arith.constant 31 : i32
      %shift_right_arithmetic3A_321 = vector.broadcast %shift_right_arithmetic3A : i32 to vector<16xi32>
      %shift_right_arithmetic3A_322 = arith.shrsi %bitcast_convert_type3A, %shift_right_arithmetic3A_321 : vector<16xi32>
      %shift_right_logical3A = arith.constant 1 : i32
      %shift_right_logical3A_323 = vector.broadcast %shift_right_logical3A : i32 to vector<16xi32>
      %shift_right_logical3A_324 = arith.shrui %shift_right_arithmetic3A_322, %shift_right_logical3A_323 : vector<16xi32>
      %xor3A = arith.xori %bitcast_convert_type3A, %shift_right_logical3A_324 : vector<16xi32>
      %eq3A = arith.cmpi eq, %xor3A, %broadcast_in_dim3A_282 : vector<16xi32>
      %convert_element_type3A = arith.extui %eq3A : vector<16xi1> to vector<16xi32>
      %broadcast_in_dim3A_325 = arith.constant true
      %broadcast_in_dim3A_326 = vector.broadcast %broadcast_in_dim3A_325 : i1 to vector<16xi1>
      %masked_cumsum3A = tpu.scan <sum>, %convert_element_type3A masked %broadcast_in_dim3A_326 : vector<16xi32>, vector<16xi1> -> vector<16xi32>
      %add3A_327 = arith.addi %scan3A_313, %masked_cumsum3A : vector<16xi32>
      %le3A = arith.cmpi sle, %add3A_327, %broadcast_in_dim3A_303 : vector<16xi32>
      %and3A = arith.andi %eq3A, %le3A : vector<16xi1>
      %gt3A = arith.cmpi sgt, %xor3A, %broadcast_in_dim3A_282 : vector<16xi32>
      %or3A = arith.ori %gt3A, %and3A : vector<16xi1>
      %max3A = arith.constant 0.000000e+00 : f32
      %max3A_328 = vector.broadcast %max3A : f32 to vector<16xf32>
      %max3A_329 = arith.maximumf %get3A_320, %max3A_328 : vector<16xf32>
      %jit3A = arith.constant 0.000000e+00 : f32
      %broadcast_in_dim3A_330 = vector.broadcast %jit3A : f32 to vector<16xf32>
      %select_n3A = arith.select %or3A, %max3A_329, %broadcast_in_dim3A_330 : vector<16xi1>, vector<16xf32>
      %swap3A = arith.index_cast %mul3A_319 : i32 to index
      %swap3A_331 = tpu.vector_load %arg4[%swap3A] {strides = array<i32>} : memref<32768xf32, #tpu.memory_space<vmem>>, vector<16xf32>,
      tpu.vector_store %arg4[%swap3A], %select_n3A {strides = array<i32>} : memref<32768xf32, #tpu.memory_space<vmem>>, vector<16xf32>,
      %all_reduce_population_count3A = tpu.all_reduce %eq3A {dim = 0 : i64, kind = #tpu.reduction_kind<sum>} : vector<16xi1> -> vector<16xi32>
      %add3A_332 = arith.addi %scan3A_313, %all_reduce_population_count3A : vector<16xi32>
      %mul3A_333 = arith.constant 4 : i32
      %mul3A_334 = arith.muli %scan3A_312, %mul3A_333 : i32
      %add3A_335 = arith.constant 1 : i32
      %add3A_336 = arith.addi %mul3A_334, %add3A_335 : i32
      %mul3A_337 = arith.constant 16 : i32
      %mul3A_338 = arith.muli %add3A_336, %mul3A_337 : i32
      %get3A_339 = arith.index_cast %mul3A_338 : i32 to index
      %get3A_340 = tpu.vector_load %arg4[%get3A_339] {strides = array<i32>} : memref<32768xf32, #tpu.memory_space<vmem>>, vector<16xf32>,
      %bitcast_convert_type3A_341 = tpu.bitcast %get3A_340 : vector<16xf32> -> vector<16xi32>
      %shift_right_arithmetic3A_342 = arith.constant 31 : i32
      %shift_right_arithmetic3A_343 = vector.broadcast %shift_right_arithmetic3A_342 : i32 to vector<16xi32>
      %shift_right_arithmetic3A_344 = arith.shrsi %bitcast_convert_type3A_341, %shift_right_arithmetic3A_343 : vector<16xi32>
      %shift_right_logical3A_345 = arith.constant 1 : i32
      %shift_right_logical3A_346 = vector.broadcast %shift_right_logical3A_345 : i32 to vector<16xi32>
      %shift_right_logical3A_347 = arith.shrui %shift_right_arithmetic3A_344, %shift_right_logical3A_346 : vector<16xi32>
      %xor3A_348 = arith.xori %bitcast_convert_type3A_341, %shift_right_logical3A_347 : vector<16xi32>
      %eq3A_349 = arith.cmpi eq, %xor3A_348, %broadcast_in_dim3A_282 : vector<16xi32>
      %convert_element_type3A_350 = arith.extui %eq3A_349 : vector<16xi1> to vector<16xi32>
      %broadcast_in_dim3A_351 = arith.constant true
      %broadcast_in_dim3A_352 = vector.broadcast %broadcast_in_dim3A_351 : i1 to vector<16xi1>
      %masked_cumsum3A_353 = tpu.scan <sum>, %convert_element_type3A_350 masked %broadcast_in_dim3A_352 : vector<16xi32>, vector<16xi1> -> vector<16xi32>
      %add3A_354 = arith.addi %add3A_332, %masked_cumsum3A_353 : vector<16xi32>
      %le3A_355 = arith.cmpi sle, %add3A_354, %broadcast_in_dim3A_303 : vector<16xi32>
      %and3A_356 = arith.andi %eq3A_349, %le3A_355 : vector<16xi1>
      %gt3A_357 = arith.cmpi sgt, %xor3A_348, %broadcast_in_dim3A_282 : vector<16xi32>
      %or3A_358 = arith.ori %gt3A_357, %and3A_356 : vector<16xi1>
      %max3A_359 = arith.constant 0.000000e+00 : f32
      %max3A_360 = vector.broadcast %max3A_359 : f32 to vector<16xf32>
      %max3A_361 = arith.maximumf %get3A_340, %max3A_360 : vector<16xf32>
      %jit3A_362 = arith.constant 0.000000e+00 : f32
      %broadcast_in_dim3A_363 = vector.broadcast %jit3A_362 : f32 to vector<16xf32>
      %select_n3A_364 = arith.select %or3A_358, %max3A_361, %broadcast_in_dim3A_363 : vector<16xi1>, vector<16xf32>
      %swap3A_365 = arith.index_cast %mul3A_338 : i32 to index
      %swap3A_366 = tpu.vector_load %arg4[%swap3A_365] {strides = array<i32>} : memref<32768xf32, #tpu.memory_space<vmem>>, vector<16xf32>,
      tpu.vector_store %arg4[%swap3A_365], %select_n3A_364 {strides = array<i32>} : memref<32768xf32, #tpu.memory_space<vmem>>, vector<16xf32>,
      %all_reduce_population_count3A_367 = tpu.all_reduce %eq3A_349 {dim = 0 : i64, kind = #tpu.reduction_kind<sum>} : vector<16xi1> -> vector<16xi32>
      %add3A_368 = arith.addi %add3A_332, %all_reduce_population_count3A_367 : vector<16xi32>
      %mul3A_369 = arith.constant 4 : i32
      %mul3A_370 = arith.muli %scan3A_312, %mul3A_369 : i32
      %add3A_371 = arith.constant 2 : i32
      %add3A_372 = arith.addi %mul3A_370, %add3A_371 : i32
      %mul3A_373 = arith.constant 16 : i32
      %mul3A_374 = arith.muli %add3A_372, %mul3A_373 : i32
      %get3A_375 = arith.index_cast %mul3A_374 : i32 to index
      %get3A_376 = tpu.vector_load %arg4[%get3A_375] {strides = array<i32>} : memref<32768xf32, #tpu.memory_space<vmem>>, vector<16xf32>,
      %bitcast_convert_type3A_377 = tpu.bitcast %get3A_376 : vector<16xf32> -> vector<16xi32>
      %shift_right_arithmetic3A_378 = arith.constant 31 : i32
      %shift_right_arithmetic3A_379 = vector.broadcast %shift_right_arithmetic3A_378 : i32 to vector<16xi32>
      %shift_right_arithmetic3A_380 = arith.shrsi %bitcast_convert_type3A_377, %shift_right_arithmetic3A_379 : vector<16xi32>
      %shift_right_logical3A_381 = arith.constant 1 : i32
      %shift_right_logical3A_382 = vector.broadcast %shift_right_logical3A_381 : i32 to vector<16xi32>
      %shift_right_logical3A_383 = arith.shrui %shift_right_arithmetic3A_380, %shift_right_logical3A_382 : vector<16xi32>
      %xor3A_384 = arith.xori %bitcast_convert_type3A_377, %shift_right_logical3A_383 : vector<16xi32>
      %eq3A_385 = arith.cmpi eq, %xor3A_384, %broadcast_in_dim3A_282 : vector<16xi32>
      %convert_element_type3A_386 = arith.extui %eq3A_385 : vector<16xi1> to vector<16xi32>
      %broadcast_in_dim3A_387 = arith.constant true
      %broadcast_in_dim3A_388 = vector.broadcast %broadcast_in_dim3A_387 : i1 to vector<16xi1>
      %masked_cumsum3A_389 = tpu.scan <sum>, %convert_element_type3A_386 masked %broadcast_in_dim3A_388 : vector<16xi32>, vector<16xi1> -> vector<16xi32>
      %add3A_390 = arith.addi %add3A_368, %masked_cumsum3A_389 : vector<16xi32>
      %le3A_391 = arith.cmpi sle, %add3A_390, %broadcast_in_dim3A_303 : vector<16xi32>
      %and3A_392 = arith.andi %eq3A_385, %le3A_391 : vector<16xi1>
      %gt3A_393 = arith.cmpi sgt, %xor3A_384, %broadcast_in_dim3A_282 : vector<16xi32>
      %or3A_394 = arith.ori %gt3A_393, %and3A_392 : vector<16xi1>
      %max3A_395 = arith.constant 0.000000e+00 : f32
      %max3A_396 = vector.broadcast %max3A_395 : f32 to vector<16xf32>
      %max3A_397 = arith.maximumf %get3A_376, %max3A_396 : vector<16xf32>
      %jit3A_398 = arith.constant 0.000000e+00 : f32
      %broadcast_in_dim3A_399 = vector.broadcast %jit3A_398 : f32 to vector<16xf32>
      %select_n3A_400 = arith.select %or3A_394, %max3A_397, %broadcast_in_dim3A_399 : vector<16xi1>, vector<16xf32>
      %swap3A_401 = arith.index_cast %mul3A_374 : i32 to index
      %swap3A_402 = tpu.vector_load %arg4[%swap3A_401] {strides = array<i32>} : memref<32768xf32, #tpu.memory_space<vmem>>, vector<16xf32>,
      tpu.vector_store %arg4[%swap3A_401], %select_n3A_400 {strides = array<i32>} : memref<32768xf32, #tpu.memory_space<vmem>>, vector<16xf32>,
      %all_reduce_population_count3A_403 = tpu.all_reduce %eq3A_385 {dim = 0 : i64, kind = #tpu.reduction_kind<sum>} : vector<16xi1> -> vector<16xi32>
      %add3A_404 = arith.addi %add3A_368, %all_reduce_population_count3A_403 : vector<16xi32>
      %mul3A_405 = arith.constant 4 : i32
      %mul3A_406 = arith.muli %scan3A_312, %mul3A_405 : i32
      %add3A_407 = arith.constant 3 : i32
      %add3A_408 = arith.addi %mul3A_406, %add3A_407 : i32
      %mul3A_409 = arith.constant 16 : i32
      %mul3A_410 = arith.muli %add3A_408, %mul3A_409 : i32
      %get3A_411 = arith.index_cast %mul3A_410 : i32 to index
      %get3A_412 = tpu.vector_load %arg4[%get3A_411] {strides = array<i32>} : memref<32768xf32, #tpu.memory_space<vmem>>, vector<16xf32>,
      %bitcast_convert_type3A_413 = tpu.bitcast %get3A_412 : vector<16xf32> -> vector<16xi32>
      %shift_right_arithmetic3A_414 = arith.constant 31 : i32
      %shift_right_arithmetic3A_415 = vector.broadcast %shift_right_arithmetic3A_414 : i32 to vector<16xi32>
      %shift_right_arithmetic3A_416 = arith.shrsi %bitcast_convert_type3A_413, %shift_right_arithmetic3A_415 : vector<16xi32>
      %shift_right_logical3A_417 = arith.constant 1 : i32
      %shift_right_logical3A_418 = vector.broadcast %shift_right_logical3A_417 : i32 to vector<16xi32>
      %shift_right_logical3A_419 = arith.shrui %shift_right_arithmetic3A_416, %shift_right_logical3A_418 : vector<16xi32>
      %xor3A_420 = arith.xori %bitcast_convert_type3A_413, %shift_right_logical3A_419 : vector<16xi32>
      %eq3A_421 = arith.cmpi eq, %xor3A_420, %broadcast_in_dim3A_282 : vector<16xi32>
      %convert_element_type3A_422 = arith.extui %eq3A_421 : vector<16xi1> to vector<16xi32>
      %broadcast_in_dim3A_423 = arith.constant true
      %broadcast_in_dim3A_424 = vector.broadcast %broadcast_in_dim3A_423 : i1 to vector<16xi1>
      %masked_cumsum3A_425 = tpu.scan <sum>, %convert_element_type3A_422 masked %broadcast_in_dim3A_424 : vector<16xi32>, vector<16xi1> -> vector<16xi32>
      %add3A_426 = arith.addi %add3A_404, %masked_cumsum3A_425 : vector<16xi32>
      %le3A_427 = arith.cmpi sle, %add3A_426, %broadcast_in_dim3A_303 : vector<16xi32>
      %and3A_428 = arith.andi %eq3A_421, %le3A_427 : vector<16xi1>
      %gt3A_429 = arith.cmpi sgt, %xor3A_420, %broadcast_in_dim3A_282 : vector<16xi32>
      %or3A_430 = arith.ori %gt3A_429, %and3A_428 : vector<16xi1>
      %max3A_431 = arith.constant 0.000000e+00 : f32
      %max3A_432 = vector.broadcast %max3A_431 : f32 to vector<16xf32>
      %max3A_433 = arith.maximumf %get3A_412, %max3A_432 : vector<16xf32>
      %jit3A_434 = arith.constant 0.000000e+00 : f32
      %broadcast_in_dim3A_435 = vector.broadcast %jit3A_434 : f32 to vector<16xf32>
      %select_n3A_436 = arith.select %or3A_430, %max3A_433, %broadcast_in_dim3A_435 : vector<16xi1>, vector<16xf32>
      %swap3A_437 = arith.index_cast %mul3A_410 : i32 to index
      %swap3A_438 = tpu.vector_load %arg4[%swap3A_437] {strides = array<i32>} : memref<32768xf32, #tpu.memory_space<vmem>>, vector<16xf32>,
      tpu.vector_store %arg4[%swap3A_437], %select_n3A_436 {strides = array<i32>} : memref<32768xf32, #tpu.memory_space<vmem>>, vector<16xf32>,
      %all_reduce_population_count3A_439 = tpu.all_reduce %eq3A_421 {dim = 0 : i64, kind = #tpu.reduction_kind<sum>} : vector<16xi1> -> vector<16xi32>
      %add3A_440 = arith.addi %add3A_404, %all_reduce_population_count3A_439 : vector<16xi32>
      scf.yield %add3A_440 : vector<16xi32>
    }
    %scan3A_311 = arith.constant 512 : i32
    "tpu.region"() ({
      %run_scoped3A = tpu.sem_alloc : memref<!tpu.dma_semaphore, #tpu.memory_space<semaphore_mem>>
      %dma_start3A = arith.constant 0 : i32
      %dma_start3A_312 = tpu.memref_slice %arg3[%add3A_238, %dma_start3A] : memref<128x32768xf32, #tpu.memory_space<hbm>> -> memref<1x32768xf32, #tpu.memory_space<hbm>>
      %dma_start3A_313 = tpu.memref_squeeze %dma_start3A_312 : memref<1x32768xf32, #tpu.memory_space<hbm>> -> memref<32768xf32, #tpu.memory_space<hbm>>
      %dma_start3A_314 = arith.constant 0 : i32
      %dma_start3A_315 = tpu.memref_slice %arg3[%add3A_238, %dma_start3A_314] : memref<128x32768xf32, #tpu.memory_space<hbm>> -> memref<1x32768xf32, #tpu.memory_space<hbm>>
      %dma_start3A_316 = tpu.memref_squeeze %dma_start3A_315 : memref<1x32768xf32, #tpu.memory_space<hbm>> -> memref<32768xf32, #tpu.memory_space<hbm>>
      tpu.enqueue_dma source(%arg4 : memref<32768xf32, #tpu.memory_space<vmem>>) target(%dma_start3A_316 : memref<32768xf32, #tpu.memory_space<hbm>>) target_semaphore(%run_scoped3A : memref<!tpu.dma_semaphore, #tpu.memory_space<semaphore_mem>>)
      %dma_wait3A = arith.constant 0 : i32
      %dma_wait3A_317 = tpu.memref_slice %arg3[%add3A_238, %dma_wait3A] : memref<128x32768xf32, #tpu.memory_space<hbm>> -> memref<1x32768xf32, #tpu.memory_space<hbm>>
      %dma_wait3A_318 = tpu.memref_squeeze %dma_wait3A_317 : memref<1x32768xf32, #tpu.memory_space<hbm>> -> memref<32768xf32, #tpu.memory_space<hbm>>
      %dma_wait3A_319 = arith.constant 0 : i32
      %dma_wait3A_320 = tpu.memref_slice %arg3[%add3A_238, %dma_wait3A_319] : memref<128x32768xf32, #tpu.memory_space<hbm>> -> memref<1x32768xf32, #tpu.memory_space<hbm>>
      %dma_wait3A_321 = tpu.memref_squeeze %dma_wait3A_320 : memref<1x32768xf32, #tpu.memory_space<hbm>> -> memref<32768xf32, #tpu.memory_space<hbm>>
      tpu.wait_dma2 semaphore(%run_scoped3A : memref<!tpu.dma_semaphore, #tpu.memory_space<semaphore_mem>>) src(%arg4 : memref<32768xf32, #tpu.memory_space<vmem>>) dst(%dma_wait3A_321 : memref<32768xf32, #tpu.memory_space<hbm>>)
      tpu.yield
    }) : () -> ()
    return
  }
}

</mosaic_0001>

<sc_bundles>
// kernel: kernel.3.cloned.1.call-start
scs
__scs_entry_jumppad:
0x0: {  	(pc) =	sbr.rel $0x88, $3  }
0x1: {  	(tag) =	ssettag $0x0;
	lr =	simm.s32 $0x1  }
0x2: {  	[smem:$0x3FA0] =	sst lr;
	_ =	strace $0xD0000000  }
0x3: {  	_ = 	snop  }
0x4: {  	_ = 	snop  }
0x5: {  	_ = 	snop  }
0x6: {  	_ = 	snop  }
0x7: {  	_ = 	snop  }
__scs_overlays_trampoline_lowered:
0x8: {  	[smem:$0x3FAF] =	sst s0  }
0x9: {  	[smem:$0x3FB0] =	sst s1  }
0xa: {  	[smem:$0x3FB1] =	sst s2  }
0xb: {  	[smem:$0x3FB2] =	sst s3  }
0xc: {  	[smem:$0x3FB3] =	sst s4  }
0xd: {  	[smem:$0x3FB4] =	sst s5  }
0xe: {  	[smem:$0x3FB5] =	sst s6  }
0xf: {  	[smem:$0x3FB6] =	sst s7  }
0x10: {  	[smem:$0x3FB7] =	sst s8  }
0x11: {  	[smem:$0x3FB8] =	sst s9;
	s0 =	simm.s32 @!p0 $0x0  }
0x12: {  	s1 =	sld [smem:$0x3F9E];
	s0 =	simm.s32 @p0 $0x1  }
0x13: {  	[smem:$0x3FB9] =	sst s0;
	s0 =	simm.s32 @!p1 $0x0  }
0x14: {  	s2 =	sld [smem:$0x3F9D];
	s0 =	simm.s32 @p1 $0x1  }
0x15: {  	[smem:$0x3FBA] =	sst s0;
	s0 =	simm.s32 @!p2 $0x0  }
0x16: {  	s3 =	sld [smem:$0x3FDB];
	s0 =	simm.s32 @p2 $0x1  }
0x17: {  	s4 =	simm.s32 $0x1BF5;
	[smem:$0x3FBC] =	sst s0  }
0x18: {  	s0 =	sld [smem:$0x3F9F];
	_ =	swait.ge [sflag:s4], $0x0  }
0x19: {  	s7 =	sld [smem:$0x3FA0]  }
0x1a: {  	s8 =	sadd.s32 $0xFFFFE003, lr  }
0x1b: {  	s9 =	sadd.s32 $0xFFFFFEF7, lr;
	s5 =	simm.s32 $0xFFFFFFFF;
	p2 =	slt.u32 s8, $0xFFFFF086  }
0x1c: {  	p1 =	slt.u32 s9, $0xF7A;
	s5 =	simm.s32 @!p2 $0x0  }
0x1d: {  	s5 =	simm.s32 @p1 $0x1;
	p0 =	seq.s32 s7, s2  }
0x1e: {  	s7 =	smul.u32 @!p0 $0xF7A, s2;
	p2 =	seq.s32 @!p0 s5, $0x0  }
0x1f: {  	s9 =	smul.u32 $0xF7A, s1;
	s8 =	simm.s32 @!p0 $0x1BF5;
	p2 =	por !p2, p0  }
0x20: {  	[sflag:s8] =	ssyncset.s32 @!p0 $0xFFFFF086;
	s6 =	sadd.s32 @!p0 s3, s7;
	s7 =	simm.s32 @!p0 $0x108  }
0x21: {  	s3 =	sadd.s32 s3, s9;
	s6 =	sadd.s32 @!p0 $0x88, s6;
	s7 =	simm.s32 @p2 $0x1082  }
0x22: {  	[simem:s7], [sflag:s8] =	dma.local @!p0 [hbm:s6], $0xF7A  }
0x23: {  	s9 =	sor.u32 $0xD0000000, s2;
	s6 =	simm.s32 $0x108;
	_ =	swait.ge @!p0 [sflag:s8], $0x0  }
0x24: {  	s3 =	sadd.s32 $0x88, s3;
	s6 =	simm.s32 @!p1 $0x1082;
	[sflag:s4] =	ssyncset.s32 $0xFFFFF086  }
0x25: {  	[simem:s6], [sflag:s4] =	dma.local [hbm:s3], $0xF7A  }
0x26: {  	[smem:$0x3FA0] =	sst s1;
	(tag) =	ssettag s2;
	_ =	strace s9  }
0x27: {  	s1 =	sld [smem:$0x3FB0]  }
0x28: {  	s2 =	sld [smem:$0x3FB1]  }
0x29: {  	s4 =	sld [smem:$0x3FB3]  }
0x2a: {  	p0 =	seq.s32 s5, $0x0;
	s5 =	sld [smem:$0x3FB4]  }
0x2b: {  	s6 =	sld [smem:$0x3FB5]  }
0x2c: {  	s7 =	sld [smem:$0x3FB6]  }
0x2d: {  	s3 =	simm.s32 $0x108;
	s8 =	sld [smem:$0x3FB7]  }
0x2e: {  	s3 =	simm.s32 @!p0 $0x1082;
	s9 =	sld [smem:$0x3FB8]  }
0x2f: {  	lr =	sadd.s32 s0, s3;
	s0 =	sld [smem:$0x3FAF]  }
0x30: {  	s3 =	sld [smem:$0x3FB2]  }
0x31: {  	[smem:$0x3FBB] =	sst s10  }
0x32: {  	s10 =	sld [smem:$0x3FB9];
	_ =	sdelay $0x3  }
0x33: {  	p0 =	seq.s32 s10, $0x1;
	s10 =	sld [smem:$0x3FBB];
	_ =	sdelay $0x3  }
0x34: {  	[smem:$0x3FBB] =	sst s10  }
0x35: {  	s10 =	sld [smem:$0x3FBA];
	_ =	sdelay $0x3  }
0x36: {  	p1 =	seq.s32 s10, $0x1;
	s10 =	sld [smem:$0x3FBB];
	_ =	sdelay $0x3  }
0x37: {  	[smem:$0x3FBB] =	sst s10  }
0x38: {  	s10 =	sld [smem:$0x3FBC]  }
0x39: {  	_ = 	snop;
	(pc) =	sbr.ind lr, $3  }
0x3a: {  	_ = 	snop  }
0x3b: {  	_ = 	snop  }
0x3c: {  	p2 =	seq.s32 s10, $0x1;
	s10 =	sld [smem:$0x3FBB]  }
0x3d: {  	_ =	shalt  }
0x3e: {  	_ =	shalt  }
0x3f: {  	_ =	shalt  }
0x40: {  	_ =	shalt  }
0x41: {  	_ =	shalt  }
0x42: {  	_ =	shalt  }
0x43: {  	_ =	shalt  }
0x44: {  	_ =	shalt  }
0x45: {  	_ =	shalt  }
0x46: {  	_ =	shalt  }
0x47: {  	_ =	shalt  }
0x48: {  	_ =	shalt  }
0x49: {  	_ =	shalt  }
0x4a: {  	_ =	shalt  }
0x4b: {  	_ =	shalt  }
0x4c: {  	_ =	shalt  }
0x4d: {  	_ =	shalt  }
0x4e: {  	_ =	shalt  }
0x4f: {  	_ =	shalt  }
0x50: {  	_ =	shalt  }
0x51: {  	_ =	shalt  }
0x52: {  	_ =	shalt  }
0x53: {  	_ =	shalt  }
0x54: {  	_ =	shalt  }
0x55: {  	_ =	shalt  }
0x56: {  	_ =	shalt  }
0x57: {  	_ =	shalt  }
0x58: {  	_ =	shalt  }
0x59: {  	_ =	shalt  }
0x5a: {  	_ =	shalt  }
0x5b: {  	_ =	shalt  }
0x5c: {  	_ =	shalt  }
0x5d: {  	_ =	shalt  }
0x5e: {  	_ =	shalt  }
0x5f: {  	_ =	shalt  }
0x60: {  	_ =	shalt  }
0x61: {  	_ =	shalt  }
0x62: {  	_ =	shalt  }
0x63: {  	_ =	shalt  }
0x64: {  	_ =	shalt  }
0x65: {  	_ =	shalt  }
0x66: {  	_ =	shalt  }
0x67: {  	_ =	shalt  }
0x68: {  	_ =	shalt  }
0x69: {  	_ =	shalt  }
0x6a: {  	_ =	shalt  }
0x6b: {  	_ =	shalt  }
0x6c: {  	_ =	shalt  }
0x6d: {  	_ =	shalt  }
0x6e: {  	_ =	shalt  }
0x6f: {  	_ =	shalt  }
0x70: {  	_ =	shalt  }
0x71: {  	_ =	shalt  }
0x72: {  	_ =	shalt  }
0x73: {  	_ =	shalt  }
0x74: {  	_ =	shalt  }
0x75: {  	_ =	shalt  }
0x76: {  	_ =	shalt  }
0x77: {  	_ =	shalt  }
0x78: {  	_ =	shalt  }
0x79: {  	_ =	shalt  }
0x7a: {  	_ =	shalt  }
0x7b: {  	_ =	shalt  }
0x7c: {  	_ =	shalt  }
0x7d: {  	_ =	shalt  }
0x7e: {  	_ =	shalt  }
0x7f: {  	_ =	shalt  }
0x80: {  	_ =	shalt  }
0x81: {  	_ =	shalt  }
0x82: {  	_ =	shalt  }
0x83: {  	_ =	shalt  }
0x84: {  	_ =	shalt  }
0x85: {  	_ =	shalt  }
0x86: {  	_ =	shalt  }
0x87: {  	_ =	shalt  }
.Lfunc_end0:
.L_simem_size_0:
called_computation_lowered:
.L_overlay_start_0:
0x88: {  	s2 =	sld [smem:$0x3FD9]  }
0x89: {  	s3 =	sld [smem:$0x3FFE];
	_ =	sdelay $0x1  }
0x8a: {  	s1 =	srdreg.scid  }
0x8b: {  	s0 =	sand.u32 $0x1, s1  }
0x8c: {  	s18 =	sshll.u32 s0, $0xA;
	s2 =	sadd.s32 s3, s2  }
0x8d: {  	s2 =	sadd.s32 s2, s18  }
0x8e: {  	[smem:$0x3FC7] =	sst s2  }
0x8f: {  	_ = 	snop  }
0x90: {  	s2 =	sld [smem:$0x3FC9]  }
0x91: {  	s19 =	sld [smem:$0x3FD0];
	(tm) =	ssettm $0x1  }
0x92: {  	s4 =	sld [smem:$0x3FFB];
	_ =	sdelay $0x3  }
0x93: {  	_ =	strace s4  }
0x94: {  	s4 =	sld [smem:$0x3FFC];
	_ =	sdelay $0x3  }
0x95: {  	_ =	strace s4  }
0x96: {  	s4 =	sld [smem:$0x3FFD];
	_ =	sdelay $0x3  }
0x97: {  	_ =	strace s4  }
0x98: {  	_ =	strace $0x8FFFFFFF  }
0x99: {  	s20 =	sld [smem:$0x3FDB];
	_ =	sdelay $0x1  }
0x9a: {  	s5 =	simm.s32 $_scs_section_size  }
0x9b: {  	s6 =	simm.s32 $_size__tile_overlayer_lowered;
	s7 =	simm.s32 $_tile_overlayer_lowered  }
0x9c: {  	s23 =	simm.s32 $0x1BFF;
	s22 =	sshll.u32 s7, $0x1;
	s4 =	sadd.s32 s5, s20  }
0x9d: {  	s8 =	simm.s32 $0x0;
	s21 =	sshll.u32 s6, $0x1;
	s6 =	sadd.s32 s22, s4  }
0x9e: {  	[timem:s8], [sflag:s23] =	dma.local [hbm:s6], s21  }
0x9f: {  	_ =	swait.ge [sflag:s23], s21  }
0xa0: {  	s5 =	ssub.s32 $0x0, s21;
	[sflag:s23] =	ssyncset.done $0x0  }
0xa1: {  	[sflag:s23] =	ssyncadd.s32 s5;
	_ =	sdelay $0x1  }
0xa2: {  	s24 =	simm.s32 $0x1B8B  }
0xa3: {  	_ =	swait.ge [sflag:s24], $0x1  }
0xa4: {  	[sflag:s24] =	ssyncset.done $0x0  }
0xa5: {  	s25 =	simm.s32 $0x1B8E;
	[sflag:s24] =	ssyncadd.s32 $0xFFFFFFFF  }
0xa6: {  	s26 =	simm.s32 $execute0_lowered;
	[smem:$0x3FD2] =	sst s25  }
0xa7: {  	s5 =	sshll.u32 s26, $0x1;
	_ =	strace $0x80000046;
	[dreg:$0x1] =	wrdreg $0xFFFFFFFF  }
0xa8: {  	s28 =	simm.s32 $_size_execute0_lowered;
	s4 =	sadd.s32 s4, s5;
	[dreg:$0x0] =	wrdreg $0x0  }
0xa9: {  	s5 =	sshll.u32 s28, $0x1;
	[dreg:$0x2] =	wrdreg s4  }
0xaa: {  	[dreg:$0x3] =	wrdreg s5  }
0xab: {  	[dreg:$0x4] =	wrdreg $0xC0  }
0xac: {  	_ =	task [dreg:s8], $0x5FFFF  }
0xad: {  	[dreg:$0x1] =	wrdreg $0xFFFFFFFF  }
0xae: {  	[dreg:$0x0] =	wrdreg $0x60  }
0xaf: {  	[dreg:$0x2] =	wrdreg s2  }
0xb0: {  	[dreg:$0x3] =	wrdreg s19  }
0xb1: {  	[dreg:$0x4] =	wrdreg $0x9  }
0xb2: {  	_ =	task.clear_ibuf [dreg:s8], $0x5FFFF;
	_ =	strace $0x90000046  }
0xb3: {  	s29 =	simm.s32 $0x9;
	_ =	strace $0x80000048  }
0xb4: {  	_ =	swait.ge [sflag:s29], $0x1  }
0xb5: {  	[sflag:s29] =	ssyncadd.s32 $0xFFFFFFFF  }
0xb6: {  	_ =	strace $0x90000048  }
0xb7: {  	_ =	sfence  }
0xb8: {  	s30 =	sld [smem:$0x0];
	_ =	sdelay $0x2  }
0xb9: {  	s31 =	sshll.u32 s1, $0xD;
	s1 =	sshrl.u32 s1, $0x2  }
0xba: {  	s3 =	sand.u32 $0x4000, s31;
	s1 =	sadd.s32 s1, s30  }
0xbb: {  	s0 =	sor.u32 s3, s0;
	s1 =	sshll.u32 s1, $0x11  }
0xbc: {  	s0 =	sor.u32 s1, s0  }
0xbd: {  	s0 =	sadd.s32 $0x8F2B, s0  }
0xbe: {  	[sflag:s0] =	ssyncadd.remote.s32 $0x1  }
0xbf: {  	_ =	sfence.sel $0xFFFF  }
0xc0: {  	[dreg:$0x0] =	wrdreg $0xFFFFFFFF;
	(pc) =	sbr.abs _section_cstart, $3  }
0xc1: {  	[dreg:$0x1] =	wrdreg $0xFFFFFFFF  }
0xc2: {  	_ =	task.clear_ibuf [dreg:s8], $0x2FFFF;
	_ =	strace $0x9FFFFFFF  }
0xc3: {  	(tm) =	ssettm $0x7FFFFFFF  }
tec
execute0_lowered:
.L_overlay_start_1:
0x0: {  	(tag) =	ssettag $0x1  }
0x1: {  	s0 =	rddreg [dreg:$0x0]  }
0x2: {  	s1 =	rddreg [dreg:$0x1];
	s2 =	srdreg.scid  }
0x3: {  	s5 =	simm.s32 $0x0;
	s4 =	stileid.u32;
	s12 =	simm.s32 $0x80  }
0x4: {  	s13 =	simm.s32 $0x400;
	s14 =	simm.s32 $0x1;
	s15 =	simm.s32 $0x8000  }
0x5: {  	s16 =	simm.s32 $0x9000;
	s17 =	simm.s32 $0x800000;
	s2 =	sand.u32 $0x1, s2  }
0x6: {  	s18 =	simm.s32 $0x0;
	s4 =	sshll.u32 s4, $0xF;
	s3 =	ssub.s32 $0x2, s2  }
0x7: {  	[smem:$0x7FF] =	sst s5;
	s2 =	sshll.u32 s2, $0x6;
	s26 =	sshrl.u32 s3, $0x1  }
0x8: {  	_ =	strace $0x80000047;
	s2 =	sor.u32 s2, s4;
	s3 =	ssub.s32 s3, s26  }
0x9: {  	s4 =	sor.u32 $0x10, s2;
	s28 =	sadd.s32 s0, s2;
	s29 =	sadd.s32 s1, s2  }
0xa: {  	s31 =	sor.u32 $0x20, s2;
	s2 =	sor.u32 $0x30, s2;
	[dreg:$0x3] =	wrdreg s28  }
0xb: {  	[dreg:$0x4] =	wrdreg s29;
	s30 =	sadd.s32 s0, s4;
	s6 =	sadd.s32 s1, s4  }
0xc: {  	v0 =	vimm.s32 $0x0;
	v1 =	vlaneseq.u32;
	s7 =	sadd.s32 s0, s31;
	s8 =	sadd.s32 s1, s31;
	s9 =	sadd.s32 s0, s2  }
0xd: {  	v2 =	vimm.s32 $0x1;
	v4 =	vimm.s32 $0x80000000;
	v3 =	vor.u32 $0x800, v1;
	s10 =	sadd.s32 s1, s2;
	s11 =	smax.u32 s3, $0x1;
	[dreg:$0x5] =	wrdreg s30  }
.LBB2_1:
0xe: {  	s0 =	simm.s32 $0x40;
	s1 =	simm.s32 $0x0  }
.LBB2_2:
0xf: {  	p0 =	sne.s32 s0, $0x3FC0;
	[tilespmem:s1+$0x8000] =	vst v0;
	s1 =	smov.u32 s0;
	s0 =	sadd.s32 $0x40, s0  }
.Ltmp0:
0x10: {  	(pc) =	sbr.rel @p0 .LBB2_2-.Ltmp0, $2  }
0x11: {  	_ =	sdelay $0x2  }
0x12: {  	s1 =	sshra.s32 s1, $0x2  }
0x13: {  	[tilespmem:s1+$0x8000] =	vst v0;
	s19 =	simm.s32 $0x0;
	s0 =	rddreg [dreg:$0x3]  }
0x14: {  	[tilespmem:s19], [sflag:$0x1] =	stream.strided.gather [hbm4b:s0+s12], $0x8000, s13, s12, $0x38;
	[tilespmem:$0x11080] =	vst v63  }
0x15: {  	_ =	swait.ge [sflag:s14], $0x8000  }
0x16: {  	[sflag:s14] =	ssyncset.done $0x0  }
0x17: {  	s0 =	simm.s32 $0x0;
	[sflag:s14] =	ssyncadd.s32 $0xFFFF8000  }
.LBB2_4:
0x18: {  	s1 =	sshra.s32 s0, $0x2  }
0x19: {  	v5 =	vld [tilespmem:s1+$0x0];
	_ =	sdelay $0x4  }
0x1a: {  	v6 =	vshra.s32 v5, $0x1F  }
0x1b: {  	v6 =	vshrl.u32 v6, $0x1  }
0x1c: {  	v5 =	vxor.u32 v5, v6  }
0x1d: {  	v5 =	vshra.s32 v5, $0x14  }
0x1e: {  	v5 =	vand.u32 $0xFFFFFFF0, v5  }
0x1f: {  	v5 =	vadd.s32 v3, v5;
	_ =	sdelay $0x4  }
0x20: {  	[tilespmem:v5+s15+$0x0] =	vst.idx.add.s32.msk $0xffff, v2  }
0x21: {  	v5 =	vld [tilespmem:s1+$0x10];
	_ =	sdelay $0x4  }
0x22: {  	v6 =	vshra.s32 v5, $0x1F  }
0x23: {  	v6 =	vshrl.u32 v6, $0x1  }
0x24: {  	v5 =	vxor.u32 v5, v6  }
0x25: {  	v5 =	vshra.s32 v5, $0x14  }
0x26: {  	v5 =	vand.u32 $0xFFFFFFF0, v5  }
0x27: {  	v5 =	vadd.s32 v3, v5;
	_ =	sdelay $0x4  }
0x28: {  	[tilespmem:v5+s15+$0x0] =	vst.idx.add.s32.msk $0xffff, v2  }
0x29: {  	v5 =	vld [tilespmem:s1+$0x20];
	_ =	sdelay $0x4  }
0x2a: {  	v6 =	vshra.s32 v5, $0x1F  }
0x2b: {  	v6 =	vshrl.u32 v6, $0x1  }
0x2c: {  	v5 =	vxor.u32 v5, v6  }
0x2d: {  	v5 =	vshra.s32 v5, $0x14  }
0x2e: {  	v5 =	vand.u32 $0xFFFFFFF0, v5  }
0x2f: {  	v5 =	vadd.s32 v3, v5;
	_ =	sdelay $0x4  }
0x30: {  	[tilespmem:v5+s15+$0x0] =	vst.idx.add.s32.msk $0xffff, v2  }
0x31: {  	v5 =	vld [tilespmem:s1+$0x30];
	_ =	sdelay $0x4  }
0x32: {  	v6 =	vshra.s32 v5, $0x1F  }
0x33: {  	v6 =	vshrl.u32 v6, $0x1  }
0x34: {  	v5 =	vxor.u32 v5, v6  }
0x35: {  	v5 =	vshra.s32 v5, $0x14  }
0x36: {  	v5 =	vand.u32 $0xFFFFFFF0, v5  }
0x37: {  	p0 =	sne.s32 s0, $0x1FF00;
	v5 =	vadd.s32 v3, v5  }
.Ltmp1:
0x38: {  	_ = 	snop;
	(pc) =	sbr.rel @p0 .LBB2_4-.Ltmp1, $2  }
0x39: {  	_ =	sdelay $0x2  }
0x3a: {  	s0 =	sadd.s32 $0x100, s0;
	[tilespmem:v5+s15+$0x0] =	vst.idx.add.s32.msk $0xffff, v2  }
0x3b: {  	s0 =	simm.s32 $0x8FF0  }
0x3c: {  	v5 =	vld [tilespmem:s0+$0x0];
	_ =	sdelay $0x4  }
0x3d: {  	(xrf0) =	vadd.scan.msk.s32 $0xffff, v5;
	_ =	sdelay $0x5  }
0x3e: {  	v5, _, _ =	vpop (xrf0)  }
0x3f: {  	(v2sf) =	vpush v5, $0xF;
	_ =	sdelay $0x1  }
0x40: {  	s25 =	simm.s32 $0x8FE0;
	[tilespmem:s0+$0x0] =	vst v0  }
0x41: {  	v5 =	vld [tilespmem:s25+$0x0];
	_ =	sdelay $0x2  }
0x42: {  	s26 =	simm.s32 $0x8FD0;
	[tilespmem:s25+$0x0] =	vst v0  }
0x43: {  	v6 =	vld [tilespmem:s26+$0x0]  }
0x44: {  	(xrf0) =	vadd.scan.msk.s32 $0xffff, v5;
	_ =	sdelay $0x3  }
0x45: {  	(xrf0) =	vadd.scan.msk.s32 $0xffff, v6;
	_ =	sdelay $0x1  }
0x46: {  	v5, _, _ =	vpop (xrf0)  }
0x47: {  	s3 =	spop (v2sf);
	(v2sf) =	vpush v5, $0xF  }
0x48: {  	s1 =	simm.s32 $0x8FC0;
	[tilespmem:s26+$0x0] =	vst v0  }
0x49: {  	v6 =	vld [tilespmem:s1+$0x0]  }
0x4a: {  	s2 =	simm.s32 $0xFF;
	v7, _, _ =	vpop (xrf0)  }
0x4b: {  	s31 =	simm.s32 $0xFE;
	s30 =	simm.s32 $0xFD;
	s29 =	simm.s32 $0xFC;
	(v2sf) =	vpush v7, $0xF  }
0x4c: {  	s28 =	simm.s32 $0xFB;
	s23 =	simm.s32 $0xF8;
	p0 =	por $0x1, $0x1  }
0x4d: {  	s22 =	simm.s32 $0xF7;
	s24 =	simm.s32 $0xF6;
	s5 =	simm.s32 $0xF5  }
0x4e: {  	s4 =	simm.s32 $0x0;
	s20 =	simm.s32 $0x0;
	(xrf0) =	vadd.scan.msk.s32 $0xffff, v6;
	s0 =	sadd.s32 $0x0, s3  }
0x4f: {  	p0 =	por p0, p0;
	[tilespmem:s1+$0x0] =	vst v0;
	s1 =	simm.s32 $0x8FB0;
	p1 =	sgt.s32 s0, $0x3F  }
0x50: {  	s21 =	simm.s32 $0x0;
	s25 =	simm.s32 $0xF9;
	v5 =	vld [tilespmem:s1+$0x0];
	p1 =	por !p0, !p1  }
0x51: {  	s26 =	simm.s32 $0xFA;
	[tilespmem:s1+$0x0] =	vst v0;
	p0 =	slt.s32 s0, $0x40;
	p1 =	por !p1, !p1  }
.LBB2_6:
0x52: {  	p2 =	sne.s32 s5, $0x0  }
0x53: {  	s19 =	smov.u32 @p1 s2;
	s20 =	smov.u32 @p1 s4;
	s4 =	smov.u32 s0  }
0x54: {  	v6, _, _ =	vpop (xrf0);
	s2 =	smov.u32 s31;
	s31 =	smov.u32 s30;
	p3 =	por p0, p0  }
0x55: {  	s21 =	smov.u32 @p1 s3;
	s30 =	smov.u32 s29;
	s29 =	smov.u32 s28;
	(xrf0) =	vadd.scan.msk.s32 $0xffff, v5;
	(v2sf) =	vpush v6, $0xF  }
.Ltmp2:
0x56: {  	s1 =	sadd.s32 $0xFFFFFFF0, s1;
	s3 =	spop (v2sf);
	(pc) =	sbr.rel @p2 .LBB2_6-.Ltmp2, $4  }
0x57: {  	s28 =	smov.u32 s26;
	s26 =	smov.u32 s25;
	v5 =	vld [tilespmem:s1+$0x0];
	[tilespmem:s1+$0x0] =	vst v0;
	s0 =	sadd.s32 s0, s3  }
0x58: {  	s25 =	smov.u32 s23;
	p0 =	slt.s32 s0, $0x40;
	p1 =	sgt.s32 s0, $0x3F  }
0x59: {  	s23 =	smov.u32 s22;
	s22 =	smov.u32 s24;
	p1 =	por !p3, !p1  }
0x5a: {  	s24 =	smov.u32 s5;
	s5 =	sadd.s32 $0xFFFFFFFF, s5;
	p1 =	por !p1, !p1  }
0x5b: {  	s1 =	sadd.s32 $0xFFFFFFF0, s1  }
0x5c: {  	v6 =	vld [tilespmem:s1+$0x0];
	[tilespmem:s1+$0x0] =	vst v0;
	s1 =	sadd.s32 $0xFFFFFFF0, s1  }
0x5d: {  	v7 =	vld [tilespmem:s1+$0x0];
	_ =	sdelay $0x2  }
0x5e: {  	(xrf0) =	vadd.scan.msk.s32 $0xffff, v5  }
0x5f: {  	(xrf0) =	vadd.scan.msk.s32 $0xffff, v6  }
0x60: {  	v5, _, _ =	vpop (xrf0);
	(xrf0) =	vadd.scan.msk.s32 $0xffff, v7  }
0x61: {  	(v2sf) =	vpush v5, $0xF  }
0x62: {  	[tilespmem:s1+$0x0] =	vst v0;
	s1 =	sadd.s32 $0xFFFFFFF0, s1  }
0x63: {  	v6 =	vld [tilespmem:s1+$0x0]  }
0x64: {  	v5, _, _ =	vpop (xrf0)  }
0x65: {  	(v2sf) =	vpush v5, $0xF;
	v5, _, _ =	vpop (xrf0)  }
0x66: {  	[tilespmem:s1+$0x0] =	vst v0;
	s1 =	sadd.s32 $0xFFFFFFF0, s1;
	(v2sf) =	vpush v5, $0xF;
	v5, _, _ =	vpop (xrf0)  }
0x67: {  	(v2sf) =	vpush v5, $0xF;
	v5 =	vld [tilespmem:s1+$0x0];
	[tilespmem:s1+$0x0] =	vst v0;
	s1 =	sadd.s32 $0xFFFFFFF0, s1  }
0x68: {  	(xrf0) =	vadd.scan.msk.s32 $0xffff, v6;
	v6 =	vld [tilespmem:s1+$0x0];
	_ =	sdelay $0x1  }
0x69: {  	s5 =	spop (v2sf)  }
0x6a: {  	s19 =	smov.u32 @p1 s2;
	s2 =	sadd.s32 s0, s5  }
0x6b: {  	s20 =	smov.u32 @p1 s4;
	p0 =	por p0, p0;
	p4 =	sgt.s32 s2, $0x3F;
	(xrf0) =	vadd.scan.msk.s32 $0xffff, v5  }
0x6c: {  	s21 =	smov.u32 @p1 s3;
	p2 =	slt.s32 s2, $0x40;
	p0 =	por !p0, !p4;
	(xrf0) =	vadd.scan.msk.s32 $0xffff, v6  }
0x6d: {  	p5 =	por p2, p2;
	p0 =	por !p0, !p0;
	s3 =	spop (v2sf)  }
0x6e: {  	s19 =	smov.u32 @p0 s31;
	s20 =	smov.u32 @p0 s0;
	s4 =	sadd.s32 s2, s3;
	v5, _, _ =	vpop (xrf0)  }
0x6f: {  	s21 =	smov.u32 @p0 s5;
	p6 =	sgt.s32 s4, $0x3F;
	s0 =	spop (v2sf);
	(v2sf) =	vpush v5, $0xF  }
0x70: {  	p3 =	slt.s32 s4, $0x40;
	p1 =	por !p5, !p6;
	s5 =	sadd.s32 s4, s0  }
0x71: {  	p0 =	por !p1, !p1;
	p1 =	por p3, p3;
	p4 =	sgt.s32 s5, $0x3F;
	v5, _, _ =	vpop (xrf0)  }
0x72: {  	s19 =	smov.u32 @p0 s30;
	s20 =	smov.u32 @p0 s2;
	p1 =	por !p1, !p4;
	(v2sf) =	vpush v5, $0xF;
	v5, _, _ =	vpop (xrf0)  }
0x73: {  	s21 =	smov.u32 @p0 s3;
	p0 =	por !p1, !p1;
	s30 =	spop (v2sf);
	(v2sf) =	vpush v5, $0xF  }
0x74: {  	p5 =	slt.s32 s5, $0x40;
	s19 =	smov.u32 @p0 s29;
	s29 =	sadd.s32 s5, s30  }
0x75: {  	p1 =	por p5, p5;
	p6 =	sgt.s32 s29, $0x3F  }
0x76: {  	s20 =	smov.u32 @p0 s4;
	p3 =	slt.s32 s29, $0x40;
	p1 =	por !p1, !p6  }
0x77: {  	s21 =	smov.u32 @p0 s0;
	p4 =	por p3, p3;
	p1 =	por !p1, !p1  }
0x78: {  	s2 =	spop (v2sf);
	s19 =	smov.u32 @p1 s28;
	s20 =	smov.u32 @p1 s5  }
0x79: {  	s21 =	smov.u32 @p1 s30;
	s3 =	spop (v2sf);
	s4 =	sadd.s32 s29, s2  }
0x7a: {  	p5 =	sgt.s32 s4, $0x3F;
	p2 =	slt.s32 s4, $0x40;
	s0 =	sadd.s32 s4, s3  }
0x7b: {  	p6 =	por !p4, !p5;
	p1 =	por p2, p2;
	p3 =	sgt.s32 s0, $0x3F  }
0x7c: {  	p5 =	slt.s32 s0, $0x40;
	p0 =	por !p6, !p6;
	p4 =	por !p1, !p3  }
0x7d: {  	p1 =	por p5, p5;
	s19 =	smov.u32 @p0 s26;
	s20 =	smov.u32 @p0 s29  }
0x7e: {  	s21 =	smov.u32 @p0 s2;
	p0 =	por !p4, !p4;
	s2 =	spop (v2sf)  }
0x7f: {  	s19 =	smov.u32 @p0 s25;
	s20 =	smov.u32 @p0 s4;
	s5 =	sadd.s32 s0, s2  }
0x80: {  	s21 =	smov.u32 @p0 s3;
	p6 =	sgt.s32 s5, $0x3F;
	p3 =	slt.s32 s5, $0x40  }
0x81: {  	p2 =	por !p1, !p6;
	p1 =	por p3, p3;
	s3 =	spop (v2sf)  }
0x82: {  	p0 =	por !p2, !p2;
	s4 =	sadd.s32 s5, s3;
	s25 =	spop (v2sf)  }
0x83: {  	p4 =	slt.s32 s4, $0x40;
	p5 =	sgt.s32 s4, $0x3F;
	s31 =	sadd.s32 s4, s25  }
0x84: {  	p1 =	por !p1, !p5;
	p2 =	por p4, p4;
	p6 =	sgt.s32 s31, $0x3F  }
0x85: {  	s19 =	smov.u32 @p0 s23;
	p2 =	por !p2, !p6;
	p1 =	por !p1, !p1  }
0x86: {  	s19 =	smov.u32 @p1 s22;
	p2 =	por !p2, !p2  }
0x87: {  	s20 =	smov.u32 @p0 s0;
	s21 =	smov.u32 @p0 s2;
	s19 =	smov.u32 @p2 s24  }
0x88: {  	s20 =	smov.u32 @p1 s5;
	s21 =	smov.u32 @p1 s3;
	s2 =	sadd.s32 $0xFFFFFF80, s19  }
0x89: {  	[tilespmem:s1+$0x0] =	vst v0;
	v6 =	vimm.s32 $0x0;
	s0 =	simm.s32 $0x0;
	s20 =	smov.u32 @p2 s4;
	s21 =	smov.u32 @p2 s25;
	v5 =	vmov s2  }
.LBB2_8:
0x8a: {  	s1 =	sshra.s32 s0, $0x2  }
0x8b: {  	v7 =	vld [tilespmem:s1+$0x0];
	_ =	sdelay $0x4  }
0x8c: {  	v8 =	vshra.s32 v7, $0x1F  }
0x8d: {  	v8 =	vshrl.u32 v8, $0x1  }
0x8e: {  	v7 =	vxor.u32 v7, v8  }
0x8f: {  	v8 =	vshra.s32 v7, $0x18  }
0x90: {  	vm0 =	veq.s32 v8, v5  }
0x91: {  	v8 =	vsel vm0, $0x1, v0  }
0x92: {  	(xrf0) =	vadd.scan.msk.s32 $0xffff, v8;
	_ =	sdelay $0x5  }
0x93: {  	v8, _, _ =	vpop (xrf0)  }
0x94: {  	v8 =	vadd.s32 v8, v6  }
0x95: {  	v8 =	vadd.s32 $0xFFFFFFFF, v8;
	_ =	sdelay $0x4  }
0x96: {  	[tilespmem:v8+s16+$0x0] =	vst.idx.msk vm0, v7  }
0x97: {  	v7 =	vld [tilespmem:s1+$0x10];
	_ =	sdelay $0x4  }
0x98: {  	v8 =	vshra.s32 v7, $0x1F  }
0x99: {  	v8 =	vshrl.u32 v8, $0x1  }
0x9a: {  	v7 =	vxor.u32 v7, v8  }
0x9b: {  	v8 =	vshra.s32 v7, $0x18  }
0x9c: {  	vm1 =	veq.s32 v8, v5  }
0x9d: {  	v8 =	vsel vm1, $0x1, v0  }
0x9e: {  	(xrf0) =	vadd.scan.msk.s32 $0xffff, v8;
	_ =	sdelay $0x1  }
0x9f: {  	v8 =	vmpcnt.ones.xlane vm0;
	_ =	sdelay $0x3  }
0xa0: {  	v6 =	vadd.s32 v6, v8;
	v8, _, _ =	vpop (xrf0)  }
0xa1: {  	v8 =	vadd.s32 v8, v6  }
0xa2: {  	v8 =	vadd.s32 $0xFFFFFFFF, v8;
	_ =	sdelay $0x4  }
0xa3: {  	[tilespmem:v8+s16+$0x0] =	vst.idx.msk vm1, v7  }
0xa4: {  	v7 =	vld [tilespmem:s1+$0x20];
	_ =	sdelay $0x4  }
0xa5: {  	v8 =	vshra.s32 v7, $0x1F  }
0xa6: {  	v8 =	vshrl.u32 v8, $0x1  }
0xa7: {  	v7 =	vxor.u32 v7, v8  }
0xa8: {  	v8 =	vshra.s32 v7, $0x18  }
0xa9: {  	vm14 =	veq.s32 v8, v5  }
0xaa: {  	v8 =	vsel vm14, $0x1, v0  }
0xab: {  	(xrf0) =	vadd.scan.msk.s32 $0xffff, v8;
	_ =	sdelay $0x1  }
0xac: {  	v8 =	vmpcnt.ones.xlane vm1;
	_ =	sdelay $0x3  }
0xad: {  	v6 =	vadd.s32 v6, v8;
	v8, _, _ =	vpop (xrf0)  }
0xae: {  	v8 =	vadd.s32 v8, v6  }
0xaf: {  	v8 =	vadd.s32 $0xFFFFFFFF, v8;
	_ =	sdelay $0x4  }
0xb0: {  	[tilespmem:v8+s16+$0x0] =	vst.idx.msk vm14, v7  }
0xb1: {  	v7 =	vld [tilespmem:s1+$0x30];
	_ =	sdelay $0x4  }
0xb2: {  	v8 =	vshra.s32 v7, $0x1F  }
0xb3: {  	v8 =	vshrl.u32 v8, $0x1  }
0xb4: {  	v7 =	vxor.u32 v7, v8  }
0xb5: {  	v8 =	vshra.s32 v7, $0x18  }
0xb6: {  	vm15 =	veq.s32 v8, v5  }
0xb7: {  	v8 =	vsel vm15, $0x1, v0  }
0xb8: {  	(xrf0) =	vadd.scan.msk.s32 $0xffff, v8;
	_ =	sdelay $0x1  }
0xb9: {  	v8 =	vmpcnt.ones.xlane vm14;
	_ =	sdelay $0x3  }
0xba: {  	v6 =	vadd.s32 v6, v8;
	v8, _, _ =	vpop (xrf0)  }
0xbb: {  	v8 =	vadd.s32 v8, v6  }
0xbc: {  	p0 =	sne.s32 s0, $0x1FF00;
	v8 =	vadd.s32 $0xFFFFFFFF, v8  }
.Ltmp3:
0xbd: {  	_ = 	snop;
	(pc) =	sbr.rel @p0 .LBB2_8-.Ltmp3, $3  }
0xbe: {  	_ = 	snop  }
0xbf: {  	v9 =	vmpcnt.ones.xlane vm15;
	_ =	sdelay $0x1  }
0xc0: {  	s0 =	sadd.s32 $0x100, s0;
	v6 =	vadd.s32 v6, v9;
	[tilespmem:v8+s16+$0x0] =	vst.idx.msk vm15, v7  }
0xc1: {  	v5 =	vadd.s32 v1, v6  }
.Ltmp4:
0xc2: {  	s4 =	sadd.s32 $0xF, s21;
	(pc) =	sbr.rel .LBB2_10-.Ltmp4, $4  }
0xc3: {  	s0 =	sshra.s32 s4, $0x1F  }
0xc4: {  	s0 =	sshrl.u32 s0, $0x1C  }
0xc5: {  	s3 =	sshll.u32 s2, $0x18;
	s2 =	simm.s32 $0x0;
	s1 =	sadd.s32 s0, s4  }
0xc6: {  	p0 =	slt.s32 s4, $0x10;
	s0 =	ssub.s32 $0x40, s20;
	s1 =	sshra.s32 s1, $0x4;
	[tilespmem:v5+s16+$0x0] =	vst.idx.msk $0xffff, v4  }
.LBB2_13:
0xc7: {  	v6 =	vmpcnt.ones.xlane vm0;
	_ =	sdelay $0x1  }
0xc8: {  	v5 =	vadd.s32 v5, v6  }
0xc9: {  	v5 =	vxor.u32 $0x80000000, v5  }
.LBB2_14:
0xca: {  	(xrf0) =	vmax.scan.msk.u32 $0xffff, v5;
	_ =	sdelay $0x5  }
0xcb: {  	v5, _, _ =	vpop (xrf0)  }
0xcc: {  	(v2sf) =	vpush v5, $0xF;
	_ =	sdelay $0xe  }
0xcd: {  	s5 =	spop (v2sf)  }
0xce: {  	s5 =	sxor.u32 $0x80000000, s5  }
0xcf: {  	s2 =	sadd.s32 $0x1, s2;
	p1 =	slt.s32 s5, s0  }
0xd0: {  	s4 =	smov.u32 @p1 s3;
	p1 =	sne.s32 s2, $0x18  }
.Ltmp5:
0xd1: {  	_ = 	snop;
	(pc) =	sbr.rel @!p1 .LBB2_15-.Ltmp5, $2  }
0xd2: {  	_ =	sdelay $0x2  }
0xd3: {  	s3 =	smov.u32 s4  }
.LBB2_10:
.Ltmp6:
0xd4: {  	(pc) =	sbr.rel @p0 .LBB2_14-.Ltmp6, $3  }
0xd5: {  	_ =	sdelay $0x1  }
0xd6: {  	s4 =	sshrl.u32 s17, s2  }
0xd7: {  	v5 =	vimm.s32 $0x80000000;
	s4 =	sor.u32 s4, s3  }
0xd8: {  	s5 =	simm.s32 $0x9000  }
0xd9: {  	p1 =	sne.s32 s1, $0x1;
	v7 =	vld [tilespmem:s5+$0x0]  }
.Ltmp7:
0xda: {  	_ = 	snop;
	(pc) =	sbr.rel @!p1 .LBB2_13-.Ltmp7, $3  }
0xdb: {  	_ =	sdelay $0x1  }
0xdc: {  	v6 =	vmov s4  }
0xdd: {  	v5 =	vimm.s32 $0x0;
	s19 =	simm.s32 $0x9010;
	s5 =	sadd.s32 $0xFFFFFFFF, s1;
	vm0 =	vge.s32 v7, v6  }
.LBB2_12:
0xde: {  	v7 =	vld [tilespmem:s19+$0x0];
	p1 =	sne.s32 s5, $0x1;
	s5 =	sadd.s32 $0xFFFFFFFF, s5;
	v8 =	vmpcnt.ones.xlane vm0  }
.Ltmp8:
0xdf: {  	(pc) =	sbr.rel @p1 .LBB2_12-.Ltmp8, $2  }
0xe0: {  	v5 =	vadd.s32 v5, v8;
	_ =	sdelay $0x2  }
0xe1: {  	s19 =	sadd.s32 $0x10, s19;
	vm0 =	vge.s32 v7, v6  }
.Ltmp9:
0xe2: {  	_ = 	snop;
	(pc) =	sbr.rel .LBB2_13-.Ltmp9, $1  }
0xe3: {  	_ =	sdelay $0x3  }
.LBB2_15:
.Ltmp10:
0xe4: {  	(pc) =	sbr.rel @p0 .LBB2_19-.Ltmp10, $2  }
0xe5: {  	_ =	sdelay $0x2  }
0xe6: {  	v5 =	vmov s4;
	v6 =	vimm.s32 $0x80000000  }
0xe7: {  	s2 =	simm.s32 $0x9000  }
0xe8: {  	p0 =	sne.s32 s1, $0x1;
	v7 =	vld [tilespmem:s2+$0x0]  }
.Ltmp11:
0xe9: {  	_ = 	snop;
	(pc) =	sbr.rel @!p0 .LBB2_18-.Ltmp11, $2  }
0xea: {  	_ =	sdelay $0x2  }
0xeb: {  	v6 =	vimm.s32 $0x0;
	s1 =	sadd.s32 $0xFFFFFFFF, s1;
	s2 =	simm.s32 $0x9010;
	vm0 =	vgt.s32 v7, v5  }
.LBB2_17:
0xec: {  	v7 =	vld [tilespmem:s2+$0x0];
	p0 =	sne.s32 s1, $0x1;
	s1 =	sadd.s32 $0xFFFFFFFF, s1;
	v8 =	vmpcnt.ones.xlane vm0  }
.Ltmp12:
0xed: {  	(pc) =	sbr.rel @p0 .LBB2_17-.Ltmp12, $2  }
0xee: {  	v6 =	vadd.s32 v6, v8;
	_ =	sdelay $0x2  }
0xef: {  	s2 =	sadd.s32 $0x10, s2;
	vm0 =	vgt.s32 v7, v5  }
.LBB2_18:
0xf0: {  	v7 =	vmpcnt.ones.xlane vm0;
	_ =	sdelay $0x1  }
0xf1: {  	v6 =	vadd.s32 v6, v7  }
0xf2: {  	v6 =	vxor.u32 $0x80000000, v6  }
.LBB2_19:
0xf3: {  	(xrf0) =	vmax.scan.msk.u32 $0xffff, v6;
	_ =	sdelay $0x5  }
0xf4: {  	v6, _, _ =	vpop (xrf0)  }
0xf5: {  	s19 =	simm.s32 $0x0;
	(v2sf) =	vpush v6, $0xF  }
0xf6: {  	v12 =	vld [tilespmem:s19+$0x0];
	_ =	sdelay $0x4  }
0xf7: {  	v6 =	vshra.s32 v12, $0x1F  }
0xf8: {  	v6 =	vshrl.u32 v6, $0x1  }
0xf9: {  	v9 =	vxor.u32 v12, v6  }
0xfa: {  	vm0 =	veq.s32 v9, v5  }
0xfb: {  	v6 =	vsel vm0, $0x1, v0  }
0xfc: {  	(xrf0) =	vadd.scan.msk.s32 $0xffff, v6;
	_ =	sdelay $0x3  }
0xfd: {  	s1 =	spop (v2sf)  }
0xfe: {  	s1 =	sxor.u32 $0x80000000, s1  }
0xff: {  	v7 =	vimm.s32 $0x0;
	v8 =	vld [tilespmem:s19+$0x30];
	v10, _, _ =	vpop (xrf0);
	s0 =	ssub.s32 s0, s1  }
0x100: {  	v10 =	vadd.s32 v7, v10;
	v6 =	vmov s0  }
0x101: {  	vm1 =	vle.s32 v10, v6;
	v10 =	vld [tilespmem:s19+$0x20]  }
0x102: {  	v11 =	vmpcnt.ones.xlane vm0;
	vm0 =	vmand vm0, vm1;
	vm1 =	vgt.s32 v9, v5;
	v9 =	vld [tilespmem:s19+$0x10];
	_ =	sdelay $0x1  }
0x103: {  	s20 =	simm.s32 $0x100;
	v13 =	vshra.s32 v8, $0x1F;
	v12 =	vmax.f32 v12, $0.0e+00;
	s0 =	simm.s32 $0x200;
	vm2 =	vmor vm1, vm0  }
.LBB2_20:
0x104: {  	p0 =	sne.s32 s0, $0x1FF00  }
0x105: {  	s1 =	sshra.s32 s20, $0x2;
	v12 =	vnsel vm2, $0x0, v12;
	v14 =	vshra.s32 v10, $0x1F;
	v13 =	vshrl.u32 v13, $0x1;
	s20 =	smov.u32 s0;
	s0 =	sadd.s32 $0x100, s0  }
0x106: {  	[tilespmem:s19+$0x0] =	vst v12;
	v12 =	vshra.s32 v9, $0x1F;
	v14 =	vshrl.u32 v14, $0x1;
	v13 =	vxor.u32 v8, v13  }
0x107: {  	v15 =	vld [tilespmem:s1+$0x0];
	v12 =	vshrl.u32 v12, $0x1;
	v14 =	vxor.u32 v10, v14;
	vm2 =	veq.s32 v13, v5  }
0x108: {  	v12 =	vxor.u32 v9, v12;
	vm1 =	veq.s32 v14, v5;
	v16 =	vsel vm2, $0x1, v0  }
0x109: {  	vm0 =	veq.s32 v12, v5;
	v17 =	vsel vm1, $0x1, v0;
	(xrf0) =	vadd.scan.msk.s32 $0xffff, v16  }
0x10a: {  	v16 =	vsel vm0, $0x1, v0;
	v18 =	vmpcnt.ones.xlane vm0;
	(xrf0) =	vadd.scan.msk.s32 $0xffff, v17  }
0x10b: {  	v11 =	vadd.s32 v7, v11;
	v10 =	vmax.f32 v10, $0.0e+00;
	(xrf0) =	vadd.scan.msk.s32 $0xffff, v16  }
0x10c: {  	v8 =	vmax.f32 v8, $0.0e+00;
	v9 =	vmax.f32 v9, $0.0e+00;
	v7 =	vshra.s32 v15, $0x1F  }
0x10d: {  	vm4 =	vgt.s32 v14, v5;
	v19 =	vmpcnt.ones.xlane vm1;
	v7 =	vshrl.u32 v7, $0x1  }
0x10e: {  	v17 =	vadd.s32 v11, v18;
	v16 =	vxor.u32 v15, v7;
	v7 =	vmpcnt.ones.xlane vm2  }
0x10f: {  	vm5 =	vgt.s32 v12, v5;
	v19 =	vadd.s32 v17, v19;
	vm3 =	veq.s32 v16, v5;
	v14, _, _ =	vpop (xrf0)  }
0x110: {  	v18 =	vsel vm3, $0x1, v0;
	v14 =	vadd.s32 v19, v14;
	v7 =	vadd.s32 v19, v7;
	v12, _, _ =	vpop (xrf0)  }
0x111: {  	vm7 =	vgt.s32 v13, v5;
	(xrf0) =	vadd.scan.msk.s32 $0xffff, v18;
	v12 =	vadd.s32 v17, v12;
	vm6 =	vle.s32 v14, v6;
	v13, _, _ =	vpop (xrf0)  }
0x112: {  	v11 =	vadd.s32 v11, v13;
	vm8 =	vle.s32 v12, v6;
	vm2 =	vmand vm2, vm6  }
0x113: {  	vm6 =	vle.s32 v11, v6;
	vm1 =	vmand vm1, vm8;
	vm2 =	vmor vm7, vm2  }
0x114: {  	vm0 =	vmand vm0, vm6;
	vm1 =	vmor vm4, vm1;
	v8 =	vnsel vm2, $0x0, v8  }
0x115: {  	v11 =	vmpcnt.ones.xlane vm3;
	vm0 =	vmor vm5, vm0;
	v10 =	vnsel vm1, $0x0, v10;
	[tilespmem:s19+$0x30] =	vst v8  }
0x116: {  	v8 =	vld [tilespmem:s1+$0x30];
	v9 =	vnsel vm0, $0x0, v9;
	[tilespmem:s19+$0x20] =	vst v10  }
.Ltmp13:
0x117: {  	v10 =	vld [tilespmem:s1+$0x20];
	v12, _, _ =	vpop (xrf0);
	[tilespmem:s19+$0x10] =	vst v9;
	s19 =	smov.u32 s1;
	(pc) =	sbr.rel @p0 .LBB2_20-.Ltmp13, $4  }
0x118: {  	v12 =	vadd.s32 v7, v12;
	v9 =	vld [tilespmem:s19+$0x10]  }
0x119: {  	vm0 =	vle.s32 v12, v6  }
0x11a: {  	vm1 =	vgt.s32 v16, v5;
	vm0 =	vmand vm3, vm0  }
0x11b: {  	v12 =	vmax.f32 v15, $0.0e+00;
	vm2 =	vmor vm1, vm0;
	v13 =	vshra.s32 v8, $0x1F  }
0x11c: {  	v13 =	vshrl.u32 v13, $0x1;
	v14 =	vshra.s32 v10, $0x1F  }
0x11d: {  	v13 =	vxor.u32 v8, v13;
	v14 =	vshrl.u32 v14, $0x1;
	v15 =	vshra.s32 v9, $0x1F  }
0x11e: {  	vm0 =	veq.s32 v13, v5;
	v14 =	vxor.u32 v10, v14;
	v15 =	vshrl.u32 v15, $0x1  }
0x11f: {  	v16 =	vsel vm0, $0x1, v0;
	vm3 =	veq.s32 v14, v5;
	v15 =	vxor.u32 v9, v15  }
0x120: {  	(xrf0) =	vadd.scan.msk.s32 $0xffff, v16;
	v34 =	vsel vm3, $0x1, v0;
	vm1 =	veq.s32 v15, v5  }
0x121: {  	(xrf0) =	vadd.scan.msk.s32 $0xffff, v34;
	v35 =	vsel vm1, $0x1, v0  }
0x122: {  	(xrf0) =	vadd.scan.msk.s32 $0xffff, v35  }
0x123: {  	v17 =	vmpcnt.ones.xlane vm1  }
0x124: {  	v7 =	vadd.s32 v7, v11;
	v36 =	vmpcnt.ones.xlane vm3  }
0x125: {  	v12 =	vnsel vm2, $0x0, v12;
	v37 =	vadd.s32 v7, v17  }
0x126: {  	v40 =	vmax.f32 v10, $0.0e+00;
	v41 =	vmax.f32 v8, $0.0e+00;
	v11 =	vadd.s32 v37, v36;
	v38, _, _ =	vpop (xrf0)  }
0x127: {  	[tilespmem:s19+$0x0] =	vst v12;
	vm4 =	vgt.s32 v13, v5;
	vm5 =	vgt.s32 v14, v5;
	v12 =	vadd.s32 v11, v38;
	v18, _, _ =	vpop (xrf0)  }
0x128: {  	s0 =	sshra.s32 s20, $0x2;
	vm12 =	vgt.s32 v15, v5;
	vm10 =	vle.s32 v12, v6;
	v42 =	vadd.s32 v37, v18;
	v43, _, _ =	vpop (xrf0)  }
0x129: {  	v39 =	vld [tilespmem:s0+$0x0];
	vm2 =	vmand vm0, vm10;
	vm6 =	vle.s32 v42, v6;
	v7 =	vadd.s32 v7, v43  }
0x12a: {  	vm2 =	vmor vm4, vm2;
	vm3 =	vmand vm3, vm6;
	vm11 =	vle.s32 v7, v6  }
0x12b: {  	v8 =	vnsel vm2, $0x0, v41;
	vm3 =	vmor vm5, vm3;
	vm1 =	vmand vm1, vm11  }
0x12c: {  	v45 =	vmax.f32 v9, $0.0e+00;
	[tilespmem:s19+$0x30] =	vst v8;
	v7 =	vnsel vm3, $0x0, v40;
	vm1 =	vmor vm12, vm1  }
0x12d: {  	v8 =	vld [tilespmem:s0+$0x30];
	[tilespmem:s19+$0x20] =	vst v7;
	v9 =	vnsel vm1, $0x0, v45  }
0x12e: {  	v44 =	vshra.s32 v39, $0x1F;
	v47 =	vld [tilespmem:s0+$0x20];
	[tilespmem:s19+$0x10] =	vst v9  }
0x12f: {  	v46 =	vshrl.u32 v44, $0x1;
	v49 =	vld [tilespmem:s0+$0x10]  }
0x130: {  	v7 =	vxor.u32 v39, v46  }
0x131: {  	v50 =	vmpcnt.ones.xlane vm0;
	vm13 =	veq.s32 v7, v5  }
0x132: {  	v48 =	vsel vm13, $0x1, v0;
	v51 =	vshra.s32 v8, $0x1F  }
0x133: {  	v9 =	vadd.s32 v11, v50;
	(xrf0) =	vadd.scan.msk.s32 $0xffff, v48;
	v52 =	vshra.s32 v47, $0x1F;
	v13 =	vshrl.u32 v51, $0x1  }
0x134: {  	v53 =	vshra.s32 v49, $0x1F;
	v11 =	vshrl.u32 v52, $0x1;
	v13 =	vxor.u32 v8, v13  }
0x135: {  	v14 =	vshrl.u32 v53, $0x1;
	v11 =	vxor.u32 v47, v11;
	vm14 =	veq.s32 v13, v5  }
0x136: {  	v14 =	vxor.u32 v49, v14;
	vm1 =	veq.s32 v11, v5;
	v55 =	vsel vm14, $0x1, v0  }
0x137: {  	vm15 =	veq.s32 v14, v5;
	v56 =	vsel vm1, $0x1, v0;
	(xrf0) =	vadd.scan.msk.s32 $0xffff, v55  }
0x138: {  	v57 =	vsel vm15, $0x1, v0;
	(xrf0) =	vadd.scan.msk.s32 $0xffff, v56  }
0x139: {  	v59 =	vmax.f32 v39, $0.0e+00;
	vm9 =	vgt.s32 v7, v5;
	v58 =	vmpcnt.ones.xlane vm13;
	v54, _, _ =	vpop (xrf0);
	(xrf0) =	vadd.scan.msk.s32 $0xffff, v57  }
0x13a: {  	v10 =	vmax.f32 v47, $0.0e+00;
	v8 =	vmax.f32 v8, $0.0e+00;
	v7 =	vmpcnt.ones.xlane vm15  }
0x13b: {  	v15 =	vadd.s32 v9, v54;
	v9 =	vadd.s32 v9, v58;
	v60 =	vmpcnt.ones.xlane vm1  }
0x13c: {  	vm10 =	vgt.s32 v11, v5;
	vm8 =	vle.s32 v15, v6;
	v7 =	vadd.s32 v9, v7  }
0x13d: {  	vm11 =	vgt.s32 v14, v5;
	vm3 =	vmand vm13, vm8;
	v16 =	vadd.s32 v7, v60;
	v61, _, _ =	vpop (xrf0)  }
0x13e: {  	vm13 =	vgt.s32 v13, v5;
	vm3 =	vmor vm9, vm3;
	v62 =	vadd.s32 v16, v61;
	v63, _, _ =	vpop (xrf0)  }
0x13f: {  	v15 =	vnsel vm3, $0x0, v59;
	v7 =	vadd.s32 v7, v63;
	vm12 =	vle.s32 v62, v6;
	v5, _, _ =	vpop (xrf0)  }
0x140: {  	v5 =	vadd.s32 v9, v5;
	vm7 =	vle.s32 v7, v6;
	vm0 =	vmand vm14, vm12  }
0x141: {  	vm14 =	vle.s32 v5, v6;
	vm1 =	vmand vm1, vm7;
	vm0 =	vmor vm13, vm0  }
0x142: {  	[tilespmem:s0+$0x0] =	vst v15;
	vm2 =	vmand vm15, vm14;
	vm1 =	vmor vm10, vm1;
	v5 =	vnsel vm0, $0x0, v8  }
0x143: {  	v6 =	vmax.f32 v49, $0.0e+00;
	vm15 =	vmor vm11, vm2;
	v7 =	vnsel vm1, $0x0, v10;
	[tilespmem:s0+$0x30] =	vst v5  }
0x144: {  	v5 =	vnsel vm15, $0x0, v6;
	[tilespmem:s0+$0x20] =	vst v7  }
0x145: {  	s30 =	rddreg [dreg:$0x4];
	s19 =	simm.s32 $0x0;
	[tilespmem:s0+$0x10] =	vst v5  }
0x146: {  	[hbm4b:s30+s12] =	stream.strided.scatter [tilespmem:s19], [sflag:$0x1], $0x8000, s13, s12, $0x38;
	[tilespmem:$0x11080] =	vst v63  }
0x147: {  	_ =	swait.ge [sflag:s14], $0x8000  }
0x148: {  	[sflag:s14] =	ssyncset.done $0x0  }
0x149: {  	s31 =	rddreg [dreg:$0x5];
	[sflag:s14] =	ssyncadd.s32 $0xFFFF8000  }
0x14a: {  	[tilespmem:s19], [sflag:$0x1] =	stream.strided.gather [hbm4b:s31+s12], $0x8000, s13, s12, $0x38;
	[tilespmem:$0x11080] =	vst v63  }
0x14b: {  	_ =	swait.ge [sflag:s14], $0x8000  }
0x14c: {  	[sflag:s14] =	ssyncset.done $0x0  }
0x14d: {  	s0 =	simm.s32 $0x0;
	[sflag:s14] =	ssyncadd.s32 $0xFFFF8000  }
.LBB2_22:
0x14e: {  	s1 =	sshra.s32 s0, $0x2  }
0x14f: {  	v5 =	vld [tilespmem:s1+$0x0];
	_ =	sdelay $0x4  }
0x150: {  	v6 =	vshra.s32 v5, $0x1F  }
0x151: {  	v6 =	vshrl.u32 v6, $0x1  }
0x152: {  	v5 =	vxor.u32 v5, v6  }
0x153: {  	v5 =	vshra.s32 v5, $0x14  }
0x154: {  	v5 =	vand.u32 $0xFFFFFFF0, v5  }
0x155: {  	v5 =	vadd.s32 v3, v5;
	_ =	sdelay $0x4  }
0x156: {  	[tilespmem:v5+s15+$0x0] =	vst.idx.add.s32.msk $0xffff, v2  }
0x157: {  	v5 =	vld [tilespmem:s1+$0x10];
	_ =	sdelay $0x4  }
0x158: {  	v6 =	vshra.s32 v5, $0x1F  }
0x159: {  	v6 =	vshrl.u32 v6, $0x1  }
0x15a: {  	v5 =	vxor.u32 v5, v6  }
0x15b: {  	v5 =	vshra.s32 v5, $0x14  }
0x15c: {  	v5 =	vand.u32 $0xFFFFFFF0, v5  }
0x15d: {  	v5 =	vadd.s32 v3, v5;
	_ =	sdelay $0x4  }
0x15e: {  	[tilespmem:v5+s15+$0x0] =	vst.idx.add.s32.msk $0xffff, v2  }
0x15f: {  	v5 =	vld [tilespmem:s1+$0x20];
	_ =	sdelay $0x4  }
0x160: {  	v6 =	vshra.s32 v5, $0x1F  }
0x161: {  	v6 =	vshrl.u32 v6, $0x1  }
0x162: {  	v5 =	vxor.u32 v5, v6  }
0x163: {  	v5 =	vshra.s32 v5, $0x14  }
0x164: {  	v5 =	vand.u32 $0xFFFFFFF0, v5  }
0x165: {  	v5 =	vadd.s32 v3, v5;
	_ =	sdelay $0x4  }
0x166: {  	[tilespmem:v5+s15+$0x0] =	vst.idx.add.s32.msk $0xffff, v2  }
0x167: {  	v5 =	vld [tilespmem:s1+$0x30];
	_ =	sdelay $0x4  }
0x168: {  	v6 =	vshra.s32 v5, $0x1F  }
0x169: {  	v6 =	vshrl.u32 v6, $0x1  }
0x16a: {  	v5 =	vxor.u32 v5, v6  }
0x16b: {  	v5 =	vshra.s32 v5, $0x14  }
0x16c: {  	v5 =	vand.u32 $0xFFFFFFF0, v5  }
0x16d: {  	p0 =	sne.s32 s0, $0x1FF00;
	v5 =	vadd.s32 v3, v5  }
.Ltmp14:
0x16e: {  	_ = 	snop;
	(pc) =	sbr.rel @p0 .LBB2_22-.Ltmp14, $2  }
0x16f: {  	_ =	sdelay $0x2  }
0x170: {  	s0 =	sadd.s32 $0x100, s0;
	[tilespmem:v5+s15+$0x0] =	vst.idx.add.s32.msk $0xffff, v2  }
0x171: {  	s0 =	simm.s32 $0x8FF0  }
0x172: {  	v5 =	vld [tilespmem:s0+$0x0];
	_ =	sdelay $0x4  }
0x173: {  	(xrf0) =	vadd.scan.msk.s32 $0xffff, v5;
	_ =	sdelay $0x5  }
0x174: {  	v5, _, _ =	vpop (xrf0)  }
0x175: {  	(v2sf) =	vpush v5, $0xF;
	_ =	sdelay $0x1  }
0x176: {  	s25 =	simm.s32 $0x8FE0;
	[tilespmem:s0+$0x0] =	vst v0  }
0x177: {  	v5 =	vld [tilespmem:s25+$0x0];
	_ =	sdelay $0x2  }
0x178: {  	s26 =	simm.s32 $0x8FD0;
	[tilespmem:s25+$0x0] =	vst v0  }
0x179: {  	v6 =	vld [tilespmem:s26+$0x0]  }
0x17a: {  	(xrf0) =	vadd.scan.msk.s32 $0xffff, v5;
	_ =	sdelay $0x3  }
0x17b: {  	(xrf0) =	vadd.scan.msk.s32 $0xffff, v6;
	_ =	sdelay $0x1  }
0x17c: {  	v5, _, _ =	vpop (xrf0)  }
0x17d: {  	s3 =	spop (v2sf);
	(v2sf) =	vpush v5, $0xF  }
0x17e: {  	s1 =	simm.s32 $0x8FC0;
	[tilespmem:s26+$0x0] =	vst v0  }
0x17f: {  	v6 =	vld [tilespmem:s1+$0x0]  }
0x180: {  	s2 =	simm.s32 $0xFF;
	v7, _, _ =	vpop (xrf0)  }
0x181: {  	s31 =	simm.s32 $0xFE;
	s30 =	simm.s32 $0xFD;
	s29 =	simm.s32 $0xFC;
	(v2sf) =	vpush v7, $0xF  }
0x182: {  	s28 =	simm.s32 $0xFB;
	s23 =	simm.s32 $0xF8;
	p0 =	por $0x1, $0x1  }
0x183: {  	s22 =	simm.s32 $0xF7;
	s24 =	simm.s32 $0xF6;
	s5 =	simm.s32 $0xF5  }
0x184: {  	s4 =	simm.s32 $0x0;
	s20 =	simm.s32 $0x0;
	(xrf0) =	vadd.scan.msk.s32 $0xffff, v6;
	s0 =	sadd.s32 $0x0, s3  }
0x185: {  	p0 =	por p0, p0;
	[tilespmem:s1+$0x0] =	vst v0;
	s1 =	simm.s32 $0x8FB0;
	p1 =	sgt.s32 s0, $0x3F  }
0x186: {  	s21 =	simm.s32 $0x0;
	s25 =	simm.s32 $0xF9;
	v5 =	vld [tilespmem:s1+$0x0];
	p1 =	por !p0, !p1  }
0x187: {  	s26 =	simm.s32 $0xFA;
	[tilespmem:s1+$0x0] =	vst v0;
	p0 =	slt.s32 s0, $0x40;
	p1 =	por !p1, !p1  }
.LBB2_24:
0x188: {  	p2 =	sne.s32 s5, $0x0  }
0x189: {  	s19 =	smov.u32 @p1 s2;
	s20 =	smov.u32 @p1 s4;
	s4 =	smov.u32 s0  }
0x18a: {  	v6, _, _ =	vpop (xrf0);
	s2 =	smov.u32 s31;
	s31 =	smov.u32 s30;
	p3 =	por p0, p0  }
0x18b: {  	s21 =	smov.u32 @p1 s3;
	s30 =	smov.u32 s29;
	s29 =	smov.u32 s28;
	(xrf0) =	vadd.scan.msk.s32 $0xffff, v5;
	(v2sf) =	vpush v6, $0xF  }
.Ltmp15:
0x18c: {  	s1 =	sadd.s32 $0xFFFFFFF0, s1;
	s3 =	spop (v2sf);
	(pc) =	sbr.rel @p2 .LBB2_24-.Ltmp15, $4  }
0x18d: {  	s28 =	smov.u32 s26;
	s26 =	smov.u32 s25;
	v5 =	vld [tilespmem:s1+$0x0];
	[tilespmem:s1+$0x0] =	vst v0;
	s0 =	sadd.s32 s0, s3  }
0x18e: {  	s25 =	smov.u32 s23;
	p0 =	slt.s32 s0, $0x40;
	p1 =	sgt.s32 s0, $0x3F  }
0x18f: {  	s23 =	smov.u32 s22;
	s22 =	smov.u32 s24;
	p1 =	por !p3, !p1  }
0x190: {  	s24 =	smov.u32 s5;
	s5 =	sadd.s32 $0xFFFFFFFF, s5;
	p1 =	por !p1, !p1  }
0x191: {  	s1 =	sadd.s32 $0xFFFFFFF0, s1  }
0x192: {  	v6 =	vld [tilespmem:s1+$0x0];
	[tilespmem:s1+$0x0] =	vst v0;
	s1 =	sadd.s32 $0xFFFFFFF0, s1  }
0x193: {  	v7 =	vld [tilespmem:s1+$0x0];
	_ =	sdelay $0x2  }
0x194: {  	(xrf0) =	vadd.scan.msk.s32 $0xffff, v5  }
0x195: {  	(xrf0) =	vadd.scan.msk.s32 $0xffff, v6  }
0x196: {  	v5, _, _ =	vpop (xrf0);
	(xrf0) =	vadd.scan.msk.s32 $0xffff, v7  }
0x197: {  	(v2sf) =	vpush v5, $0xF  }
0x198: {  	[tilespmem:s1+$0x0] =	vst v0;
	s1 =	sadd.s32 $0xFFFFFFF0, s1  }
0x199: {  	v6 =	vld [tilespmem:s1+$0x0]  }
0x19a: {  	v5, _, _ =	vpop (xrf0)  }
0x19b: {  	(v2sf) =	vpush v5, $0xF;
	v5, _, _ =	vpop (xrf0)  }
0x19c: {  	[tilespmem:s1+$0x0] =	vst v0;
	s1 =	sadd.s32 $0xFFFFFFF0, s1;
	(v2sf) =	vpush v5, $0xF;
	v5, _, _ =	vpop (xrf0)  }
0x19d: {  	(v2sf) =	vpush v5, $0xF;
	v5 =	vld [tilespmem:s1+$0x0];
	[tilespmem:s1+$0x0] =	vst v0;
	s1 =	sadd.s32 $0xFFFFFFF0, s1  }
0x19e: {  	(xrf0) =	vadd.scan.msk.s32 $0xffff, v6;
	v6 =	vld [tilespmem:s1+$0x0];
	_ =	sdelay $0x1  }
0x19f: {  	s5 =	spop (v2sf)  }
0x1a0: {  	s19 =	smov.u32 @p1 s2;
	s2 =	sadd.s32 s0, s5  }
0x1a1: {  	s20 =	smov.u32 @p1 s4;
	p0 =	por p0, p0;
	p4 =	sgt.s32 s2, $0x3F;
	(xrf0) =	vadd.scan.msk.s32 $0xffff, v5  }
0x1a2: {  	s21 =	smov.u32 @p1 s3;
	p2 =	slt.s32 s2, $0x40;
	p0 =	por !p0, !p4;
	(xrf0) =	vadd.scan.msk.s32 $0xffff, v6  }
0x1a3: {  	p5 =	por p2, p2;
	p0 =	por !p0, !p0;
	s3 =	spop (v2sf)  }
0x1a4: {  	s19 =	smov.u32 @p0 s31;
	s20 =	smov.u32 @p0 s0;
	s4 =	sadd.s32 s2, s3;
	v5, _, _ =	vpop (xrf0)  }
0x1a5: {  	s21 =	smov.u32 @p0 s5;
	p6 =	sgt.s32 s4, $0x3F;
	s0 =	spop (v2sf);
	(v2sf) =	vpush v5, $0xF  }
0x1a6: {  	p3 =	slt.s32 s4, $0x40;
	p1 =	por !p5, !p6;
	s5 =	sadd.s32 s4, s0  }
0x1a7: {  	p0 =	por !p1, !p1;
	p1 =	por p3, p3;
	p4 =	sgt.s32 s5, $0x3F;
	v5, _, _ =	vpop (xrf0)  }
0x1a8: {  	s19 =	smov.u32 @p0 s30;
	s20 =	smov.u32 @p0 s2;
	p1 =	por !p1, !p4;
	(v2sf) =	vpush v5, $0xF;
	v5, _, _ =	vpop (xrf0)  }
0x1a9: {  	s21 =	smov.u32 @p0 s3;
	p0 =	por !p1, !p1;
	s30 =	spop (v2sf);
	(v2sf) =	vpush v5, $0xF  }
0x1aa: {  	p5 =	slt.s32 s5, $0x40;
	s19 =	smov.u32 @p0 s29;
	s29 =	sadd.s32 s5, s30  }
0x1ab: {  	p1 =	por p5, p5;
	p6 =	sgt.s32 s29, $0x3F  }
0x1ac: {  	s20 =	smov.u32 @p0 s4;
	p3 =	slt.s32 s29, $0x40;
	p1 =	por !p1, !p6  }
0x1ad: {  	s21 =	smov.u32 @p0 s0;
	p4 =	por p3, p3;
	p1 =	por !p1, !p1  }
0x1ae: {  	s2 =	spop (v2sf);
	s19 =	smov.u32 @p1 s28;
	s20 =	smov.u32 @p1 s5  }
0x1af: {  	s21 =	smov.u32 @p1 s30;
	s3 =	spop (v2sf);
	s4 =	sadd.s32 s29, s2  }
0x1b0: {  	p5 =	sgt.s32 s4, $0x3F;
	p2 =	slt.s32 s4, $0x40;
	s0 =	sadd.s32 s4, s3  }
0x1b1: {  	p6 =	por !p4, !p5;
	p1 =	por p2, p2;
	p3 =	sgt.s32 s0, $0x3F  }
0x1b2: {  	p5 =	slt.s32 s0, $0x40;
	p0 =	por !p6, !p6;
	p4 =	por !p1, !p3  }
0x1b3: {  	p1 =	por p5, p5;
	s19 =	smov.u32 @p0 s26;
	s20 =	smov.u32 @p0 s29  }
0x1b4: {  	s21 =	smov.u32 @p0 s2;
	p0 =	por !p4, !p4;
	s2 =	spop (v2sf)  }
0x1b5: {  	s19 =	smov.u32 @p0 s25;
	s20 =	smov.u32 @p0 s4;
	s5 =	sadd.s32 s0, s2  }
0x1b6: {  	s21 =	smov.u32 @p0 s3;
	p6 =	sgt.s32 s5, $0x3F;
	p3 =	slt.s32 s5, $0x40  }
0x1b7: {  	p2 =	por !p1, !p6;
	p1 =	por p3, p3;
	s3 =	spop (v2sf)  }
0x1b8: {  	p0 =	por !p2, !p2;
	s4 =	sadd.s32 s5, s3;
	s25 =	spop (v2sf)  }
0x1b9: {  	p4 =	slt.s32 s4, $0x40;
	p5 =	sgt.s32 s4, $0x3F;
	s31 =	sadd.s32 s4, s25  }
0x1ba: {  	p1 =	por !p1, !p5;
	p2 =	por p4, p4;
	p6 =	sgt.s32 s31, $0x3F  }
0x1bb: {  	s19 =	smov.u32 @p0 s23;
	p2 =	por !p2, !p6;
	p1 =	por !p1, !p1  }
0x1bc: {  	s19 =	smov.u32 @p1 s22;
	p2 =	por !p2, !p2  }
0x1bd: {  	s20 =	smov.u32 @p0 s0;
	s21 =	smov.u32 @p0 s2;
	s19 =	smov.u32 @p2 s24  }
0x1be: {  	s20 =	smov.u32 @p1 s5;
	s21 =	smov.u32 @p1 s3;
	s2 =	sadd.s32 $0xFFFFFF80, s19  }
0x1bf: {  	[tilespmem:s1+$0x0] =	vst v0;
	v6 =	vimm.s32 $0x0;
	s0 =	simm.s32 $0x0;
	s20 =	smov.u32 @p2 s4;
	s21 =	smov.u32 @p2 s25;
	v5 =	vmov s2  }
.LBB2_26:
0x1c0: {  	s1 =	sshra.s32 s0, $0x2  }
0x1c1: {  	v7 =	vld [tilespmem:s1+$0x0];
	_ =	sdelay $0x4  }
0x1c2: {  	v8 =	vshra.s32 v7, $0x1F  }
0x1c3: {  	v8 =	vshrl.u32 v8, $0x1  }
0x1c4: {  	v7 =	vxor.u32 v7, v8  }
0x1c5: {  	v8 =	vshra.s32 v7, $0x18  }
0x1c6: {  	vm0 =	veq.s32 v8, v5  }
0x1c7: {  	v8 =	vsel vm0, $0x1, v0  }
0x1c8: {  	(xrf0) =	vadd.scan.msk.s32 $0xffff, v8;
	_ =	sdelay $0x5  }
0x1c9: {  	v8, _, _ =	vpop (xrf0)  }
0x1ca: {  	v8 =	vadd.s32 v8, v6  }
0x1cb: {  	v8 =	vadd.s32 $0xFFFFFFFF, v8;
	_ =	sdelay $0x4  }
0x1cc: {  	[tilespmem:v8+s16+$0x0] =	vst.idx.msk vm0, v7  }
0x1cd: {  	v7 =	vld [tilespmem:s1+$0x10];
	_ =	sdelay $0x4  }
0x1ce: {  	v8 =	vshra.s32 v7, $0x1F  }
0x1cf: {  	v8 =	vshrl.u32 v8, $0x1  }
0x1d0: {  	v7 =	vxor.u32 v7, v8  }
0x1d1: {  	v8 =	vshra.s32 v7, $0x18  }
0x1d2: {  	vm1 =	veq.s32 v8, v5  }
0x1d3: {  	v8 =	vsel vm1, $0x1, v0  }
0x1d4: {  	(xrf0) =	vadd.scan.msk.s32 $0xffff, v8;
	_ =	sdelay $0x1  }
0x1d5: {  	v8 =	vmpcnt.ones.xlane vm0;
	_ =	sdelay $0x3  }
0x1d6: {  	v6 =	vadd.s32 v6, v8;
	v8, _, _ =	vpop (xrf0)  }
0x1d7: {  	v8 =	vadd.s32 v8, v6  }
0x1d8: {  	v8 =	vadd.s32 $0xFFFFFFFF, v8;
	_ =	sdelay $0x4  }
0x1d9: {  	[tilespmem:v8+s16+$0x0] =	vst.idx.msk vm1, v7  }
0x1da: {  	v7 =	vld [tilespmem:s1+$0x20];
	_ =	sdelay $0x4  }
0x1db: {  	v8 =	vshra.s32 v7, $0x1F  }
0x1dc: {  	v8 =	vshrl.u32 v8, $0x1  }
0x1dd: {  	v7 =	vxor.u32 v7, v8  }
0x1de: {  	v8 =	vshra.s32 v7, $0x18  }
0x1df: {  	vm14 =	veq.s32 v8, v5  }
0x1e0: {  	v8 =	vsel vm14, $0x1, v0  }
0x1e1: {  	(xrf0) =	vadd.scan.msk.s32 $0xffff, v8;
	_ =	sdelay $0x1  }
0x1e2: {  	v8 =	vmpcnt.ones.xlane vm1;
	_ =	sdelay $0x3  }
0x1e3: {  	v6 =	vadd.s32 v6, v8;
	v8, _, _ =	vpop (xrf0)  }
0x1e4: {  	v8 =	vadd.s32 v8, v6  }
0x1e5: {  	v8 =	vadd.s32 $0xFFFFFFFF, v8;
	_ =	sdelay $0x4  }
0x1e6: {  	[tilespmem:v8+s16+$0x0] =	vst.idx.msk vm14, v7  }
0x1e7: {  	v7 =	vld [tilespmem:s1+$0x30];
	_ =	sdelay $0x4  }
0x1e8: {  	v8 =	vshra.s32 v7, $0x1F  }
0x1e9: {  	v8 =	vshrl.u32 v8, $0x1  }
0x1ea: {  	v7 =	vxor.u32 v7, v8  }
0x1eb: {  	v8 =	vshra.s32 v7, $0x18  }
0x1ec: {  	vm15 =	veq.s32 v8, v5  }
0x1ed: {  	v8 =	vsel vm15, $0x1, v0  }
0x1ee: {  	(xrf0) =	vadd.scan.msk.s32 $0xffff, v8;
	_ =	sdelay $0x1  }
0x1ef: {  	v8 =	vmpcnt.ones.xlane vm14;
	_ =	sdelay $0x3  }
0x1f0: {  	v6 =	vadd.s32 v6, v8;
	v8, _, _ =	vpop (xrf0)  }
0x1f1: {  	v8 =	vadd.s32 v8, v6  }
0x1f2: {  	p0 =	sne.s32 s0, $0x1FF00;
	v8 =	vadd.s32 $0xFFFFFFFF, v8  }
.Ltmp16:
0x1f3: {  	_ = 	snop;
	(pc) =	sbr.rel @p0 .LBB2_26-.Ltmp16, $3  }
0x1f4: {  	_ = 	snop  }
0x1f5: {  	v9 =	vmpcnt.ones.xlane vm15;
	_ =	sdelay $0x1  }
0x1f6: {  	s0 =	sadd.s32 $0x100, s0;
	v6 =	vadd.s32 v6, v9;
	[tilespmem:v8+s16+$0x0] =	vst.idx.msk vm15, v7  }
0x1f7: {  	v5 =	vadd.s32 v1, v6  }
.Ltmp17:
0x1f8: {  	s4 =	sadd.s32 $0xF, s21;
	(pc) =	sbr.rel .LBB2_28-.Ltmp17, $4  }
0x1f9: {  	s0 =	sshra.s32 s4, $0x1F  }
0x1fa: {  	s0 =	sshrl.u32 s0, $0x1C  }
0x1fb: {  	s3 =	sshll.u32 s2, $0x18;
	s2 =	simm.s32 $0x0;
	s1 =	sadd.s32 s0, s4  }
0x1fc: {  	p0 =	slt.s32 s4, $0x10;
	s0 =	ssub.s32 $0x40, s20;
	s1 =	sshra.s32 s1, $0x4;
	[tilespmem:v5+s16+$0x0] =	vst.idx.msk $0xffff, v4  }
.LBB2_31:
0x1fd: {  	v6 =	vmpcnt.ones.xlane vm0;
	_ =	sdelay $0x1  }
0x1fe: {  	v5 =	vadd.s32 v5, v6  }
0x1ff: {  	v5 =	vxor.u32 $0x80000000, v5  }
.LBB2_32:
0x200: {  	(xrf0) =	vmax.scan.msk.u32 $0xffff, v5;
	_ =	sdelay $0x5  }
0x201: {  	v5, _, _ =	vpop (xrf0)  }
0x202: {  	(v2sf) =	vpush v5, $0xF;
	_ =	sdelay $0xe  }
0x203: {  	s5 =	spop (v2sf)  }
0x204: {  	s5 =	sxor.u32 $0x80000000, s5  }
0x205: {  	s2 =	sadd.s32 $0x1, s2;
	p1 =	slt.s32 s5, s0  }
0x206: {  	s4 =	smov.u32 @p1 s3;
	p1 =	sne.s32 s2, $0x18  }
.Ltmp18:
0x207: {  	_ = 	snop;
	(pc) =	sbr.rel @!p1 .LBB2_33-.Ltmp18, $2  }
0x208: {  	_ =	sdelay $0x2  }
0x209: {  	s3 =	smov.u32 s4  }
.LBB2_28:
.Ltmp19:
0x20a: {  	(pc) =	sbr.rel @p0 .LBB2_32-.Ltmp19, $3  }
0x20b: {  	_ =	sdelay $0x1  }
0x20c: {  	s4 =	sshrl.u32 s17, s2  }
0x20d: {  	v5 =	vimm.s32 $0x80000000;
	s4 =	sor.u32 s4, s3  }
0x20e: {  	s5 =	simm.s32 $0x9000  }
0x20f: {  	p1 =	sne.s32 s1, $0x1;
	v7 =	vld [tilespmem:s5+$0x0]  }
.Ltmp20:
0x210: {  	_ = 	snop;
	(pc) =	sbr.rel @!p1 .LBB2_31-.Ltmp20, $3  }
0x211: {  	_ =	sdelay $0x1  }
0x212: {  	v6 =	vmov s4  }
0x213: {  	v5 =	vimm.s32 $0x0;
	s19 =	simm.s32 $0x9010;
	s5 =	sadd.s32 $0xFFFFFFFF, s1;
	vm0 =	vge.s32 v7, v6  }
.LBB2_30:
0x214: {  	v7 =	vld [tilespmem:s19+$0x0];
	p1 =	sne.s32 s5, $0x1;
	s5 =	sadd.s32 $0xFFFFFFFF, s5;
	v8 =	vmpcnt.ones.xlane vm0  }
.Ltmp21:
0x215: {  	(pc) =	sbr.rel @p1 .LBB2_30-.Ltmp21, $2  }
0x216: {  	v5 =	vadd.s32 v5, v8;
	_ =	sdelay $0x2  }
0x217: {  	s19 =	sadd.s32 $0x10, s19;
	vm0 =	vge.s32 v7, v6  }
.Ltmp22:
0x218: {  	_ = 	snop;
	(pc) =	sbr.rel .LBB2_31-.Ltmp22, $1  }
0x219: {  	_ =	sdelay $0x3  }
.LBB2_33:
.Ltmp23:
0x21a: {  	(pc) =	sbr.rel @p0 .LBB2_37-.Ltmp23, $2  }
0x21b: {  	_ =	sdelay $0x2  }
0x21c: {  	v5 =	vmov s4;
	v6 =	vimm.s32 $0x80000000  }
0x21d: {  	s2 =	simm.s32 $0x9000  }
0x21e: {  	p0 =	sne.s32 s1, $0x1;
	v7 =	vld [tilespmem:s2+$0x0]  }
.Ltmp24:
0x21f: {  	_ = 	snop;
	(pc) =	sbr.rel @!p0 .LBB2_36-.Ltmp24, $2  }
0x220: {  	_ =	sdelay $0x2  }
0x221: {  	v6 =	vimm.s32 $0x0;
	s1 =	sadd.s32 $0xFFFFFFFF, s1;
	s2 =	simm.s32 $0x9010;
	vm0 =	vgt.s32 v7, v5  }
.LBB2_35:
0x222: {  	v7 =	vld [tilespmem:s2+$0x0];
	p0 =	sne.s32 s1, $0x1;
	s1 =	sadd.s32 $0xFFFFFFFF, s1;
	v8 =	vmpcnt.ones.xlane vm0  }
.Ltmp25:
0x223: {  	(pc) =	sbr.rel @p0 .LBB2_35-.Ltmp25, $2  }
0x224: {  	v6 =	vadd.s32 v6, v8;
	_ =	sdelay $0x2  }
0x225: {  	s2 =	sadd.s32 $0x10, s2;
	vm0 =	vgt.s32 v7, v5  }
.LBB2_36:
0x226: {  	v7 =	vmpcnt.ones.xlane vm0;
	_ =	sdelay $0x1  }
0x227: {  	v6 =	vadd.s32 v6, v7  }
0x228: {  	v6 =	vxor.u32 $0x80000000, v6  }
.LBB2_37:
0x229: {  	(xrf0) =	vmax.scan.msk.u32 $0xffff, v6;
	_ =	sdelay $0x5  }
0x22a: {  	v6, _, _ =	vpop (xrf0)  }
0x22b: {  	s19 =	simm.s32 $0x0;
	(v2sf) =	vpush v6, $0xF  }
0x22c: {  	v12 =	vld [tilespmem:s19+$0x0];
	_ =	sdelay $0x4  }
0x22d: {  	v6 =	vshra.s32 v12, $0x1F  }
0x22e: {  	v6 =	vshrl.u32 v6, $0x1  }
0x22f: {  	v9 =	vxor.u32 v12, v6  }
0x230: {  	vm0 =	veq.s32 v9, v5  }
0x231: {  	v6 =	vsel vm0, $0x1, v0  }
0x232: {  	(xrf0) =	vadd.scan.msk.s32 $0xffff, v6;
	_ =	sdelay $0x3  }
0x233: {  	s1 =	spop (v2sf)  }
0x234: {  	s1 =	sxor.u32 $0x80000000, s1  }
0x235: {  	v7 =	vimm.s32 $0x0;
	v8 =	vld [tilespmem:s19+$0x30];
	v10, _, _ =	vpop (xrf0);
	s0 =	ssub.s32 s0, s1  }
0x236: {  	v10 =	vadd.s32 v7, v10;
	v6 =	vmov s0  }
0x237: {  	vm1 =	vle.s32 v10, v6;
	v10 =	vld [tilespmem:s19+$0x20]  }
0x238: {  	v11 =	vmpcnt.ones.xlane vm0;
	vm0 =	vmand vm0, vm1;
	vm1 =	vgt.s32 v9, v5;
	v9 =	vld [tilespmem:s19+$0x10];
	_ =	sdelay $0x1  }
0x239: {  	s20 =	simm.s32 $0x100;
	v13 =	vshra.s32 v8, $0x1F;
	v12 =	vmax.f32 v12, $0.0e+00;
	s0 =	simm.s32 $0x200;
	vm2 =	vmor vm1, vm0  }
.LBB2_38:
0x23a: {  	p0 =	sne.s32 s0, $0x1FF00  }
0x23b: {  	s1 =	sshra.s32 s20, $0x2;
	v12 =	vnsel vm2, $0x0, v12;
	v14 =	vshra.s32 v10, $0x1F;
	v13 =	vshrl.u32 v13, $0x1;
	s20 =	smov.u32 s0;
	s0 =	sadd.s32 $0x100, s0  }
0x23c: {  	[tilespmem:s19+$0x0] =	vst v12;
	v12 =	vshra.s32 v9, $0x1F;
	v14 =	vshrl.u32 v14, $0x1;
	v13 =	vxor.u32 v8, v13  }
0x23d: {  	v15 =	vld [tilespmem:s1+$0x0];
	v12 =	vshrl.u32 v12, $0x1;
	v14 =	vxor.u32 v10, v14;
	vm2 =	veq.s32 v13, v5  }
0x23e: {  	v12 =	vxor.u32 v9, v12;
	vm1 =	veq.s32 v14, v5;
	v16 =	vsel vm2, $0x1, v0  }
0x23f: {  	vm0 =	veq.s32 v12, v5;
	v17 =	vsel vm1, $0x1, v0;
	(xrf0) =	vadd.scan.msk.s32 $0xffff, v16  }
0x240: {  	v16 =	vsel vm0, $0x1, v0;
	v18 =	vmpcnt.ones.xlane vm0;
	(xrf0) =	vadd.scan.msk.s32 $0xffff, v17  }
0x241: {  	v11 =	vadd.s32 v7, v11;
	v10 =	vmax.f32 v10, $0.0e+00;
	(xrf0) =	vadd.scan.msk.s32 $0xffff, v16  }
0x242: {  	v8 =	vmax.f32 v8, $0.0e+00;
	v9 =	vmax.f32 v9, $0.0e+00;
	v7 =	vshra.s32 v15, $0x1F  }
0x243: {  	vm4 =	vgt.s32 v14, v5;
	v19 =	vmpcnt.ones.xlane vm1;
	v7 =	vshrl.u32 v7, $0x1  }
0x244: {  	v17 =	vadd.s32 v11, v18;
	v16 =	vxor.u32 v15, v7;
	v7 =	vmpcnt.ones.xlane vm2  }
0x245: {  	vm5 =	vgt.s32 v12, v5;
	v19 =	vadd.s32 v17, v19;
	vm3 =	veq.s32 v16, v5;
	v14, _, _ =	vpop (xrf0)  }
0x246: {  	v18 =	vsel vm3, $0x1, v0;
	v14 =	vadd.s32 v19, v14;
	v7 =	vadd.s32 v19, v7;
	v12, _, _ =	vpop (xrf0)  }
0x247: {  	vm7 =	vgt.s32 v13, v5;
	(xrf0) =	vadd.scan.msk.s32 $0xffff, v18;
	v12 =	vadd.s32 v17, v12;
	vm6 =	vle.s32 v14, v6;
	v13, _, _ =	vpop (xrf0)  }
0x248: {  	v11 =	vadd.s32 v11, v13;
	vm8 =	vle.s32 v12, v6;
	vm2 =	vmand vm2, vm6  }
0x249: {  	vm6 =	vle.s32 v11, v6;
	vm1 =	vmand vm1, vm8;
	vm2 =	vmor vm7, vm2  }
0x24a: {  	vm0 =	vmand vm0, vm6;
	vm1 =	vmor vm4, vm1;
	v8 =	vnsel vm2, $0x0, v8  }
0x24b: {  	v11 =	vmpcnt.ones.xlane vm3;
	vm0 =	vmor vm5, vm0;
	v10 =	vnsel vm1, $0x0, v10;
	[tilespmem:s19+$0x30] =	vst v8  }
0x24c: {  	v8 =	vld [tilespmem:s1+$0x30];
	v9 =	vnsel vm0, $0x0, v9;
	[tilespmem:s19+$0x20] =	vst v10  }
.Ltmp26:
0x24d: {  	v10 =	vld [tilespmem:s1+$0x20];
	v12, _, _ =	vpop (xrf0);
	[tilespmem:s19+$0x10] =	vst v9;
	s19 =	smov.u32 s1;
	(pc) =	sbr.rel @p0 .LBB2_38-.Ltmp26, $4  }
0x24e: {  	v12 =	vadd.s32 v7, v12;
	v9 =	vld [tilespmem:s19+$0x10]  }
0x24f: {  	vm0 =	vle.s32 v12, v6  }
0x250: {  	vm1 =	vgt.s32 v16, v5;
	vm0 =	vmand vm3, vm0  }
0x251: {  	v12 =	vmax.f32 v15, $0.0e+00;
	vm2 =	vmor vm1, vm0;
	v13 =	vshra.s32 v8, $0x1F  }
0x252: {  	v13 =	vshrl.u32 v13, $0x1;
	v14 =	vshra.s32 v10, $0x1F  }
0x253: {  	v13 =	vxor.u32 v8, v13;
	v14 =	vshrl.u32 v14, $0x1;
	v15 =	vshra.s32 v9, $0x1F  }
0x254: {  	vm0 =	veq.s32 v13, v5;
	v14 =	vxor.u32 v10, v14;
	v15 =	vshrl.u32 v15, $0x1  }
0x255: {  	v16 =	vsel vm0, $0x1, v0;
	vm3 =	veq.s32 v14, v5;
	v15 =	vxor.u32 v9, v15  }
0x256: {  	(xrf0) =	vadd.scan.msk.s32 $0xffff, v16;
	v34 =	vsel vm3, $0x1, v0;
	vm1 =	veq.s32 v15, v5  }
0x257: {  	(xrf0) =	vadd.scan.msk.s32 $0xffff, v34;
	v35 =	vsel vm1, $0x1, v0  }
0x258: {  	(xrf0) =	vadd.scan.msk.s32 $0xffff, v35  }
0x259: {  	v17 =	vmpcnt.ones.xlane vm1  }
0x25a: {  	v7 =	vadd.s32 v7, v11;
	v36 =	vmpcnt.ones.xlane vm3  }
0x25b: {  	v12 =	vnsel vm2, $0x0, v12;
	v37 =	vadd.s32 v7, v17  }
0x25c: {  	v40 =	vmax.f32 v10, $0.0e+00;
	v41 =	vmax.f32 v8, $0.0e+00;
	v11 =	vadd.s32 v37, v36;
	v38, _, _ =	vpop (xrf0)  }
0x25d: {  	[tilespmem:s19+$0x0] =	vst v12;
	vm4 =	vgt.s32 v13, v5;
	vm5 =	vgt.s32 v14, v5;
	v12 =	vadd.s32 v11, v38;
	v18, _, _ =	vpop (xrf0)  }
0x25e: {  	s0 =	sshra.s32 s20, $0x2;
	vm12 =	vgt.s32 v15, v5;
	vm10 =	vle.s32 v12, v6;
	v42 =	vadd.s32 v37, v18;
	v43, _, _ =	vpop (xrf0)  }
0x25f: {  	v39 =	vld [tilespmem:s0+$0x0];
	vm2 =	vmand vm0, vm10;
	vm6 =	vle.s32 v42, v6;
	v7 =	vadd.s32 v7, v43  }
0x260: {  	vm2 =	vmor vm4, vm2;
	vm3 =	vmand vm3, vm6;
	vm11 =	vle.s32 v7, v6  }
0x261: {  	v8 =	vnsel vm2, $0x0, v41;
	vm3 =	vmor vm5, vm3;
	vm1 =	vmand vm1, vm11  }
0x262: {  	v45 =	vmax.f32 v9, $0.0e+00;
	[tilespmem:s19+$0x30] =	vst v8;
	v7 =	vnsel vm3, $0x0, v40;
	vm1 =	vmor vm12, vm1  }
0x263: {  	v8 =	vld [tilespmem:s0+$0x30];
	[tilespmem:s19+$0x20] =	vst v7;
	v9 =	vnsel vm1, $0x0, v45  }
0x264: {  	v44 =	vshra.s32 v39, $0x1F;
	v47 =	vld [tilespmem:s0+$0x20];
	[tilespmem:s19+$0x10] =	vst v9  }
0x265: {  	v46 =	vshrl.u32 v44, $0x1;
	v49 =	vld [tilespmem:s0+$0x10]  }
0x266: {  	v7 =	vxor.u32 v39, v46  }
0x267: {  	v50 =	vmpcnt.ones.xlane vm0;
	vm13 =	veq.s32 v7, v5  }
0x268: {  	v48 =	vsel vm13, $0x1, v0;
	v51 =	vshra.s32 v8, $0x1F  }
0x269: {  	v9 =	vadd.s32 v11, v50;
	(xrf0) =	vadd.scan.msk.s32 $0xffff, v48;
	v52 =	vshra.s32 v47, $0x1F;
	v13 =	vshrl.u32 v51, $0x1  }
0x26a: {  	v53 =	vshra.s32 v49, $0x1F;
	v11 =	vshrl.u32 v52, $0x1;
	v13 =	vxor.u32 v8, v13  }
0x26b: {  	v14 =	vshrl.u32 v53, $0x1;
	v11 =	vxor.u32 v47, v11;
	vm14 =	veq.s32 v13, v5  }
0x26c: {  	v14 =	vxor.u32 v49, v14;
	vm1 =	veq.s32 v11, v5;
	v55 =	vsel vm14, $0x1, v0  }
0x26d: {  	vm15 =	veq.s32 v14, v5;
	v56 =	vsel vm1, $0x1, v0;
	(xrf0) =	vadd.scan.msk.s32 $0xffff, v55  }
0x26e: {  	v57 =	vsel vm15, $0x1, v0;
	(xrf0) =	vadd.scan.msk.s32 $0xffff, v56  }
0x26f: {  	v59 =	vmax.f32 v39, $0.0e+00;
	vm9 =	vgt.s32 v7, v5;
	v58 =	vmpcnt.ones.xlane vm13;
	v54, _, _ =	vpop (xrf0);
	(xrf0) =	vadd.scan.msk.s32 $0xffff, v57  }
0x270: {  	v10 =	vmax.f32 v47, $0.0e+00;
	v8 =	vmax.f32 v8, $0.0e+00;
	v7 =	vmpcnt.ones.xlane vm15  }
0x271: {  	v15 =	vadd.s32 v9, v54;
	v9 =	vadd.s32 v9, v58;
	v60 =	vmpcnt.ones.xlane vm1  }
0x272: {  	vm10 =	vgt.s32 v11, v5;
	vm8 =	vle.s32 v15, v6;
	v7 =	vadd.s32 v9, v7  }
0x273: {  	vm11 =	vgt.s32 v14, v5;
	vm3 =	vmand vm13, vm8;
	v16 =	vadd.s32 v7, v60;
	v61, _, _ =	vpop (xrf0)  }
0x274: {  	vm13 =	vgt.s32 v13, v5;
	vm3 =	vmor vm9, vm3;
	v62 =	vadd.s32 v16, v61;
	v63, _, _ =	vpop (xrf0)  }
0x275: {  	v15 =	vnsel vm3, $0x0, v59;
	v7 =	vadd.s32 v7, v63;
	vm12 =	vle.s32 v62, v6;
	v5, _, _ =	vpop (xrf0)  }
0x276: {  	v5 =	vadd.s32 v9, v5;
	vm7 =	vle.s32 v7, v6;
	vm0 =	vmand vm14, vm12  }
0x277: {  	vm14 =	vle.s32 v5, v6;
	vm1 =	vmand vm1, vm7;
	vm0 =	vmor vm13, vm0  }
0x278: {  	[tilespmem:s0+$0x0] =	vst v15;
	vm2 =	vmand vm15, vm14;
	vm1 =	vmor vm10, vm1;
	v5 =	vnsel vm0, $0x0, v8  }
0x279: {  	v6 =	vmax.f32 v49, $0.0e+00;
	vm15 =	vmor vm11, vm2;
	v7 =	vnsel vm1, $0x0, v10;
	[tilespmem:s0+$0x30] =	vst v5  }
0x27a: {  	v5 =	vnsel vm15, $0x0, v6;
	[tilespmem:s0+$0x20] =	vst v7  }
0x27b: {  	s19 =	simm.s32 $0x0;
	[tilespmem:s0+$0x10] =	vst v5  }
0x27c: {  	[hbm4b:s6+s12] =	stream.strided.scatter [tilespmem:s19], [sflag:$0x1], $0x8000, s13, s12, $0x38;
	[tilespmem:$0x11080] =	vst v63  }
0x27d: {  	_ =	swait.ge [sflag:s14], $0x8000  }
0x27e: {  	[sflag:s14] =	ssyncset.done $0x0  }
0x27f: {  	[sflag:s14] =	ssyncadd.s32 $0xFFFF8000  }
0x280: {  	[tilespmem:s19], [sflag:$0x1] =	stream.strided.gather [hbm4b:s7+s12], $0x8000, s13, s12, $0x38;
	[tilespmem:$0x11080] =	vst v63  }
0x281: {  	_ =	swait.ge [sflag:s14], $0x8000  }
0x282: {  	[sflag:s14] =	ssyncset.done $0x0  }
0x283: {  	s0 =	simm.s32 $0x0;
	[sflag:s14] =	ssyncadd.s32 $0xFFFF8000  }
.LBB2_40:
0x284: {  	s1 =	sshra.s32 s0, $0x2  }
0x285: {  	v5 =	vld [tilespmem:s1+$0x0];
	_ =	sdelay $0x4  }
0x286: {  	v6 =	vshra.s32 v5, $0x1F  }
0x287: {  	v6 =	vshrl.u32 v6, $0x1  }
0x288: {  	v5 =	vxor.u32 v5, v6  }
0x289: {  	v5 =	vshra.s32 v5, $0x14  }
0x28a: {  	v5 =	vand.u32 $0xFFFFFFF0, v5  }
0x28b: {  	v5 =	vadd.s32 v3, v5;
	_ =	sdelay $0x4  }
0x28c: {  	[tilespmem:v5+s15+$0x0] =	vst.idx.add.s32.msk $0xffff, v2  }
0x28d: {  	v5 =	vld [tilespmem:s1+$0x10];
	_ =	sdelay $0x4  }
0x28e: {  	v6 =	vshra.s32 v5, $0x1F  }
0x28f: {  	v6 =	vshrl.u32 v6, $0x1  }
0x290: {  	v5 =	vxor.u32 v5, v6  }
0x291: {  	v5 =	vshra.s32 v5, $0x14  }
0x292: {  	v5 =	vand.u32 $0xFFFFFFF0, v5  }
0x293: {  	v5 =	vadd.s32 v3, v5;
	_ =	sdelay $0x4  }
0x294: {  	[tilespmem:v5+s15+$0x0] =	vst.idx.add.s32.msk $0xffff, v2  }
0x295: {  	v5 =	vld [tilespmem:s1+$0x20];
	_ =	sdelay $0x4  }
0x296: {  	v6 =	vshra.s32 v5, $0x1F  }
0x297: {  	v6 =	vshrl.u32 v6, $0x1  }
0x298: {  	v5 =	vxor.u32 v5, v6  }
0x299: {  	v5 =	vshra.s32 v5, $0x14  }
0x29a: {  	v5 =	vand.u32 $0xFFFFFFF0, v5  }
0x29b: {  	v5 =	vadd.s32 v3, v5;
	_ =	sdelay $0x4  }
0x29c: {  	[tilespmem:v5+s15+$0x0] =	vst.idx.add.s32.msk $0xffff, v2  }
0x29d: {  	v5 =	vld [tilespmem:s1+$0x30];
	_ =	sdelay $0x4  }
0x29e: {  	v6 =	vshra.s32 v5, $0x1F  }
0x29f: {  	v6 =	vshrl.u32 v6, $0x1  }
0x2a0: {  	v5 =	vxor.u32 v5, v6  }
0x2a1: {  	v5 =	vshra.s32 v5, $0x14  }
0x2a2: {  	v5 =	vand.u32 $0xFFFFFFF0, v5  }
0x2a3: {  	p0 =	sne.s32 s0, $0x1FF00;
	v5 =	vadd.s32 v3, v5  }
.Ltmp27:
0x2a4: {  	_ = 	snop;
	(pc) =	sbr.rel @p0 .LBB2_40-.Ltmp27, $2  }
0x2a5: {  	_ =	sdelay $0x2  }
0x2a6: {  	s0 =	sadd.s32 $0x100, s0;
	[tilespmem:v5+s15+$0x0] =	vst.idx.add.s32.msk $0xffff, v2  }
0x2a7: {  	s0 =	simm.s32 $0x8FF0  }
0x2a8: {  	v5 =	vld [tilespmem:s0+$0x0];
	_ =	sdelay $0x4  }
0x2a9: {  	(xrf0) =	vadd.scan.msk.s32 $0xffff, v5;
	_ =	sdelay $0x5  }
0x2aa: {  	v5, _, _ =	vpop (xrf0)  }
0x2ab: {  	(v2sf) =	vpush v5, $0xF;
	_ =	sdelay $0x1  }
0x2ac: {  	s25 =	simm.s32 $0x8FE0;
	[tilespmem:s0+$0x0] =	vst v0  }
0x2ad: {  	v5 =	vld [tilespmem:s25+$0x0];
	_ =	sdelay $0x2  }
0x2ae: {  	s26 =	simm.s32 $0x8FD0;
	[tilespmem:s25+$0x0] =	vst v0  }
0x2af: {  	v6 =	vld [tilespmem:s26+$0x0]  }
0x2b0: {  	(xrf0) =	vadd.scan.msk.s32 $0xffff, v5;
	_ =	sdelay $0x3  }
0x2b1: {  	(xrf0) =	vadd.scan.msk.s32 $0xffff, v6;
	_ =	sdelay $0x1  }
0x2b2: {  	v5, _, _ =	vpop (xrf0)  }
0x2b3: {  	s3 =	spop (v2sf);
	(v2sf) =	vpush v5, $0xF  }
0x2b4: {  	s1 =	simm.s32 $0x8FC0;
	[tilespmem:s26+$0x0] =	vst v0  }
0x2b5: {  	v6 =	vld [tilespmem:s1+$0x0]  }
0x2b6: {  	s2 =	simm.s32 $0xFF;
	v7, _, _ =	vpop (xrf0)  }
0x2b7: {  	s31 =	simm.s32 $0xFE;
	s30 =	simm.s32 $0xFD;
	s29 =	simm.s32 $0xFC;
	(v2sf) =	vpush v7, $0xF  }
0x2b8: {  	s28 =	simm.s32 $0xFB;
	s23 =	simm.s32 $0xF8;
	p0 =	por $0x1, $0x1  }
0x2b9: {  	s22 =	simm.s32 $0xF7;
	s24 =	simm.s32 $0xF6;
	s5 =	simm.s32 $0xF5  }
0x2ba: {  	s4 =	simm.s32 $0x0;
	s20 =	simm.s32 $0x0;
	(xrf0) =	vadd.scan.msk.s32 $0xffff, v6;
	s0 =	sadd.s32 $0x0, s3  }
0x2bb: {  	p0 =	por p0, p0;
	[tilespmem:s1+$0x0] =	vst v0;
	s1 =	simm.s32 $0x8FB0;
	p1 =	sgt.s32 s0, $0x3F  }
0x2bc: {  	s21 =	simm.s32 $0x0;
	s25 =	simm.s32 $0xF9;
	v5 =	vld [tilespmem:s1+$0x0];
	p1 =	por !p0, !p1  }
0x2bd: {  	s26 =	simm.s32 $0xFA;
	[tilespmem:s1+$0x0] =	vst v0;
	p0 =	slt.s32 s0, $0x40;
	p1 =	por !p1, !p1  }
.LBB2_42:
0x2be: {  	p2 =	sne.s32 s5, $0x0  }
0x2bf: {  	s19 =	smov.u32 @p1 s2;
	s20 =	smov.u32 @p1 s4;
	s4 =	smov.u32 s0  }
0x2c0: {  	v6, _, _ =	vpop (xrf0);
	s2 =	smov.u32 s31;
	s31 =	smov.u32 s30;
	p3 =	por p0, p0  }
0x2c1: {  	s21 =	smov.u32 @p1 s3;
	s30 =	smov.u32 s29;
	s29 =	smov.u32 s28;
	(xrf0) =	vadd.scan.msk.s32 $0xffff, v5;
	(v2sf) =	vpush v6, $0xF  }
.Ltmp28:
0x2c2: {  	s1 =	sadd.s32 $0xFFFFFFF0, s1;
	s3 =	spop (v2sf);
	(pc) =	sbr.rel @p2 .LBB2_42-.Ltmp28, $4  }
0x2c3: {  	s28 =	smov.u32 s26;
	s26 =	smov.u32 s25;
	v5 =	vld [tilespmem:s1+$0x0];
	[tilespmem:s1+$0x0] =	vst v0;
	s0 =	sadd.s32 s0, s3  }
0x2c4: {  	s25 =	smov.u32 s23;
	p0 =	slt.s32 s0, $0x40;
	p1 =	sgt.s32 s0, $0x3F  }
0x2c5: {  	s23 =	smov.u32 s22;
	s22 =	smov.u32 s24;
	p1 =	por !p3, !p1  }
0x2c6: {  	s24 =	smov.u32 s5;
	s5 =	sadd.s32 $0xFFFFFFFF, s5;
	p1 =	por !p1, !p1  }
0x2c7: {  	s1 =	sadd.s32 $0xFFFFFFF0, s1  }
0x2c8: {  	v6 =	vld [tilespmem:s1+$0x0];
	[tilespmem:s1+$0x0] =	vst v0;
	s1 =	sadd.s32 $0xFFFFFFF0, s1  }
0x2c9: {  	v7 =	vld [tilespmem:s1+$0x0];
	_ =	sdelay $0x2  }
0x2ca: {  	(xrf0) =	vadd.scan.msk.s32 $0xffff, v5  }
0x2cb: {  	(xrf0) =	vadd.scan.msk.s32 $0xffff, v6  }
0x2cc: {  	v5, _, _ =	vpop (xrf0);
	(xrf0) =	vadd.scan.msk.s32 $0xffff, v7  }
0x2cd: {  	(v2sf) =	vpush v5, $0xF  }
0x2ce: {  	[tilespmem:s1+$0x0] =	vst v0;
	s1 =	sadd.s32 $0xFFFFFFF0, s1  }
0x2cf: {  	v6 =	vld [tilespmem:s1+$0x0]  }
0x2d0: {  	v5, _, _ =	vpop (xrf0)  }
0x2d1: {  	(v2sf) =	vpush v5, $0xF;
	v5, _, _ =	vpop (xrf0)  }
0x2d2: {  	[tilespmem:s1+$0x0] =	vst v0;
	s1 =	sadd.s32 $0xFFFFFFF0, s1;
	(v2sf) =	vpush v5, $0xF;
	v5, _, _ =	vpop (xrf0)  }
0x2d3: {  	(v2sf) =	vpush v5, $0xF;
	v5 =	vld [tilespmem:s1+$0x0];
	[tilespmem:s1+$0x0] =	vst v0;
	s1 =	sadd.s32 $0xFFFFFFF0, s1  }
0x2d4: {  	(xrf0) =	vadd.scan.msk.s32 $0xffff, v6;
	v6 =	vld [tilespmem:s1+$0x0];
	_ =	sdelay $0x1  }
0x2d5: {  	s5 =	spop (v2sf)  }
0x2d6: {  	s19 =	smov.u32 @p1 s2;
	s2 =	sadd.s32 s0, s5  }
0x2d7: {  	s20 =	smov.u32 @p1 s4;
	p0 =	por p0, p0;
	p4 =	sgt.s32 s2, $0x3F;
	(xrf0) =	vadd.scan.msk.s32 $0xffff, v5  }
0x2d8: {  	s21 =	smov.u32 @p1 s3;
	p2 =	slt.s32 s2, $0x40;
	p0 =	por !p0, !p4;
	(xrf0) =	vadd.scan.msk.s32 $0xffff, v6  }
0x2d9: {  	p5 =	por p2, p2;
	p0 =	por !p0, !p0;
	s3 =	spop (v2sf)  }
0x2da: {  	s19 =	smov.u32 @p0 s31;
	s20 =	smov.u32 @p0 s0;
	s4 =	sadd.s32 s2, s3;
	v5, _, _ =	vpop (xrf0)  }
0x2db: {  	s21 =	smov.u32 @p0 s5;
	p6 =	sgt.s32 s4, $0x3F;
	s0 =	spop (v2sf);
	(v2sf) =	vpush v5, $0xF  }
0x2dc: {  	p3 =	slt.s32 s4, $0x40;
	p1 =	por !p5, !p6;
	s5 =	sadd.s32 s4, s0  }
0x2dd: {  	p0 =	por !p1, !p1;
	p1 =	por p3, p3;
	p4 =	sgt.s32 s5, $0x3F;
	v5, _, _ =	vpop (xrf0)  }
0x2de: {  	s19 =	smov.u32 @p0 s30;
	s20 =	smov.u32 @p0 s2;
	p1 =	por !p1, !p4;
	(v2sf) =	vpush v5, $0xF;
	v5, _, _ =	vpop (xrf0)  }
0x2df: {  	s21 =	smov.u32 @p0 s3;
	p0 =	por !p1, !p1;
	s30 =	spop (v2sf);
	(v2sf) =	vpush v5, $0xF  }
0x2e0: {  	p5 =	slt.s32 s5, $0x40;
	s19 =	smov.u32 @p0 s29;
	s29 =	sadd.s32 s5, s30  }
0x2e1: {  	p1 =	por p5, p5;
	p6 =	sgt.s32 s29, $0x3F  }
0x2e2: {  	s20 =	smov.u32 @p0 s4;
	p3 =	slt.s32 s29, $0x40;
	p1 =	por !p1, !p6  }
0x2e3: {  	s21 =	smov.u32 @p0 s0;
	p4 =	por p3, p3;
	p1 =	por !p1, !p1  }
0x2e4: {  	s2 =	spop (v2sf);
	s19 =	smov.u32 @p1 s28;
	s20 =	smov.u32 @p1 s5  }
0x2e5: {  	s21 =	smov.u32 @p1 s30;
	s3 =	spop (v2sf);
	s4 =	sadd.s32 s29, s2  }
0x2e6: {  	p5 =	sgt.s32 s4, $0x3F;
	p2 =	slt.s32 s4, $0x40;
	s0 =	sadd.s32 s4, s3  }
0x2e7: {  	p6 =	por !p4, !p5;
	p1 =	por p2, p2;
	p3 =	sgt.s32 s0, $0x3F  }
0x2e8: {  	p5 =	slt.s32 s0, $0x40;
	p0 =	por !p6, !p6;
	p4 =	por !p1, !p3  }
0x2e9: {  	p1 =	por p5, p5;
	s19 =	smov.u32 @p0 s26;
	s20 =	smov.u32 @p0 s29  }
0x2ea: {  	s21 =	smov.u32 @p0 s2;
	p0 =	por !p4, !p4;
	s2 =	spop (v2sf)  }
0x2eb: {  	s19 =	smov.u32 @p0 s25;
	s20 =	smov.u32 @p0 s4;
	s5 =	sadd.s32 s0, s2  }
0x2ec: {  	s21 =	smov.u32 @p0 s3;
	p6 =	sgt.s32 s5, $0x3F;
	p3 =	slt.s32 s5, $0x40  }
0x2ed: {  	p2 =	por !p1, !p6;
	p1 =	por p3, p3;
	s3 =	spop (v2sf)  }
0x2ee: {  	p0 =	por !p2, !p2;
	s4 =	sadd.s32 s5, s3;
	s25 =	spop (v2sf)  }
0x2ef: {  	p4 =	slt.s32 s4, $0x40;
	p5 =	sgt.s32 s4, $0x3F;
	s31 =	sadd.s32 s4, s25  }
0x2f0: {  	p1 =	por !p1, !p5;
	p2 =	por p4, p4;
	p6 =	sgt.s32 s31, $0x3F  }
0x2f1: {  	s19 =	smov.u32 @p0 s23;
	p2 =	por !p2, !p6;
	p1 =	por !p1, !p1  }
0x2f2: {  	s19 =	smov.u32 @p1 s22;
	p2 =	por !p2, !p2  }
0x2f3: {  	s20 =	smov.u32 @p0 s0;
	s21 =	smov.u32 @p0 s2;
	s19 =	smov.u32 @p2 s24  }
0x2f4: {  	s20 =	smov.u32 @p1 s5;
	s21 =	smov.u32 @p1 s3;
	s2 =	sadd.s32 $0xFFFFFF80, s19  }
0x2f5: {  	[tilespmem:s1+$0x0] =	vst v0;
	v6 =	vimm.s32 $0x0;
	s0 =	simm.s32 $0x0;
	s20 =	smov.u32 @p2 s4;
	s21 =	smov.u32 @p2 s25;
	v5 =	vmov s2  }
.LBB2_44:
0x2f6: {  	s1 =	sshra.s32 s0, $0x2  }
0x2f7: {  	v7 =	vld [tilespmem:s1+$0x0];
	_ =	sdelay $0x4  }
0x2f8: {  	v8 =	vshra.s32 v7, $0x1F  }
0x2f9: {  	v8 =	vshrl.u32 v8, $0x1  }
0x2fa: {  	v7 =	vxor.u32 v7, v8  }
0x2fb: {  	v8 =	vshra.s32 v7, $0x18  }
0x2fc: {  	vm0 =	veq.s32 v8, v5  }
0x2fd: {  	v8 =	vsel vm0, $0x1, v0  }
0x2fe: {  	(xrf0) =	vadd.scan.msk.s32 $0xffff, v8;
	_ =	sdelay $0x5  }
0x2ff: {  	v8, _, _ =	vpop (xrf0)  }
0x300: {  	v8 =	vadd.s32 v8, v6  }
0x301: {  	v8 =	vadd.s32 $0xFFFFFFFF, v8;
	_ =	sdelay $0x4  }
0x302: {  	[tilespmem:v8+s16+$0x0] =	vst.idx.msk vm0, v7  }
0x303: {  	v7 =	vld [tilespmem:s1+$0x10];
	_ =	sdelay $0x4  }
0x304: {  	v8 =	vshra.s32 v7, $0x1F  }
0x305: {  	v8 =	vshrl.u32 v8, $0x1  }
0x306: {  	v7 =	vxor.u32 v7, v8  }
0x307: {  	v8 =	vshra.s32 v7, $0x18  }
0x308: {  	vm1 =	veq.s32 v8, v5  }
0x309: {  	v8 =	vsel vm1, $0x1, v0  }
0x30a: {  	(xrf0) =	vadd.scan.msk.s32 $0xffff, v8;
	_ =	sdelay $0x1  }
0x30b: {  	v8 =	vmpcnt.ones.xlane vm0;
	_ =	sdelay $0x3  }
0x30c: {  	v6 =	vadd.s32 v6, v8;
	v8, _, _ =	vpop (xrf0)  }
0x30d: {  	v8 =	vadd.s32 v8, v6  }
0x30e: {  	v8 =	vadd.s32 $0xFFFFFFFF, v8;
	_ =	sdelay $0x4  }
0x30f: {  	[tilespmem:v8+s16+$0x0] =	vst.idx.msk vm1, v7  }
0x310: {  	v7 =	vld [tilespmem:s1+$0x20];
	_ =	sdelay $0x4  }
0x311: {  	v8 =	vshra.s32 v7, $0x1F  }
0x312: {  	v8 =	vshrl.u32 v8, $0x1  }
0x313: {  	v7 =	vxor.u32 v7, v8  }
0x314: {  	v8 =	vshra.s32 v7, $0x18  }
0x315: {  	vm14 =	veq.s32 v8, v5  }
0x316: {  	v8 =	vsel vm14, $0x1, v0  }
0x317: {  	(xrf0) =	vadd.scan.msk.s32 $0xffff, v8;
	_ =	sdelay $0x1  }
0x318: {  	v8 =	vmpcnt.ones.xlane vm1;
	_ =	sdelay $0x3  }
0x319: {  	v6 =	vadd.s32 v6, v8;
	v8, _, _ =	vpop (xrf0)  }
0x31a: {  	v8 =	vadd.s32 v8, v6  }
0x31b: {  	v8 =	vadd.s32 $0xFFFFFFFF, v8;
	_ =	sdelay $0x4  }
0x31c: {  	[tilespmem:v8+s16+$0x0] =	vst.idx.msk vm14, v7  }
0x31d: {  	v7 =	vld [tilespmem:s1+$0x30];
	_ =	sdelay $0x4  }
0x31e: {  	v8 =	vshra.s32 v7, $0x1F  }
0x31f: {  	v8 =	vshrl.u32 v8, $0x1  }
0x320: {  	v7 =	vxor.u32 v7, v8  }
0x321: {  	v8 =	vshra.s32 v7, $0x18  }
0x322: {  	vm15 =	veq.s32 v8, v5  }
0x323: {  	v8 =	vsel vm15, $0x1, v0  }
0x324: {  	(xrf0) =	vadd.scan.msk.s32 $0xffff, v8;
	_ =	sdelay $0x1  }
0x325: {  	v8 =	vmpcnt.ones.xlane vm14;
	_ =	sdelay $0x3  }
0x326: {  	v6 =	vadd.s32 v6, v8;
	v8, _, _ =	vpop (xrf0)  }
0x327: {  	v8 =	vadd.s32 v8, v6  }
0x328: {  	p0 =	sne.s32 s0, $0x1FF00;
	v8 =	vadd.s32 $0xFFFFFFFF, v8  }
.Ltmp29:
0x329: {  	_ = 	snop;
	(pc) =	sbr.rel @p0 .LBB2_44-.Ltmp29, $3  }
0x32a: {  	_ = 	snop  }
0x32b: {  	v9 =	vmpcnt.ones.xlane vm15;
	_ =	sdelay $0x1  }
0x32c: {  	s0 =	sadd.s32 $0x100, s0;
	v6 =	vadd.s32 v6, v9;
	[tilespmem:v8+s16+$0x0] =	vst.idx.msk vm15, v7  }
0x32d: {  	v5 =	vadd.s32 v1, v6  }
.Ltmp30:
0x32e: {  	s4 =	sadd.s32 $0xF, s21;
	(pc) =	sbr.rel .LBB2_46-.Ltmp30, $4  }
0x32f: {  	s0 =	sshra.s32 s4, $0x1F  }
0x330: {  	s0 =	sshrl.u32 s0, $0x1C  }
0x331: {  	s3 =	sshll.u32 s2, $0x18;
	s2 =	simm.s32 $0x0;
	s1 =	sadd.s32 s0, s4  }
0x332: {  	p0 =	slt.s32 s4, $0x10;
	s0 =	ssub.s32 $0x40, s20;
	s1 =	sshra.s32 s1, $0x4;
	[tilespmem:v5+s16+$0x0] =	vst.idx.msk $0xffff, v4  }
.LBB2_49:
0x333: {  	v6 =	vmpcnt.ones.xlane vm0;
	_ =	sdelay $0x1  }
0x334: {  	v5 =	vadd.s32 v5, v6  }
0x335: {  	v5 =	vxor.u32 $0x80000000, v5  }
.LBB2_50:
0x336: {  	(xrf0) =	vmax.scan.msk.u32 $0xffff, v5;
	_ =	sdelay $0x5  }
0x337: {  	v5, _, _ =	vpop (xrf0)  }
0x338: {  	(v2sf) =	vpush v5, $0xF;
	_ =	sdelay $0xe  }
0x339: {  	s5 =	spop (v2sf)  }
0x33a: {  	s5 =	sxor.u32 $0x80000000, s5  }
0x33b: {  	s2 =	sadd.s32 $0x1, s2;
	p1 =	slt.s32 s5, s0  }
0x33c: {  	s4 =	smov.u32 @p1 s3;
	p1 =	sne.s32 s2, $0x18  }
.Ltmp31:
0x33d: {  	_ = 	snop;
	(pc) =	sbr.rel @!p1 .LBB2_51-.Ltmp31, $2  }
0x33e: {  	_ =	sdelay $0x2  }
0x33f: {  	s3 =	smov.u32 s4  }
.LBB2_46:
.Ltmp32:
0x340: {  	(pc) =	sbr.rel @p0 .LBB2_50-.Ltmp32, $3  }
0x341: {  	_ =	sdelay $0x1  }
0x342: {  	s4 =	sshrl.u32 s17, s2  }
0x343: {  	v5 =	vimm.s32 $0x80000000;
	s4 =	sor.u32 s4, s3  }
0x344: {  	s5 =	simm.s32 $0x9000  }
0x345: {  	p1 =	sne.s32 s1, $0x1;
	v7 =	vld [tilespmem:s5+$0x0]  }
.Ltmp33:
0x346: {  	_ = 	snop;
	(pc) =	sbr.rel @!p1 .LBB2_49-.Ltmp33, $3  }
0x347: {  	_ =	sdelay $0x1  }
0x348: {  	v6 =	vmov s4  }
0x349: {  	v5 =	vimm.s32 $0x0;
	s19 =	simm.s32 $0x9010;
	s5 =	sadd.s32 $0xFFFFFFFF, s1;
	vm0 =	vge.s32 v7, v6  }
.LBB2_48:
0x34a: {  	v7 =	vld [tilespmem:s19+$0x0];
	p1 =	sne.s32 s5, $0x1;
	s5 =	sadd.s32 $0xFFFFFFFF, s5;
	v8 =	vmpcnt.ones.xlane vm0  }
.Ltmp34:
0x34b: {  	(pc) =	sbr.rel @p1 .LBB2_48-.Ltmp34, $2  }
0x34c: {  	v5 =	vadd.s32 v5, v8;
	_ =	sdelay $0x2  }
0x34d: {  	s19 =	sadd.s32 $0x10, s19;
	vm0 =	vge.s32 v7, v6  }
.Ltmp35:
0x34e: {  	_ = 	snop;
	(pc) =	sbr.rel .LBB2_49-.Ltmp35, $1  }
0x34f: {  	_ =	sdelay $0x3  }
.LBB2_51:
.Ltmp36:
0x350: {  	(pc) =	sbr.rel @p0 .LBB2_55-.Ltmp36, $2  }
0x351: {  	_ =	sdelay $0x2  }
0x352: {  	v5 =	vmov s4;
	v6 =	vimm.s32 $0x80000000  }
0x353: {  	s2 =	simm.s32 $0x9000  }
0x354: {  	p0 =	sne.s32 s1, $0x1;
	v7 =	vld [tilespmem:s2+$0x0]  }
.Ltmp37:
0x355: {  	_ = 	snop;
	(pc) =	sbr.rel @!p0 .LBB2_54-.Ltmp37, $2  }
0x356: {  	_ =	sdelay $0x2  }
0x357: {  	v6 =	vimm.s32 $0x0;
	s1 =	sadd.s32 $0xFFFFFFFF, s1;
	s2 =	simm.s32 $0x9010;
	vm0 =	vgt.s32 v7, v5  }
.LBB2_53:
0x358: {  	v7 =	vld [tilespmem:s2+$0x0];
	p0 =	sne.s32 s1, $0x1;
	s1 =	sadd.s32 $0xFFFFFFFF, s1;
	v8 =	vmpcnt.ones.xlane vm0  }
.Ltmp38:
0x359: {  	(pc) =	sbr.rel @p0 .LBB2_53-.Ltmp38, $2  }
0x35a: {  	v6 =	vadd.s32 v6, v8;
	_ =	sdelay $0x2  }
0x35b: {  	s2 =	sadd.s32 $0x10, s2;
	vm0 =	vgt.s32 v7, v5  }
.LBB2_54:
0x35c: {  	v7 =	vmpcnt.ones.xlane vm0;
	_ =	sdelay $0x1  }
0x35d: {  	v6 =	vadd.s32 v6, v7  }
0x35e: {  	v6 =	vxor.u32 $0x80000000, v6  }
.LBB2_55:
0x35f: {  	(xrf0) =	vmax.scan.msk.u32 $0xffff, v6;
	_ =	sdelay $0x5  }
0x360: {  	v6, _, _ =	vpop (xrf0)  }
0x361: {  	s19 =	simm.s32 $0x0;
	(v2sf) =	vpush v6, $0xF  }
0x362: {  	v12 =	vld [tilespmem:s19+$0x0];
	_ =	sdelay $0x4  }
0x363: {  	v6 =	vshra.s32 v12, $0x1F  }
0x364: {  	v6 =	vshrl.u32 v6, $0x1  }
0x365: {  	v9 =	vxor.u32 v12, v6  }
0x366: {  	vm0 =	veq.s32 v9, v5  }
0x367: {  	v6 =	vsel vm0, $0x1, v0  }
0x368: {  	(xrf0) =	vadd.scan.msk.s32 $0xffff, v6;
	_ =	sdelay $0x3  }
0x369: {  	s1 =	spop (v2sf)  }
0x36a: {  	s1 =	sxor.u32 $0x80000000, s1  }
0x36b: {  	v7 =	vimm.s32 $0x0;
	v8 =	vld [tilespmem:s19+$0x30];
	v10, _, _ =	vpop (xrf0);
	s0 =	ssub.s32 s0, s1  }
0x36c: {  	v10 =	vadd.s32 v7, v10;
	v6 =	vmov s0  }
0x36d: {  	vm1 =	vle.s32 v10, v6;
	v10 =	vld [tilespmem:s19+$0x20]  }
0x36e: {  	v11 =	vmpcnt.ones.xlane vm0;
	vm0 =	vmand vm0, vm1;
	vm1 =	vgt.s32 v9, v5;
	v9 =	vld [tilespmem:s19+$0x10];
	_ =	sdelay $0x1  }
0x36f: {  	s20 =	simm.s32 $0x100;
	v13 =	vshra.s32 v8, $0x1F;
	v12 =	vmax.f32 v12, $0.0e+00;
	s0 =	simm.s32 $0x200;
	vm2 =	vmor vm1, vm0  }
.LBB2_56:
0x370: {  	p0 =	sne.s32 s0, $0x1FF00  }
0x371: {  	s1 =	sshra.s32 s20, $0x2;
	v12 =	vnsel vm2, $0x0, v12;
	v14 =	vshra.s32 v10, $0x1F;
	v13 =	vshrl.u32 v13, $0x1;
	s20 =	smov.u32 s0;
	s0 =	sadd.s32 $0x100, s0  }
0x372: {  	[tilespmem:s19+$0x0] =	vst v12;
	v12 =	vshra.s32 v9, $0x1F;
	v14 =	vshrl.u32 v14, $0x1;
	v13 =	vxor.u32 v8, v13  }
0x373: {  	v15 =	vld [tilespmem:s1+$0x0];
	v12 =	vshrl.u32 v12, $0x1;
	v14 =	vxor.u32 v10, v14;
	vm2 =	veq.s32 v13, v5  }
0x374: {  	v12 =	vxor.u32 v9, v12;
	vm1 =	veq.s32 v14, v5;
	v16 =	vsel vm2, $0x1, v0  }
0x375: {  	vm0 =	veq.s32 v12, v5;
	v17 =	vsel vm1, $0x1, v0;
	(xrf0) =	vadd.scan.msk.s32 $0xffff, v16  }
0x376: {  	v16 =	vsel vm0, $0x1, v0;
	v18 =	vmpcnt.ones.xlane vm0;
	(xrf0) =	vadd.scan.msk.s32 $0xffff, v17  }
0x377: {  	v11 =	vadd.s32 v7, v11;
	v10 =	vmax.f32 v10, $0.0e+00;
	(xrf0) =	vadd.scan.msk.s32 $0xffff, v16  }
0x378: {  	v8 =	vmax.f32 v8, $0.0e+00;
	v9 =	vmax.f32 v9, $0.0e+00;
	v7 =	vshra.s32 v15, $0x1F  }
0x379: {  	vm4 =	vgt.s32 v14, v5;
	v19 =	vmpcnt.ones.xlane vm1;
	v7 =	vshrl.u32 v7, $0x1  }
0x37a: {  	v17 =	vadd.s32 v11, v18;
	v16 =	vxor.u32 v15, v7;
	v7 =	vmpcnt.ones.xlane vm2  }
0x37b: {  	vm5 =	vgt.s32 v12, v5;
	v19 =	vadd.s32 v17, v19;
	vm3 =	veq.s32 v16, v5;
	v14, _, _ =	vpop (xrf0)  }
0x37c: {  	v18 =	vsel vm3, $0x1, v0;
	v14 =	vadd.s32 v19, v14;
	v7 =	vadd.s32 v19, v7;
	v12, _, _ =	vpop (xrf0)  }
0x37d: {  	vm7 =	vgt.s32 v13, v5;
	(xrf0) =	vadd.scan.msk.s32 $0xffff, v18;
	v12 =	vadd.s32 v17, v12;
	vm6 =	vle.s32 v14, v6;
	v13, _, _ =	vpop (xrf0)  }
0x37e: {  	v11 =	vadd.s32 v11, v13;
	vm8 =	vle.s32 v12, v6;
	vm2 =	vmand vm2, vm6  }
0x37f: {  	vm6 =	vle.s32 v11, v6;
	vm1 =	vmand vm1, vm8;
	vm2 =	vmor vm7, vm2  }
0x380: {  	vm0 =	vmand vm0, vm6;
	vm1 =	vmor vm4, vm1;
	v8 =	vnsel vm2, $0x0, v8  }
0x381: {  	v11 =	vmpcnt.ones.xlane vm3;
	vm0 =	vmor vm5, vm0;
	v10 =	vnsel vm1, $0x0, v10;
	[tilespmem:s19+$0x30] =	vst v8  }
0x382: {  	v8 =	vld [tilespmem:s1+$0x30];
	v9 =	vnsel vm0, $0x0, v9;
	[tilespmem:s19+$0x20] =	vst v10  }
.Ltmp39:
0x383: {  	v10 =	vld [tilespmem:s1+$0x20];
	v12, _, _ =	vpop (xrf0);
	[tilespmem:s19+$0x10] =	vst v9;
	s19 =	smov.u32 s1;
	(pc) =	sbr.rel @p0 .LBB2_56-.Ltmp39, $4  }
0x384: {  	v12 =	vadd.s32 v7, v12;
	v9 =	vld [tilespmem:s19+$0x10]  }
0x385: {  	vm0 =	vle.s32 v12, v6  }
0x386: {  	vm1 =	vgt.s32 v16, v5;
	vm0 =	vmand vm3, vm0  }
0x387: {  	v12 =	vmax.f32 v15, $0.0e+00;
	vm2 =	vmor vm1, vm0;
	v13 =	vshra.s32 v8, $0x1F  }
0x388: {  	v13 =	vshrl.u32 v13, $0x1;
	v14 =	vshra.s32 v10, $0x1F  }
0x389: {  	v13 =	vxor.u32 v8, v13;
	v14 =	vshrl.u32 v14, $0x1;
	v15 =	vshra.s32 v9, $0x1F  }
0x38a: {  	vm0 =	veq.s32 v13, v5;
	v14 =	vxor.u32 v10, v14;
	v15 =	vshrl.u32 v15, $0x1  }
0x38b: {  	v16 =	vsel vm0, $0x1, v0;
	vm3 =	veq.s32 v14, v5;
	v15 =	vxor.u32 v9, v15  }
0x38c: {  	(xrf0) =	vadd.scan.msk.s32 $0xffff, v16;
	v34 =	vsel vm3, $0x1, v0;
	vm1 =	veq.s32 v15, v5  }
0x38d: {  	(xrf0) =	vadd.scan.msk.s32 $0xffff, v34;
	v35 =	vsel vm1, $0x1, v0  }
0x38e: {  	(xrf0) =	vadd.scan.msk.s32 $0xffff, v35  }
0x38f: {  	v17 =	vmpcnt.ones.xlane vm1  }
0x390: {  	v7 =	vadd.s32 v7, v11;
	v36 =	vmpcnt.ones.xlane vm3  }
0x391: {  	v12 =	vnsel vm2, $0x0, v12;
	v37 =	vadd.s32 v7, v17  }
0x392: {  	v40 =	vmax.f32 v10, $0.0e+00;
	v41 =	vmax.f32 v8, $0.0e+00;
	v11 =	vadd.s32 v37, v36;
	v38, _, _ =	vpop (xrf0)  }
0x393: {  	[tilespmem:s19+$0x0] =	vst v12;
	vm4 =	vgt.s32 v13, v5;
	vm5 =	vgt.s32 v14, v5;
	v12 =	vadd.s32 v11, v38;
	v18, _, _ =	vpop (xrf0)  }
0x394: {  	s0 =	sshra.s32 s20, $0x2;
	vm12 =	vgt.s32 v15, v5;
	vm10 =	vle.s32 v12, v6;
	v42 =	vadd.s32 v37, v18;
	v43, _, _ =	vpop (xrf0)  }
0x395: {  	v39 =	vld [tilespmem:s0+$0x0];
	vm2 =	vmand vm0, vm10;
	vm6 =	vle.s32 v42, v6;
	v7 =	vadd.s32 v7, v43  }
0x396: {  	vm2 =	vmor vm4, vm2;
	vm3 =	vmand vm3, vm6;
	vm11 =	vle.s32 v7, v6  }
0x397: {  	v8 =	vnsel vm2, $0x0, v41;
	vm3 =	vmor vm5, vm3;
	vm1 =	vmand vm1, vm11  }
0x398: {  	v45 =	vmax.f32 v9, $0.0e+00;
	[tilespmem:s19+$0x30] =	vst v8;
	v7 =	vnsel vm3, $0x0, v40;
	vm1 =	vmor vm12, vm1  }
0x399: {  	v8 =	vld [tilespmem:s0+$0x30];
	[tilespmem:s19+$0x20] =	vst v7;
	v9 =	vnsel vm1, $0x0, v45  }
0x39a: {  	v44 =	vshra.s32 v39, $0x1F;
	v47 =	vld [tilespmem:s0+$0x20];
	[tilespmem:s19+$0x10] =	vst v9  }
0x39b: {  	v46 =	vshrl.u32 v44, $0x1;
	v49 =	vld [tilespmem:s0+$0x10]  }
0x39c: {  	v7 =	vxor.u32 v39, v46  }
0x39d: {  	v50 =	vmpcnt.ones.xlane vm0;
	vm13 =	veq.s32 v7, v5  }
0x39e: {  	v48 =	vsel vm13, $0x1, v0;
	v51 =	vshra.s32 v8, $0x1F  }
0x39f: {  	v9 =	vadd.s32 v11, v50;
	(xrf0) =	vadd.scan.msk.s32 $0xffff, v48;
	v52 =	vshra.s32 v47, $0x1F;
	v13 =	vshrl.u32 v51, $0x1  }
0x3a0: {  	v53 =	vshra.s32 v49, $0x1F;
	v11 =	vshrl.u32 v52, $0x1;
	v13 =	vxor.u32 v8, v13  }
0x3a1: {  	v14 =	vshrl.u32 v53, $0x1;
	v11 =	vxor.u32 v47, v11;
	vm14 =	veq.s32 v13, v5  }
0x3a2: {  	v14 =	vxor.u32 v49, v14;
	vm1 =	veq.s32 v11, v5;
	v55 =	vsel vm14, $0x1, v0  }
0x3a3: {  	vm15 =	veq.s32 v14, v5;
	v56 =	vsel vm1, $0x1, v0;
	(xrf0) =	vadd.scan.msk.s32 $0xffff, v55  }
0x3a4: {  	v57 =	vsel vm15, $0x1, v0;
	(xrf0) =	vadd.scan.msk.s32 $0xffff, v56  }
0x3a5: {  	v59 =	vmax.f32 v39, $0.0e+00;
	vm9 =	vgt.s32 v7, v5;
	v58 =	vmpcnt.ones.xlane vm13;
	v54, _, _ =	vpop (xrf0);
	(xrf0) =	vadd.scan.msk.s32 $0xffff, v57  }
0x3a6: {  	v10 =	vmax.f32 v47, $0.0e+00;
	v8 =	vmax.f32 v8, $0.0e+00;
	v7 =	vmpcnt.ones.xlane vm15  }
0x3a7: {  	v15 =	vadd.s32 v9, v54;
	v9 =	vadd.s32 v9, v58;
	v60 =	vmpcnt.ones.xlane vm1  }
0x3a8: {  	vm10 =	vgt.s32 v11, v5;
	vm8 =	vle.s32 v15, v6;
	v7 =	vadd.s32 v9, v7  }
0x3a9: {  	vm11 =	vgt.s32 v14, v5;
	vm3 =	vmand vm13, vm8;
	v16 =	vadd.s32 v7, v60;
	v61, _, _ =	vpop (xrf0)  }
0x3aa: {  	vm13 =	vgt.s32 v13, v5;
	vm3 =	vmor vm9, vm3;
	v62 =	vadd.s32 v16, v61;
	v63, _, _ =	vpop (xrf0)  }
0x3ab: {  	v15 =	vnsel vm3, $0x0, v59;
	v7 =	vadd.s32 v7, v63;
	vm12 =	vle.s32 v62, v6;
	v5, _, _ =	vpop (xrf0)  }
0x3ac: {  	v5 =	vadd.s32 v9, v5;
	vm7 =	vle.s32 v7, v6;
	vm0 =	vmand vm14, vm12  }
0x3ad: {  	vm14 =	vle.s32 v5, v6;
	vm1 =	vmand vm1, vm7;
	vm0 =	vmor vm13, vm0  }
0x3ae: {  	[tilespmem:s0+$0x0] =	vst v15;
	vm2 =	vmand vm15, vm14;
	vm1 =	vmor vm10, vm1;
	v5 =	vnsel vm0, $0x0, v8  }
0x3af: {  	v6 =	vmax.f32 v49, $0.0e+00;
	vm15 =	vmor vm11, vm2;
	v7 =	vnsel vm1, $0x0, v10;
	[tilespmem:s0+$0x30] =	vst v5  }
0x3b0: {  	v5 =	vnsel vm15, $0x0, v6;
	[tilespmem:s0+$0x20] =	vst v7  }
0x3b1: {  	s19 =	simm.s32 $0x0;
	[tilespmem:s0+$0x10] =	vst v5  }
0x3b2: {  	[hbm4b:s8+s12] =	stream.strided.scatter [tilespmem:s19], [sflag:$0x1], $0x8000, s13, s12, $0x38;
	[tilespmem:$0x11080] =	vst v63  }
0x3b3: {  	_ =	swait.ge [sflag:s14], $0x8000  }
0x3b4: {  	[sflag:s14] =	ssyncset.done $0x0  }
0x3b5: {  	[sflag:s14] =	ssyncadd.s32 $0xFFFF8000  }
0x3b6: {  	[tilespmem:s19], [sflag:$0x1] =	stream.strided.gather [hbm4b:s9+s12], $0x8000, s13, s12, $0x38;
	[tilespmem:$0x11080] =	vst v63  }
0x3b7: {  	_ =	swait.ge [sflag:s14], $0x8000  }
0x3b8: {  	[sflag:s14] =	ssyncset.done $0x0  }
0x3b9: {  	s0 =	simm.s32 $0x0;
	[sflag:s14] =	ssyncadd.s32 $0xFFFF8000  }
.LBB2_58:
0x3ba: {  	s1 =	sshra.s32 s0, $0x2  }
0x3bb: {  	v5 =	vld [tilespmem:s1+$0x0];
	_ =	sdelay $0x4  }
0x3bc: {  	v6 =	vshra.s32 v5, $0x1F  }
0x3bd: {  	v6 =	vshrl.u32 v6, $0x1  }
0x3be: {  	v5 =	vxor.u32 v5, v6  }
0x3bf: {  	v5 =	vshra.s32 v5, $0x14  }
0x3c0: {  	v5 =	vand.u32 $0xFFFFFFF0, v5  }
0x3c1: {  	v5 =	vadd.s32 v3, v5;
	_ =	sdelay $0x4  }
0x3c2: {  	[tilespmem:v5+s15+$0x0] =	vst.idx.add.s32.msk $0xffff, v2  }
0x3c3: {  	v5 =	vld [tilespmem:s1+$0x10];
	_ =	sdelay $0x4  }
0x3c4: {  	v6 =	vshra.s32 v5, $0x1F  }
0x3c5: {  	v6 =	vshrl.u32 v6, $0x1  }
0x3c6: {  	v5 =	vxor.u32 v5, v6  }
0x3c7: {  	v5 =	vshra.s32 v5, $0x14  }
0x3c8: {  	v5 =	vand.u32 $0xFFFFFFF0, v5  }
0x3c9: {  	v5 =	vadd.s32 v3, v5;
	_ =	sdelay $0x4  }
0x3ca: {  	[tilespmem:v5+s15+$0x0] =	vst.idx.add.s32.msk $0xffff, v2  }
0x3cb: {  	v5 =	vld [tilespmem:s1+$0x20];
	_ =	sdelay $0x4  }
0x3cc: {  	v6 =	vshra.s32 v5, $0x1F  }
0x3cd: {  	v6 =	vshrl.u32 v6, $0x1  }
0x3ce: {  	v5 =	vxor.u32 v5, v6  }
0x3cf: {  	v5 =	vshra.s32 v5, $0x14  }
0x3d0: {  	v5 =	vand.u32 $0xFFFFFFF0, v5  }
0x3d1: {  	v5 =	vadd.s32 v3, v5;
	_ =	sdelay $0x4  }
0x3d2: {  	[tilespmem:v5+s15+$0x0] =	vst.idx.add.s32.msk $0xffff, v2  }
0x3d3: {  	v5 =	vld [tilespmem:s1+$0x30];
	_ =	sdelay $0x4  }
0x3d4: {  	v6 =	vshra.s32 v5, $0x1F  }
0x3d5: {  	v6 =	vshrl.u32 v6, $0x1  }
0x3d6: {  	v5 =	vxor.u32 v5, v6  }
0x3d7: {  	v5 =	vshra.s32 v5, $0x14  }
0x3d8: {  	v5 =	vand.u32 $0xFFFFFFF0, v5  }
0x3d9: {  	p0 =	sne.s32 s0, $0x1FF00;
	v5 =	vadd.s32 v3, v5  }
.Ltmp40:
0x3da: {  	_ = 	snop;
	(pc) =	sbr.rel @p0 .LBB2_58-.Ltmp40, $2  }
0x3db: {  	_ =	sdelay $0x2  }
0x3dc: {  	s0 =	sadd.s32 $0x100, s0;
	[tilespmem:v5+s15+$0x0] =	vst.idx.add.s32.msk $0xffff, v2  }
0x3dd: {  	s0 =	simm.s32 $0x8FF0  }
0x3de: {  	v5 =	vld [tilespmem:s0+$0x0];
	_ =	sdelay $0x4  }
0x3df: {  	(xrf0) =	vadd.scan.msk.s32 $0xffff, v5;
	_ =	sdelay $0x5  }
0x3e0: {  	v5, _, _ =	vpop (xrf0)  }
0x3e1: {  	(v2sf) =	vpush v5, $0xF;
	_ =	sdelay $0x1  }
0x3e2: {  	s25 =	simm.s32 $0x8FE0;
	[tilespmem:s0+$0x0] =	vst v0  }
0x3e3: {  	v5 =	vld [tilespmem:s25+$0x0];
	_ =	sdelay $0x2  }
0x3e4: {  	s26 =	simm.s32 $0x8FD0;
	[tilespmem:s25+$0x0] =	vst v0  }
0x3e5: {  	v6 =	vld [tilespmem:s26+$0x0]  }
0x3e6: {  	(xrf0) =	vadd.scan.msk.s32 $0xffff, v5;
	_ =	sdelay $0x3  }
0x3e7: {  	(xrf0) =	vadd.scan.msk.s32 $0xffff, v6;
	_ =	sdelay $0x1  }
0x3e8: {  	v5, _, _ =	vpop (xrf0)  }
0x3e9: {  	s3 =	spop (v2sf);
	(v2sf) =	vpush v5, $0xF  }
0x3ea: {  	s1 =	simm.s32 $0x8FC0;
	[tilespmem:s26+$0x0] =	vst v0  }
0x3eb: {  	v6 =	vld [tilespmem:s1+$0x0]  }
0x3ec: {  	s2 =	simm.s32 $0xFF;
	v7, _, _ =	vpop (xrf0)  }
0x3ed: {  	s31 =	simm.s32 $0xFE;
	s30 =	simm.s32 $0xFD;
	s29 =	simm.s32 $0xFC;
	(v2sf) =	vpush v7, $0xF  }
0x3ee: {  	s28 =	simm.s32 $0xFB;
	s23 =	simm.s32 $0xF8;
	p0 =	por $0x1, $0x1  }
0x3ef: {  	s22 =	simm.s32 $0xF7;
	s24 =	simm.s32 $0xF6;
	s5 =	simm.s32 $0xF5  }
0x3f0: {  	s4 =	simm.s32 $0x0;
	s20 =	simm.s32 $0x0;
	(xrf0) =	vadd.scan.msk.s32 $0xffff, v6;
	s0 =	sadd.s32 $0x0, s3  }
0x3f1: {  	p0 =	por p0, p0;
	[tilespmem:s1+$0x0] =	vst v0;
	s1 =	simm.s32 $0x8FB0;
	p1 =	sgt.s32 s0, $0x3F  }
0x3f2: {  	s21 =	simm.s32 $0x0;
	s25 =	simm.s32 $0xF9;
	v5 =	vld [tilespmem:s1+$0x0];
	p1 =	por !p0, !p1  }
0x3f3: {  	s26 =	simm.s32 $0xFA;
	[tilespmem:s1+$0x0] =	vst v0;
	p0 =	slt.s32 s0, $0x40;
	p1 =	por !p1, !p1  }
.LBB2_60:
0x3f4: {  	p2 =	sne.s32 s5, $0x0  }
0x3f5: {  	s19 =	smov.u32 @p1 s2;
	s20 =	smov.u32 @p1 s4;
	s4 =	smov.u32 s0  }
0x3f6: {  	v6, _, _ =	vpop (xrf0);
	s2 =	smov.u32 s31;
	s31 =	smov.u32 s30;
	p3 =	por p0, p0  }
0x3f7: {  	s21 =	smov.u32 @p1 s3;
	s30 =	smov.u32 s29;
	s29 =	smov.u32 s28;
	(xrf0) =	vadd.scan.msk.s32 $0xffff, v5;
	(v2sf) =	vpush v6, $0xF  }
.Ltmp41:
0x3f8: {  	s1 =	sadd.s32 $0xFFFFFFF0, s1;
	s3 =	spop (v2sf);
	(pc) =	sbr.rel @p2 .LBB2_60-.Ltmp41, $4  }
0x3f9: {  	s28 =	smov.u32 s26;
	s26 =	smov.u32 s25;
	v5 =	vld [tilespmem:s1+$0x0];
	[tilespmem:s1+$0x0] =	vst v0;
	s0 =	sadd.s32 s0, s3  }
0x3fa: {  	s25 =	smov.u32 s23;
	p0 =	slt.s32 s0, $0x40;
	p1 =	sgt.s32 s0, $0x3F  }
0x3fb: {  	s23 =	smov.u32 s22;
	s22 =	smov.u32 s24;
	p1 =	por !p3, !p1  }
0x3fc: {  	s24 =	smov.u32 s5;
	s5 =	sadd.s32 $0xFFFFFFFF, s5;
	p1 =	por !p1, !p1  }
0x3fd: {  	s1 =	sadd.s32 $0xFFFFFFF0, s1  }
0x3fe: {  	v6 =	vld [tilespmem:s1+$0x0];
	[tilespmem:s1+$0x0] =	vst v0;
	s1 =	sadd.s32 $0xFFFFFFF0, s1  }
0x3ff: {  	v7 =	vld [tilespmem:s1+$0x0];
	_ =	sdelay $0x2  }
0x400: {  	(xrf0) =	vadd.scan.msk.s32 $0xffff, v5  }
0x401: {  	(xrf0) =	vadd.scan.msk.s32 $0xffff, v6  }
0x402: {  	v5, _, _ =	vpop (xrf0);
	(xrf0) =	vadd.scan.msk.s32 $0xffff, v7  }
0x403: {  	(v2sf) =	vpush v5, $0xF  }
0x404: {  	[tilespmem:s1+$0x0] =	vst v0;
	s1 =	sadd.s32 $0xFFFFFFF0, s1  }
0x405: {  	v6 =	vld [tilespmem:s1+$0x0]  }
0x406: {  	v5, _, _ =	vpop (xrf0)  }
0x407: {  	(v2sf) =	vpush v5, $0xF;
	v5, _, _ =	vpop (xrf0)  }
0x408: {  	[tilespmem:s1+$0x0] =	vst v0;
	s1 =	sadd.s32 $0xFFFFFFF0, s1;
	(v2sf) =	vpush v5, $0xF;
	v5, _, _ =	vpop (xrf0)  }
0x409: {  	(v2sf) =	vpush v5, $0xF;
	v5 =	vld [tilespmem:s1+$0x0];
	[tilespmem:s1+$0x0] =	vst v0;
	s1 =	sadd.s32 $0xFFFFFFF0, s1  }
0x40a: {  	(xrf0) =	vadd.scan.msk.s32 $0xffff, v6;
	v6 =	vld [tilespmem:s1+$0x0];
	_ =	sdelay $0x1  }
0x40b: {  	s5 =	spop (v2sf)  }
0x40c: {  	s19 =	smov.u32 @p1 s2;
	s2 =	sadd.s32 s0, s5  }
0x40d: {  	s20 =	smov.u32 @p1 s4;
	p0 =	por p0, p0;
	p4 =	sgt.s32 s2, $0x3F;
	(xrf0) =	vadd.scan.msk.s32 $0xffff, v5  }
0x40e: {  	s21 =	smov.u32 @p1 s3;
	p2 =	slt.s32 s2, $0x40;
	p0 =	por !p0, !p4;
	(xrf0) =	vadd.scan.msk.s32 $0xffff, v6  }
0x40f: {  	p5 =	por p2, p2;
	p0 =	por !p0, !p0;
	s3 =	spop (v2sf)  }
0x410: {  	s19 =	smov.u32 @p0 s31;
	s20 =	smov.u32 @p0 s0;
	s4 =	sadd.s32 s2, s3;
	v5, _, _ =	vpop (xrf0)  }
0x411: {  	s21 =	smov.u32 @p0 s5;
	p6 =	sgt.s32 s4, $0x3F;
	s0 =	spop (v2sf);
	(v2sf) =	vpush v5, $0xF  }
0x412: {  	p3 =	slt.s32 s4, $0x40;
	p1 =	por !p5, !p6;
	s5 =	sadd.s32 s4, s0  }
0x413: {  	p0 =	por !p1, !p1;
	p1 =	por p3, p3;
	p4 =	sgt.s32 s5, $0x3F;
	v5, _, _ =	vpop (xrf0)  }
0x414: {  	s19 =	smov.u32 @p0 s30;
	s20 =	smov.u32 @p0 s2;
	p1 =	por !p1, !p4;
	(v2sf) =	vpush v5, $0xF;
	v5, _, _ =	vpop (xrf0)  }
0x415: {  	s21 =	smov.u32 @p0 s3;
	p0 =	por !p1, !p1;
	s30 =	spop (v2sf);
	(v2sf) =	vpush v5, $0xF  }
0x416: {  	p5 =	slt.s32 s5, $0x40;
	s19 =	smov.u32 @p0 s29;
	s29 =	sadd.s32 s5, s30  }
0x417: {  	p1 =	por p5, p5;
	p6 =	sgt.s32 s29, $0x3F  }
0x418: {  	s20 =	smov.u32 @p0 s4;
	p3 =	slt.s32 s29, $0x40;
	p1 =	por !p1, !p6  }
0x419: {  	s21 =	smov.u32 @p0 s0;
	p4 =	por p3, p3;
	p1 =	por !p1, !p1  }
0x41a: {  	s2 =	spop (v2sf);
	s19 =	smov.u32 @p1 s28;
	s20 =	smov.u32 @p1 s5  }
0x41b: {  	s21 =	smov.u32 @p1 s30;
	s3 =	spop (v2sf);
	s4 =	sadd.s32 s29, s2  }
0x41c: {  	p5 =	sgt.s32 s4, $0x3F;
	p2 =	slt.s32 s4, $0x40;
	s0 =	sadd.s32 s4, s3  }
0x41d: {  	p6 =	por !p4, !p5;
	p1 =	por p2, p2;
	p3 =	sgt.s32 s0, $0x3F  }
0x41e: {  	p5 =	slt.s32 s0, $0x40;
	p0 =	por !p6, !p6;
	p4 =	por !p1, !p3  }
0x41f: {  	p1 =	por p5, p5;
	s19 =	smov.u32 @p0 s26;
	s20 =	smov.u32 @p0 s29  }
0x420: {  	s21 =	smov.u32 @p0 s2;
	p0 =	por !p4, !p4;
	s2 =	spop (v2sf)  }
0x421: {  	s19 =	smov.u32 @p0 s25;
	s20 =	smov.u32 @p0 s4;
	s5 =	sadd.s32 s0, s2  }
0x422: {  	s21 =	smov.u32 @p0 s3;
	p6 =	sgt.s32 s5, $0x3F;
	p3 =	slt.s32 s5, $0x40  }
0x423: {  	p2 =	por !p1, !p6;
	p1 =	por p3, p3;
	s3 =	spop (v2sf)  }
0x424: {  	p0 =	por !p2, !p2;
	s4 =	sadd.s32 s5, s3;
	s25 =	spop (v2sf)  }
0x425: {  	p4 =	slt.s32 s4, $0x40;
	p5 =	sgt.s32 s4, $0x3F;
	s31 =	sadd.s32 s4, s25  }
0x426: {  	p1 =	por !p1, !p5;
	p2 =	por p4, p4;
	p6 =	sgt.s32 s31, $0x3F  }
0x427: {  	s19 =	smov.u32 @p0 s23;
	p2 =	por !p2, !p6;
	p1 =	por !p1, !p1  }
0x428: {  	s19 =	smov.u32 @p1 s22;
	p2 =	por !p2, !p2  }
0x429: {  	s20 =	smov.u32 @p0 s0;
	s21 =	smov.u32 @p0 s2;
	s19 =	smov.u32 @p2 s24  }
0x42a: {  	s20 =	smov.u32 @p1 s5;
	s21 =	smov.u32 @p1 s3;
	s2 =	sadd.s32 $0xFFFFFF80, s19  }
0x42b: {  	[tilespmem:s1+$0x0] =	vst v0;
	v6 =	vimm.s32 $0x0;
	s0 =	simm.s32 $0x0;
	s20 =	smov.u32 @p2 s4;
	s21 =	smov.u32 @p2 s25;
	v5 =	vmov s2  }
.LBB2_62:
0x42c: {  	s1 =	sshra.s32 s0, $0x2  }
0x42d: {  	v7 =	vld [tilespmem:s1+$0x0];
	_ =	sdelay $0x4  }
0x42e: {  	v8 =	vshra.s32 v7, $0x1F  }
0x42f: {  	v8 =	vshrl.u32 v8, $0x1  }
0x430: {  	v7 =	vxor.u32 v7, v8  }
0x431: {  	v8 =	vshra.s32 v7, $0x18  }
0x432: {  	vm0 =	veq.s32 v8, v5  }
0x433: {  	v8 =	vsel vm0, $0x1, v0  }
0x434: {  	(xrf0) =	vadd.scan.msk.s32 $0xffff, v8;
	_ =	sdelay $0x5  }
0x435: {  	v8, _, _ =	vpop (xrf0)  }
0x436: {  	v8 =	vadd.s32 v8, v6  }
0x437: {  	v8 =	vadd.s32 $0xFFFFFFFF, v8;
	_ =	sdelay $0x4  }
0x438: {  	[tilespmem:v8+s16+$0x0] =	vst.idx.msk vm0, v7  }
0x439: {  	v7 =	vld [tilespmem:s1+$0x10];
	_ =	sdelay $0x4  }
0x43a: {  	v8 =	vshra.s32 v7, $0x1F  }
0x43b: {  	v8 =	vshrl.u32 v8, $0x1  }
0x43c: {  	v7 =	vxor.u32 v7, v8  }
0x43d: {  	v8 =	vshra.s32 v7, $0x18  }
0x43e: {  	vm1 =	veq.s32 v8, v5  }
0x43f: {  	v8 =	vsel vm1, $0x1, v0  }
0x440: {  	(xrf0) =	vadd.scan.msk.s32 $0xffff, v8;
	_ =	sdelay $0x1  }
0x441: {  	v8 =	vmpcnt.ones.xlane vm0;
	_ =	sdelay $0x3  }
0x442: {  	v6 =	vadd.s32 v6, v8;
	v8, _, _ =	vpop (xrf0)  }
0x443: {  	v8 =	vadd.s32 v8, v6  }
0x444: {  	v8 =	vadd.s32 $0xFFFFFFFF, v8;
	_ =	sdelay $0x4  }
0x445: {  	[tilespmem:v8+s16+$0x0] =	vst.idx.msk vm1, v7  }
0x446: {  	v7 =	vld [tilespmem:s1+$0x20];
	_ =	sdelay $0x4  }
0x447: {  	v8 =	vshra.s32 v7, $0x1F  }
0x448: {  	v8 =	vshrl.u32 v8, $0x1  }
0x449: {  	v7 =	vxor.u32 v7, v8  }
0x44a: {  	v8 =	vshra.s32 v7, $0x18  }
0x44b: {  	vm14 =	veq.s32 v8, v5  }
0x44c: {  	v8 =	vsel vm14, $0x1, v0  }
0x44d: {  	(xrf0) =	vadd.scan.msk.s32 $0xffff, v8;
	_ =	sdelay $0x1  }
0x44e: {  	v8 =	vmpcnt.ones.xlane vm1;
	_ =	sdelay $0x3  }
0x44f: {  	v6 =	vadd.s32 v6, v8;
	v8, _, _ =	vpop (xrf0)  }
0x450: {  	v8 =	vadd.s32 v8, v6  }
0x451: {  	v8 =	vadd.s32 $0xFFFFFFFF, v8;
	_ =	sdelay $0x4  }
0x452: {  	[tilespmem:v8+s16+$0x0] =	vst.idx.msk vm14, v7  }
0x453: {  	v7 =	vld [tilespmem:s1+$0x30];
	_ =	sdelay $0x4  }
0x454: {  	v8 =	vshra.s32 v7, $0x1F  }
0x455: {  	v8 =	vshrl.u32 v8, $0x1  }
0x456: {  	v7 =	vxor.u32 v7, v8  }
0x457: {  	v8 =	vshra.s32 v7, $0x18  }
0x458: {  	vm15 =	veq.s32 v8, v5  }
0x459: {  	v8 =	vsel vm15, $0x1, v0  }
0x45a: {  	(xrf0) =	vadd.scan.msk.s32 $0xffff, v8;
	_ =	sdelay $0x1  }
0x45b: {  	v8 =	vmpcnt.ones.xlane vm14;
	_ =	sdelay $0x3  }
0x45c: {  	v6 =	vadd.s32 v6, v8;
	v8, _, _ =	vpop (xrf0)  }
0x45d: {  	v8 =	vadd.s32 v8, v6  }
0x45e: {  	p0 =	sne.s32 s0, $0x1FF00;
	v8 =	vadd.s32 $0xFFFFFFFF, v8  }
.Ltmp42:
0x45f: {  	_ = 	snop;
	(pc) =	sbr.rel @p0 .LBB2_62-.Ltmp42, $3  }
0x460: {  	_ = 	snop  }
0x461: {  	v9 =	vmpcnt.ones.xlane vm15;
	_ =	sdelay $0x1  }
0x462: {  	s0 =	sadd.s32 $0x100, s0;
	v6 =	vadd.s32 v6, v9;
	[tilespmem:v8+s16+$0x0] =	vst.idx.msk vm15, v7  }
0x463: {  	v5 =	vadd.s32 v1, v6  }
.Ltmp43:
0x464: {  	s4 =	sadd.s32 $0xF, s21;
	(pc) =	sbr.rel .LBB2_64-.Ltmp43, $4  }
0x465: {  	s0 =	sshra.s32 s4, $0x1F  }
0x466: {  	s0 =	sshrl.u32 s0, $0x1C  }
0x467: {  	s3 =	sshll.u32 s2, $0x18;
	s2 =	simm.s32 $0x0;
	s1 =	sadd.s32 s0, s4  }
0x468: {  	p0 =	slt.s32 s4, $0x10;
	s0 =	ssub.s32 $0x40, s20;
	s1 =	sshra.s32 s1, $0x4;
	[tilespmem:v5+s16+$0x0] =	vst.idx.msk $0xffff, v4  }
.LBB2_67:
0x469: {  	v6 =	vmpcnt.ones.xlane vm0;
	_ =	sdelay $0x1  }
0x46a: {  	v5 =	vadd.s32 v5, v6  }
0x46b: {  	v5 =	vxor.u32 $0x80000000, v5  }
.LBB2_68:
0x46c: {  	(xrf0) =	vmax.scan.msk.u32 $0xffff, v5;
	_ =	sdelay $0x5  }
0x46d: {  	v5, _, _ =	vpop (xrf0)  }
0x46e: {  	(v2sf) =	vpush v5, $0xF;
	_ =	sdelay $0xe  }
0x46f: {  	s5 =	spop (v2sf)  }
0x470: {  	s5 =	sxor.u32 $0x80000000, s5  }
0x471: {  	s2 =	sadd.s32 $0x1, s2;
	p1 =	slt.s32 s5, s0  }
0x472: {  	s4 =	smov.u32 @p1 s3;
	p1 =	sne.s32 s2, $0x18  }
.Ltmp44:
0x473: {  	_ = 	snop;
	(pc) =	sbr.rel @!p1 .LBB2_69-.Ltmp44, $2  }
0x474: {  	_ =	sdelay $0x2  }
0x475: {  	s3 =	smov.u32 s4  }
.LBB2_64:
.Ltmp45:
0x476: {  	(pc) =	sbr.rel @p0 .LBB2_68-.Ltmp45, $3  }
0x477: {  	_ =	sdelay $0x1  }
0x478: {  	s4 =	sshrl.u32 s17, s2  }
0x479: {  	v5 =	vimm.s32 $0x80000000;
	s4 =	sor.u32 s4, s3  }
0x47a: {  	s5 =	simm.s32 $0x9000  }
0x47b: {  	p1 =	sne.s32 s1, $0x1;
	v7 =	vld [tilespmem:s5+$0x0]  }
.Ltmp46:
0x47c: {  	_ = 	snop;
	(pc) =	sbr.rel @!p1 .LBB2_67-.Ltmp46, $3  }
0x47d: {  	_ =	sdelay $0x1  }
0x47e: {  	v6 =	vmov s4  }
0x47f: {  	v5 =	vimm.s32 $0x0;
	s19 =	simm.s32 $0x9010;
	s5 =	sadd.s32 $0xFFFFFFFF, s1;
	vm0 =	vge.s32 v7, v6  }
.LBB2_66:
0x480: {  	v7 =	vld [tilespmem:s19+$0x0];
	p1 =	sne.s32 s5, $0x1;
	s5 =	sadd.s32 $0xFFFFFFFF, s5;
	v8 =	vmpcnt.ones.xlane vm0  }
.Ltmp47:
0x481: {  	(pc) =	sbr.rel @p1 .LBB2_66-.Ltmp47, $2  }
0x482: {  	v5 =	vadd.s32 v5, v8;
	_ =	sdelay $0x2  }
0x483: {  	s19 =	sadd.s32 $0x10, s19;
	vm0 =	vge.s32 v7, v6  }
.Ltmp48:
0x484: {  	_ = 	snop;
	(pc) =	sbr.rel .LBB2_67-.Ltmp48, $1  }
0x485: {  	_ =	sdelay $0x3  }
.LBB2_69:
.Ltmp49:
0x486: {  	(pc) =	sbr.rel @p0 .LBB2_73-.Ltmp49, $2  }
0x487: {  	_ =	sdelay $0x2  }
0x488: {  	v5 =	vmov s4;
	v6 =	vimm.s32 $0x80000000  }
0x489: {  	s2 =	simm.s32 $0x9000  }
0x48a: {  	p0 =	sne.s32 s1, $0x1;
	v7 =	vld [tilespmem:s2+$0x0]  }
.Ltmp50:
0x48b: {  	_ = 	snop;
	(pc) =	sbr.rel @!p0 .LBB2_72-.Ltmp50, $2  }
0x48c: {  	_ =	sdelay $0x2  }
0x48d: {  	v6 =	vimm.s32 $0x0;
	s1 =	sadd.s32 $0xFFFFFFFF, s1;
	s2 =	simm.s32 $0x9010;
	vm0 =	vgt.s32 v7, v5  }
.LBB2_71:
0x48e: {  	v7 =	vld [tilespmem:s2+$0x0];
	p0 =	sne.s32 s1, $0x1;
	s1 =	sadd.s32 $0xFFFFFFFF, s1;
	v8 =	vmpcnt.ones.xlane vm0  }
.Ltmp51:
0x48f: {  	(pc) =	sbr.rel @p0 .LBB2_71-.Ltmp51, $2  }
0x490: {  	v6 =	vadd.s32 v6, v8;
	_ =	sdelay $0x2  }
0x491: {  	s2 =	sadd.s32 $0x10, s2;
	vm0 =	vgt.s32 v7, v5  }
.LBB2_72:
0x492: {  	v7 =	vmpcnt.ones.xlane vm0;
	_ =	sdelay $0x1  }
0x493: {  	v6 =	vadd.s32 v6, v7  }
0x494: {  	v6 =	vxor.u32 $0x80000000, v6  }
.LBB2_73:
0x495: {  	(xrf0) =	vmax.scan.msk.u32 $0xffff, v6;
	_ =	sdelay $0x5  }
0x496: {  	v6, _, _ =	vpop (xrf0)  }
0x497: {  	s19 =	simm.s32 $0x0;
	(v2sf) =	vpush v6, $0xF  }
0x498: {  	v12 =	vld [tilespmem:s19+$0x0];
	_ =	sdelay $0x4  }
0x499: {  	v6 =	vshra.s32 v12, $0x1F  }
0x49a: {  	v6 =	vshrl.u32 v6, $0x1  }
0x49b: {  	v9 =	vxor.u32 v12, v6  }
0x49c: {  	vm0 =	veq.s32 v9, v5  }
0x49d: {  	v6 =	vsel vm0, $0x1, v0  }
0x49e: {  	(xrf0) =	vadd.scan.msk.s32 $0xffff, v6;
	_ =	sdelay $0x3  }
0x49f: {  	s1 =	spop (v2sf)  }
0x4a0: {  	s1 =	sxor.u32 $0x80000000, s1  }
0x4a1: {  	v7 =	vimm.s32 $0x0;
	v8 =	vld [tilespmem:s19+$0x30];
	v10, _, _ =	vpop (xrf0);
	s0 =	ssub.s32 s0, s1  }
0x4a2: {  	v10 =	vadd.s32 v7, v10;
	v6 =	vmov s0  }
0x4a3: {  	vm1 =	vle.s32 v10, v6;
	v10 =	vld [tilespmem:s19+$0x20]  }
0x4a4: {  	v11 =	vmpcnt.ones.xlane vm0;
	vm0 =	vmand vm0, vm1;
	vm1 =	vgt.s32 v9, v5;
	v9 =	vld [tilespmem:s19+$0x10];
	_ =	sdelay $0x1  }
0x4a5: {  	s20 =	simm.s32 $0x100;
	v13 =	vshra.s32 v8, $0x1F;
	v12 =	vmax.f32 v12, $0.0e+00;
	s0 =	simm.s32 $0x200;
	vm2 =	vmor vm1, vm0  }
.LBB2_74:
0x4a6: {  	p0 =	sne.s32 s0, $0x1FF00  }
0x4a7: {  	s1 =	sshra.s32 s20, $0x2;
	v12 =	vnsel vm2, $0x0, v12;
	v14 =	vshra.s32 v10, $0x1F;
	v13 =	vshrl.u32 v13, $0x1;
	s20 =	smov.u32 s0;
	s0 =	sadd.s32 $0x100, s0  }
0x4a8: {  	[tilespmem:s19+$0x0] =	vst v12;
	v12 =	vshra.s32 v9, $0x1F;
	v14 =	vshrl.u32 v14, $0x1;
	v13 =	vxor.u32 v8, v13  }
0x4a9: {  	v15 =	vld [tilespmem:s1+$0x0];
	v12 =	vshrl.u32 v12, $0x1;
	v14 =	vxor.u32 v10, v14;
	vm2 =	veq.s32 v13, v5  }
0x4aa: {  	v12 =	vxor.u32 v9, v12;
	vm1 =	veq.s32 v14, v5;
	v16 =	vsel vm2, $0x1, v0  }
0x4ab: {  	vm0 =	veq.s32 v12, v5;
	v17 =	vsel vm1, $0x1, v0;
	(xrf0) =	vadd.scan.msk.s32 $0xffff, v16  }
0x4ac: {  	v16 =	vsel vm0, $0x1, v0;
	v18 =	vmpcnt.ones.xlane vm0;
	(xrf0) =	vadd.scan.msk.s32 $0xffff, v17  }
0x4ad: {  	v11 =	vadd.s32 v7, v11;
	v10 =	vmax.f32 v10, $0.0e+00;
	(xrf0) =	vadd.scan.msk.s32 $0xffff, v16  }
0x4ae: {  	v8 =	vmax.f32 v8, $0.0e+00;
	v9 =	vmax.f32 v9, $0.0e+00;
	v7 =	vshra.s32 v15, $0x1F  }
0x4af: {  	vm4 =	vgt.s32 v14, v5;
	v19 =	vmpcnt.ones.xlane vm1;
	v7 =	vshrl.u32 v7, $0x1  }
0x4b0: {  	v17 =	vadd.s32 v11, v18;
	v16 =	vxor.u32 v15, v7;
	v7 =	vmpcnt.ones.xlane vm2  }
0x4b1: {  	vm5 =	vgt.s32 v12, v5;
	v19 =	vadd.s32 v17, v19;
	vm3 =	veq.s32 v16, v5;
	v14, _, _ =	vpop (xrf0)  }
0x4b2: {  	v18 =	vsel vm3, $0x1, v0;
	v14 =	vadd.s32 v19, v14;
	v7 =	vadd.s32 v19, v7;
	v12, _, _ =	vpop (xrf0)  }
0x4b3: {  	vm7 =	vgt.s32 v13, v5;
	(xrf0) =	vadd.scan.msk.s32 $0xffff, v18;
	v12 =	vadd.s32 v17, v12;
	vm6 =	vle.s32 v14, v6;
	v13, _, _ =	vpop (xrf0)  }
0x4b4: {  	v11 =	vadd.s32 v11, v13;
	vm8 =	vle.s32 v12, v6;
	vm2 =	vmand vm2, vm6  }
0x4b5: {  	vm6 =	vle.s32 v11, v6;
	vm1 =	vmand vm1, vm8;
	vm2 =	vmor vm7, vm2  }
0x4b6: {  	vm0 =	vmand vm0, vm6;
	vm1 =	vmor vm4, vm1;
	v8 =	vnsel vm2, $0x0, v8  }
0x4b7: {  	v11 =	vmpcnt.ones.xlane vm3;
	vm0 =	vmor vm5, vm0;
	v10 =	vnsel vm1, $0x0, v10;
	[tilespmem:s19+$0x30] =	vst v8  }
0x4b8: {  	v8 =	vld [tilespmem:s1+$0x30];
	v9 =	vnsel vm0, $0x0, v9;
	[tilespmem:s19+$0x20] =	vst v10  }
.Ltmp52:
0x4b9: {  	v10 =	vld [tilespmem:s1+$0x20];
	v12, _, _ =	vpop (xrf0);
	[tilespmem:s19+$0x10] =	vst v9;
	s19 =	smov.u32 s1;
	(pc) =	sbr.rel @p0 .LBB2_74-.Ltmp52, $4  }
0x4ba: {  	v12 =	vadd.s32 v7, v12;
	v9 =	vld [tilespmem:s19+$0x10]  }
0x4bb: {  	vm0 =	vle.s32 v12, v6  }
0x4bc: {  	vm1 =	vgt.s32 v16, v5;
	vm0 =	vmand vm3, vm0  }
0x4bd: {  	v12 =	vmax.f32 v15, $0.0e+00;
	vm2 =	vmor vm1, vm0;
	v13 =	vshra.s32 v8, $0x1F  }
0x4be: {  	v13 =	vshrl.u32 v13, $0x1;
	v14 =	vshra.s32 v10, $0x1F  }
0x4bf: {  	v13 =	vxor.u32 v8, v13;
	v14 =	vshrl.u32 v14, $0x1;
	v15 =	vshra.s32 v9, $0x1F  }
0x4c0: {  	vm0 =	veq.s32 v13, v5;
	v14 =	vxor.u32 v10, v14;
	v15 =	vshrl.u32 v15, $0x1  }
0x4c1: {  	v16 =	vsel vm0, $0x1, v0;
	vm3 =	veq.s32 v14, v5;
	v15 =	vxor.u32 v9, v15  }
0x4c2: {  	(xrf0) =	vadd.scan.msk.s32 $0xffff, v16;
	v34 =	vsel vm3, $0x1, v0;
	vm1 =	veq.s32 v15, v5  }
0x4c3: {  	(xrf0) =	vadd.scan.msk.s32 $0xffff, v34;
	v35 =	vsel vm1, $0x1, v0  }
0x4c4: {  	(xrf0) =	vadd.scan.msk.s32 $0xffff, v35  }
0x4c5: {  	v17 =	vmpcnt.ones.xlane vm1  }
0x4c6: {  	v7 =	vadd.s32 v7, v11;
	v36 =	vmpcnt.ones.xlane vm3  }
0x4c7: {  	v12 =	vnsel vm2, $0x0, v12;
	v37 =	vadd.s32 v7, v17  }
0x4c8: {  	v40 =	vmax.f32 v10, $0.0e+00;
	v41 =	vmax.f32 v8, $0.0e+00;
	v11 =	vadd.s32 v37, v36;
	v38, _, _ =	vpop (xrf0)  }
0x4c9: {  	[tilespmem:s19+$0x0] =	vst v12;
	vm4 =	vgt.s32 v13, v5;
	vm5 =	vgt.s32 v14, v5;
	v12 =	vadd.s32 v11, v38;
	v18, _, _ =	vpop (xrf0)  }
0x4ca: {  	s0 =	sshra.s32 s20, $0x2;
	vm12 =	vgt.s32 v15, v5;
	vm10 =	vle.s32 v12, v6;
	v42 =	vadd.s32 v37, v18;
	v43, _, _ =	vpop (xrf0)  }
0x4cb: {  	v39 =	vld [tilespmem:s0+$0x0];
	vm2 =	vmand vm0, vm10;
	vm6 =	vle.s32 v42, v6;
	v7 =	vadd.s32 v7, v43  }
0x4cc: {  	vm2 =	vmor vm4, vm2;
	vm3 =	vmand vm3, vm6;
	vm11 =	vle.s32 v7, v6  }
0x4cd: {  	v8 =	vnsel vm2, $0x0, v41;
	vm3 =	vmor vm5, vm3;
	vm1 =	vmand vm1, vm11  }
0x4ce: {  	v45 =	vmax.f32 v9, $0.0e+00;
	[tilespmem:s19+$0x30] =	vst v8;
	v7 =	vnsel vm3, $0x0, v40;
	vm1 =	vmor vm12, vm1  }
0x4cf: {  	v8 =	vld [tilespmem:s0+$0x30];
	[tilespmem:s19+$0x20] =	vst v7;
	v9 =	vnsel vm1, $0x0, v45  }
0x4d0: {  	v44 =	vshra.s32 v39, $0x1F;
	v47 =	vld [tilespmem:s0+$0x20];
	[tilespmem:s19+$0x10] =	vst v9  }
0x4d1: {  	v46 =	vshrl.u32 v44, $0x1;
	v49 =	vld [tilespmem:s0+$0x10]  }
0x4d2: {  	v7 =	vxor.u32 v39, v46  }
0x4d3: {  	v50 =	vmpcnt.ones.xlane vm0;
	vm13 =	veq.s32 v7, v5  }
0x4d4: {  	v48 =	vsel vm13, $0x1, v0;
	v51 =	vshra.s32 v8, $0x1F  }
0x4d5: {  	v9 =	vadd.s32 v11, v50;
	(xrf0) =	vadd.scan.msk.s32 $0xffff, v48;
	v52 =	vshra.s32 v47, $0x1F;
	v13 =	vshrl.u32 v51, $0x1  }
0x4d6: {  	v53 =	vshra.s32 v49, $0x1F;
	v11 =	vshrl.u32 v52, $0x1;
	v13 =	vxor.u32 v8, v13  }
0x4d7: {  	v14 =	vshrl.u32 v53, $0x1;
	v11 =	vxor.u32 v47, v11;
	vm14 =	veq.s32 v13, v5  }
0x4d8: {  	v14 =	vxor.u32 v49, v14;
	vm1 =	veq.s32 v11, v5;
	v55 =	vsel vm14, $0x1, v0  }
0x4d9: {  	vm15 =	veq.s32 v14, v5;
	v56 =	vsel vm1, $0x1, v0;
	(xrf0) =	vadd.scan.msk.s32 $0xffff, v55  }
0x4da: {  	v57 =	vsel vm15, $0x1, v0;
	(xrf0) =	vadd.scan.msk.s32 $0xffff, v56  }
0x4db: {  	v59 =	vmax.f32 v39, $0.0e+00;
	vm9 =	vgt.s32 v7, v5;
	v58 =	vmpcnt.ones.xlane vm13;
	v54, _, _ =	vpop (xrf0);
	(xrf0) =	vadd.scan.msk.s32 $0xffff, v57  }
0x4dc: {  	v10 =	vmax.f32 v47, $0.0e+00;
	v8 =	vmax.f32 v8, $0.0e+00;
	v7 =	vmpcnt.ones.xlane vm15  }
0x4dd: {  	v15 =	vadd.s32 v9, v54;
	v9 =	vadd.s32 v9, v58;
	v60 =	vmpcnt.ones.xlane vm1  }
0x4de: {  	vm10 =	vgt.s32 v11, v5;
	vm8 =	vle.s32 v15, v6;
	v7 =	vadd.s32 v9, v7  }
0x4df: {  	vm11 =	vgt.s32 v14, v5;
	vm3 =	vmand vm13, vm8;
	v16 =	vadd.s32 v7, v60;
	v61, _, _ =	vpop (xrf0)  }
0x4e0: {  	vm13 =	vgt.s32 v13, v5;
	vm3 =	vmor vm9, vm3;
	v62 =	vadd.s32 v16, v61;
	v63, _, _ =	vpop (xrf0)  }
0x4e1: {  	v15 =	vnsel vm3, $0x0, v59;
	v7 =	vadd.s32 v7, v63;
	vm12 =	vle.s32 v62, v6;
	v5, _, _ =	vpop (xrf0)  }
0x4e2: {  	v5 =	vadd.s32 v9, v5;
	vm7 =	vle.s32 v7, v6;
	vm0 =	vmand vm14, vm12  }
0x4e3: {  	vm14 =	vle.s32 v5, v6;
	vm1 =	vmand vm1, vm7;
	vm0 =	vmor vm13, vm0  }
0x4e4: {  	[tilespmem:s0+$0x0] =	vst v15;
	vm2 =	vmand vm15, vm14;
	vm1 =	vmor vm10, vm1;
	v5 =	vnsel vm0, $0x0, v8  }
0x4e5: {  	s18 =	sadd.s32 $0x1, s18;
	v6 =	vmax.f32 v49, $0.0e+00;
	vm15 =	vmor vm11, vm2;
	v7 =	vnsel vm1, $0x0, v10;
	[tilespmem:s0+$0x30] =	vst v5  }
0x4e6: {  	p0 =	sne.s32 s18, s11;
	v5 =	vnsel vm15, $0x0, v6;
	[tilespmem:s0+$0x20] =	vst v7  }
.Ltmp53:
0x4e7: {  	s31 =	simm.s32 $0x0;
	[tilespmem:s0+$0x10] =	vst v5;
	(pc) =	sbr.rel @p0 .LBB2_1-.Ltmp53, $4  }
0x4e8: {  	[hbm4b:s10+s12] =	stream.strided.scatter [tilespmem:s31], [sflag:$0x1], $0x8000, s13, s12, $0x38;
	[tilespmem:$0x11080] =	vst v63  }
0x4e9: {  	_ =	swait.ge [sflag:s14], $0x8000  }
0x4ea: {  	[sflag:s14] =	ssyncset.done $0x0  }
0x4eb: {  	[sflag:s14] =	ssyncadd.s32 $0xFFFF8000  }
0x4ec: {  	_ =	sfence.sel $0x180000  }
0x4ed: {  	[bflag:$0x0] =	sbarrier.arrive $0xFFFF  }
0x4ee: {  	_ =	strace $0x90000047  }
0x4ef: {  	s0 =	stileid.u32;
	[bflag:$0x2] =	sbarrier.arrive $0xFFFF  }
0x4f0: {  	p0 =	sne.s32 s0, $0x0;
	s0 =	rddreg [dreg:$0x2]  }
0x4f1: {  	s0 =	sadd.s32 @!p0 $0x100000, s0  }
0x4f2: {  	[sflag:s0] =	ssyncadd.tile.s32 @!p0 $0x1;
	_ =	shalt  }
.Lfunc_end2:
_tile_overlayer_lowered:
.L_overlay_start_2:
0x4f3: {  	(tag) =	ssettag $0x2  }
0x4f4: {  	s0 =	rddreg [dreg:$0x0];
	s2 =	stileid.u32  }
0x4f5: {  	s1 =	rddreg [dreg:$0x1];
	p0 =	sne.s32 s2, $0x0  }
0x4f6: {  	s3 =	rddreg [dreg:$0x2];
	[bflag:$0x3] =	sbarrier.arrive $0xFFFF;
	s2 =	simm.s32 @!p0 $0x1C01  }
0x4f7: {  	[timem:s3], [sflag:s2] =	dma.local @!p0 [hbm:s0], s1  }
0x4f8: {  	s0 =	simm.s32 @!p0 $0x1  }
0x4f9: {  	_ =	swait.ge @!p0 [sflag:s0], s1  }
0x4fa: {  	s1 =	ssub.s32 @!p0 $0x0, s1;
	[sflag:s0] =	ssyncset.done @!p0 $0x0  }
0x4fb: {  	[sflag:s0] =	ssyncadd.s32 @!p0 s1  }
0x4fc: {  	[bflag:$0x3] =	sbarrier.arrive $0xFFFF  }
0x4fd: {  	_ =	shalt  }

</sc_bundles>
